<compile_context>
chip_gen: v7x
topology: tpu7x:2x2x1
jax: 0.10.2.dev20260603
libtpu: 0.0.44.dev20260713+nightly
codegen_flags: <defaults>
</compile_context>

<pallas_src>
import jax
import jax.numpy as jnp
from jax import lax
from jax.experimental import pallas as pl
from jax.experimental.pallas import tpu as pltpu
from jax.experimental.pallas import tpu_sc as plsc

NC = 2
NS = 16
L = 16
NW = NC * NS

B = 16384
K = 32
BPW = B // NW
NG = BPW // L
NBUF = 8


def _mf_body(uid_hbm, iid_hbm, uwT_hbm, iwT_hbm, out_hbm,
             uidx_v, iidx_v, uch, ich, out_v, sems):
    wid = lax.axis_index("s") * NC + lax.axis_index("c")
    base = wid * BPW

    lanes = jnp.arange(L, dtype=jnp.int32)
    zerosf = jnp.zeros((L,), jnp.float32)

    pltpu.sync_copy(uid_hbm.at[pl.ds(base, BPW)], uidx_v)
    pltpu.sync_copy(iid_hbm.at[pl.ds(base, BPW)], iidx_v)

    def zero(i, _):
        out_v[pl.ds(i * L, L)] = zerosf
        return 0
    lax.fori_loop(0, NG, zero, 0, unroll=4)

    def chunk_of(idx_vec, j):
        return (idx_vec[j] // 128) * 128

    def start(ju, ji, b):
        cu = pltpu.async_copy(uwT_hbm.at[:, pl.ds(ju, 128)], uch[b],
                              sems.at[b, 0])
        ci = pltpu.async_copy(iwT_hbm.at[:, pl.ds(ji, 128)], ich[b],
                              sems.at[b, 1])
        return cu, ci

    def wait(ju, ji, b):
        pltpu.make_async_copy(uwT_hbm.at[:, pl.ds(ju, 128)], uch[b],
                              sems.at[b, 0]).wait()
        pltpu.make_async_copy(iwT_hbm.at[:, pl.ds(ji, 128)], ich[b],
                              sems.at[b, 1]).wait()

    def compute(cu, ci, n, b):
        ucol = jnp.full((L,), cu, jnp.int32)
        icol = jnp.full((L,), ci, jnp.int32)
        u0 = plsc.load_gather(uch[b], [lanes, ucol])
        u1 = plsc.load_gather(uch[b], [lanes + L, ucol])
        v0 = plsc.load_gather(ich[b], [lanes, icol])
        v1 = plsc.load_gather(ich[b], [lanes + L, icol])
        s = u0 * v0 + u1 * v1
        plsc.addupdate_scatter(out_v, [jnp.full((L,), n, jnp.int32)], s)

    u_cur = uidx_v[pl.ds(0, L)]
    i_cur = iidx_v[pl.ds(0, L)]
    for b in range(NBUF):
        start(chunk_of(u_cur, b), chunk_of(i_cur, b), b)

    def group(g, carry):
        u_cur, i_cur = carry
        gp1 = jnp.minimum(g + 1, NG - 1)
        u_nxt = uidx_v[pl.ds(gp1 * L, L)]
        i_nxt = iidx_v[pl.ds(gp1 * L, L)]
        n0 = g * L
        for j in range(L):
            b = j % NBUF
            wait(chunk_of(u_cur, j), chunk_of(i_cur, j), b)
            compute(u_cur[j] % 128, i_cur[j] % 128, n0 + j, b)
            jn = j + NBUF
            if jn < L:
                start(chunk_of(u_cur, jn), chunk_of(i_cur, jn), b)
            else:
                @pl.when(g < NG - 1)
                def _():
                    start(chunk_of(u_nxt, jn - L), chunk_of(i_nxt, jn - L), b)
        return (u_nxt, i_nxt)

    lax.fori_loop(0, NG, group, (u_cur, i_cur))

    pltpu.sync_copy(out_v, out_hbm.at[pl.ds(base, BPW)])


@jax.jit
def _mf(uid, iid, uwT, iwT):
    mesh = plsc.VectorSubcoreMesh(
        core_axis_name="c", subcore_axis_name="s",
        num_cores=NC, num_subcores=NS)
    return pl.kernel(
        _mf_body,
        out_type=jax.ShapeDtypeStruct((B,), jnp.float32),
        mesh=mesh,
        compiler_params=pltpu.CompilerParams(
            needs_layout_passes=False, use_tc_tiling_on_sc=True),
        scratch_types=[
            pltpu.VMEM((BPW,), jnp.int32),
            pltpu.VMEM((BPW,), jnp.int32),
            [pltpu.VMEM((K, 128), jnp.float32) for _ in range(NBUF)],
            [pltpu.VMEM((K, 128), jnp.float32) for _ in range(NBUF)],
            pltpu.VMEM((BPW,), jnp.float32),
            pltpu.SemaphoreType.DMA((NBUF, 2)),
        ],
    )(uid, iid, uwT, iwT)


def kernel(train_x, user_weight, item_weight):
    tx = jnp.asarray(train_x, jnp.int32)
    return _mf(tx[:, 0], tx[:, 1], user_weight.T, item_weight.T)

# --- scband reference (transcript-rebuilt; emitter-appended) ---
"""Pipeline reference for scband-mf-8151847927853 (READ-ONLY COPY).

The authoritative reference and input builder live on the scoring server;
editing this copy changes nothing except your own understanding.
"""

import jax, jax.numpy as jnp
import numpy as np

N_USER = 1000000
N_ITEM = 1000000
K = 32
BATCH = 16384


def setup_inputs(seed: int = 0) -> dict:
    key = jax.random.key(seed)
    k_idx, k_user, k_item = jax.random.split(key, 3)
    train_x = jax.random.randint(k_idx, (BATCH, 2), 0, N_USER, dtype=jnp.int64)
    user_weight = jax.random.normal(k_user, (N_USER, K), dtype=jnp.float32) * 0.01
    item_weight = jax.random.normal(k_item, (N_ITEM, K), dtype=jnp.float32) * 0.01
    return {"train_x": train_x, "user_weight": user_weight, "item_weight": item_weight}


def reference(train_x, user_weight, item_weight):
    user_id = train_x[:, 0]
    item_id = train_x[:, 1]
    vector_user = jnp.take(user_weight, user_id, axis=0)
    vector_item = jnp.take(item_weight, item_id, axis=0)
    ui_interaction = jnp.sum(vector_user * vector_item, axis=1)
    return ui_interaction

if __name__ == "__main__":
    import jax
    _d = setup_inputs()
    print(jax.jit(kernel)(*tuple(_d.values())))

</pallas_src>

<mosaic_0001>
#map = affine_map<(d0, d1) -> (0)>
#map1 = affine_map<(d0, d1) -> (0, 0)>
module attributes {stable_mosaic.version = 14 : i64} {
  func.func @_mf_body(%arg0: i32, %arg1: i32, %arg2: memref<16384xi32, #tpu.memory_space<hbm>>, %arg3: memref<16384xi32, #tpu.memory_space<hbm>>, %arg4: memref<32x1000000xf32, #tpu.memory_space<hbm>>, %arg5: memref<32x1000000xf32, #tpu.memory_space<hbm>>, %arg6: memref<16384xf32, #tpu.memory_space<hbm>>, %arg7: memref<512xi32, #tpu.memory_space<vmem>>, %arg8: memref<512xi32, #tpu.memory_space<vmem>>, %arg9: memref<32x128xf32, #tpu.memory_space<vmem>>, %arg10: memref<32x128xf32, #tpu.memory_space<vmem>>, %arg11: memref<32x128xf32, #tpu.memory_space<vmem>>, %arg12: memref<32x128xf32, #tpu.memory_space<vmem>>, %arg13: memref<32x128xf32, #tpu.memory_space<vmem>>, %arg14: memref<32x128xf32, #tpu.memory_space<vmem>>, %arg15: memref<32x128xf32, #tpu.memory_space<vmem>>, %arg16: memref<32x128xf32, #tpu.memory_space<vmem>>, %arg17: memref<32x128xf32, #tpu.memory_space<vmem>>, %arg18: memref<32x128xf32, #tpu.memory_space<vmem>>, %arg19: memref<32x128xf32, #tpu.memory_space<vmem>>, %arg20: memref<32x128xf32, #tpu.memory_space<vmem>>, %arg21: memref<32x128xf32, #tpu.memory_space<vmem>>, %arg22: memref<32x128xf32, #tpu.memory_space<vmem>>, %arg23: memref<32x128xf32, #tpu.memory_space<vmem>>, %arg24: memref<32x128xf32, #tpu.memory_space<vmem>>, %arg25: memref<512xf32, #tpu.memory_space<vmem>>, %arg26: memref<8x2x!tpu.dma_semaphore, #tpu.memory_space<semaphore_mem>>) attributes {dimension_semantics = [#tpu.dimension_semantics<core_parallel>, #tpu.dimension_semantics<subcore_parallel>], iteration_bounds = array<i64: 2, 16>, scalar_prefetch = 0 : i64, scratch_operands = 20 : i64, tpu.core_type = #tpu.core_type<sc_vector_subcore>, window_params = [{transform_indices = #map}, {transform_indices = #map}, {transform_indices = #map1}, {transform_indices = #map1}, {transform_indices = #map}]} {
    %mul3A = arith.constant 2 : i32
    %mul3A_0 = arith.muli %arg1, %mul3A : i32
    %add3A = arith.addi %mul3A_0, %arg0 : i32
    %mul3A_1 = arith.constant 512 : i32
    %mul3A_2 = arith.muli %add3A, %mul3A_1 : i32
    %iota3A = tpu.iota {dimensions = array<i32: 0>} : vector<16xi32>
    %broadcast_in_dim3A = arith.constant 0.000000e+00 : f32
    %broadcast_in_dim3A_3 = vector.broadcast %broadcast_in_dim3A : f32 to vector<16xf32>
    "tpu.region"() ({
      %run_scoped3A = tpu.sem_alloc : memref<!tpu.dma_semaphore, #tpu.memory_space<semaphore_mem>>
      %dma_start3A_584 = tpu.memref_slice %arg2[%mul3A_2] : memref<16384xi32, #tpu.memory_space<hbm>> -> memref<512xi32, #tpu.memory_space<hbm>>
      %dma_start3A_585 = tpu.memref_slice %arg2[%mul3A_2] : memref<16384xi32, #tpu.memory_space<hbm>> -> memref<512xi32, #tpu.memory_space<hbm>>
      tpu.enqueue_dma source(%dma_start3A_585 : memref<512xi32, #tpu.memory_space<hbm>>) target(%arg7 : memref<512xi32, #tpu.memory_space<vmem>>) target_semaphore(%run_scoped3A : memref<!tpu.dma_semaphore, #tpu.memory_space<semaphore_mem>>)
      %dma_wait3A = tpu.memref_slice %arg2[%mul3A_2] : memref<16384xi32, #tpu.memory_space<hbm>> -> memref<512xi32, #tpu.memory_space<hbm>>
      %dma_wait3A_586 = tpu.memref_slice %arg2[%mul3A_2] : memref<16384xi32, #tpu.memory_space<hbm>> -> memref<512xi32, #tpu.memory_space<hbm>>
      tpu.wait_dma2 semaphore(%run_scoped3A : memref<!tpu.dma_semaphore, #tpu.memory_space<semaphore_mem>>) src(%dma_wait3A_586 : memref<512xi32, #tpu.memory_space<hbm>>) dst(%arg7 : memref<512xi32, #tpu.memory_space<vmem>>)
      tpu.yield
    }) : () -> ()
    "tpu.region"() ({
      %run_scoped3A = tpu.sem_alloc : memref<!tpu.dma_semaphore, #tpu.memory_space<semaphore_mem>>
      %dma_start3A_584 = tpu.memref_slice %arg3[%mul3A_2] : memref<16384xi32, #tpu.memory_space<hbm>> -> memref<512xi32, #tpu.memory_space<hbm>>
      %dma_start3A_585 = tpu.memref_slice %arg3[%mul3A_2] : memref<16384xi32, #tpu.memory_space<hbm>> -> memref<512xi32, #tpu.memory_space<hbm>>
      tpu.enqueue_dma source(%dma_start3A_585 : memref<512xi32, #tpu.memory_space<hbm>>) target(%arg8 : memref<512xi32, #tpu.memory_space<vmem>>) target_semaphore(%run_scoped3A : memref<!tpu.dma_semaphore, #tpu.memory_space<semaphore_mem>>)
      %dma_wait3A = tpu.memref_slice %arg3[%mul3A_2] : memref<16384xi32, #tpu.memory_space<hbm>> -> memref<512xi32, #tpu.memory_space<hbm>>
      %dma_wait3A_586 = tpu.memref_slice %arg3[%mul3A_2] : memref<16384xi32, #tpu.memory_space<hbm>> -> memref<512xi32, #tpu.memory_space<hbm>>
      tpu.wait_dma2 semaphore(%run_scoped3A : memref<!tpu.dma_semaphore, #tpu.memory_space<semaphore_mem>>) src(%dma_wait3A_586 : memref<512xi32, #tpu.memory_space<hbm>>) dst(%arg8 : memref<512xi32, #tpu.memory_space<vmem>>)
      tpu.yield
    }) : () -> ()
    %scan3A = arith.constant 0 : i32
    %scan3A_4 = arith.constant 0 : i32
    %scan3A_5 = arith.constant 32 : i32
    %scan3A_6 = arith.addi %scan3A_4, %scan3A_5 : i32
    %scan3A_7 = arith.constant 4 : i32
    %scan3A_8 = scf.for %scan3A_584 = %scan3A_4 to %scan3A_6 step %scan3A_7 iter_args(%scan3A_585 = %scan3A) -> (i32)  : i32 {
      %mul3A_586 = arith.constant 16 : i32
      %mul3A_587 = arith.muli %scan3A_584, %mul3A_586 : i32
      %swap3A = arith.index_cast %mul3A_587 : i32 to index
      %swap3A_588 = tpu.vector_load %arg25[%swap3A] {strides = array<i32>} : memref<512xf32, #tpu.memory_space<vmem>>, vector<16xf32>,
      tpu.vector_store %arg25[%swap3A], %broadcast_in_dim3A_3 {strides = array<i32>} : memref<512xf32, #tpu.memory_space<vmem>>, vector<16xf32>,
      %scan3A_589 = arith.constant 0 : i32
      %scan3A_590 = arith.constant 1 : i32
      %scan3A_591 = arith.addi %scan3A_584, %scan3A_590 : i32
      %mul3A_592 = arith.constant 16 : i32
      %mul3A_593 = arith.muli %scan3A_591, %mul3A_592 : i32
      %swap3A_594 = arith.index_cast %mul3A_593 : i32 to index
      %swap3A_595 = tpu.vector_load %arg25[%swap3A_594] {strides = array<i32>} : memref<512xf32, #tpu.memory_space<vmem>>, vector<16xf32>,
      tpu.vector_store %arg25[%swap3A_594], %broadcast_in_dim3A_3 {strides = array<i32>} : memref<512xf32, #tpu.memory_space<vmem>>, vector<16xf32>,
      %scan3A_596 = arith.constant 0 : i32
      %scan3A_597 = arith.constant 2 : i32
      %scan3A_598 = arith.addi %scan3A_584, %scan3A_597 : i32
      %mul3A_599 = arith.constant 16 : i32
      %mul3A_600 = arith.muli %scan3A_598, %mul3A_599 : i32
      %swap3A_601 = arith.index_cast %mul3A_600 : i32 to index
      %swap3A_602 = tpu.vector_load %arg25[%swap3A_601] {strides = array<i32>} : memref<512xf32, #tpu.memory_space<vmem>>, vector<16xf32>,
      tpu.vector_store %arg25[%swap3A_601], %broadcast_in_dim3A_3 {strides = array<i32>} : memref<512xf32, #tpu.memory_space<vmem>>, vector<16xf32>,
      %scan3A_603 = arith.constant 0 : i32
      %scan3A_604 = arith.constant 3 : i32
      %scan3A_605 = arith.addi %scan3A_584, %scan3A_604 : i32
      %mul3A_606 = arith.constant 16 : i32
      %mul3A_607 = arith.muli %scan3A_605, %mul3A_606 : i32
      %swap3A_608 = arith.index_cast %mul3A_607 : i32 to index
      %swap3A_609 = tpu.vector_load %arg25[%swap3A_608] {strides = array<i32>} : memref<512xf32, #tpu.memory_space<vmem>>, vector<16xf32>,
      tpu.vector_store %arg25[%swap3A_608], %broadcast_in_dim3A_3 {strides = array<i32>} : memref<512xf32, #tpu.memory_space<vmem>>, vector<16xf32>,
      %scan3A_610 = arith.constant 0 : i32
      scf.yield %scan3A_610 : i32
    }
    %scan3A_9 = arith.constant 32 : i32
    %get3A = arith.constant 0 : index
    %get3A_10 = tpu.vector_load %arg7[%get3A] {strides = array<i32>} : memref<512xi32, #tpu.memory_space<vmem>>, vector<16xi32>,
    %get3A_11 = arith.constant 0 : index
    %get3A_12 = tpu.vector_load %arg8[%get3A_11] {strides = array<i32>} : memref<512xi32, #tpu.memory_space<vmem>>, vector<16xi32>,
    %slice3A = vector.extract_strided_slice %get3A_10 {offsets = [0], sizes = [1], strides = [1]} : vector<16xi32> to vector<1xi32>
    %squeeze3A = vector.extract %slice3A[0] : i32 from vector<1xi32>
    %jit3A = arith.constant 128 : i32
    %div3A = arith.divsi %squeeze3A, %jit3A : i32
    %sign3A = arith.constant 0 : i32
    %sign3A_13 = arith.cmpi sgt, %squeeze3A, %sign3A : i32
    %sign3A_14 = arith.extui %sign3A_13 : i1 to i32
    %sign3A_15 = arith.constant 0 : i32
    %sign3A_16 = arith.cmpi slt, %squeeze3A, %sign3A_15 : i32
    %sign3A_17 = arith.extui %sign3A_16 : i1 to i32
    %sign3A_18 = arith.subi %sign3A_14, %sign3A_17 : i32
    %sign3A_19 = arith.constant 0 : i32
    %sign3A_20 = arith.cmpi sgt, %jit3A, %sign3A_19 : i32
    %sign3A_21 = arith.extui %sign3A_20 : i1 to i32
    %sign3A_22 = arith.constant 0 : i32
    %sign3A_23 = arith.cmpi slt, %jit3A, %sign3A_22 : i32
    %sign3A_24 = arith.extui %sign3A_23 : i1 to i32
    %sign3A_25 = arith.subi %sign3A_21, %sign3A_24 : i32
    %ne3A = arith.cmpi ne, %sign3A_18, %sign3A_25 : i32
    %rem3A = arith.remsi %squeeze3A, %jit3A : i32
    %ne3A_26 = arith.constant 0 : i32
    %ne3A_27 = arith.cmpi ne, %rem3A, %ne3A_26 : i32
    %and3A = arith.andi %ne3A, %ne3A_27 : i1
    %sub3A = arith.constant 1 : i32
    %sub3A_28 = arith.subi %div3A, %sub3A : i32
    %select_n3A = arith.select %and3A, %sub3A_28, %div3A : i32
    %mul3A_29 = arith.constant 128 : i32
    %mul3A_30 = arith.muli %select_n3A, %mul3A_29 : i32
    %slice3A_31 = vector.extract_strided_slice %get3A_12 {offsets = [0], sizes = [1], strides = [1]} : vector<16xi32> to vector<1xi32>
    %squeeze3A_32 = vector.extract %slice3A_31[0] : i32 from vector<1xi32>
    %jit3A_33 = arith.constant 128 : i32
    %div3A_34 = arith.divsi %squeeze3A_32, %jit3A_33 : i32
    %sign3A_35 = arith.constant 0 : i32
    %sign3A_36 = arith.cmpi sgt, %squeeze3A_32, %sign3A_35 : i32
    %sign3A_37 = arith.extui %sign3A_36 : i1 to i32
    %sign3A_38 = arith.constant 0 : i32
    %sign3A_39 = arith.cmpi slt, %squeeze3A_32, %sign3A_38 : i32
    %sign3A_40 = arith.extui %sign3A_39 : i1 to i32
    %sign3A_41 = arith.subi %sign3A_37, %sign3A_40 : i32
    %sign3A_42 = arith.constant 0 : i32
    %sign3A_43 = arith.cmpi sgt, %jit3A_33, %sign3A_42 : i32
    %sign3A_44 = arith.extui %sign3A_43 : i1 to i32
    %sign3A_45 = arith.constant 0 : i32
    %sign3A_46 = arith.cmpi slt, %jit3A_33, %sign3A_45 : i32
    %sign3A_47 = arith.extui %sign3A_46 : i1 to i32
    %sign3A_48 = arith.subi %sign3A_44, %sign3A_47 : i32
    %ne3A_49 = arith.cmpi ne, %sign3A_41, %sign3A_48 : i32
    %rem3A_50 = arith.remsi %squeeze3A_32, %jit3A_33 : i32
    %ne3A_51 = arith.constant 0 : i32
    %ne3A_52 = arith.cmpi ne, %rem3A_50, %ne3A_51 : i32
    %and3A_53 = arith.andi %ne3A_49, %ne3A_52 : i1
    %sub3A_54 = arith.constant 1 : i32
    %sub3A_55 = arith.subi %div3A_34, %sub3A_54 : i32
    %select_n3A_56 = arith.select %and3A_53, %sub3A_55, %div3A_34 : i32
    %mul3A_57 = arith.constant 128 : i32
    %mul3A_58 = arith.muli %select_n3A_56, %mul3A_57 : i32
    %dma_start3A = arith.constant 0 : i32
    %dma_start3A_59 = arith.constant 0 : i32
    %dma_start3A_60 = arith.constant 0 : i32
    %dma_start3A_61 = tpu.memref_slice %arg4[%dma_start3A_60, %mul3A_30] : memref<32x1000000xf32, #tpu.memory_space<hbm>> -> memref<32x128xf32, #tpu.memory_space<hbm>>
    %dma_start3A_62 = tpu.memref_slice %arg26[%dma_start3A, %dma_start3A_59] : memref<8x2x!tpu.dma_semaphore, #tpu.memory_space<semaphore_mem>> -> memref<1x1x!tpu.dma_semaphore, #tpu.memory_space<semaphore_mem>>
    %dma_start3A_63 = tpu.memref_squeeze %dma_start3A_62 : memref<1x1x!tpu.dma_semaphore, #tpu.memory_space<semaphore_mem>> -> memref<!tpu.dma_semaphore, #tpu.memory_space<semaphore_mem>>
    %dma_start3A_64 = arith.constant 0 : i32
    %dma_start3A_65 = tpu.memref_slice %arg4[%dma_start3A_64, %mul3A_30] : memref<32x1000000xf32, #tpu.memory_space<hbm>> -> memref<32x128xf32, #tpu.memory_space<hbm>>
    tpu.enqueue_dma source(%dma_start3A_65 : memref<32x128xf32, #tpu.memory_space<hbm>>) target(%arg9 : memref<32x128xf32, #tpu.memory_space<vmem>>) target_semaphore(%dma_start3A_63 : memref<!tpu.dma_semaphore, #tpu.memory_space<semaphore_mem>>)
    %dma_start3A_66 = arith.constant 0 : i32
    %dma_start3A_67 = arith.constant 1 : i32
    %dma_start3A_68 = arith.constant 0 : i32
    %dma_start3A_69 = tpu.memref_slice %arg5[%dma_start3A_68, %mul3A_58] : memref<32x1000000xf32, #tpu.memory_space<hbm>> -> memref<32x128xf32, #tpu.memory_space<hbm>>
    %dma_start3A_70 = tpu.memref_slice %arg26[%dma_start3A_66, %dma_start3A_67] : memref<8x2x!tpu.dma_semaphore, #tpu.memory_space<semaphore_mem>> -> memref<1x1x!tpu.dma_semaphore, #tpu.memory_space<semaphore_mem>>
    %dma_start3A_71 = tpu.memref_squeeze %dma_start3A_70 : memref<1x1x!tpu.dma_semaphore, #tpu.memory_space<semaphore_mem>> -> memref<!tpu.dma_semaphore, #tpu.memory_space<semaphore_mem>>
    %dma_start3A_72 = arith.constant 0 : i32
    %dma_start3A_73 = tpu.memref_slice %arg5[%dma_start3A_72, %mul3A_58] : memref<32x1000000xf32, #tpu.memory_space<hbm>> -> memref<32x128xf32, #tpu.memory_space<hbm>>
    tpu.enqueue_dma source(%dma_start3A_73 : memref<32x128xf32, #tpu.memory_space<hbm>>) target(%arg17 : memref<32x128xf32, #tpu.memory_space<vmem>>) target_semaphore(%dma_start3A_71 : memref<!tpu.dma_semaphore, #tpu.memory_space<semaphore_mem>>)
    %slice3A_74 = vector.extract_strided_slice %get3A_10 {offsets = [1], sizes = [1], strides = [1]} : vector<16xi32> to vector<1xi32>
    %squeeze3A_75 = vector.extract %slice3A_74[0] : i32 from vector<1xi32>
    %jit3A_76 = arith.constant 128 : i32
    %div3A_77 = arith.divsi %squeeze3A_75, %jit3A_76 : i32
    %sign3A_78 = arith.constant 0 : i32
    %sign3A_79 = arith.cmpi sgt, %squeeze3A_75, %sign3A_78 : i32
    %sign3A_80 = arith.extui %sign3A_79 : i1 to i32
    %sign3A_81 = arith.constant 0 : i32
    %sign3A_82 = arith.cmpi slt, %squeeze3A_75, %sign3A_81 : i32
    %sign3A_83 = arith.extui %sign3A_82 : i1 to i32
    %sign3A_84 = arith.subi %sign3A_80, %sign3A_83 : i32
    %sign3A_85 = arith.constant 0 : i32
    %sign3A_86 = arith.cmpi sgt, %jit3A_76, %sign3A_85 : i32
    %sign3A_87 = arith.extui %sign3A_86 : i1 to i32
    %sign3A_88 = arith.constant 0 : i32
    %sign3A_89 = arith.cmpi slt, %jit3A_76, %sign3A_88 : i32
    %sign3A_90 = arith.extui %sign3A_89 : i1 to i32
    %sign3A_91 = arith.subi %sign3A_87, %sign3A_90 : i32
    %ne3A_92 = arith.cmpi ne, %sign3A_84, %sign3A_91 : i32
    %rem3A_93 = arith.remsi %squeeze3A_75, %jit3A_76 : i32
    %ne3A_94 = arith.constant 0 : i32
    %ne3A_95 = arith.cmpi ne, %rem3A_93, %ne3A_94 : i32
    %and3A_96 = arith.andi %ne3A_92, %ne3A_95 : i1
    %sub3A_97 = arith.constant 1 : i32
    %sub3A_98 = arith.subi %div3A_77, %sub3A_97 : i32
    %select_n3A_99 = arith.select %and3A_96, %sub3A_98, %div3A_77 : i32
    %mul3A_100 = arith.constant 128 : i32
    %mul3A_101 = arith.muli %select_n3A_99, %mul3A_100 : i32
    %slice3A_102 = vector.extract_strided_slice %get3A_12 {offsets = [1], sizes = [1], strides = [1]} : vector<16xi32> to vector<1xi32>
    %squeeze3A_103 = vector.extract %slice3A_102[0] : i32 from vector<1xi32>
    %jit3A_104 = arith.constant 128 : i32
    %div3A_105 = arith.divsi %squeeze3A_103, %jit3A_104 : i32
    %sign3A_106 = arith.constant 0 : i32
    %sign3A_107 = arith.cmpi sgt, %squeeze3A_103, %sign3A_106 : i32
    %sign3A_108 = arith.extui %sign3A_107 : i1 to i32
    %sign3A_109 = arith.constant 0 : i32
    %sign3A_110 = arith.cmpi slt, %squeeze3A_103, %sign3A_109 : i32
    %sign3A_111 = arith.extui %sign3A_110 : i1 to i32
    %sign3A_112 = arith.subi %sign3A_108, %sign3A_111 : i32
    %sign3A_113 = arith.constant 0 : i32
    %sign3A_114 = arith.cmpi sgt, %jit3A_104, %sign3A_113 : i32
    %sign3A_115 = arith.extui %sign3A_114 : i1 to i32
    %sign3A_116 = arith.constant 0 : i32
    %sign3A_117 = arith.cmpi slt, %jit3A_104, %sign3A_116 : i32
    %sign3A_118 = arith.extui %sign3A_117 : i1 to i32
    %sign3A_119 = arith.subi %sign3A_115, %sign3A_118 : i32
    %ne3A_120 = arith.cmpi ne, %sign3A_112, %sign3A_119 : i32
    %rem3A_121 = arith.remsi %squeeze3A_103, %jit3A_104 : i32
    %ne3A_122 = arith.constant 0 : i32
    %ne3A_123 = arith.cmpi ne, %rem3A_121, %ne3A_122 : i32
    %and3A_124 = arith.andi %ne3A_120, %ne3A_123 : i1
    %sub3A_125 = arith.constant 1 : i32
    %sub3A_126 = arith.subi %div3A_105, %sub3A_125 : i32
    %select_n3A_127 = arith.select %and3A_124, %sub3A_126, %div3A_105 : i32
    %mul3A_128 = arith.constant 128 : i32
    %mul3A_129 = arith.muli %select_n3A_127, %mul3A_128 : i32
    %dma_start3A_130 = arith.constant 1 : i32
    %dma_start3A_131 = arith.constant 0 : i32
    %dma_start3A_132 = arith.constant 0 : i32
    %dma_start3A_133 = tpu.memref_slice %arg4[%dma_start3A_132, %mul3A_101] : memref<32x1000000xf32, #tpu.memory_space<hbm>> -> memref<32x128xf32, #tpu.memory_space<hbm>>
    %dma_start3A_134 = tpu.memref_slice %arg26[%dma_start3A_130, %dma_start3A_131] : memref<8x2x!tpu.dma_semaphore, #tpu.memory_space<semaphore_mem>> -> memref<1x1x!tpu.dma_semaphore, #tpu.memory_space<semaphore_mem>>
    %dma_start3A_135 = tpu.memref_squeeze %dma_start3A_134 : memref<1x1x!tpu.dma_semaphore, #tpu.memory_space<semaphore_mem>> -> memref<!tpu.dma_semaphore, #tpu.memory_space<semaphore_mem>>
    %dma_start3A_136 = arith.constant 0 : i32
    %dma_start3A_137 = tpu.memref_slice %arg4[%dma_start3A_136, %mul3A_101] : memref<32x1000000xf32, #tpu.memory_space<hbm>> -> memref<32x128xf32, #tpu.memory_space<hbm>>
    tpu.enqueue_dma source(%dma_start3A_137 : memref<32x128xf32, #tpu.memory_space<hbm>>) target(%arg10 : memref<32x128xf32, #tpu.memory_space<vmem>>) target_semaphore(%dma_start3A_135 : memref<!tpu.dma_semaphore, #tpu.memory_space<semaphore_mem>>)
    %dma_start3A_138 = arith.constant 1 : i32
    %dma_start3A_139 = arith.constant 1 : i32
    %dma_start3A_140 = arith.constant 0 : i32
    %dma_start3A_141 = tpu.memref_slice %arg5[%dma_start3A_140, %mul3A_129] : memref<32x1000000xf32, #tpu.memory_space<hbm>> -> memref<32x128xf32, #tpu.memory_space<hbm>>
    %dma_start3A_142 = tpu.memref_slice %arg26[%dma_start3A_138, %dma_start3A_139] : memref<8x2x!tpu.dma_semaphore, #tpu.memory_space<semaphore_mem>> -> memref<1x1x!tpu.dma_semaphore, #tpu.memory_space<semaphore_mem>>
    %dma_start3A_143 = tpu.memref_squeeze %dma_start3A_142 : memref<1x1x!tpu.dma_semaphore, #tpu.memory_space<semaphore_mem>> -> memref<!tpu.dma_semaphore, #tpu.memory_space<semaphore_mem>>
    %dma_start3A_144 = arith.constant 0 : i32
    %dma_start3A_145 = tpu.memref_slice %arg5[%dma_start3A_144, %mul3A_129] : memref<32x1000000xf32, #tpu.memory_space<hbm>> -> memref<32x128xf32, #tpu.memory_space<hbm>>
    tpu.enqueue_dma source(%dma_start3A_145 : memref<32x128xf32, #tpu.memory_space<hbm>>) target(%arg18 : memref<32x128xf32, #tpu.memory_space<vmem>>) target_semaphore(%dma_start3A_143 : memref<!tpu.dma_semaphore, #tpu.memory_space<semaphore_mem>>)
    %slice3A_146 = vector.extract_strided_slice %get3A_10 {offsets = [2], sizes = [1], strides = [1]} : vector<16xi32> to vector<1xi32>
    %squeeze3A_147 = vector.extract %slice3A_146[0] : i32 from vector<1xi32>
    %jit3A_148 = arith.constant 128 : i32
    %div3A_149 = arith.divsi %squeeze3A_147, %jit3A_148 : i32
    %sign3A_150 = arith.constant 0 : i32
    %sign3A_151 = arith.cmpi sgt, %squeeze3A_147, %sign3A_150 : i32
    %sign3A_152 = arith.extui %sign3A_151 : i1 to i32
    %sign3A_153 = arith.constant 0 : i32
    %sign3A_154 = arith.cmpi slt, %squeeze3A_147, %sign3A_153 : i32
    %sign3A_155 = arith.extui %sign3A_154 : i1 to i32
    %sign3A_156 = arith.subi %sign3A_152, %sign3A_155 : i32
    %sign3A_157 = arith.constant 0 : i32
    %sign3A_158 = arith.cmpi sgt, %jit3A_148, %sign3A_157 : i32
    %sign3A_159 = arith.extui %sign3A_158 : i1 to i32
    %sign3A_160 = arith.constant 0 : i32
    %sign3A_161 = arith.cmpi slt, %jit3A_148, %sign3A_160 : i32
    %sign3A_162 = arith.extui %sign3A_161 : i1 to i32
    %sign3A_163 = arith.subi %sign3A_159, %sign3A_162 : i32
    %ne3A_164 = arith.cmpi ne, %sign3A_156, %sign3A_163 : i32
    %rem3A_165 = arith.remsi %squeeze3A_147, %jit3A_148 : i32
    %ne3A_166 = arith.constant 0 : i32
    %ne3A_167 = arith.cmpi ne, %rem3A_165, %ne3A_166 : i32
    %and3A_168 = arith.andi %ne3A_164, %ne3A_167 : i1
    %sub3A_169 = arith.constant 1 : i32
    %sub3A_170 = arith.subi %div3A_149, %sub3A_169 : i32
    %select_n3A_171 = arith.select %and3A_168, %sub3A_170, %div3A_149 : i32
    %mul3A_172 = arith.constant 128 : i32
    %mul3A_173 = arith.muli %select_n3A_171, %mul3A_172 : i32
    %slice3A_174 = vector.extract_strided_slice %get3A_12 {offsets = [2], sizes = [1], strides = [1]} : vector<16xi32> to vector<1xi32>
    %squeeze3A_175 = vector.extract %slice3A_174[0] : i32 from vector<1xi32>
    %jit3A_176 = arith.constant 128 : i32
    %div3A_177 = arith.divsi %squeeze3A_175, %jit3A_176 : i32
    %sign3A_178 = arith.constant 0 : i32
    %sign3A_179 = arith.cmpi sgt, %squeeze3A_175, %sign3A_178 : i32
    %sign3A_180 = arith.extui %sign3A_179 : i1 to i32
    %sign3A_181 = arith.constant 0 : i32
    %sign3A_182 = arith.cmpi slt, %squeeze3A_175, %sign3A_181 : i32
    %sign3A_183 = arith.extui %sign3A_182 : i1 to i32
    %sign3A_184 = arith.subi %sign3A_180, %sign3A_183 : i32
    %sign3A_185 = arith.constant 0 : i32
    %sign3A_186 = arith.cmpi sgt, %jit3A_176, %sign3A_185 : i32
    %sign3A_187 = arith.extui %sign3A_186 : i1 to i32
    %sign3A_188 = arith.constant 0 : i32
    %sign3A_189 = arith.cmpi slt, %jit3A_176, %sign3A_188 : i32
    %sign3A_190 = arith.extui %sign3A_189 : i1 to i32
    %sign3A_191 = arith.subi %sign3A_187, %sign3A_190 : i32
    %ne3A_192 = arith.cmpi ne, %sign3A_184, %sign3A_191 : i32
    %rem3A_193 = arith.remsi %squeeze3A_175, %jit3A_176 : i32
    %ne3A_194 = arith.constant 0 : i32
    %ne3A_195 = arith.cmpi ne, %rem3A_193, %ne3A_194 : i32
    %and3A_196 = arith.andi %ne3A_192, %ne3A_195 : i1
    %sub3A_197 = arith.constant 1 : i32
    %sub3A_198 = arith.subi %div3A_177, %sub3A_197 : i32
    %select_n3A_199 = arith.select %and3A_196, %sub3A_198, %div3A_177 : i32
    %mul3A_200 = arith.constant 128 : i32
    %mul3A_201 = arith.muli %select_n3A_199, %mul3A_200 : i32
    %dma_start3A_202 = arith.constant 2 : i32
    %dma_start3A_203 = arith.constant 0 : i32
    %dma_start3A_204 = arith.constant 0 : i32
    %dma_start3A_205 = tpu.memref_slice %arg4[%dma_start3A_204, %mul3A_173] : memref<32x1000000xf32, #tpu.memory_space<hbm>> -> memref<32x128xf32, #tpu.memory_space<hbm>>
    %dma_start3A_206 = tpu.memref_slice %arg26[%dma_start3A_202, %dma_start3A_203] : memref<8x2x!tpu.dma_semaphore, #tpu.memory_space<semaphore_mem>> -> memref<1x1x!tpu.dma_semaphore, #tpu.memory_space<semaphore_mem>>
    %dma_start3A_207 = tpu.memref_squeeze %dma_start3A_206 : memref<1x1x!tpu.dma_semaphore, #tpu.memory_space<semaphore_mem>> -> memref<!tpu.dma_semaphore, #tpu.memory_space<semaphore_mem>>
    %dma_start3A_208 = arith.constant 0 : i32
    %dma_start3A_209 = tpu.memref_slice %arg4[%dma_start3A_208, %mul3A_173] : memref<32x1000000xf32, #tpu.memory_space<hbm>> -> memref<32x128xf32, #tpu.memory_space<hbm>>
    tpu.enqueue_dma source(%dma_start3A_209 : memref<32x128xf32, #tpu.memory_space<hbm>>) target(%arg11 : memref<32x128xf32, #tpu.memory_space<vmem>>) target_semaphore(%dma_start3A_207 : memref<!tpu.dma_semaphore, #tpu.memory_space<semaphore_mem>>)
    %dma_start3A_210 = arith.constant 2 : i32
    %dma_start3A_211 = arith.constant 1 : i32
    %dma_start3A_212 = arith.constant 0 : i32
    %dma_start3A_213 = tpu.memref_slice %arg5[%dma_start3A_212, %mul3A_201] : memref<32x1000000xf32, #tpu.memory_space<hbm>> -> memref<32x128xf32, #tpu.memory_space<hbm>>
    %dma_start3A_214 = tpu.memref_slice %arg26[%dma_start3A_210, %dma_start3A_211] : memref<8x2x!tpu.dma_semaphore, #tpu.memory_space<semaphore_mem>> -> memref<1x1x!tpu.dma_semaphore, #tpu.memory_space<semaphore_mem>>
    %dma_start3A_215 = tpu.memref_squeeze %dma_start3A_214 : memref<1x1x!tpu.dma_semaphore, #tpu.memory_space<semaphore_mem>> -> memref<!tpu.dma_semaphore, #tpu.memory_space<semaphore_mem>>
    %dma_start3A_216 = arith.constant 0 : i32
    %dma_start3A_217 = tpu.memref_slice %arg5[%dma_start3A_216, %mul3A_201] : memref<32x1000000xf32, #tpu.memory_space<hbm>> -> memref<32x128xf32, #tpu.memory_space<hbm>>
    tpu.enqueue_dma source(%dma_start3A_217 : memref<32x128xf32, #tpu.memory_space<hbm>>) target(%arg19 : memref<32x128xf32, #tpu.memory_space<vmem>>) target_semaphore(%dma_start3A_215 : memref<!tpu.dma_semaphore, #tpu.memory_space<semaphore_mem>>)
    %slice3A_218 = vector.extract_strided_slice %get3A_10 {offsets = [3], sizes = [1], strides = [1]} : vector<16xi32> to vector<1xi32>
    %squeeze3A_219 = vector.extract %slice3A_218[0] : i32 from vector<1xi32>
    %jit3A_220 = arith.constant 128 : i32
    %div3A_221 = arith.divsi %squeeze3A_219, %jit3A_220 : i32
    %sign3A_222 = arith.constant 0 : i32
    %sign3A_223 = arith.cmpi sgt, %squeeze3A_219, %sign3A_222 : i32
    %sign3A_224 = arith.extui %sign3A_223 : i1 to i32
    %sign3A_225 = arith.constant 0 : i32
    %sign3A_226 = arith.cmpi slt, %squeeze3A_219, %sign3A_225 : i32
    %sign3A_227 = arith.extui %sign3A_226 : i1 to i32
    %sign3A_228 = arith.subi %sign3A_224, %sign3A_227 : i32
    %sign3A_229 = arith.constant 0 : i32
    %sign3A_230 = arith.cmpi sgt, %jit3A_220, %sign3A_229 : i32
    %sign3A_231 = arith.extui %sign3A_230 : i1 to i32
    %sign3A_232 = arith.constant 0 : i32
    %sign3A_233 = arith.cmpi slt, %jit3A_220, %sign3A_232 : i32
    %sign3A_234 = arith.extui %sign3A_233 : i1 to i32
    %sign3A_235 = arith.subi %sign3A_231, %sign3A_234 : i32
    %ne3A_236 = arith.cmpi ne, %sign3A_228, %sign3A_235 : i32
    %rem3A_237 = arith.remsi %squeeze3A_219, %jit3A_220 : i32
    %ne3A_238 = arith.constant 0 : i32
    %ne3A_239 = arith.cmpi ne, %rem3A_237, %ne3A_238 : i32
    %and3A_240 = arith.andi %ne3A_236, %ne3A_239 : i1
    %sub3A_241 = arith.constant 1 : i32
    %sub3A_242 = arith.subi %div3A_221, %sub3A_241 : i32
    %select_n3A_243 = arith.select %and3A_240, %sub3A_242, %div3A_221 : i32
    %mul3A_244 = arith.constant 128 : i32
    %mul3A_245 = arith.muli %select_n3A_243, %mul3A_244 : i32
    %slice3A_246 = vector.extract_strided_slice %get3A_12 {offsets = [3], sizes = [1], strides = [1]} : vector<16xi32> to vector<1xi32>
    %squeeze3A_247 = vector.extract %slice3A_246[0] : i32 from vector<1xi32>
    %jit3A_248 = arith.constant 128 : i32
    %div3A_249 = arith.divsi %squeeze3A_247, %jit3A_248 : i32
    %sign3A_250 = arith.constant 0 : i32
    %sign3A_251 = arith.cmpi sgt, %squeeze3A_247, %sign3A_250 : i32
    %sign3A_252 = arith.extui %sign3A_251 : i1 to i32
    %sign3A_253 = arith.constant 0 : i32
    %sign3A_254 = arith.cmpi slt, %squeeze3A_247, %sign3A_253 : i32
    %sign3A_255 = arith.extui %sign3A_254 : i1 to i32
    %sign3A_256 = arith.subi %sign3A_252, %sign3A_255 : i32
    %sign3A_257 = arith.constant 0 : i32
    %sign3A_258 = arith.cmpi sgt, %jit3A_248, %sign3A_257 : i32
    %sign3A_259 = arith.extui %sign3A_258 : i1 to i32
    %sign3A_260 = arith.constant 0 : i32
    %sign3A_261 = arith.cmpi slt, %jit3A_248, %sign3A_260 : i32
    %sign3A_262 = arith.extui %sign3A_261 : i1 to i32
    %sign3A_263 = arith.subi %sign3A_259, %sign3A_262 : i32
    %ne3A_264 = arith.cmpi ne, %sign3A_256, %sign3A_263 : i32
    %rem3A_265 = arith.remsi %squeeze3A_247, %jit3A_248 : i32
    %ne3A_266 = arith.constant 0 : i32
    %ne3A_267 = arith.cmpi ne, %rem3A_265, %ne3A_266 : i32
    %and3A_268 = arith.andi %ne3A_264, %ne3A_267 : i1
    %sub3A_269 = arith.constant 1 : i32
    %sub3A_270 = arith.subi %div3A_249, %sub3A_269 : i32
    %select_n3A_271 = arith.select %and3A_268, %sub3A_270, %div3A_249 : i32
    %mul3A_272 = arith.constant 128 : i32
    %mul3A_273 = arith.muli %select_n3A_271, %mul3A_272 : i32
    %dma_start3A_274 = arith.constant 3 : i32
    %dma_start3A_275 = arith.constant 0 : i32
    %dma_start3A_276 = arith.constant 0 : i32
    %dma_start3A_277 = tpu.memref_slice %arg4[%dma_start3A_276, %mul3A_245] : memref<32x1000000xf32, #tpu.memory_space<hbm>> -> memref<32x128xf32, #tpu.memory_space<hbm>>
    %dma_start3A_278 = tpu.memref_slice %arg26[%dma_start3A_274, %dma_start3A_275] : memref<8x2x!tpu.dma_semaphore, #tpu.memory_space<semaphore_mem>> -> memref<1x1x!tpu.dma_semaphore, #tpu.memory_space<semaphore_mem>>
    %dma_start3A_279 = tpu.memref_squeeze %dma_start3A_278 : memref<1x1x!tpu.dma_semaphore, #tpu.memory_space<semaphore_mem>> -> memref<!tpu.dma_semaphore, #tpu.memory_space<semaphore_mem>>
    %dma_start3A_280 = arith.constant 0 : i32
    %dma_start3A_281 = tpu.memref_slice %arg4[%dma_start3A_280, %mul3A_245] : memref<32x1000000xf32, #tpu.memory_space<hbm>> -> memref<32x128xf32, #tpu.memory_space<hbm>>
    tpu.enqueue_dma source(%dma_start3A_281 : memref<32x128xf32, #tpu.memory_space<hbm>>) target(%arg12 : memref<32x128xf32, #tpu.memory_space<vmem>>) target_semaphore(%dma_start3A_279 : memref<!tpu.dma_semaphore, #tpu.memory_space<semaphore_mem>>)
    %dma_start3A_282 = arith.constant 3 : i32
    %dma_start3A_283 = arith.constant 1 : i32
    %dma_start3A_284 = arith.constant 0 : i32
    %dma_start3A_285 = tpu.memref_slice %arg5[%dma_start3A_284, %mul3A_273] : memref<32x1000000xf32, #tpu.memory_space<hbm>> -> memref<32x128xf32, #tpu.memory_space<hbm>>
    %dma_start3A_286 = tpu.memref_slice %arg26[%dma_start3A_282, %dma_start3A_283] : memref<8x2x!tpu.dma_semaphore, #tpu.memory_space<semaphore_mem>> -> memref<1x1x!tpu.dma_semaphore, #tpu.memory_space<semaphore_mem>>
    %dma_start3A_287 = tpu.memref_squeeze %dma_start3A_286 : memref<1x1x!tpu.dma_semaphore, #tpu.memory_space<semaphore_mem>> -> memref<!tpu.dma_semaphore, #tpu.memory_space<semaphore_mem>>
    %dma_start3A_288 = arith.constant 0 : i32
    %dma_start3A_289 = tpu.memref_slice %arg5[%dma_start3A_288, %mul3A_273] : memref<32x1000000xf32, #tpu.memory_space<hbm>> -> memref<32x128xf32, #tpu.memory_space<hbm>>
    tpu.enqueue_dma source(%dma_start3A_289 : memref<32x128xf32, #tpu.memory_space<hbm>>) target(%arg20 : memref<32x128xf32, #tpu.memory_space<vmem>>) target_semaphore(%dma_start3A_287 : memref<!tpu.dma_semaphore, #tpu.memory_space<semaphore_mem>>)
    %slice3A_290 = vector.extract_strided_slice %get3A_10 {offsets = [4], sizes = [1], strides = [1]} : vector<16xi32> to vector<1xi32>
    %squeeze3A_291 = vector.extract %slice3A_290[0] : i32 from vector<1xi32>
    %jit3A_292 = arith.constant 128 : i32
    %div3A_293 = arith.divsi %squeeze3A_291, %jit3A_292 : i32
    %sign3A_294 = arith.constant 0 : i32
    %sign3A_295 = arith.cmpi sgt, %squeeze3A_291, %sign3A_294 : i32
    %sign3A_296 = arith.extui %sign3A_295 : i1 to i32
    %sign3A_297 = arith.constant 0 : i32
    %sign3A_298 = arith.cmpi slt, %squeeze3A_291, %sign3A_297 : i32
    %sign3A_299 = arith.extui %sign3A_298 : i1 to i32
    %sign3A_300 = arith.subi %sign3A_296, %sign3A_299 : i32
    %sign3A_301 = arith.constant 0 : i32
    %sign3A_302 = arith.cmpi sgt, %jit3A_292, %sign3A_301 : i32
    %sign3A_303 = arith.extui %sign3A_302 : i1 to i32
    %sign3A_304 = arith.constant 0 : i32
    %sign3A_305 = arith.cmpi slt, %jit3A_292, %sign3A_304 : i32
    %sign3A_306 = arith.extui %sign3A_305 : i1 to i32
    %sign3A_307 = arith.subi %sign3A_303, %sign3A_306 : i32
    %ne3A_308 = arith.cmpi ne, %sign3A_300, %sign3A_307 : i32
    %rem3A_309 = arith.remsi %squeeze3A_291, %jit3A_292 : i32
    %ne3A_310 = arith.constant 0 : i32
    %ne3A_311 = arith.cmpi ne, %rem3A_309, %ne3A_310 : i32
    %and3A_312 = arith.andi %ne3A_308, %ne3A_311 : i1
    %sub3A_313 = arith.constant 1 : i32
    %sub3A_314 = arith.subi %div3A_293, %sub3A_313 : i32
    %select_n3A_315 = arith.select %and3A_312, %sub3A_314, %div3A_293 : i32
    %mul3A_316 = arith.constant 128 : i32
    %mul3A_317 = arith.muli %select_n3A_315, %mul3A_316 : i32
    %slice3A_318 = vector.extract_strided_slice %get3A_12 {offsets = [4], sizes = [1], strides = [1]} : vector<16xi32> to vector<1xi32>
    %squeeze3A_319 = vector.extract %slice3A_318[0] : i32 from vector<1xi32>
    %jit3A_320 = arith.constant 128 : i32
    %div3A_321 = arith.divsi %squeeze3A_319, %jit3A_320 : i32
    %sign3A_322 = arith.constant 0 : i32
    %sign3A_323 = arith.cmpi sgt, %squeeze3A_319, %sign3A_322 : i32
    %sign3A_324 = arith.extui %sign3A_323 : i1 to i32
    %sign3A_325 = arith.constant 0 : i32
    %sign3A_326 = arith.cmpi slt, %squeeze3A_319, %sign3A_325 : i32
    %sign3A_327 = arith.extui %sign3A_326 : i1 to i32
    %sign3A_328 = arith.subi %sign3A_324, %sign3A_327 : i32
    %sign3A_329 = arith.constant 0 : i32
    %sign3A_330 = arith.cmpi sgt, %jit3A_320, %sign3A_329 : i32
    %sign3A_331 = arith.extui %sign3A_330 : i1 to i32
    %sign3A_332 = arith.constant 0 : i32
    %sign3A_333 = arith.cmpi slt, %jit3A_320, %sign3A_332 : i32
    %sign3A_334 = arith.extui %sign3A_333 : i1 to i32
    %sign3A_335 = arith.subi %sign3A_331, %sign3A_334 : i32
    %ne3A_336 = arith.cmpi ne, %sign3A_328, %sign3A_335 : i32
    %rem3A_337 = arith.remsi %squeeze3A_319, %jit3A_320 : i32
    %ne3A_338 = arith.constant 0 : i32
    %ne3A_339 = arith.cmpi ne, %rem3A_337, %ne3A_338 : i32
    %and3A_340 = arith.andi %ne3A_336, %ne3A_339 : i1
    %sub3A_341 = arith.constant 1 : i32
    %sub3A_342 = arith.subi %div3A_321, %sub3A_341 : i32
    %select_n3A_343 = arith.select %and3A_340, %sub3A_342, %div3A_321 : i32
    %mul3A_344 = arith.constant 128 : i32
    %mul3A_345 = arith.muli %select_n3A_343, %mul3A_344 : i32
    %dma_start3A_346 = arith.constant 4 : i32
    %dma_start3A_347 = arith.constant 0 : i32
    %dma_start3A_348 = arith.constant 0 : i32
    %dma_start3A_349 = tpu.memref_slice %arg4[%dma_start3A_348, %mul3A_317] : memref<32x1000000xf32, #tpu.memory_space<hbm>> -> memref<32x128xf32, #tpu.memory_space<hbm>>
    %dma_start3A_350 = tpu.memref_slice %arg26[%dma_start3A_346, %dma_start3A_347] : memref<8x2x!tpu.dma_semaphore, #tpu.memory_space<semaphore_mem>> -> memref<1x1x!tpu.dma_semaphore, #tpu.memory_space<semaphore_mem>>
    %dma_start3A_351 = tpu.memref_squeeze %dma_start3A_350 : memref<1x1x!tpu.dma_semaphore, #tpu.memory_space<semaphore_mem>> -> memref<!tpu.dma_semaphore, #tpu.memory_space<semaphore_mem>>
    %dma_start3A_352 = arith.constant 0 : i32
    %dma_start3A_353 = tpu.memref_slice %arg4[%dma_start3A_352, %mul3A_317] : memref<32x1000000xf32, #tpu.memory_space<hbm>> -> memref<32x128xf32, #tpu.memory_space<hbm>>
    tpu.enqueue_dma source(%dma_start3A_353 : memref<32x128xf32, #tpu.memory_space<hbm>>) target(%arg13 : memref<32x128xf32, #tpu.memory_space<vmem>>) target_semaphore(%dma_start3A_351 : memref<!tpu.dma_semaphore, #tpu.memory_space<semaphore_mem>>)
    %dma_start3A_354 = arith.constant 4 : i32
    %dma_start3A_355 = arith.constant 1 : i32
    %dma_start3A_356 = arith.constant 0 : i32
    %dma_start3A_357 = tpu.memref_slice %arg5[%dma_start3A_356, %mul3A_345] : memref<32x1000000xf32, #tpu.memory_space<hbm>> -> memref<32x128xf32, #tpu.memory_space<hbm>>
    %dma_start3A_358 = tpu.memref_slice %arg26[%dma_start3A_354, %dma_start3A_355] : memref<8x2x!tpu.dma_semaphore, #tpu.memory_space<semaphore_mem>> -> memref<1x1x!tpu.dma_semaphore, #tpu.memory_space<semaphore_mem>>
    %dma_start3A_359 = tpu.memref_squeeze %dma_start3A_358 : memref<1x1x!tpu.dma_semaphore, #tpu.memory_space<semaphore_mem>> -> memref<!tpu.dma_semaphore, #tpu.memory_space<semaphore_mem>>
    %dma_start3A_360 = arith.constant 0 : i32
    %dma_start3A_361 = tpu.memref_slice %arg5[%dma_start3A_360, %mul3A_345] : memref<32x1000000xf32, #tpu.memory_space<hbm>> -> memref<32x128xf32, #tpu.memory_space<hbm>>
    tpu.enqueue_dma source(%dma_start3A_361 : memref<32x128xf32, #tpu.memory_space<hbm>>) target(%arg21 : memref<32x128xf32, #tpu.memory_space<vmem>>) target_semaphore(%dma_start3A_359 : memref<!tpu.dma_semaphore, #tpu.memory_space<semaphore_mem>>)
    %slice3A_362 = vector.extract_strided_slice %get3A_10 {offsets = [5], sizes = [1], strides = [1]} : vector<16xi32> to vector<1xi32>
    %squeeze3A_363 = vector.extract %slice3A_362[0] : i32 from vector<1xi32>
    %jit3A_364 = arith.constant 128 : i32
    %div3A_365 = arith.divsi %squeeze3A_363, %jit3A_364 : i32
    %sign3A_366 = arith.constant 0 : i32
    %sign3A_367 = arith.cmpi sgt, %squeeze3A_363, %sign3A_366 : i32
    %sign3A_368 = arith.extui %sign3A_367 : i1 to i32
    %sign3A_369 = arith.constant 0 : i32
    %sign3A_370 = arith.cmpi slt, %squeeze3A_363, %sign3A_369 : i32
    %sign3A_371 = arith.extui %sign3A_370 : i1 to i32
    %sign3A_372 = arith.subi %sign3A_368, %sign3A_371 : i32
    %sign3A_373 = arith.constant 0 : i32
    %sign3A_374 = arith.cmpi sgt, %jit3A_364, %sign3A_373 : i32
    %sign3A_375 = arith.extui %sign3A_374 : i1 to i32
    %sign3A_376 = arith.constant 0 : i32
    %sign3A_377 = arith.cmpi slt, %jit3A_364, %sign3A_376 : i32
    %sign3A_378 = arith.extui %sign3A_377 : i1 to i32
    %sign3A_379 = arith.subi %sign3A_375, %sign3A_378 : i32
    %ne3A_380 = arith.cmpi ne, %sign3A_372, %sign3A_379 : i32
    %rem3A_381 = arith.remsi %squeeze3A_363, %jit3A_364 : i32
    %ne3A_382 = arith.constant 0 : i32
    %ne3A_383 = arith.cmpi ne, %rem3A_381, %ne3A_382 : i32
    %and3A_384 = arith.andi %ne3A_380, %ne3A_383 : i1
    %sub3A_385 = arith.constant 1 : i32
    %sub3A_386 = arith.subi %div3A_365, %sub3A_385 : i32
    %select_n3A_387 = arith.select %and3A_384, %sub3A_386, %div3A_365 : i32
    %mul3A_388 = arith.constant 128 : i32
    %mul3A_389 = arith.muli %select_n3A_387, %mul3A_388 : i32
    %slice3A_390 = vector.extract_strided_slice %get3A_12 {offsets = [5], sizes = [1], strides = [1]} : vector<16xi32> to vector<1xi32>
    %squeeze3A_391 = vector.extract %slice3A_390[0] : i32 from vector<1xi32>
    %jit3A_392 = arith.constant 128 : i32
    %div3A_393 = arith.divsi %squeeze3A_391, %jit3A_392 : i32
    %sign3A_394 = arith.constant 0 : i32
    %sign3A_395 = arith.cmpi sgt, %squeeze3A_391, %sign3A_394 : i32
    %sign3A_396 = arith.extui %sign3A_395 : i1 to i32
    %sign3A_397 = arith.constant 0 : i32
    %sign3A_398 = arith.cmpi slt, %squeeze3A_391, %sign3A_397 : i32
    %sign3A_399 = arith.extui %sign3A_398 : i1 to i32
    %sign3A_400 = arith.subi %sign3A_396, %sign3A_399 : i32
    %sign3A_401 = arith.constant 0 : i32
    %sign3A_402 = arith.cmpi sgt, %jit3A_392, %sign3A_401 : i32
    %sign3A_403 = arith.extui %sign3A_402 : i1 to i32
    %sign3A_404 = arith.constant 0 : i32
    %sign3A_405 = arith.cmpi slt, %jit3A_392, %sign3A_404 : i32
    %sign3A_406 = arith.extui %sign3A_405 : i1 to i32
    %sign3A_407 = arith.subi %sign3A_403, %sign3A_406 : i32
    %ne3A_408 = arith.cmpi ne, %sign3A_400, %sign3A_407 : i32
    %rem3A_409 = arith.remsi %squeeze3A_391, %jit3A_392 : i32
    %ne3A_410 = arith.constant 0 : i32
    %ne3A_411 = arith.cmpi ne, %rem3A_409, %ne3A_410 : i32
    %and3A_412 = arith.andi %ne3A_408, %ne3A_411 : i1
    %sub3A_413 = arith.constant 1 : i32
    %sub3A_414 = arith.subi %div3A_393, %sub3A_413 : i32
    %select_n3A_415 = arith.select %and3A_412, %sub3A_414, %div3A_393 : i32
    %mul3A_416 = arith.constant 128 : i32
    %mul3A_417 = arith.muli %select_n3A_415, %mul3A_416 : i32
    %dma_start3A_418 = arith.constant 5 : i32
    %dma_start3A_419 = arith.constant 0 : i32
    %dma_start3A_420 = arith.constant 0 : i32
    %dma_start3A_421 = tpu.memref_slice %arg4[%dma_start3A_420, %mul3A_389] : memref<32x1000000xf32, #tpu.memory_space<hbm>> -> memref<32x128xf32, #tpu.memory_space<hbm>>
    %dma_start3A_422 = tpu.memref_slice %arg26[%dma_start3A_418, %dma_start3A_419] : memref<8x2x!tpu.dma_semaphore, #tpu.memory_space<semaphore_mem>> -> memref<1x1x!tpu.dma_semaphore, #tpu.memory_space<semaphore_mem>>
    %dma_start3A_423 = tpu.memref_squeeze %dma_start3A_422 : memref<1x1x!tpu.dma_semaphore, #tpu.memory_space<semaphore_mem>> -> memref<!tpu.dma_semaphore, #tpu.memory_space<semaphore_mem>>
    %dma_start3A_424 = arith.constant 0 : i32
    %dma_start3A_425 = tpu.memref_slice %arg4[%dma_start3A_424, %mul3A_389] : memref<32x1000000xf32, #tpu.memory_space<hbm>> -> memref<32x128xf32, #tpu.memory_space<hbm>>
    tpu.enqueue_dma source(%dma_start3A_425 : memref<32x128xf32, #tpu.memory_space<hbm>>) target(%arg14 : memref<32x128xf32, #tpu.memory_space<vmem>>) target_semaphore(%dma_start3A_423 : memref<!tpu.dma_semaphore, #tpu.memory_space<semaphore_mem>>)
    %dma_start3A_426 = arith.constant 5 : i32
    %dma_start3A_427 = arith.constant 1 : i32
    %dma_start3A_428 = arith.constant 0 : i32
    %dma_start3A_429 = tpu.memref_slice %arg5[%dma_start3A_428, %mul3A_417] : memref<32x1000000xf32, #tpu.memory_space<hbm>> -> memref<32x128xf32, #tpu.memory_space<hbm>>
    %dma_start3A_430 = tpu.memref_slice %arg26[%dma_start3A_426, %dma_start3A_427] : memref<8x2x!tpu.dma_semaphore, #tpu.memory_space<semaphore_mem>> -> memref<1x1x!tpu.dma_semaphore, #tpu.memory_space<semaphore_mem>>
    %dma_start3A_431 = tpu.memref_squeeze %dma_start3A_430 : memref<1x1x!tpu.dma_semaphore, #tpu.memory_space<semaphore_mem>> -> memref<!tpu.dma_semaphore, #tpu.memory_space<semaphore_mem>>
    %dma_start3A_432 = arith.constant 0 : i32
    %dma_start3A_433 = tpu.memref_slice %arg5[%dma_start3A_432, %mul3A_417] : memref<32x1000000xf32, #tpu.memory_space<hbm>> -> memref<32x128xf32, #tpu.memory_space<hbm>>
    tpu.enqueue_dma source(%dma_start3A_433 : memref<32x128xf32, #tpu.memory_space<hbm>>) target(%arg22 : memref<32x128xf32, #tpu.memory_space<vmem>>) target_semaphore(%dma_start3A_431 : memref<!tpu.dma_semaphore, #tpu.memory_space<semaphore_mem>>)
    %slice3A_434 = vector.extract_strided_slice %get3A_10 {offsets = [6], sizes = [1], strides = [1]} : vector<16xi32> to vector<1xi32>
    %squeeze3A_435 = vector.extract %slice3A_434[0] : i32 from vector<1xi32>
    %jit3A_436 = arith.constant 128 : i32
    %div3A_437 = arith.divsi %squeeze3A_435, %jit3A_436 : i32
    %sign3A_438 = arith.constant 0 : i32
    %sign3A_439 = arith.cmpi sgt, %squeeze3A_435, %sign3A_438 : i32
    %sign3A_440 = arith.extui %sign3A_439 : i1 to i32
    %sign3A_441 = arith.constant 0 : i32
    %sign3A_442 = arith.cmpi slt, %squeeze3A_435, %sign3A_441 : i32
    %sign3A_443 = arith.extui %sign3A_442 : i1 to i32
    %sign3A_444 = arith.subi %sign3A_440, %sign3A_443 : i32
    %sign3A_445 = arith.constant 0 : i32
    %sign3A_446 = arith.cmpi sgt, %jit3A_436, %sign3A_445 : i32
    %sign3A_447 = arith.extui %sign3A_446 : i1 to i32
    %sign3A_448 = arith.constant 0 : i32
    %sign3A_449 = arith.cmpi slt, %jit3A_436, %sign3A_448 : i32
    %sign3A_450 = arith.extui %sign3A_449 : i1 to i32
    %sign3A_451 = arith.subi %sign3A_447, %sign3A_450 : i32
    %ne3A_452 = arith.cmpi ne, %sign3A_444, %sign3A_451 : i32
    %rem3A_453 = arith.remsi %squeeze3A_435, %jit3A_436 : i32
    %ne3A_454 = arith.constant 0 : i32
    %ne3A_455 = arith.cmpi ne, %rem3A_453, %ne3A_454 : i32
    %and3A_456 = arith.andi %ne3A_452, %ne3A_455 : i1
    %sub3A_457 = arith.constant 1 : i32
    %sub3A_458 = arith.subi %div3A_437, %sub3A_457 : i32
    %select_n3A_459 = arith.select %and3A_456, %sub3A_458, %div3A_437 : i32
    %mul3A_460 = arith.constant 128 : i32
    %mul3A_461 = arith.muli %select_n3A_459, %mul3A_460 : i32
    %slice3A_462 = vector.extract_strided_slice %get3A_12 {offsets = [6], sizes = [1], strides = [1]} : vector<16xi32> to vector<1xi32>
    %squeeze3A_463 = vector.extract %slice3A_462[0] : i32 from vector<1xi32>
    %jit3A_464 = arith.constant 128 : i32
    %div3A_465 = arith.divsi %squeeze3A_463, %jit3A_464 : i32
    %sign3A_466 = arith.constant 0 : i32
    %sign3A_467 = arith.cmpi sgt, %squeeze3A_463, %sign3A_466 : i32
    %sign3A_468 = arith.extui %sign3A_467 : i1 to i32
    %sign3A_469 = arith.constant 0 : i32
    %sign3A_470 = arith.cmpi slt, %squeeze3A_463, %sign3A_469 : i32
    %sign3A_471 = arith.extui %sign3A_470 : i1 to i32
    %sign3A_472 = arith.subi %sign3A_468, %sign3A_471 : i32
    %sign3A_473 = arith.constant 0 : i32
    %sign3A_474 = arith.cmpi sgt, %jit3A_464, %sign3A_473 : i32
    %sign3A_475 = arith.extui %sign3A_474 : i1 to i32
    %sign3A_476 = arith.constant 0 : i32
    %sign3A_477 = arith.cmpi slt, %jit3A_464, %sign3A_476 : i32
    %sign3A_478 = arith.extui %sign3A_477 : i1 to i32
    %sign3A_479 = arith.subi %sign3A_475, %sign3A_478 : i32
    %ne3A_480 = arith.cmpi ne, %sign3A_472, %sign3A_479 : i32
    %rem3A_481 = arith.remsi %squeeze3A_463, %jit3A_464 : i32
    %ne3A_482 = arith.constant 0 : i32
    %ne3A_483 = arith.cmpi ne, %rem3A_481, %ne3A_482 : i32
    %and3A_484 = arith.andi %ne3A_480, %ne3A_483 : i1
    %sub3A_485 = arith.constant 1 : i32
    %sub3A_486 = arith.subi %div3A_465, %sub3A_485 : i32
    %select_n3A_487 = arith.select %and3A_484, %sub3A_486, %div3A_465 : i32
    %mul3A_488 = arith.constant 128 : i32
    %mul3A_489 = arith.muli %select_n3A_487, %mul3A_488 : i32
    %dma_start3A_490 = arith.constant 6 : i32
    %dma_start3A_491 = arith.constant 0 : i32
    %dma_start3A_492 = arith.constant 0 : i32
    %dma_start3A_493 = tpu.memref_slice %arg4[%dma_start3A_492, %mul3A_461] : memref<32x1000000xf32, #tpu.memory_space<hbm>> -> memref<32x128xf32, #tpu.memory_space<hbm>>
    %dma_start3A_494 = tpu.memref_slice %arg26[%dma_start3A_490, %dma_start3A_491] : memref<8x2x!tpu.dma_semaphore, #tpu.memory_space<semaphore_mem>> -> memref<1x1x!tpu.dma_semaphore, #tpu.memory_space<semaphore_mem>>
    %dma_start3A_495 = tpu.memref_squeeze %dma_start3A_494 : memref<1x1x!tpu.dma_semaphore, #tpu.memory_space<semaphore_mem>> -> memref<!tpu.dma_semaphore, #tpu.memory_space<semaphore_mem>>
    %dma_start3A_496 = arith.constant 0 : i32
    %dma_start3A_497 = tpu.memref_slice %arg4[%dma_start3A_496, %mul3A_461] : memref<32x1000000xf32, #tpu.memory_space<hbm>> -> memref<32x128xf32, #tpu.memory_space<hbm>>
    tpu.enqueue_dma source(%dma_start3A_497 : memref<32x128xf32, #tpu.memory_space<hbm>>) target(%arg15 : memref<32x128xf32, #tpu.memory_space<vmem>>) target_semaphore(%dma_start3A_495 : memref<!tpu.dma_semaphore, #tpu.memory_space<semaphore_mem>>)
    %dma_start3A_498 = arith.constant 6 : i32
    %dma_start3A_499 = arith.constant 1 : i32
    %dma_start3A_500 = arith.constant 0 : i32
    %dma_start3A_501 = tpu.memref_slice %arg5[%dma_start3A_500, %mul3A_489] : memref<32x1000000xf32, #tpu.memory_space<hbm>> -> memref<32x128xf32, #tpu.memory_space<hbm>>
    %dma_start3A_502 = tpu.memref_slice %arg26[%dma_start3A_498, %dma_start3A_499] : memref<8x2x!tpu.dma_semaphore, #tpu.memory_space<semaphore_mem>> -> memref<1x1x!tpu.dma_semaphore, #tpu.memory_space<semaphore_mem>>
    %dma_start3A_503 = tpu.memref_squeeze %dma_start3A_502 : memref<1x1x!tpu.dma_semaphore, #tpu.memory_space<semaphore_mem>> -> memref<!tpu.dma_semaphore, #tpu.memory_space<semaphore_mem>>
    %dma_start3A_504 = arith.constant 0 : i32
    %dma_start3A_505 = tpu.memref_slice %arg5[%dma_start3A_504, %mul3A_489] : memref<32x1000000xf32, #tpu.memory_space<hbm>> -> memref<32x128xf32, #tpu.memory_space<hbm>>
    tpu.enqueue_dma source(%dma_start3A_505 : memref<32x128xf32, #tpu.memory_space<hbm>>) target(%arg23 : memref<32x128xf32, #tpu.memory_space<vmem>>) target_semaphore(%dma_start3A_503 : memref<!tpu.dma_semaphore, #tpu.memory_space<semaphore_mem>>)
    %slice3A_506 = vector.extract_strided_slice %get3A_10 {offsets = [7], sizes = [1], strides = [1]} : vector<16xi32> to vector<1xi32>
    %squeeze3A_507 = vector.extract %slice3A_506[0] : i32 from vector<1xi32>
    %jit3A_508 = arith.constant 128 : i32
    %div3A_509 = arith.divsi %squeeze3A_507, %jit3A_508 : i32
    %sign3A_510 = arith.constant 0 : i32
    %sign3A_511 = arith.cmpi sgt, %squeeze3A_507, %sign3A_510 : i32
    %sign3A_512 = arith.extui %sign3A_511 : i1 to i32
    %sign3A_513 = arith.constant 0 : i32
    %sign3A_514 = arith.cmpi slt, %squeeze3A_507, %sign3A_513 : i32
    %sign3A_515 = arith.extui %sign3A_514 : i1 to i32
    %sign3A_516 = arith.subi %sign3A_512, %sign3A_515 : i32
    %sign3A_517 = arith.constant 0 : i32
    %sign3A_518 = arith.cmpi sgt, %jit3A_508, %sign3A_517 : i32
    %sign3A_519 = arith.extui %sign3A_518 : i1 to i32
    %sign3A_520 = arith.constant 0 : i32
    %sign3A_521 = arith.cmpi slt, %jit3A_508, %sign3A_520 : i32
    %sign3A_522 = arith.extui %sign3A_521 : i1 to i32
    %sign3A_523 = arith.subi %sign3A_519, %sign3A_522 : i32
    %ne3A_524 = arith.cmpi ne, %sign3A_516, %sign3A_523 : i32
    %rem3A_525 = arith.remsi %squeeze3A_507, %jit3A_508 : i32
    %ne3A_526 = arith.constant 0 : i32
    %ne3A_527 = arith.cmpi ne, %rem3A_525, %ne3A_526 : i32
    %and3A_528 = arith.andi %ne3A_524, %ne3A_527 : i1
    %sub3A_529 = arith.constant 1 : i32
    %sub3A_530 = arith.subi %div3A_509, %sub3A_529 : i32
    %select_n3A_531 = arith.select %and3A_528, %sub3A_530, %div3A_509 : i32
    %mul3A_532 = arith.constant 128 : i32
    %mul3A_533 = arith.muli %select_n3A_531, %mul3A_532 : i32
    %slice3A_534 = vector.extract_strided_slice %get3A_12 {offsets = [7], sizes = [1], strides = [1]} : vector<16xi32> to vector<1xi32>
    %squeeze3A_535 = vector.extract %slice3A_534[0] : i32 from vector<1xi32>
    %jit3A_536 = arith.constant 128 : i32
    %div3A_537 = arith.divsi %squeeze3A_535, %jit3A_536 : i32
    %sign3A_538 = arith.constant 0 : i32
    %sign3A_539 = arith.cmpi sgt, %squeeze3A_535, %sign3A_538 : i32
    %sign3A_540 = arith.extui %sign3A_539 : i1 to i32
    %sign3A_541 = arith.constant 0 : i32
    %sign3A_542 = arith.cmpi slt, %squeeze3A_535, %sign3A_541 : i32
    %sign3A_543 = arith.extui %sign3A_542 : i1 to i32
    %sign3A_544 = arith.subi %sign3A_540, %sign3A_543 : i32
    %sign3A_545 = arith.constant 0 : i32
    %sign3A_546 = arith.cmpi sgt, %jit3A_536, %sign3A_545 : i32
    %sign3A_547 = arith.extui %sign3A_546 : i1 to i32
    %sign3A_548 = arith.constant 0 : i32
    %sign3A_549 = arith.cmpi slt, %jit3A_536, %sign3A_548 : i32
    %sign3A_550 = arith.extui %sign3A_549 : i1 to i32
    %sign3A_551 = arith.subi %sign3A_547, %sign3A_550 : i32
    %ne3A_552 = arith.cmpi ne, %sign3A_544, %sign3A_551 : i32
    %rem3A_553 = arith.remsi %squeeze3A_535, %jit3A_536 : i32
    %ne3A_554 = arith.constant 0 : i32
    %ne3A_555 = arith.cmpi ne, %rem3A_553, %ne3A_554 : i32
    %and3A_556 = arith.andi %ne3A_552, %ne3A_555 : i1
    %sub3A_557 = arith.constant 1 : i32
    %sub3A_558 = arith.subi %div3A_537, %sub3A_557 : i32
    %select_n3A_559 = arith.select %and3A_556, %sub3A_558, %div3A_537 : i32
    %mul3A_560 = arith.constant 128 : i32
    %mul3A_561 = arith.muli %select_n3A_559, %mul3A_560 : i32
    %dma_start3A_562 = arith.constant 7 : i32
    %dma_start3A_563 = arith.constant 0 : i32
    %dma_start3A_564 = arith.constant 0 : i32
    %dma_start3A_565 = tpu.memref_slice %arg4[%dma_start3A_564, %mul3A_533] : memref<32x1000000xf32, #tpu.memory_space<hbm>> -> memref<32x128xf32, #tpu.memory_space<hbm>>
    %dma_start3A_566 = tpu.memref_slice %arg26[%dma_start3A_562, %dma_start3A_563] : memref<8x2x!tpu.dma_semaphore, #tpu.memory_space<semaphore_mem>> -> memref<1x1x!tpu.dma_semaphore, #tpu.memory_space<semaphore_mem>>
    %dma_start3A_567 = tpu.memref_squeeze %dma_start3A_566 : memref<1x1x!tpu.dma_semaphore, #tpu.memory_space<semaphore_mem>> -> memref<!tpu.dma_semaphore, #tpu.memory_space<semaphore_mem>>
    %dma_start3A_568 = arith.constant 0 : i32
    %dma_start3A_569 = tpu.memref_slice %arg4[%dma_start3A_568, %mul3A_533] : memref<32x1000000xf32, #tpu.memory_space<hbm>> -> memref<32x128xf32, #tpu.memory_space<hbm>>
    tpu.enqueue_dma source(%dma_start3A_569 : memref<32x128xf32, #tpu.memory_space<hbm>>) target(%arg16 : memref<32x128xf32, #tpu.memory_space<vmem>>) target_semaphore(%dma_start3A_567 : memref<!tpu.dma_semaphore, #tpu.memory_space<semaphore_mem>>)
    %dma_start3A_570 = arith.constant 7 : i32
    %dma_start3A_571 = arith.constant 1 : i32
    %dma_start3A_572 = arith.constant 0 : i32
    %dma_start3A_573 = tpu.memref_slice %arg5[%dma_start3A_572, %mul3A_561] : memref<32x1000000xf32, #tpu.memory_space<hbm>> -> memref<32x128xf32, #tpu.memory_space<hbm>>
    %dma_start3A_574 = tpu.memref_slice %arg26[%dma_start3A_570, %dma_start3A_571] : memref<8x2x!tpu.dma_semaphore, #tpu.memory_space<semaphore_mem>> -> memref<1x1x!tpu.dma_semaphore, #tpu.memory_space<semaphore_mem>>
    %dma_start3A_575 = tpu.memref_squeeze %dma_start3A_574 : memref<1x1x!tpu.dma_semaphore, #tpu.memory_space<semaphore_mem>> -> memref<!tpu.dma_semaphore, #tpu.memory_space<semaphore_mem>>
    %dma_start3A_576 = arith.constant 0 : i32
    %dma_start3A_577 = tpu.memref_slice %arg5[%dma_start3A_576, %mul3A_561] : memref<32x1000000xf32, #tpu.memory_space<hbm>> -> memref<32x128xf32, #tpu.memory_space<hbm>>
    tpu.enqueue_dma source(%dma_start3A_577 : memref<32x128xf32, #tpu.memory_space<hbm>>) target(%arg24 : memref<32x128xf32, #tpu.memory_space<vmem>>) target_semaphore(%dma_start3A_575 : memref<!tpu.dma_semaphore, #tpu.memory_space<semaphore_mem>>)
    %scan3A_578 = arith.constant 0 : i32
    %scan3A_579 = arith.constant 32 : i32
    %scan3A_580 = arith.addi %scan3A_578, %scan3A_579 : i32
    %scan3A_581 = arith.constant 1 : i32
    %scan3A_582:2 = scf.for %scan3A_584 = %scan3A_578 to %scan3A_580 step %scan3A_581 iter_args(%scan3A_585 = %get3A_10, %scan3A_586 = %get3A_12) -> (vector<16xi32>, vector<16xi32>)  : i32 {
      %add3A_587 = arith.constant 1 : i32
      %add3A_588 = arith.addi %scan3A_584, %add3A_587 : i32
      %min3A = arith.constant 31 : i32
      %min3A_589 = arith.minsi %add3A_588, %min3A : i32
      %mul3A_590 = arith.constant 16 : i32
      %mul3A_591 = arith.muli %min3A_589, %mul3A_590 : i32
      %get3A_592 = arith.index_cast %mul3A_591 : i32 to index
      %get3A_593 = tpu.vector_load %arg7[%get3A_592] {strides = array<i32>} : memref<512xi32, #tpu.memory_space<vmem>>, vector<16xi32>,
      %mul3A_594 = arith.constant 16 : i32
      %mul3A_595 = arith.muli %min3A_589, %mul3A_594 : i32
      %get3A_596 = arith.index_cast %mul3A_595 : i32 to index
      %get3A_597 = tpu.vector_load %arg8[%get3A_596] {strides = array<i32>} : memref<512xi32, #tpu.memory_space<vmem>>, vector<16xi32>,
      %mul3A_598 = arith.constant 16 : i32
      %mul3A_599 = arith.muli %scan3A_584, %mul3A_598 : i32
      %slice3A_600 = vector.extract_strided_slice %scan3A_585 {offsets = [0], sizes = [1], strides = [1]} : vector<16xi32> to vector<1xi32>
      %squeeze3A_601 = vector.extract %slice3A_600[0] : i32 from vector<1xi32>
      %jit3A_602 = arith.constant 128 : i32
      %div3A_603 = arith.divsi %squeeze3A_601, %jit3A_602 : i32
      %sign3A_604 = arith.constant 0 : i32
      %sign3A_605 = arith.cmpi sgt, %squeeze3A_601, %sign3A_604 : i32
      %sign3A_606 = arith.extui %sign3A_605 : i1 to i32
      %sign3A_607 = arith.constant 0 : i32
      %sign3A_608 = arith.cmpi slt, %squeeze3A_601, %sign3A_607 : i32
      %sign3A_609 = arith.extui %sign3A_608 : i1 to i32
      %sign3A_610 = arith.subi %sign3A_606, %sign3A_609 : i32
      %sign3A_611 = arith.constant 0 : i32
      %sign3A_612 = arith.cmpi sgt, %jit3A_602, %sign3A_611 : i32
      %sign3A_613 = arith.extui %sign3A_612 : i1 to i32
      %sign3A_614 = arith.constant 0 : i32
      %sign3A_615 = arith.cmpi slt, %jit3A_602, %sign3A_614 : i32
      %sign3A_616 = arith.extui %sign3A_615 : i1 to i32
      %sign3A_617 = arith.subi %sign3A_613, %sign3A_616 : i32
      %ne3A_618 = arith.cmpi ne, %sign3A_610, %sign3A_617 : i32
      %rem3A_619 = arith.remsi %squeeze3A_601, %jit3A_602 : i32
      %ne3A_620 = arith.constant 0 : i32
      %ne3A_621 = arith.cmpi ne, %rem3A_619, %ne3A_620 : i32
      %and3A_622 = arith.andi %ne3A_618, %ne3A_621 : i1
      %sub3A_623 = arith.constant 1 : i32
      %sub3A_624 = arith.subi %div3A_603, %sub3A_623 : i32
      %select_n3A_625 = arith.select %and3A_622, %sub3A_624, %div3A_603 : i32
      %mul3A_626 = arith.constant 128 : i32
      %mul3A_627 = arith.muli %select_n3A_625, %mul3A_626 : i32
      %slice3A_628 = vector.extract_strided_slice %scan3A_586 {offsets = [0], sizes = [1], strides = [1]} : vector<16xi32> to vector<1xi32>
      %squeeze3A_629 = vector.extract %slice3A_628[0] : i32 from vector<1xi32>
      %jit3A_630 = arith.constant 128 : i32
      %div3A_631 = arith.divsi %squeeze3A_629, %jit3A_630 : i32
      %sign3A_632 = arith.constant 0 : i32
      %sign3A_633 = arith.cmpi sgt, %squeeze3A_629, %sign3A_632 : i32
      %sign3A_634 = arith.extui %sign3A_633 : i1 to i32
      %sign3A_635 = arith.constant 0 : i32
      %sign3A_636 = arith.cmpi slt, %squeeze3A_629, %sign3A_635 : i32
      %sign3A_637 = arith.extui %sign3A_636 : i1 to i32
      %sign3A_638 = arith.subi %sign3A_634, %sign3A_637 : i32
      %sign3A_639 = arith.constant 0 : i32
      %sign3A_640 = arith.cmpi sgt, %jit3A_630, %sign3A_639 : i32
      %sign3A_641 = arith.extui %sign3A_640 : i1 to i32
      %sign3A_642 = arith.constant 0 : i32
      %sign3A_643 = arith.cmpi slt, %jit3A_630, %sign3A_642 : i32
      %sign3A_644 = arith.extui %sign3A_643 : i1 to i32
      %sign3A_645 = arith.subi %sign3A_641, %sign3A_644 : i32
      %ne3A_646 = arith.cmpi ne, %sign3A_638, %sign3A_645 : i32
      %rem3A_647 = arith.remsi %squeeze3A_629, %jit3A_630 : i32
      %ne3A_648 = arith.constant 0 : i32
      %ne3A_649 = arith.cmpi ne, %rem3A_647, %ne3A_648 : i32
      %and3A_650 = arith.andi %ne3A_646, %ne3A_649 : i1
      %sub3A_651 = arith.constant 1 : i32
      %sub3A_652 = arith.subi %div3A_631, %sub3A_651 : i32
      %select_n3A_653 = arith.select %and3A_650, %sub3A_652, %div3A_631 : i32
      %mul3A_654 = arith.constant 128 : i32
      %mul3A_655 = arith.muli %select_n3A_653, %mul3A_654 : i32
      %dma_wait3A = arith.constant 0 : i32
      %dma_wait3A_656 = arith.constant 0 : i32
      %dma_wait3A_657 = arith.constant 0 : i32
      %dma_wait3A_658 = tpu.memref_slice %arg4[%dma_wait3A_657, %mul3A_627] : memref<32x1000000xf32, #tpu.memory_space<hbm>> -> memref<32x128xf32, #tpu.memory_space<hbm>>
      %dma_wait3A_659 = tpu.memref_slice %arg26[%dma_wait3A, %dma_wait3A_656] : memref<8x2x!tpu.dma_semaphore, #tpu.memory_space<semaphore_mem>> -> memref<1x1x!tpu.dma_semaphore, #tpu.memory_space<semaphore_mem>>
      %dma_wait3A_660 = tpu.memref_squeeze %dma_wait3A_659 : memref<1x1x!tpu.dma_semaphore, #tpu.memory_space<semaphore_mem>> -> memref<!tpu.dma_semaphore, #tpu.memory_space<semaphore_mem>>
      %dma_wait3A_661 = arith.constant 0 : i32
      %dma_wait3A_662 = tpu.memref_slice %arg4[%dma_wait3A_661, %mul3A_627] : memref<32x1000000xf32, #tpu.memory_space<hbm>> -> memref<32x128xf32, #tpu.memory_space<hbm>>
      tpu.wait_dma2 semaphore(%dma_wait3A_660 : memref<!tpu.dma_semaphore, #tpu.memory_space<semaphore_mem>>) src(%dma_wait3A_662 : memref<32x128xf32, #tpu.memory_space<hbm>>) dst(%arg9 : memref<32x128xf32, #tpu.memory_space<vmem>>)
      %dma_wait3A_663 = arith.constant 0 : i32
      %dma_wait3A_664 = arith.constant 1 : i32
      %dma_wait3A_665 = arith.constant 0 : i32
      %dma_wait3A_666 = tpu.memref_slice %arg5[%dma_wait3A_665, %mul3A_655] : memref<32x1000000xf32, #tpu.memory_space<hbm>> -> memref<32x128xf32, #tpu.memory_space<hbm>>
      %dma_wait3A_667 = tpu.memref_slice %arg26[%dma_wait3A_663, %dma_wait3A_664] : memref<8x2x!tpu.dma_semaphore, #tpu.memory_space<semaphore_mem>> -> memref<1x1x!tpu.dma_semaphore, #tpu.memory_space<semaphore_mem>>
      %dma_wait3A_668 = tpu.memref_squeeze %dma_wait3A_667 : memref<1x1x!tpu.dma_semaphore, #tpu.memory_space<semaphore_mem>> -> memref<!tpu.dma_semaphore, #tpu.memory_space<semaphore_mem>>
      %dma_wait3A_669 = arith.constant 0 : i32
      %dma_wait3A_670 = tpu.memref_slice %arg5[%dma_wait3A_669, %mul3A_655] : memref<32x1000000xf32, #tpu.memory_space<hbm>> -> memref<32x128xf32, #tpu.memory_space<hbm>>
      tpu.wait_dma2 semaphore(%dma_wait3A_668 : memref<!tpu.dma_semaphore, #tpu.memory_space<semaphore_mem>>) src(%dma_wait3A_670 : memref<32x128xf32, #tpu.memory_space<hbm>>) dst(%arg17 : memref<32x128xf32, #tpu.memory_space<vmem>>)
      %slice3A_671 = vector.extract_strided_slice %scan3A_585 {offsets = [0], sizes = [1], strides = [1]} : vector<16xi32> to vector<1xi32>
      %squeeze3A_672 = vector.extract %slice3A_671[0] : i32 from vector<1xi32>
      %jit3A_673 = arith.constant 128 : i32
      %eq3A = arith.constant 0 : i32
      %eq3A_674 = arith.cmpi eq, %jit3A_673, %eq3A : i32
      %jit3A_675 = arith.constant 1 : i32
      %select_n3A_676 = arith.select %eq3A_674, %jit3A_675, %jit3A_673 : i32
      %rem3A_677 = arith.remsi %squeeze3A_672, %select_n3A_676 : i32
      %ne3A_678 = arith.constant 0 : i32
      %ne3A_679 = arith.cmpi ne, %rem3A_677, %ne3A_678 : i32
      %lt3A = arith.constant 0 : i32
      %lt3A_680 = arith.cmpi slt, %rem3A_677, %lt3A : i32
      %lt3A_681 = arith.constant 0 : i32
      %lt3A_682 = arith.cmpi slt, %select_n3A_676, %lt3A_681 : i32
      %ne3A_683 = arith.xori %lt3A_680, %lt3A_682 : i1
      %and3A_684 = arith.andi %ne3A_683, %ne3A_679 : i1
      %add3A_685 = arith.addi %rem3A_677, %select_n3A_676 : i32
      %select_n3A_686 = arith.select %and3A_684, %add3A_685, %rem3A_677 : i32
      %slice3A_687 = vector.extract_strided_slice %scan3A_586 {offsets = [0], sizes = [1], strides = [1]} : vector<16xi32> to vector<1xi32>
      %squeeze3A_688 = vector.extract %slice3A_687[0] : i32 from vector<1xi32>
      %jit3A_689 = arith.constant 128 : i32
      %eq3A_690 = arith.constant 0 : i32
      %eq3A_691 = arith.cmpi eq, %jit3A_689, %eq3A_690 : i32
      %jit3A_692 = arith.constant 1 : i32
      %select_n3A_693 = arith.select %eq3A_691, %jit3A_692, %jit3A_689 : i32
      %rem3A_694 = arith.remsi %squeeze3A_688, %select_n3A_693 : i32
      %ne3A_695 = arith.constant 0 : i32
      %ne3A_696 = arith.cmpi ne, %rem3A_694, %ne3A_695 : i32
      %lt3A_697 = arith.constant 0 : i32
      %lt3A_698 = arith.cmpi slt, %rem3A_694, %lt3A_697 : i32
      %lt3A_699 = arith.constant 0 : i32
      %lt3A_700 = arith.cmpi slt, %select_n3A_693, %lt3A_699 : i32
      %ne3A_701 = arith.xori %lt3A_698, %lt3A_700 : i1
      %and3A_702 = arith.andi %ne3A_701, %ne3A_696 : i1
      %add3A_703 = arith.addi %rem3A_694, %select_n3A_693 : i32
      %select_n3A_704 = arith.select %and3A_702, %add3A_703, %rem3A_694 : i32
      %add3A_705 = arith.constant 0 : i32
      %add3A_706 = arith.addi %mul3A_599, %add3A_705 : i32
      %broadcast_in_dim3A_707 = vector.broadcast %select_n3A_686 : i32 to vector<16xi32>
      %broadcast_in_dim3A_708 = vector.broadcast %select_n3A_704 : i32 to vector<16xi32>
      %gather3A = tpu.vector_load_idx %arg9[%iota3A, %broadcast_in_dim3A_707] : memref<32x128xf32, #tpu.memory_space<vmem>>[vector<16xi32>, vector<16xi32>], vector<16xf32>,
      %add3A_709 = arith.constant 16 : i32
      %add3A_710 = vector.broadcast %add3A_709 : i32 to vector<16xi32>
      %add3A_711 = arith.addi %iota3A, %add3A_710 : vector<16xi32>
      %gather3A_712 = tpu.vector_load_idx %arg9[%add3A_711, %broadcast_in_dim3A_707] : memref<32x128xf32, #tpu.memory_space<vmem>>[vector<16xi32>, vector<16xi32>], vector<16xf32>,
      %gather3A_713 = tpu.vector_load_idx %arg17[%iota3A, %broadcast_in_dim3A_708] : memref<32x128xf32, #tpu.memory_space<vmem>>[vector<16xi32>, vector<16xi32>], vector<16xf32>,
      %add3A_714 = arith.constant 16 : i32
      %add3A_715 = vector.broadcast %add3A_714 : i32 to vector<16xi32>
      %add3A_716 = arith.addi %iota3A, %add3A_715 : vector<16xi32>
      %gather3A_717 = tpu.vector_load_idx %arg17[%add3A_716, %broadcast_in_dim3A_708] : memref<32x128xf32, #tpu.memory_space<vmem>>[vector<16xi32>, vector<16xi32>], vector<16xf32>,
      %mul3A_718 = arith.mulf %gather3A, %gather3A_713 : vector<16xf32>
      %mul3A_719 = arith.mulf %gather3A_712, %gather3A_717 : vector<16xf32>
      %add3A_720 = arith.addf %mul3A_718, %mul3A_719 : vector<16xf32>
      %broadcast_in_dim3A_721 = vector.broadcast %add3A_706 : i32 to vector<16xi32>
      tpu.vector_store_idx %arg25[%broadcast_in_dim3A_721], %add3A_720 {add = true} : memref<512xf32, #tpu.memory_space<vmem>>[vector<16xi32>], vector<16xf32>,
      %slice3A_722 = vector.extract_strided_slice %scan3A_585 {offsets = [8], sizes = [1], strides = [1]} : vector<16xi32> to vector<1xi32>
      %squeeze3A_723 = vector.extract %slice3A_722[0] : i32 from vector<1xi32>
      %jit3A_724 = arith.constant 128 : i32
      %div3A_725 = arith.divsi %squeeze3A_723, %jit3A_724 : i32
      %sign3A_726 = arith.constant 0 : i32
      %sign3A_727 = arith.cmpi sgt, %squeeze3A_723, %sign3A_726 : i32
      %sign3A_728 = arith.extui %sign3A_727 : i1 to i32
      %sign3A_729 = arith.constant 0 : i32
      %sign3A_730 = arith.cmpi slt, %squeeze3A_723, %sign3A_729 : i32
      %sign3A_731 = arith.extui %sign3A_730 : i1 to i32
      %sign3A_732 = arith.subi %sign3A_728, %sign3A_731 : i32
      %sign3A_733 = arith.constant 0 : i32
      %sign3A_734 = arith.cmpi sgt, %jit3A_724, %sign3A_733 : i32
      %sign3A_735 = arith.extui %sign3A_734 : i1 to i32
      %sign3A_736 = arith.constant 0 : i32
      %sign3A_737 = arith.cmpi slt, %jit3A_724, %sign3A_736 : i32
      %sign3A_738 = arith.extui %sign3A_737 : i1 to i32
      %sign3A_739 = arith.subi %sign3A_735, %sign3A_738 : i32
      %ne3A_740 = arith.cmpi ne, %sign3A_732, %sign3A_739 : i32
      %rem3A_741 = arith.remsi %squeeze3A_723, %jit3A_724 : i32
      %ne3A_742 = arith.constant 0 : i32
      %ne3A_743 = arith.cmpi ne, %rem3A_741, %ne3A_742 : i32
      %and3A_744 = arith.andi %ne3A_740, %ne3A_743 : i1
      %sub3A_745 = arith.constant 1 : i32
      %sub3A_746 = arith.subi %div3A_725, %sub3A_745 : i32
      %select_n3A_747 = arith.select %and3A_744, %sub3A_746, %div3A_725 : i32
      %mul3A_748 = arith.constant 128 : i32
      %mul3A_749 = arith.muli %select_n3A_747, %mul3A_748 : i32
      %slice3A_750 = vector.extract_strided_slice %scan3A_586 {offsets = [8], sizes = [1], strides = [1]} : vector<16xi32> to vector<1xi32>
      %squeeze3A_751 = vector.extract %slice3A_750[0] : i32 from vector<1xi32>
      %jit3A_752 = arith.constant 128 : i32
      %div3A_753 = arith.divsi %squeeze3A_751, %jit3A_752 : i32
      %sign3A_754 = arith.constant 0 : i32
      %sign3A_755 = arith.cmpi sgt, %squeeze3A_751, %sign3A_754 : i32
      %sign3A_756 = arith.extui %sign3A_755 : i1 to i32
      %sign3A_757 = arith.constant 0 : i32
      %sign3A_758 = arith.cmpi slt, %squeeze3A_751, %sign3A_757 : i32
      %sign3A_759 = arith.extui %sign3A_758 : i1 to i32
      %sign3A_760 = arith.subi %sign3A_756, %sign3A_759 : i32
      %sign3A_761 = arith.constant 0 : i32
      %sign3A_762 = arith.cmpi sgt, %jit3A_752, %sign3A_761 : i32
      %sign3A_763 = arith.extui %sign3A_762 : i1 to i32
      %sign3A_764 = arith.constant 0 : i32
      %sign3A_765 = arith.cmpi slt, %jit3A_752, %sign3A_764 : i32
      %sign3A_766 = arith.extui %sign3A_765 : i1 to i32
      %sign3A_767 = arith.subi %sign3A_763, %sign3A_766 : i32
      %ne3A_768 = arith.cmpi ne, %sign3A_760, %sign3A_767 : i32
      %rem3A_769 = arith.remsi %squeeze3A_751, %jit3A_752 : i32
      %ne3A_770 = arith.constant 0 : i32
      %ne3A_771 = arith.cmpi ne, %rem3A_769, %ne3A_770 : i32
      %and3A_772 = arith.andi %ne3A_768, %ne3A_771 : i1
      %sub3A_773 = arith.constant 1 : i32
      %sub3A_774 = arith.subi %div3A_753, %sub3A_773 : i32
      %select_n3A_775 = arith.select %and3A_772, %sub3A_774, %div3A_753 : i32
      %mul3A_776 = arith.constant 128 : i32
      %mul3A_777 = arith.muli %select_n3A_775, %mul3A_776 : i32
      %dma_start3A_778 = arith.constant 0 : i32
      %dma_start3A_779 = arith.constant 0 : i32
      %dma_start3A_780 = arith.constant 0 : i32
      %dma_start3A_781 = tpu.memref_slice %arg4[%dma_start3A_780, %mul3A_749] : memref<32x1000000xf32, #tpu.memory_space<hbm>> -> memref<32x128xf32, #tpu.memory_space<hbm>>
      %dma_start3A_782 = tpu.memref_slice %arg26[%dma_start3A_778, %dma_start3A_779] : memref<8x2x!tpu.dma_semaphore, #tpu.memory_space<semaphore_mem>> -> memref<1x1x!tpu.dma_semaphore, #tpu.memory_space<semaphore_mem>>
      %dma_start3A_783 = tpu.memref_squeeze %dma_start3A_782 : memref<1x1x!tpu.dma_semaphore, #tpu.memory_space<semaphore_mem>> -> memref<!tpu.dma_semaphore, #tpu.memory_space<semaphore_mem>>
      %dma_start3A_784 = arith.constant 0 : i32
      %dma_start3A_785 = tpu.memref_slice %arg4[%dma_start3A_784, %mul3A_749] : memref<32x1000000xf32, #tpu.memory_space<hbm>> -> memref<32x128xf32, #tpu.memory_space<hbm>>
      tpu.enqueue_dma source(%dma_start3A_785 : memref<32x128xf32, #tpu.memory_space<hbm>>) target(%arg9 : memref<32x128xf32, #tpu.memory_space<vmem>>) target_semaphore(%dma_start3A_783 : memref<!tpu.dma_semaphore, #tpu.memory_space<semaphore_mem>>)
      %dma_start3A_786 = arith.constant 0 : i32
      %dma_start3A_787 = arith.constant 1 : i32
      %dma_start3A_788 = arith.constant 0 : i32
      %dma_start3A_789 = tpu.memref_slice %arg5[%dma_start3A_788, %mul3A_777] : memref<32x1000000xf32, #tpu.memory_space<hbm>> -> memref<32x128xf32, #tpu.memory_space<hbm>>
      %dma_start3A_790 = tpu.memref_slice %arg26[%dma_start3A_786, %dma_start3A_787] : memref<8x2x!tpu.dma_semaphore, #tpu.memory_space<semaphore_mem>> -> memref<1x1x!tpu.dma_semaphore, #tpu.memory_space<semaphore_mem>>
      %dma_start3A_791 = tpu.memref_squeeze %dma_start3A_790 : memref<1x1x!tpu.dma_semaphore, #tpu.memory_space<semaphore_mem>> -> memref<!tpu.dma_semaphore, #tpu.memory_space<semaphore_mem>>
      %dma_start3A_792 = arith.constant 0 : i32
      %dma_start3A_793 = tpu.memref_slice %arg5[%dma_start3A_792, %mul3A_777] : memref<32x1000000xf32, #tpu.memory_space<hbm>> -> memref<32x128xf32, #tpu.memory_space<hbm>>
      tpu.enqueue_dma source(%dma_start3A_793 : memref<32x128xf32, #tpu.memory_space<hbm>>) target(%arg17 : memref<32x128xf32, #tpu.memory_space<vmem>>) target_semaphore(%dma_start3A_791 : memref<!tpu.dma_semaphore, #tpu.memory_space<semaphore_mem>>)
      %slice3A_794 = vector.extract_strided_slice %scan3A_585 {offsets = [1], sizes = [1], strides = [1]} : vector<16xi32> to vector<1xi32>
      %squeeze3A_795 = vector.extract %slice3A_794[0] : i32 from vector<1xi32>
      %jit3A_796 = arith.constant 128 : i32
      %div3A_797 = arith.divsi %squeeze3A_795, %jit3A_796 : i32
      %sign3A_798 = arith.constant 0 : i32
      %sign3A_799 = arith.cmpi sgt, %squeeze3A_795, %sign3A_798 : i32
      %sign3A_800 = arith.extui %sign3A_799 : i1 to i32
      %sign3A_801 = arith.constant 0 : i32
      %sign3A_802 = arith.cmpi slt, %squeeze3A_795, %sign3A_801 : i32
      %sign3A_803 = arith.extui %sign3A_802 : i1 to i32
      %sign3A_804 = arith.subi %sign3A_800, %sign3A_803 : i32
      %sign3A_805 = arith.constant 0 : i32
      %sign3A_806 = arith.cmpi sgt, %jit3A_796, %sign3A_805 : i32
      %sign3A_807 = arith.extui %sign3A_806 : i1 to i32
      %sign3A_808 = arith.constant 0 : i32
      %sign3A_809 = arith.cmpi slt, %jit3A_796, %sign3A_808 : i32
      %sign3A_810 = arith.extui %sign3A_809 : i1 to i32
      %sign3A_811 = arith.subi %sign3A_807, %sign3A_810 : i32
      %ne3A_812 = arith.cmpi ne, %sign3A_804, %sign3A_811 : i32
      %rem3A_813 = arith.remsi %squeeze3A_795, %jit3A_796 : i32
      %ne3A_814 = arith.constant 0 : i32
      %ne3A_815 = arith.cmpi ne, %rem3A_813, %ne3A_814 : i32
      %and3A_816 = arith.andi %ne3A_812, %ne3A_815 : i1
      %sub3A_817 = arith.constant 1 : i32
      %sub3A_818 = arith.subi %div3A_797, %sub3A_817 : i32
      %select_n3A_819 = arith.select %and3A_816, %sub3A_818, %div3A_797 : i32
      %mul3A_820 = arith.constant 128 : i32
      %mul3A_821 = arith.muli %select_n3A_819, %mul3A_820 : i32
      %slice3A_822 = vector.extract_strided_slice %scan3A_586 {offsets = [1], sizes = [1], strides = [1]} : vector<16xi32> to vector<1xi32>
      %squeeze3A_823 = vector.extract %slice3A_822[0] : i32 from vector<1xi32>
      %jit3A_824 = arith.constant 128 : i32
      %div3A_825 = arith.divsi %squeeze3A_823, %jit3A_824 : i32
      %sign3A_826 = arith.constant 0 : i32
      %sign3A_827 = arith.cmpi sgt, %squeeze3A_823, %sign3A_826 : i32
      %sign3A_828 = arith.extui %sign3A_827 : i1 to i32
      %sign3A_829 = arith.constant 0 : i32
      %sign3A_830 = arith.cmpi slt, %squeeze3A_823, %sign3A_829 : i32
      %sign3A_831 = arith.extui %sign3A_830 : i1 to i32
      %sign3A_832 = arith.subi %sign3A_828, %sign3A_831 : i32
      %sign3A_833 = arith.constant 0 : i32
      %sign3A_834 = arith.cmpi sgt, %jit3A_824, %sign3A_833 : i32
      %sign3A_835 = arith.extui %sign3A_834 : i1 to i32
      %sign3A_836 = arith.constant 0 : i32
      %sign3A_837 = arith.cmpi slt, %jit3A_824, %sign3A_836 : i32
      %sign3A_838 = arith.extui %sign3A_837 : i1 to i32
      %sign3A_839 = arith.subi %sign3A_835, %sign3A_838 : i32
      %ne3A_840 = arith.cmpi ne, %sign3A_832, %sign3A_839 : i32
      %rem3A_841 = arith.remsi %squeeze3A_823, %jit3A_824 : i32
      %ne3A_842 = arith.constant 0 : i32
      %ne3A_843 = arith.cmpi ne, %rem3A_841, %ne3A_842 : i32
      %and3A_844 = arith.andi %ne3A_840, %ne3A_843 : i1
      %sub3A_845 = arith.constant 1 : i32
      %sub3A_846 = arith.subi %div3A_825, %sub3A_845 : i32
      %select_n3A_847 = arith.select %and3A_844, %sub3A_846, %div3A_825 : i32
      %mul3A_848 = arith.constant 128 : i32
      %mul3A_849 = arith.muli %select_n3A_847, %mul3A_848 : i32
      %dma_wait3A_850 = arith.constant 1 : i32
      %dma_wait3A_851 = arith.constant 0 : i32
      %dma_wait3A_852 = arith.constant 0 : i32
      %dma_wait3A_853 = tpu.memref_slice %arg4[%dma_wait3A_852, %mul3A_821] : memref<32x1000000xf32, #tpu.memory_space<hbm>> -> memref<32x128xf32, #tpu.memory_space<hbm>>
      %dma_wait3A_854 = tpu.memref_slice %arg26[%dma_wait3A_850, %dma_wait3A_851] : memref<8x2x!tpu.dma_semaphore, #tpu.memory_space<semaphore_mem>> -> memref<1x1x!tpu.dma_semaphore, #tpu.memory_space<semaphore_mem>>
      %dma_wait3A_855 = tpu.memref_squeeze %dma_wait3A_854 : memref<1x1x!tpu.dma_semaphore, #tpu.memory_space<semaphore_mem>> -> memref<!tpu.dma_semaphore, #tpu.memory_space<semaphore_mem>>
      %dma_wait3A_856 = arith.constant 0 : i32
      %dma_wait3A_857 = tpu.memref_slice %arg4[%dma_wait3A_856, %mul3A_821] : memref<32x1000000xf32, #tpu.memory_space<hbm>> -> memref<32x128xf32, #tpu.memory_space<hbm>>
      tpu.wait_dma2 semaphore(%dma_wait3A_855 : memref<!tpu.dma_semaphore, #tpu.memory_space<semaphore_mem>>) src(%dma_wait3A_857 : memref<32x128xf32, #tpu.memory_space<hbm>>) dst(%arg10 : memref<32x128xf32, #tpu.memory_space<vmem>>)
      %dma_wait3A_858 = arith.constant 1 : i32
      %dma_wait3A_859 = arith.constant 1 : i32
      %dma_wait3A_860 = arith.constant 0 : i32
      %dma_wait3A_861 = tpu.memref_slice %arg5[%dma_wait3A_860, %mul3A_849] : memref<32x1000000xf32, #tpu.memory_space<hbm>> -> memref<32x128xf32, #tpu.memory_space<hbm>>
      %dma_wait3A_862 = tpu.memref_slice %arg26[%dma_wait3A_858, %dma_wait3A_859] : memref<8x2x!tpu.dma_semaphore, #tpu.memory_space<semaphore_mem>> -> memref<1x1x!tpu.dma_semaphore, #tpu.memory_space<semaphore_mem>>
      %dma_wait3A_863 = tpu.memref_squeeze %dma_wait3A_862 : memref<1x1x!tpu.dma_semaphore, #tpu.memory_space<semaphore_mem>> -> memref<!tpu.dma_semaphore, #tpu.memory_space<semaphore_mem>>
      %dma_wait3A_864 = arith.constant 0 : i32
      %dma_wait3A_865 = tpu.memref_slice %arg5[%dma_wait3A_864, %mul3A_849] : memref<32x1000000xf32, #tpu.memory_space<hbm>> -> memref<32x128xf32, #tpu.memory_space<hbm>>
      tpu.wait_dma2 semaphore(%dma_wait3A_863 : memref<!tpu.dma_semaphore, #tpu.memory_space<semaphore_mem>>) src(%dma_wait3A_865 : memref<32x128xf32, #tpu.memory_space<hbm>>) dst(%arg18 : memref<32x128xf32, #tpu.memory_space<vmem>>)
      %slice3A_866 = vector.extract_strided_slice %scan3A_585 {offsets = [1], sizes = [1], strides = [1]} : vector<16xi32> to vector<1xi32>
      %squeeze3A_867 = vector.extract %slice3A_866[0] : i32 from vector<1xi32>
      %jit3A_868 = arith.constant 128 : i32
      %eq3A_869 = arith.constant 0 : i32
      %eq3A_870 = arith.cmpi eq, %jit3A_868, %eq3A_869 : i32
      %jit3A_871 = arith.constant 1 : i32
      %select_n3A_872 = arith.select %eq3A_870, %jit3A_871, %jit3A_868 : i32
      %rem3A_873 = arith.remsi %squeeze3A_867, %select_n3A_872 : i32
      %ne3A_874 = arith.constant 0 : i32
      %ne3A_875 = arith.cmpi ne, %rem3A_873, %ne3A_874 : i32
      %lt3A_876 = arith.constant 0 : i32
      %lt3A_877 = arith.cmpi slt, %rem3A_873, %lt3A_876 : i32
      %lt3A_878 = arith.constant 0 : i32
      %lt3A_879 = arith.cmpi slt, %select_n3A_872, %lt3A_878 : i32
      %ne3A_880 = arith.xori %lt3A_877, %lt3A_879 : i1
      %and3A_881 = arith.andi %ne3A_880, %ne3A_875 : i1
      %add3A_882 = arith.addi %rem3A_873, %select_n3A_872 : i32
      %select_n3A_883 = arith.select %and3A_881, %add3A_882, %rem3A_873 : i32
      %slice3A_884 = vector.extract_strided_slice %scan3A_586 {offsets = [1], sizes = [1], strides = [1]} : vector<16xi32> to vector<1xi32>
      %squeeze3A_885 = vector.extract %slice3A_884[0] : i32 from vector<1xi32>
      %jit3A_886 = arith.constant 128 : i32
      %eq3A_887 = arith.constant 0 : i32
      %eq3A_888 = arith.cmpi eq, %jit3A_886, %eq3A_887 : i32
      %jit3A_889 = arith.constant 1 : i32
      %select_n3A_890 = arith.select %eq3A_888, %jit3A_889, %jit3A_886 : i32
      %rem3A_891 = arith.remsi %squeeze3A_885, %select_n3A_890 : i32
      %ne3A_892 = arith.constant 0 : i32
      %ne3A_893 = arith.cmpi ne, %rem3A_891, %ne3A_892 : i32
      %lt3A_894 = arith.constant 0 : i32
      %lt3A_895 = arith.cmpi slt, %rem3A_891, %lt3A_894 : i32
      %lt3A_896 = arith.constant 0 : i32
      %lt3A_897 = arith.cmpi slt, %select_n3A_890, %lt3A_896 : i32
      %ne3A_898 = arith.xori %lt3A_895, %lt3A_897 : i1
      %and3A_899 = arith.andi %ne3A_898, %ne3A_893 : i1
      %add3A_900 = arith.addi %rem3A_891, %select_n3A_890 : i32
      %select_n3A_901 = arith.select %and3A_899, %add3A_900, %rem3A_891 : i32
      %add3A_902 = arith.constant 1 : i32
      %add3A_903 = arith.addi %mul3A_599, %add3A_902 : i32
      %broadcast_in_dim3A_904 = vector.broadcast %select_n3A_883 : i32 to vector<16xi32>
      %broadcast_in_dim3A_905 = vector.broadcast %select_n3A_901 : i32 to vector<16xi32>
      %gather3A_906 = tpu.vector_load_idx %arg10[%iota3A, %broadcast_in_dim3A_904] : memref<32x128xf32, #tpu.memory_space<vmem>>[vector<16xi32>, vector<16xi32>], vector<16xf32>,
      %add3A_907 = arith.constant 16 : i32
      %add3A_908 = vector.broadcast %add3A_907 : i32 to vector<16xi32>
      %add3A_909 = arith.addi %iota3A, %add3A_908 : vector<16xi32>
      %gather3A_910 = tpu.vector_load_idx %arg10[%add3A_909, %broadcast_in_dim3A_904] : memref<32x128xf32, #tpu.memory_space<vmem>>[vector<16xi32>, vector<16xi32>], vector<16xf32>,
      %gather3A_911 = tpu.vector_load_idx %arg18[%iota3A, %broadcast_in_dim3A_905] : memref<32x128xf32, #tpu.memory_space<vmem>>[vector<16xi32>, vector<16xi32>], vector<16xf32>,
      %add3A_912 = arith.constant 16 : i32
      %add3A_913 = vector.broadcast %add3A_912 : i32 to vector<16xi32>
      %add3A_914 = arith.addi %iota3A, %add3A_913 : vector<16xi32>
      %gather3A_915 = tpu.vector_load_idx %arg18[%add3A_914, %broadcast_in_dim3A_905] : memref<32x128xf32, #tpu.memory_space<vmem>>[vector<16xi32>, vector<16xi32>], vector<16xf32>,
      %mul3A_916 = arith.mulf %gather3A_906, %gather3A_911 : vector<16xf32>
      %mul3A_917 = arith.mulf %gather3A_910, %gather3A_915 : vector<16xf32>
      %add3A_918 = arith.addf %mul3A_916, %mul3A_917 : vector<16xf32>
      %broadcast_in_dim3A_919 = vector.broadcast %add3A_903 : i32 to vector<16xi32>
      tpu.vector_store_idx %arg25[%broadcast_in_dim3A_919], %add3A_918 {add = true} : memref<512xf32, #tpu.memory_space<vmem>>[vector<16xi32>], vector<16xf32>,
      %slice3A_920 = vector.extract_strided_slice %scan3A_585 {offsets = [9], sizes = [1], strides = [1]} : vector<16xi32> to vector<1xi32>
      %squeeze3A_921 = vector.extract %slice3A_920[0] : i32 from vector<1xi32>
      %jit3A_922 = arith.constant 128 : i32
      %div3A_923 = arith.divsi %squeeze3A_921, %jit3A_922 : i32
      %sign3A_924 = arith.constant 0 : i32
      %sign3A_925 = arith.cmpi sgt, %squeeze3A_921, %sign3A_924 : i32
      %sign3A_926 = arith.extui %sign3A_925 : i1 to i32
      %sign3A_927 = arith.constant 0 : i32
      %sign3A_928 = arith.cmpi slt, %squeeze3A_921, %sign3A_927 : i32
      %sign3A_929 = arith.extui %sign3A_928 : i1 to i32
      %sign3A_930 = arith.subi %sign3A_926, %sign3A_929 : i32
      %sign3A_931 = arith.constant 0 : i32
      %sign3A_932 = arith.cmpi sgt, %jit3A_922, %sign3A_931 : i32
      %sign3A_933 = arith.extui %sign3A_932 : i1 to i32
      %sign3A_934 = arith.constant 0 : i32
      %sign3A_935 = arith.cmpi slt, %jit3A_922, %sign3A_934 : i32
      %sign3A_936 = arith.extui %sign3A_935 : i1 to i32
      %sign3A_937 = arith.subi %sign3A_933, %sign3A_936 : i32
      %ne3A_938 = arith.cmpi ne, %sign3A_930, %sign3A_937 : i32
      %rem3A_939 = arith.remsi %squeeze3A_921, %jit3A_922 : i32
      %ne3A_940 = arith.constant 0 : i32
      %ne3A_941 = arith.cmpi ne, %rem3A_939, %ne3A_940 : i32
      %and3A_942 = arith.andi %ne3A_938, %ne3A_941 : i1
      %sub3A_943 = arith.constant 1 : i32
      %sub3A_944 = arith.subi %div3A_923, %sub3A_943 : i32
      %select_n3A_945 = arith.select %and3A_942, %sub3A_944, %div3A_923 : i32
      %mul3A_946 = arith.constant 128 : i32
      %mul3A_947 = arith.muli %select_n3A_945, %mul3A_946 : i32
      %slice3A_948 = vector.extract_strided_slice %scan3A_586 {offsets = [9], sizes = [1], strides = [1]} : vector<16xi32> to vector<1xi32>
      %squeeze3A_949 = vector.extract %slice3A_948[0] : i32 from vector<1xi32>
      %jit3A_950 = arith.constant 128 : i32
      %div3A_951 = arith.divsi %squeeze3A_949, %jit3A_950 : i32
      %sign3A_952 = arith.constant 0 : i32
      %sign3A_953 = arith.cmpi sgt, %squeeze3A_949, %sign3A_952 : i32
      %sign3A_954 = arith.extui %sign3A_953 : i1 to i32
      %sign3A_955 = arith.constant 0 : i32
      %sign3A_956 = arith.cmpi slt, %squeeze3A_949, %sign3A_955 : i32
      %sign3A_957 = arith.extui %sign3A_956 : i1 to i32
      %sign3A_958 = arith.subi %sign3A_954, %sign3A_957 : i32
      %sign3A_959 = arith.constant 0 : i32
      %sign3A_960 = arith.cmpi sgt, %jit3A_950, %sign3A_959 : i32
      %sign3A_961 = arith.extui %sign3A_960 : i1 to i32
      %sign3A_962 = arith.constant 0 : i32
      %sign3A_963 = arith.cmpi slt, %jit3A_950, %sign3A_962 : i32
      %sign3A_964 = arith.extui %sign3A_963 : i1 to i32
      %sign3A_965 = arith.subi %sign3A_961, %sign3A_964 : i32
      %ne3A_966 = arith.cmpi ne, %sign3A_958, %sign3A_965 : i32
      %rem3A_967 = arith.remsi %squeeze3A_949, %jit3A_950 : i32
      %ne3A_968 = arith.constant 0 : i32
      %ne3A_969 = arith.cmpi ne, %rem3A_967, %ne3A_968 : i32
      %and3A_970 = arith.andi %ne3A_966, %ne3A_969 : i1
      %sub3A_971 = arith.constant 1 : i32
      %sub3A_972 = arith.subi %div3A_951, %sub3A_971 : i32
      %select_n3A_973 = arith.select %and3A_970, %sub3A_972, %div3A_951 : i32
      %mul3A_974 = arith.constant 128 : i32
      %mul3A_975 = arith.muli %select_n3A_973, %mul3A_974 : i32
      %dma_start3A_976 = arith.constant 1 : i32
      %dma_start3A_977 = arith.constant 0 : i32
      %dma_start3A_978 = arith.constant 0 : i32
      %dma_start3A_979 = tpu.memref_slice %arg4[%dma_start3A_978, %mul3A_947] : memref<32x1000000xf32, #tpu.memory_space<hbm>> -> memref<32x128xf32, #tpu.memory_space<hbm>>
      %dma_start3A_980 = tpu.memref_slice %arg26[%dma_start3A_976, %dma_start3A_977] : memref<8x2x!tpu.dma_semaphore, #tpu.memory_space<semaphore_mem>> -> memref<1x1x!tpu.dma_semaphore, #tpu.memory_space<semaphore_mem>>
      %dma_start3A_981 = tpu.memref_squeeze %dma_start3A_980 : memref<1x1x!tpu.dma_semaphore, #tpu.memory_space<semaphore_mem>> -> memref<!tpu.dma_semaphore, #tpu.memory_space<semaphore_mem>>
      %dma_start3A_982 = arith.constant 0 : i32
      %dma_start3A_983 = tpu.memref_slice %arg4[%dma_start3A_982, %mul3A_947] : memref<32x1000000xf32, #tpu.memory_space<hbm>> -> memref<32x128xf32, #tpu.memory_space<hbm>>
      tpu.enqueue_dma source(%dma_start3A_983 : memref<32x128xf32, #tpu.memory_space<hbm>>) target(%arg10 : memref<32x128xf32, #tpu.memory_space<vmem>>) target_semaphore(%dma_start3A_981 : memref<!tpu.dma_semaphore, #tpu.memory_space<semaphore_mem>>)
      %dma_start3A_984 = arith.constant 1 : i32
      %dma_start3A_985 = arith.constant 1 : i32
      %dma_start3A_986 = arith.constant 0 : i32
      %dma_start3A_987 = tpu.memref_slice %arg5[%dma_start3A_986, %mul3A_975] : memref<32x1000000xf32, #tpu.memory_space<hbm>> -> memref<32x128xf32, #tpu.memory_space<hbm>>
      %dma_start3A_988 = tpu.memref_slice %arg26[%dma_start3A_984, %dma_start3A_985] : memref<8x2x!tpu.dma_semaphore, #tpu.memory_space<semaphore_mem>> -> memref<1x1x!tpu.dma_semaphore, #tpu.memory_space<semaphore_mem>>
      %dma_start3A_989 = tpu.memref_squeeze %dma_start3A_988 : memref<1x1x!tpu.dma_semaphore, #tpu.memory_space<semaphore_mem>> -> memref<!tpu.dma_semaphore, #tpu.memory_space<semaphore_mem>>
      %dma_start3A_990 = arith.constant 0 : i32
      %dma_start3A_991 = tpu.memref_slice %arg5[%dma_start3A_990, %mul3A_975] : memref<32x1000000xf32, #tpu.memory_space<hbm>> -> memref<32x128xf32, #tpu.memory_space<hbm>>
      tpu.enqueue_dma source(%dma_start3A_991 : memref<32x128xf32, #tpu.memory_space<hbm>>) target(%arg18 : memref<32x128xf32, #tpu.memory_space<vmem>>) target_semaphore(%dma_start3A_989 : memref<!tpu.dma_semaphore, #tpu.memory_space<semaphore_mem>>)
      %slice3A_992 = vector.extract_strided_slice %scan3A_585 {offsets = [2], sizes = [1], strides = [1]} : vector<16xi32> to vector<1xi32>
      %squeeze3A_993 = vector.extract %slice3A_992[0] : i32 from vector<1xi32>
      %jit3A_994 = arith.constant 128 : i32
      %div3A_995 = arith.divsi %squeeze3A_993, %jit3A_994 : i32
      %sign3A_996 = arith.constant 0 : i32
      %sign3A_997 = arith.cmpi sgt, %squeeze3A_993, %sign3A_996 : i32
      %sign3A_998 = arith.extui %sign3A_997 : i1 to i32
      %sign3A_999 = arith.constant 0 : i32
      %sign3A_1000 = arith.cmpi slt, %squeeze3A_993, %sign3A_999 : i32
      %sign3A_1001 = arith.extui %sign3A_1000 : i1 to i32
      %sign3A_1002 = arith.subi %sign3A_998, %sign3A_1001 : i32
      %sign3A_1003 = arith.constant 0 : i32
      %sign3A_1004 = arith.cmpi sgt, %jit3A_994, %sign3A_1003 : i32
      %sign3A_1005 = arith.extui %sign3A_1004 : i1 to i32
      %sign3A_1006 = arith.constant 0 : i32
      %sign3A_1007 = arith.cmpi slt, %jit3A_994, %sign3A_1006 : i32
      %sign3A_1008 = arith.extui %sign3A_1007 : i1 to i32
      %sign3A_1009 = arith.subi %sign3A_1005, %sign3A_1008 : i32
      %ne3A_1010 = arith.cmpi ne, %sign3A_1002, %sign3A_1009 : i32
      %rem3A_1011 = arith.remsi %squeeze3A_993, %jit3A_994 : i32
      %ne3A_1012 = arith.constant 0 : i32
      %ne3A_1013 = arith.cmpi ne, %rem3A_1011, %ne3A_1012 : i32
      %and3A_1014 = arith.andi %ne3A_1010, %ne3A_1013 : i1
      %sub3A_1015 = arith.constant 1 : i32
      %sub3A_1016 = arith.subi %div3A_995, %sub3A_1015 : i32
      %select_n3A_1017 = arith.select %and3A_1014, %sub3A_1016, %div3A_995 : i32
      %mul3A_1018 = arith.constant 128 : i32
      %mul3A_1019 = arith.muli %select_n3A_1017, %mul3A_1018 : i32
      %slice3A_1020 = vector.extract_strided_slice %scan3A_586 {offsets = [2], sizes = [1], strides = [1]} : vector<16xi32> to vector<1xi32>
      %squeeze3A_1021 = vector.extract %slice3A_1020[0] : i32 from vector<1xi32>
      %jit3A_1022 = arith.constant 128 : i32
      %div3A_1023 = arith.divsi %squeeze3A_1021, %jit3A_1022 : i32
      %sign3A_1024 = arith.constant 0 : i32
      %sign3A_1025 = arith.cmpi sgt, %squeeze3A_1021, %sign3A_1024 : i32
      %sign3A_1026 = arith.extui %sign3A_1025 : i1 to i32
      %sign3A_1027 = arith.constant 0 : i32
      %sign3A_1028 = arith.cmpi slt, %squeeze3A_1021, %sign3A_1027 : i32
      %sign3A_1029 = arith.extui %sign3A_1028 : i1 to i32
      %sign3A_1030 = arith.subi %sign3A_1026, %sign3A_1029 : i32
      %sign3A_1031 = arith.constant 0 : i32
      %sign3A_1032 = arith.cmpi sgt, %jit3A_1022, %sign3A_1031 : i32
      %sign3A_1033 = arith.extui %sign3A_1032 : i1 to i32
      %sign3A_1034 = arith.constant 0 : i32
      %sign3A_1035 = arith.cmpi slt, %jit3A_1022, %sign3A_1034 : i32
      %sign3A_1036 = arith.extui %sign3A_1035 : i1 to i32
      %sign3A_1037 = arith.subi %sign3A_1033, %sign3A_1036 : i32
      %ne3A_1038 = arith.cmpi ne, %sign3A_1030, %sign3A_1037 : i32
      %rem3A_1039 = arith.remsi %squeeze3A_1021, %jit3A_1022 : i32
      %ne3A_1040 = arith.constant 0 : i32
      %ne3A_1041 = arith.cmpi ne, %rem3A_1039, %ne3A_1040 : i32
      %and3A_1042 = arith.andi %ne3A_1038, %ne3A_1041 : i1
      %sub3A_1043 = arith.constant 1 : i32
      %sub3A_1044 = arith.subi %div3A_1023, %sub3A_1043 : i32
      %select_n3A_1045 = arith.select %and3A_1042, %sub3A_1044, %div3A_1023 : i32
      %mul3A_1046 = arith.constant 128 : i32
      %mul3A_1047 = arith.muli %select_n3A_1045, %mul3A_1046 : i32
      %dma_wait3A_1048 = arith.constant 2 : i32
      %dma_wait3A_1049 = arith.constant 0 : i32
      %dma_wait3A_1050 = arith.constant 0 : i32
      %dma_wait3A_1051 = tpu.memref_slice %arg4[%dma_wait3A_1050, %mul3A_1019] : memref<32x1000000xf32, #tpu.memory_space<hbm>> -> memref<32x128xf32, #tpu.memory_space<hbm>>
      %dma_wait3A_1052 = tpu.memref_slice %arg26[%dma_wait3A_1048, %dma_wait3A_1049] : memref<8x2x!tpu.dma_semaphore, #tpu.memory_space<semaphore_mem>> -> memref<1x1x!tpu.dma_semaphore, #tpu.memory_space<semaphore_mem>>
      %dma_wait3A_1053 = tpu.memref_squeeze %dma_wait3A_1052 : memref<1x1x!tpu.dma_semaphore, #tpu.memory_space<semaphore_mem>> -> memref<!tpu.dma_semaphore, #tpu.memory_space<semaphore_mem>>
      %dma_wait3A_1054 = arith.constant 0 : i32
      %dma_wait3A_1055 = tpu.memref_slice %arg4[%dma_wait3A_1054, %mul3A_1019] : memref<32x1000000xf32, #tpu.memory_space<hbm>> -> memref<32x128xf32, #tpu.memory_space<hbm>>
      tpu.wait_dma2 semaphore(%dma_wait3A_1053 : memref<!tpu.dma_semaphore, #tpu.memory_space<semaphore_mem>>) src(%dma_wait3A_1055 : memref<32x128xf32, #tpu.memory_space<hbm>>) dst(%arg11 : memref<32x128xf32, #tpu.memory_space<vmem>>)
      %dma_wait3A_1056 = arith.constant 2 : i32
      %dma_wait3A_1057 = arith.constant 1 : i32
      %dma_wait3A_1058 = arith.constant 0 : i32
      %dma_wait3A_1059 = tpu.memref_slice %arg5[%dma_wait3A_1058, %mul3A_1047] : memref<32x1000000xf32, #tpu.memory_space<hbm>> -> memref<32x128xf32, #tpu.memory_space<hbm>>
      %dma_wait3A_1060 = tpu.memref_slice %arg26[%dma_wait3A_1056, %dma_wait3A_1057] : memref<8x2x!tpu.dma_semaphore, #tpu.memory_space<semaphore_mem>> -> memref<1x1x!tpu.dma_semaphore, #tpu.memory_space<semaphore_mem>>
      %dma_wait3A_1061 = tpu.memref_squeeze %dma_wait3A_1060 : memref<1x1x!tpu.dma_semaphore, #tpu.memory_space<semaphore_mem>> -> memref<!tpu.dma_semaphore, #tpu.memory_space<semaphore_mem>>
      %dma_wait3A_1062 = arith.constant 0 : i32
      %dma_wait3A_1063 = tpu.memref_slice %arg5[%dma_wait3A_1062, %mul3A_1047] : memref<32x1000000xf32, #tpu.memory_space<hbm>> -> memref<32x128xf32, #tpu.memory_space<hbm>>
      tpu.wait_dma2 semaphore(%dma_wait3A_1061 : memref<!tpu.dma_semaphore, #tpu.memory_space<semaphore_mem>>) src(%dma_wait3A_1063 : memref<32x128xf32, #tpu.memory_space<hbm>>) dst(%arg19 : memref<32x128xf32, #tpu.memory_space<vmem>>)
      %slice3A_1064 = vector.extract_strided_slice %scan3A_585 {offsets = [2], sizes = [1], strides = [1]} : vector<16xi32> to vector<1xi32>
      %squeeze3A_1065 = vector.extract %slice3A_1064[0] : i32 from vector<1xi32>
      %jit3A_1066 = arith.constant 128 : i32
      %eq3A_1067 = arith.constant 0 : i32
      %eq3A_1068 = arith.cmpi eq, %jit3A_1066, %eq3A_1067 : i32
      %jit3A_1069 = arith.constant 1 : i32
      %select_n3A_1070 = arith.select %eq3A_1068, %jit3A_1069, %jit3A_1066 : i32
      %rem3A_1071 = arith.remsi %squeeze3A_1065, %select_n3A_1070 : i32
      %ne3A_1072 = arith.constant 0 : i32
      %ne3A_1073 = arith.cmpi ne, %rem3A_1071, %ne3A_1072 : i32
      %lt3A_1074 = arith.constant 0 : i32
      %lt3A_1075 = arith.cmpi slt, %rem3A_1071, %lt3A_1074 : i32
      %lt3A_1076 = arith.constant 0 : i32
      %lt3A_1077 = arith.cmpi slt, %select_n3A_1070, %lt3A_1076 : i32
      %ne3A_1078 = arith.xori %lt3A_1075, %lt3A_1077 : i1
      %and3A_1079 = arith.andi %ne3A_1078, %ne3A_1073 : i1
      %add3A_1080 = arith.addi %rem3A_1071, %select_n3A_1070 : i32
      %select_n3A_1081 = arith.select %and3A_1079, %add3A_1080, %rem3A_1071 : i32
      %slice3A_1082 = vector.extract_strided_slice %scan3A_586 {offsets = [2], sizes = [1], strides = [1]} : vector<16xi32> to vector<1xi32>
      %squeeze3A_1083 = vector.extract %slice3A_1082[0] : i32 from vector<1xi32>
      %jit3A_1084 = arith.constant 128 : i32
      %eq3A_1085 = arith.constant 0 : i32
      %eq3A_1086 = arith.cmpi eq, %jit3A_1084, %eq3A_1085 : i32
      %jit3A_1087 = arith.constant 1 : i32
      %select_n3A_1088 = arith.select %eq3A_1086, %jit3A_1087, %jit3A_1084 : i32
      %rem3A_1089 = arith.remsi %squeeze3A_1083, %select_n3A_1088 : i32
      %ne3A_1090 = arith.constant 0 : i32
      %ne3A_1091 = arith.cmpi ne, %rem3A_1089, %ne3A_1090 : i32
      %lt3A_1092 = arith.constant 0 : i32
      %lt3A_1093 = arith.cmpi slt, %rem3A_1089, %lt3A_1092 : i32
      %lt3A_1094 = arith.constant 0 : i32
      %lt3A_1095 = arith.cmpi slt, %select_n3A_1088, %lt3A_1094 : i32
      %ne3A_1096 = arith.xori %lt3A_1093, %lt3A_1095 : i1
      %and3A_1097 = arith.andi %ne3A_1096, %ne3A_1091 : i1
      %add3A_1098 = arith.addi %rem3A_1089, %select_n3A_1088 : i32
      %select_n3A_1099 = arith.select %and3A_1097, %add3A_1098, %rem3A_1089 : i32
      %add3A_1100 = arith.constant 2 : i32
      %add3A_1101 = arith.addi %mul3A_599, %add3A_1100 : i32
      %broadcast_in_dim3A_1102 = vector.broadcast %select_n3A_1081 : i32 to vector<16xi32>
      %broadcast_in_dim3A_1103 = vector.broadcast %select_n3A_1099 : i32 to vector<16xi32>
      %gather3A_1104 = tpu.vector_load_idx %arg11[%iota3A, %broadcast_in_dim3A_1102] : memref<32x128xf32, #tpu.memory_space<vmem>>[vector<16xi32>, vector<16xi32>], vector<16xf32>,
      %add3A_1105 = arith.constant 16 : i32
      %add3A_1106 = vector.broadcast %add3A_1105 : i32 to vector<16xi32>
      %add3A_1107 = arith.addi %iota3A, %add3A_1106 : vector<16xi32>
      %gather3A_1108 = tpu.vector_load_idx %arg11[%add3A_1107, %broadcast_in_dim3A_1102] : memref<32x128xf32, #tpu.memory_space<vmem>>[vector<16xi32>, vector<16xi32>], vector<16xf32>,
      %gather3A_1109 = tpu.vector_load_idx %arg19[%iota3A, %broadcast_in_dim3A_1103] : memref<32x128xf32, #tpu.memory_space<vmem>>[vector<16xi32>, vector<16xi32>], vector<16xf32>,
      %add3A_1110 = arith.constant 16 : i32
      %add3A_1111 = vector.broadcast %add3A_1110 : i32 to vector<16xi32>
      %add3A_1112 = arith.addi %iota3A, %add3A_1111 : vector<16xi32>
      %gather3A_1113 = tpu.vector_load_idx %arg19[%add3A_1112, %broadcast_in_dim3A_1103] : memref<32x128xf32, #tpu.memory_space<vmem>>[vector<16xi32>, vector<16xi32>], vector<16xf32>,
      %mul3A_1114 = arith.mulf %gather3A_1104, %gather3A_1109 : vector<16xf32>
      %mul3A_1115 = arith.mulf %gather3A_1108, %gather3A_1113 : vector<16xf32>
      %add3A_1116 = arith.addf %mul3A_1114, %mul3A_1115 : vector<16xf32>
      %broadcast_in_dim3A_1117 = vector.broadcast %add3A_1101 : i32 to vector<16xi32>
      tpu.vector_store_idx %arg25[%broadcast_in_dim3A_1117], %add3A_1116 {add = true} : memref<512xf32, #tpu.memory_space<vmem>>[vector<16xi32>], vector<16xf32>,
      %slice3A_1118 = vector.extract_strided_slice %scan3A_585 {offsets = [10], sizes = [1], strides = [1]} : vector<16xi32> to vector<1xi32>
      %squeeze3A_1119 = vector.extract %slice3A_1118[0] : i32 from vector<1xi32>
      %jit3A_1120 = arith.constant 128 : i32
      %div3A_1121 = arith.divsi %squeeze3A_1119, %jit3A_1120 : i32
      %sign3A_1122 = arith.constant 0 : i32
      %sign3A_1123 = arith.cmpi sgt, %squeeze3A_1119, %sign3A_1122 : i32
      %sign3A_1124 = arith.extui %sign3A_1123 : i1 to i32
      %sign3A_1125 = arith.constant 0 : i32
      %sign3A_1126 = arith.cmpi slt, %squeeze3A_1119, %sign3A_1125 : i32
      %sign3A_1127 = arith.extui %sign3A_1126 : i1 to i32
      %sign3A_1128 = arith.subi %sign3A_1124, %sign3A_1127 : i32
      %sign3A_1129 = arith.constant 0 : i32
      %sign3A_1130 = arith.cmpi sgt, %jit3A_1120, %sign3A_1129 : i32
      %sign3A_1131 = arith.extui %sign3A_1130 : i1 to i32
      %sign3A_1132 = arith.constant 0 : i32
      %sign3A_1133 = arith.cmpi slt, %jit3A_1120, %sign3A_1132 : i32
      %sign3A_1134 = arith.extui %sign3A_1133 : i1 to i32
      %sign3A_1135 = arith.subi %sign3A_1131, %sign3A_1134 : i32
      %ne3A_1136 = arith.cmpi ne, %sign3A_1128, %sign3A_1135 : i32
      %rem3A_1137 = arith.remsi %squeeze3A_1119, %jit3A_1120 : i32
      %ne3A_1138 = arith.constant 0 : i32
      %ne3A_1139 = arith.cmpi ne, %rem3A_1137, %ne3A_1138 : i32
      %and3A_1140 = arith.andi %ne3A_1136, %ne3A_1139 : i1
      %sub3A_1141 = arith.constant 1 : i32
      %sub3A_1142 = arith.subi %div3A_1121, %sub3A_1141 : i32
      %select_n3A_1143 = arith.select %and3A_1140, %sub3A_1142, %div3A_1121 : i32
      %mul3A_1144 = arith.constant 128 : i32
      %mul3A_1145 = arith.muli %select_n3A_1143, %mul3A_1144 : i32
      %slice3A_1146 = vector.extract_strided_slice %scan3A_586 {offsets = [10], sizes = [1], strides = [1]} : vector<16xi32> to vector<1xi32>
      %squeeze3A_1147 = vector.extract %slice3A_1146[0] : i32 from vector<1xi32>
      %jit3A_1148 = arith.constant 128 : i32
      %div3A_1149 = arith.divsi %squeeze3A_1147, %jit3A_1148 : i32
      %sign3A_1150 = arith.constant 0 : i32
      %sign3A_1151 = arith.cmpi sgt, %squeeze3A_1147, %sign3A_1150 : i32
      %sign3A_1152 = arith.extui %sign3A_1151 : i1 to i32
      %sign3A_1153 = arith.constant 0 : i32
      %sign3A_1154 = arith.cmpi slt, %squeeze3A_1147, %sign3A_1153 : i32
      %sign3A_1155 = arith.extui %sign3A_1154 : i1 to i32
      %sign3A_1156 = arith.subi %sign3A_1152, %sign3A_1155 : i32
      %sign3A_1157 = arith.constant 0 : i32
      %sign3A_1158 = arith.cmpi sgt, %jit3A_1148, %sign3A_1157 : i32
      %sign3A_1159 = arith.extui %sign3A_1158 : i1 to i32
      %sign3A_1160 = arith.constant 0 : i32
      %sign3A_1161 = arith.cmpi slt, %jit3A_1148, %sign3A_1160 : i32
      %sign3A_1162 = arith.extui %sign3A_1161 : i1 to i32
      %sign3A_1163 = arith.subi %sign3A_1159, %sign3A_1162 : i32
      %ne3A_1164 = arith.cmpi ne, %sign3A_1156, %sign3A_1163 : i32
      %rem3A_1165 = arith.remsi %squeeze3A_1147, %jit3A_1148 : i32
      %ne3A_1166 = arith.constant 0 : i32
      %ne3A_1167 = arith.cmpi ne, %rem3A_1165, %ne3A_1166 : i32
      %and3A_1168 = arith.andi %ne3A_1164, %ne3A_1167 : i1
      %sub3A_1169 = arith.constant 1 : i32
      %sub3A_1170 = arith.subi %div3A_1149, %sub3A_1169 : i32
      %select_n3A_1171 = arith.select %and3A_1168, %sub3A_1170, %div3A_1149 : i32
      %mul3A_1172 = arith.constant 128 : i32
      %mul3A_1173 = arith.muli %select_n3A_1171, %mul3A_1172 : i32
      %dma_start3A_1174 = arith.constant 2 : i32
      %dma_start3A_1175 = arith.constant 0 : i32
      %dma_start3A_1176 = arith.constant 0 : i32
      %dma_start3A_1177 = tpu.memref_slice %arg4[%dma_start3A_1176, %mul3A_1145] : memref<32x1000000xf32, #tpu.memory_space<hbm>> -> memref<32x128xf32, #tpu.memory_space<hbm>>
      %dma_start3A_1178 = tpu.memref_slice %arg26[%dma_start3A_1174, %dma_start3A_1175] : memref<8x2x!tpu.dma_semaphore, #tpu.memory_space<semaphore_mem>> -> memref<1x1x!tpu.dma_semaphore, #tpu.memory_space<semaphore_mem>>
      %dma_start3A_1179 = tpu.memref_squeeze %dma_start3A_1178 : memref<1x1x!tpu.dma_semaphore, #tpu.memory_space<semaphore_mem>> -> memref<!tpu.dma_semaphore, #tpu.memory_space<semaphore_mem>>
      %dma_start3A_1180 = arith.constant 0 : i32
      %dma_start3A_1181 = tpu.memref_slice %arg4[%dma_start3A_1180, %mul3A_1145] : memref<32x1000000xf32, #tpu.memory_space<hbm>> -> memref<32x128xf32, #tpu.memory_space<hbm>>
      tpu.enqueue_dma source(%dma_start3A_1181 : memref<32x128xf32, #tpu.memory_space<hbm>>) target(%arg11 : memref<32x128xf32, #tpu.memory_space<vmem>>) target_semaphore(%dma_start3A_1179 : memref<!tpu.dma_semaphore, #tpu.memory_space<semaphore_mem>>)
      %dma_start3A_1182 = arith.constant 2 : i32
      %dma_start3A_1183 = arith.constant 1 : i32
      %dma_start3A_1184 = arith.constant 0 : i32
      %dma_start3A_1185 = tpu.memref_slice %arg5[%dma_start3A_1184, %mul3A_1173] : memref<32x1000000xf32, #tpu.memory_space<hbm>> -> memref<32x128xf32, #tpu.memory_space<hbm>>
      %dma_start3A_1186 = tpu.memref_slice %arg26[%dma_start3A_1182, %dma_start3A_1183] : memref<8x2x!tpu.dma_semaphore, #tpu.memory_space<semaphore_mem>> -> memref<1x1x!tpu.dma_semaphore, #tpu.memory_space<semaphore_mem>>
      %dma_start3A_1187 = tpu.memref_squeeze %dma_start3A_1186 : memref<1x1x!tpu.dma_semaphore, #tpu.memory_space<semaphore_mem>> -> memref<!tpu.dma_semaphore, #tpu.memory_space<semaphore_mem>>
      %dma_start3A_1188 = arith.constant 0 : i32
      %dma_start3A_1189 = tpu.memref_slice %arg5[%dma_start3A_1188, %mul3A_1173] : memref<32x1000000xf32, #tpu.memory_space<hbm>> -> memref<32x128xf32, #tpu.memory_space<hbm>>
      tpu.enqueue_dma source(%dma_start3A_1189 : memref<32x128xf32, #tpu.memory_space<hbm>>) target(%arg19 : memref<32x128xf32, #tpu.memory_space<vmem>>) target_semaphore(%dma_start3A_1187 : memref<!tpu.dma_semaphore, #tpu.memory_space<semaphore_mem>>)
      %slice3A_1190 = vector.extract_strided_slice %scan3A_585 {offsets = [3], sizes = [1], strides = [1]} : vector<16xi32> to vector<1xi32>
      %squeeze3A_1191 = vector.extract %slice3A_1190[0] : i32 from vector<1xi32>
      %jit3A_1192 = arith.constant 128 : i32
      %div3A_1193 = arith.divsi %squeeze3A_1191, %jit3A_1192 : i32
      %sign3A_1194 = arith.constant 0 : i32
      %sign3A_1195 = arith.cmpi sgt, %squeeze3A_1191, %sign3A_1194 : i32
      %sign3A_1196 = arith.extui %sign3A_1195 : i1 to i32
      %sign3A_1197 = arith.constant 0 : i32
      %sign3A_1198 = arith.cmpi slt, %squeeze3A_1191, %sign3A_1197 : i32
      %sign3A_1199 = arith.extui %sign3A_1198 : i1 to i32
      %sign3A_1200 = arith.subi %sign3A_1196, %sign3A_1199 : i32
      %sign3A_1201 = arith.constant 0 : i32
      %sign3A_1202 = arith.cmpi sgt, %jit3A_1192, %sign3A_1201 : i32
      %sign3A_1203 = arith.extui %sign3A_1202 : i1 to i32
      %sign3A_1204 = arith.constant 0 : i32
      %sign3A_1205 = arith.cmpi slt, %jit3A_1192, %sign3A_1204 : i32
      %sign3A_1206 = arith.extui %sign3A_1205 : i1 to i32
      %sign3A_1207 = arith.subi %sign3A_1203, %sign3A_1206 : i32
      %ne3A_1208 = arith.cmpi ne, %sign3A_1200, %sign3A_1207 : i32
      %rem3A_1209 = arith.remsi %squeeze3A_1191, %jit3A_1192 : i32
      %ne3A_1210 = arith.constant 0 : i32
      %ne3A_1211 = arith.cmpi ne, %rem3A_1209, %ne3A_1210 : i32
      %and3A_1212 = arith.andi %ne3A_1208, %ne3A_1211 : i1
      %sub3A_1213 = arith.constant 1 : i32
      %sub3A_1214 = arith.subi %div3A_1193, %sub3A_1213 : i32
      %select_n3A_1215 = arith.select %and3A_1212, %sub3A_1214, %div3A_1193 : i32
      %mul3A_1216 = arith.constant 128 : i32
      %mul3A_1217 = arith.muli %select_n3A_1215, %mul3A_1216 : i32
      %slice3A_1218 = vector.extract_strided_slice %scan3A_586 {offsets = [3], sizes = [1], strides = [1]} : vector<16xi32> to vector<1xi32>
      %squeeze3A_1219 = vector.extract %slice3A_1218[0] : i32 from vector<1xi32>
      %jit3A_1220 = arith.constant 128 : i32
      %div3A_1221 = arith.divsi %squeeze3A_1219, %jit3A_1220 : i32
      %sign3A_1222 = arith.constant 0 : i32
      %sign3A_1223 = arith.cmpi sgt, %squeeze3A_1219, %sign3A_1222 : i32
      %sign3A_1224 = arith.extui %sign3A_1223 : i1 to i32
      %sign3A_1225 = arith.constant 0 : i32
      %sign3A_1226 = arith.cmpi slt, %squeeze3A_1219, %sign3A_1225 : i32
      %sign3A_1227 = arith.extui %sign3A_1226 : i1 to i32
      %sign3A_1228 = arith.subi %sign3A_1224, %sign3A_1227 : i32
      %sign3A_1229 = arith.constant 0 : i32
      %sign3A_1230 = arith.cmpi sgt, %jit3A_1220, %sign3A_1229 : i32
      %sign3A_1231 = arith.extui %sign3A_1230 : i1 to i32
      %sign3A_1232 = arith.constant 0 : i32
      %sign3A_1233 = arith.cmpi slt, %jit3A_1220, %sign3A_1232 : i32
      %sign3A_1234 = arith.extui %sign3A_1233 : i1 to i32
      %sign3A_1235 = arith.subi %sign3A_1231, %sign3A_1234 : i32
      %ne3A_1236 = arith.cmpi ne, %sign3A_1228, %sign3A_1235 : i32
      %rem3A_1237 = arith.remsi %squeeze3A_1219, %jit3A_1220 : i32
      %ne3A_1238 = arith.constant 0 : i32
      %ne3A_1239 = arith.cmpi ne, %rem3A_1237, %ne3A_1238 : i32
      %and3A_1240 = arith.andi %ne3A_1236, %ne3A_1239 : i1
      %sub3A_1241 = arith.constant 1 : i32
      %sub3A_1242 = arith.subi %div3A_1221, %sub3A_1241 : i32
      %select_n3A_1243 = arith.select %and3A_1240, %sub3A_1242, %div3A_1221 : i32
      %mul3A_1244 = arith.constant 128 : i32
      %mul3A_1245 = arith.muli %select_n3A_1243, %mul3A_1244 : i32
      %dma_wait3A_1246 = arith.constant 3 : i32
      %dma_wait3A_1247 = arith.constant 0 : i32
      %dma_wait3A_1248 = arith.constant 0 : i32
      %dma_wait3A_1249 = tpu.memref_slice %arg4[%dma_wait3A_1248, %mul3A_1217] : memref<32x1000000xf32, #tpu.memory_space<hbm>> -> memref<32x128xf32, #tpu.memory_space<hbm>>
      %dma_wait3A_1250 = tpu.memref_slice %arg26[%dma_wait3A_1246, %dma_wait3A_1247] : memref<8x2x!tpu.dma_semaphore, #tpu.memory_space<semaphore_mem>> -> memref<1x1x!tpu.dma_semaphore, #tpu.memory_space<semaphore_mem>>
      %dma_wait3A_1251 = tpu.memref_squeeze %dma_wait3A_1250 : memref<1x1x!tpu.dma_semaphore, #tpu.memory_space<semaphore_mem>> -> memref<!tpu.dma_semaphore, #tpu.memory_space<semaphore_mem>>
      %dma_wait3A_1252 = arith.constant 0 : i32
      %dma_wait3A_1253 = tpu.memref_slice %arg4[%dma_wait3A_1252, %mul3A_1217] : memref<32x1000000xf32, #tpu.memory_space<hbm>> -> memref<32x128xf32, #tpu.memory_space<hbm>>
      tpu.wait_dma2 semaphore(%dma_wait3A_1251 : memref<!tpu.dma_semaphore, #tpu.memory_space<semaphore_mem>>) src(%dma_wait3A_1253 : memref<32x128xf32, #tpu.memory_space<hbm>>) dst(%arg12 : memref<32x128xf32, #tpu.memory_space<vmem>>)
      %dma_wait3A_1254 = arith.constant 3 : i32
      %dma_wait3A_1255 = arith.constant 1 : i32
      %dma_wait3A_1256 = arith.constant 0 : i32
      %dma_wait3A_1257 = tpu.memref_slice %arg5[%dma_wait3A_1256, %mul3A_1245] : memref<32x1000000xf32, #tpu.memory_space<hbm>> -> memref<32x128xf32, #tpu.memory_space<hbm>>
      %dma_wait3A_1258 = tpu.memref_slice %arg26[%dma_wait3A_1254, %dma_wait3A_1255] : memref<8x2x!tpu.dma_semaphore, #tpu.memory_space<semaphore_mem>> -> memref<1x1x!tpu.dma_semaphore, #tpu.memory_space<semaphore_mem>>
      %dma_wait3A_1259 = tpu.memref_squeeze %dma_wait3A_1258 : memref<1x1x!tpu.dma_semaphore, #tpu.memory_space<semaphore_mem>> -> memref<!tpu.dma_semaphore, #tpu.memory_space<semaphore_mem>>
      %dma_wait3A_1260 = arith.constant 0 : i32
      %dma_wait3A_1261 = tpu.memref_slice %arg5[%dma_wait3A_1260, %mul3A_1245] : memref<32x1000000xf32, #tpu.memory_space<hbm>> -> memref<32x128xf32, #tpu.memory_space<hbm>>
      tpu.wait_dma2 semaphore(%dma_wait3A_1259 : memref<!tpu.dma_semaphore, #tpu.memory_space<semaphore_mem>>) src(%dma_wait3A_1261 : memref<32x128xf32, #tpu.memory_space<hbm>>) dst(%arg20 : memref<32x128xf32, #tpu.memory_space<vmem>>)
      %slice3A_1262 = vector.extract_strided_slice %scan3A_585 {offsets = [3], sizes = [1], strides = [1]} : vector<16xi32> to vector<1xi32>
      %squeeze3A_1263 = vector.extract %slice3A_1262[0] : i32 from vector<1xi32>
      %jit3A_1264 = arith.constant 128 : i32
      %eq3A_1265 = arith.constant 0 : i32
      %eq3A_1266 = arith.cmpi eq, %jit3A_1264, %eq3A_1265 : i32
      %jit3A_1267 = arith.constant 1 : i32
      %select_n3A_1268 = arith.select %eq3A_1266, %jit3A_1267, %jit3A_1264 : i32
      %rem3A_1269 = arith.remsi %squeeze3A_1263, %select_n3A_1268 : i32
      %ne3A_1270 = arith.constant 0 : i32
      %ne3A_1271 = arith.cmpi ne, %rem3A_1269, %ne3A_1270 : i32
      %lt3A_1272 = arith.constant 0 : i32
      %lt3A_1273 = arith.cmpi slt, %rem3A_1269, %lt3A_1272 : i32
      %lt3A_1274 = arith.constant 0 : i32
      %lt3A_1275 = arith.cmpi slt, %select_n3A_1268, %lt3A_1274 : i32
      %ne3A_1276 = arith.xori %lt3A_1273, %lt3A_1275 : i1
      %and3A_1277 = arith.andi %ne3A_1276, %ne3A_1271 : i1
      %add3A_1278 = arith.addi %rem3A_1269, %select_n3A_1268 : i32
      %select_n3A_1279 = arith.select %and3A_1277, %add3A_1278, %rem3A_1269 : i32
      %slice3A_1280 = vector.extract_strided_slice %scan3A_586 {offsets = [3], sizes = [1], strides = [1]} : vector<16xi32> to vector<1xi32>
      %squeeze3A_1281 = vector.extract %slice3A_1280[0] : i32 from vector<1xi32>
      %jit3A_1282 = arith.constant 128 : i32
      %eq3A_1283 = arith.constant 0 : i32
      %eq3A_1284 = arith.cmpi eq, %jit3A_1282, %eq3A_1283 : i32
      %jit3A_1285 = arith.constant 1 : i32
      %select_n3A_1286 = arith.select %eq3A_1284, %jit3A_1285, %jit3A_1282 : i32
      %rem3A_1287 = arith.remsi %squeeze3A_1281, %select_n3A_1286 : i32
      %ne3A_1288 = arith.constant 0 : i32
      %ne3A_1289 = arith.cmpi ne, %rem3A_1287, %ne3A_1288 : i32
      %lt3A_1290 = arith.constant 0 : i32
      %lt3A_1291 = arith.cmpi slt, %rem3A_1287, %lt3A_1290 : i32
      %lt3A_1292 = arith.constant 0 : i32
      %lt3A_1293 = arith.cmpi slt, %select_n3A_1286, %lt3A_1292 : i32
      %ne3A_1294 = arith.xori %lt3A_1291, %lt3A_1293 : i1
      %and3A_1295 = arith.andi %ne3A_1294, %ne3A_1289 : i1
      %add3A_1296 = arith.addi %rem3A_1287, %select_n3A_1286 : i32
      %select_n3A_1297 = arith.select %and3A_1295, %add3A_1296, %rem3A_1287 : i32
      %add3A_1298 = arith.constant 3 : i32
      %add3A_1299 = arith.addi %mul3A_599, %add3A_1298 : i32
      %broadcast_in_dim3A_1300 = vector.broadcast %select_n3A_1279 : i32 to vector<16xi32>
      %broadcast_in_dim3A_1301 = vector.broadcast %select_n3A_1297 : i32 to vector<16xi32>
      %gather3A_1302 = tpu.vector_load_idx %arg12[%iota3A, %broadcast_in_dim3A_1300] : memref<32x128xf32, #tpu.memory_space<vmem>>[vector<16xi32>, vector<16xi32>], vector<16xf32>,
      %add3A_1303 = arith.constant 16 : i32
      %add3A_1304 = vector.broadcast %add3A_1303 : i32 to vector<16xi32>
      %add3A_1305 = arith.addi %iota3A, %add3A_1304 : vector<16xi32>
      %gather3A_1306 = tpu.vector_load_idx %arg12[%add3A_1305, %broadcast_in_dim3A_1300] : memref<32x128xf32, #tpu.memory_space<vmem>>[vector<16xi32>, vector<16xi32>], vector<16xf32>,
      %gather3A_1307 = tpu.vector_load_idx %arg20[%iota3A, %broadcast_in_dim3A_1301] : memref<32x128xf32, #tpu.memory_space<vmem>>[vector<16xi32>, vector<16xi32>], vector<16xf32>,
      %add3A_1308 = arith.constant 16 : i32
      %add3A_1309 = vector.broadcast %add3A_1308 : i32 to vector<16xi32>
      %add3A_1310 = arith.addi %iota3A, %add3A_1309 : vector<16xi32>
      %gather3A_1311 = tpu.vector_load_idx %arg20[%add3A_1310, %broadcast_in_dim3A_1301] : memref<32x128xf32, #tpu.memory_space<vmem>>[vector<16xi32>, vector<16xi32>], vector<16xf32>,
      %mul3A_1312 = arith.mulf %gather3A_1302, %gather3A_1307 : vector<16xf32>
      %mul3A_1313 = arith.mulf %gather3A_1306, %gather3A_1311 : vector<16xf32>
      %add3A_1314 = arith.addf %mul3A_1312, %mul3A_1313 : vector<16xf32>
      %broadcast_in_dim3A_1315 = vector.broadcast %add3A_1299 : i32 to vector<16xi32>
      tpu.vector_store_idx %arg25[%broadcast_in_dim3A_1315], %add3A_1314 {add = true} : memref<512xf32, #tpu.memory_space<vmem>>[vector<16xi32>], vector<16xf32>,
      %slice3A_1316 = vector.extract_strided_slice %scan3A_585 {offsets = [11], sizes = [1], strides = [1]} : vector<16xi32> to vector<1xi32>
      %squeeze3A_1317 = vector.extract %slice3A_1316[0] : i32 from vector<1xi32>
      %jit3A_1318 = arith.constant 128 : i32
      %div3A_1319 = arith.divsi %squeeze3A_1317, %jit3A_1318 : i32
      %sign3A_1320 = arith.constant 0 : i32
      %sign3A_1321 = arith.cmpi sgt, %squeeze3A_1317, %sign3A_1320 : i32
      %sign3A_1322 = arith.extui %sign3A_1321 : i1 to i32
      %sign3A_1323 = arith.constant 0 : i32
      %sign3A_1324 = arith.cmpi slt, %squeeze3A_1317, %sign3A_1323 : i32
      %sign3A_1325 = arith.extui %sign3A_1324 : i1 to i32
      %sign3A_1326 = arith.subi %sign3A_1322, %sign3A_1325 : i32
      %sign3A_1327 = arith.constant 0 : i32
      %sign3A_1328 = arith.cmpi sgt, %jit3A_1318, %sign3A_1327 : i32
      %sign3A_1329 = arith.extui %sign3A_1328 : i1 to i32
      %sign3A_1330 = arith.constant 0 : i32
      %sign3A_1331 = arith.cmpi slt, %jit3A_1318, %sign3A_1330 : i32
      %sign3A_1332 = arith.extui %sign3A_1331 : i1 to i32
      %sign3A_1333 = arith.subi %sign3A_1329, %sign3A_1332 : i32
      %ne3A_1334 = arith.cmpi ne, %sign3A_1326, %sign3A_1333 : i32
      %rem3A_1335 = arith.remsi %squeeze3A_1317, %jit3A_1318 : i32
      %ne3A_1336 = arith.constant 0 : i32
      %ne3A_1337 = arith.cmpi ne, %rem3A_1335, %ne3A_1336 : i32
      %and3A_1338 = arith.andi %ne3A_1334, %ne3A_1337 : i1
      %sub3A_1339 = arith.constant 1 : i32
      %sub3A_1340 = arith.subi %div3A_1319, %sub3A_1339 : i32
      %select_n3A_1341 = arith.select %and3A_1338, %sub3A_1340, %div3A_1319 : i32
      %mul3A_1342 = arith.constant 128 : i32
      %mul3A_1343 = arith.muli %select_n3A_1341, %mul3A_1342 : i32
      %slice3A_1344 = vector.extract_strided_slice %scan3A_586 {offsets = [11], sizes = [1], strides = [1]} : vector<16xi32> to vector<1xi32>
      %squeeze3A_1345 = vector.extract %slice3A_1344[0] : i32 from vector<1xi32>
      %jit3A_1346 = arith.constant 128 : i32
      %div3A_1347 = arith.divsi %squeeze3A_1345, %jit3A_1346 : i32
      %sign3A_1348 = arith.constant 0 : i32
      %sign3A_1349 = arith.cmpi sgt, %squeeze3A_1345, %sign3A_1348 : i32
      %sign3A_1350 = arith.extui %sign3A_1349 : i1 to i32
      %sign3A_1351 = arith.constant 0 : i32
      %sign3A_1352 = arith.cmpi slt, %squeeze3A_1345, %sign3A_1351 : i32
      %sign3A_1353 = arith.extui %sign3A_1352 : i1 to i32
      %sign3A_1354 = arith.subi %sign3A_1350, %sign3A_1353 : i32
      %sign3A_1355 = arith.constant 0 : i32
      %sign3A_1356 = arith.cmpi sgt, %jit3A_1346, %sign3A_1355 : i32
      %sign3A_1357 = arith.extui %sign3A_1356 : i1 to i32
      %sign3A_1358 = arith.constant 0 : i32
      %sign3A_1359 = arith.cmpi slt, %jit3A_1346, %sign3A_1358 : i32
      %sign3A_1360 = arith.extui %sign3A_1359 : i1 to i32
      %sign3A_1361 = arith.subi %sign3A_1357, %sign3A_1360 : i32
      %ne3A_1362 = arith.cmpi ne, %sign3A_1354, %sign3A_1361 : i32
      %rem3A_1363 = arith.remsi %squeeze3A_1345, %jit3A_1346 : i32
      %ne3A_1364 = arith.constant 0 : i32
      %ne3A_1365 = arith.cmpi ne, %rem3A_1363, %ne3A_1364 : i32
      %and3A_1366 = arith.andi %ne3A_1362, %ne3A_1365 : i1
      %sub3A_1367 = arith.constant 1 : i32
      %sub3A_1368 = arith.subi %div3A_1347, %sub3A_1367 : i32
      %select_n3A_1369 = arith.select %and3A_1366, %sub3A_1368, %div3A_1347 : i32
      %mul3A_1370 = arith.constant 128 : i32
      %mul3A_1371 = arith.muli %select_n3A_1369, %mul3A_1370 : i32
      %dma_start3A_1372 = arith.constant 3 : i32
      %dma_start3A_1373 = arith.constant 0 : i32
      %dma_start3A_1374 = arith.constant 0 : i32
      %dma_start3A_1375 = tpu.memref_slice %arg4[%dma_start3A_1374, %mul3A_1343] : memref<32x1000000xf32, #tpu.memory_space<hbm>> -> memref<32x128xf32, #tpu.memory_space<hbm>>
      %dma_start3A_1376 = tpu.memref_slice %arg26[%dma_start3A_1372, %dma_start3A_1373] : memref<8x2x!tpu.dma_semaphore, #tpu.memory_space<semaphore_mem>> -> memref<1x1x!tpu.dma_semaphore, #tpu.memory_space<semaphore_mem>>
      %dma_start3A_1377 = tpu.memref_squeeze %dma_start3A_1376 : memref<1x1x!tpu.dma_semaphore, #tpu.memory_space<semaphore_mem>> -> memref<!tpu.dma_semaphore, #tpu.memory_space<semaphore_mem>>
      %dma_start3A_1378 = arith.constant 0 : i32
      %dma_start3A_1379 = tpu.memref_slice %arg4[%dma_start3A_1378, %mul3A_1343] : memref<32x1000000xf32, #tpu.memory_space<hbm>> -> memref<32x128xf32, #tpu.memory_space<hbm>>
      tpu.enqueue_dma source(%dma_start3A_1379 : memref<32x128xf32, #tpu.memory_space<hbm>>) target(%arg12 : memref<32x128xf32, #tpu.memory_space<vmem>>) target_semaphore(%dma_start3A_1377 : memref<!tpu.dma_semaphore, #tpu.memory_space<semaphore_mem>>)
      %dma_start3A_1380 = arith.constant 3 : i32
      %dma_start3A_1381 = arith.constant 1 : i32
      %dma_start3A_1382 = arith.constant 0 : i32
      %dma_start3A_1383 = tpu.memref_slice %arg5[%dma_start3A_1382, %mul3A_1371] : memref<32x1000000xf32, #tpu.memory_space<hbm>> -> memref<32x128xf32, #tpu.memory_space<hbm>>
      %dma_start3A_1384 = tpu.memref_slice %arg26[%dma_start3A_1380, %dma_start3A_1381] : memref<8x2x!tpu.dma_semaphore, #tpu.memory_space<semaphore_mem>> -> memref<1x1x!tpu.dma_semaphore, #tpu.memory_space<semaphore_mem>>
      %dma_start3A_1385 = tpu.memref_squeeze %dma_start3A_1384 : memref<1x1x!tpu.dma_semaphore, #tpu.memory_space<semaphore_mem>> -> memref<!tpu.dma_semaphore, #tpu.memory_space<semaphore_mem>>
      %dma_start3A_1386 = arith.constant 0 : i32
      %dma_start3A_1387 = tpu.memref_slice %arg5[%dma_start3A_1386, %mul3A_1371] : memref<32x1000000xf32, #tpu.memory_space<hbm>> -> memref<32x128xf32, #tpu.memory_space<hbm>>
      tpu.enqueue_dma source(%dma_start3A_1387 : memref<32x128xf32, #tpu.memory_space<hbm>>) target(%arg20 : memref<32x128xf32, #tpu.memory_space<vmem>>) target_semaphore(%dma_start3A_1385 : memref<!tpu.dma_semaphore, #tpu.memory_space<semaphore_mem>>)
      %slice3A_1388 = vector.extract_strided_slice %scan3A_585 {offsets = [4], sizes = [1], strides = [1]} : vector<16xi32> to vector<1xi32>
      %squeeze3A_1389 = vector.extract %slice3A_1388[0] : i32 from vector<1xi32>
      %jit3A_1390 = arith.constant 128 : i32
      %div3A_1391 = arith.divsi %squeeze3A_1389, %jit3A_1390 : i32
      %sign3A_1392 = arith.constant 0 : i32
      %sign3A_1393 = arith.cmpi sgt, %squeeze3A_1389, %sign3A_1392 : i32
      %sign3A_1394 = arith.extui %sign3A_1393 : i1 to i32
      %sign3A_1395 = arith.constant 0 : i32
      %sign3A_1396 = arith.cmpi slt, %squeeze3A_1389, %sign3A_1395 : i32
      %sign3A_1397 = arith.extui %sign3A_1396 : i1 to i32
      %sign3A_1398 = arith.subi %sign3A_1394, %sign3A_1397 : i32
      %sign3A_1399 = arith.constant 0 : i32
      %sign3A_1400 = arith.cmpi sgt, %jit3A_1390, %sign3A_1399 : i32
      %sign3A_1401 = arith.extui %sign3A_1400 : i1 to i32
      %sign3A_1402 = arith.constant 0 : i32
      %sign3A_1403 = arith.cmpi slt, %jit3A_1390, %sign3A_1402 : i32
      %sign3A_1404 = arith.extui %sign3A_1403 : i1 to i32
      %sign3A_1405 = arith.subi %sign3A_1401, %sign3A_1404 : i32
      %ne3A_1406 = arith.cmpi ne, %sign3A_1398, %sign3A_1405 : i32
      %rem3A_1407 = arith.remsi %squeeze3A_1389, %jit3A_1390 : i32
      %ne3A_1408 = arith.constant 0 : i32
      %ne3A_1409 = arith.cmpi ne, %rem3A_1407, %ne3A_1408 : i32
      %and3A_1410 = arith.andi %ne3A_1406, %ne3A_1409 : i1
      %sub3A_1411 = arith.constant 1 : i32
      %sub3A_1412 = arith.subi %div3A_1391, %sub3A_1411 : i32
      %select_n3A_1413 = arith.select %and3A_1410, %sub3A_1412, %div3A_1391 : i32
      %mul3A_1414 = arith.constant 128 : i32
      %mul3A_1415 = arith.muli %select_n3A_1413, %mul3A_1414 : i32
      %slice3A_1416 = vector.extract_strided_slice %scan3A_586 {offsets = [4], sizes = [1], strides = [1]} : vector<16xi32> to vector<1xi32>
      %squeeze3A_1417 = vector.extract %slice3A_1416[0] : i32 from vector<1xi32>
      %jit3A_1418 = arith.constant 128 : i32
      %div3A_1419 = arith.divsi %squeeze3A_1417, %jit3A_1418 : i32
      %sign3A_1420 = arith.constant 0 : i32
      %sign3A_1421 = arith.cmpi sgt, %squeeze3A_1417, %sign3A_1420 : i32
      %sign3A_1422 = arith.extui %sign3A_1421 : i1 to i32
      %sign3A_1423 = arith.constant 0 : i32
      %sign3A_1424 = arith.cmpi slt, %squeeze3A_1417, %sign3A_1423 : i32
      %sign3A_1425 = arith.extui %sign3A_1424 : i1 to i32
      %sign3A_1426 = arith.subi %sign3A_1422, %sign3A_1425 : i32
      %sign3A_1427 = arith.constant 0 : i32
      %sign3A_1428 = arith.cmpi sgt, %jit3A_1418, %sign3A_1427 : i32
      %sign3A_1429 = arith.extui %sign3A_1428 : i1 to i32
      %sign3A_1430 = arith.constant 0 : i32
      %sign3A_1431 = arith.cmpi slt, %jit3A_1418, %sign3A_1430 : i32
      %sign3A_1432 = arith.extui %sign3A_1431 : i1 to i32
      %sign3A_1433 = arith.subi %sign3A_1429, %sign3A_1432 : i32
      %ne3A_1434 = arith.cmpi ne, %sign3A_1426, %sign3A_1433 : i32
      %rem3A_1435 = arith.remsi %squeeze3A_1417, %jit3A_1418 : i32
      %ne3A_1436 = arith.constant 0 : i32
      %ne3A_1437 = arith.cmpi ne, %rem3A_1435, %ne3A_1436 : i32
      %and3A_1438 = arith.andi %ne3A_1434, %ne3A_1437 : i1
      %sub3A_1439 = arith.constant 1 : i32
      %sub3A_1440 = arith.subi %div3A_1419, %sub3A_1439 : i32
      %select_n3A_1441 = arith.select %and3A_1438, %sub3A_1440, %div3A_1419 : i32
      %mul3A_1442 = arith.constant 128 : i32
      %mul3A_1443 = arith.muli %select_n3A_1441, %mul3A_1442 : i32
      %dma_wait3A_1444 = arith.constant 4 : i32
      %dma_wait3A_1445 = arith.constant 0 : i32
      %dma_wait3A_1446 = arith.constant 0 : i32
      %dma_wait3A_1447 = tpu.memref_slice %arg4[%dma_wait3A_1446, %mul3A_1415] : memref<32x1000000xf32, #tpu.memory_space<hbm>> -> memref<32x128xf32, #tpu.memory_space<hbm>>
      %dma_wait3A_1448 = tpu.memref_slice %arg26[%dma_wait3A_1444, %dma_wait3A_1445] : memref<8x2x!tpu.dma_semaphore, #tpu.memory_space<semaphore_mem>> -> memref<1x1x!tpu.dma_semaphore, #tpu.memory_space<semaphore_mem>>
      %dma_wait3A_1449 = tpu.memref_squeeze %dma_wait3A_1448 : memref<1x1x!tpu.dma_semaphore, #tpu.memory_space<semaphore_mem>> -> memref<!tpu.dma_semaphore, #tpu.memory_space<semaphore_mem>>
      %dma_wait3A_1450 = arith.constant 0 : i32
      %dma_wait3A_1451 = tpu.memref_slice %arg4[%dma_wait3A_1450, %mul3A_1415] : memref<32x1000000xf32, #tpu.memory_space<hbm>> -> memref<32x128xf32, #tpu.memory_space<hbm>>
      tpu.wait_dma2 semaphore(%dma_wait3A_1449 : memref<!tpu.dma_semaphore, #tpu.memory_space<semaphore_mem>>) src(%dma_wait3A_1451 : memref<32x128xf32, #tpu.memory_space<hbm>>) dst(%arg13 : memref<32x128xf32, #tpu.memory_space<vmem>>)
      %dma_wait3A_1452 = arith.constant 4 : i32
      %dma_wait3A_1453 = arith.constant 1 : i32
      %dma_wait3A_1454 = arith.constant 0 : i32
      %dma_wait3A_1455 = tpu.memref_slice %arg5[%dma_wait3A_1454, %mul3A_1443] : memref<32x1000000xf32, #tpu.memory_space<hbm>> -> memref<32x128xf32, #tpu.memory_space<hbm>>
      %dma_wait3A_1456 = tpu.memref_slice %arg26[%dma_wait3A_1452, %dma_wait3A_1453] : memref<8x2x!tpu.dma_semaphore, #tpu.memory_space<semaphore_mem>> -> memref<1x1x!tpu.dma_semaphore, #tpu.memory_space<semaphore_mem>>
      %dma_wait3A_1457 = tpu.memref_squeeze %dma_wait3A_1456 : memref<1x1x!tpu.dma_semaphore, #tpu.memory_space<semaphore_mem>> -> memref<!tpu.dma_semaphore, #tpu.memory_space<semaphore_mem>>
      %dma_wait3A_1458 = arith.constant 0 : i32
      %dma_wait3A_1459 = tpu.memref_slice %arg5[%dma_wait3A_1458, %mul3A_1443] : memref<32x1000000xf32, #tpu.memory_space<hbm>> -> memref<32x128xf32, #tpu.memory_space<hbm>>
      tpu.wait_dma2 semaphore(%dma_wait3A_1457 : memref<!tpu.dma_semaphore, #tpu.memory_space<semaphore_mem>>) src(%dma_wait3A_1459 : memref<32x128xf32, #tpu.memory_space<hbm>>) dst(%arg21 : memref<32x128xf32, #tpu.memory_space<vmem>>)
      %slice3A_1460 = vector.extract_strided_slice %scan3A_585 {offsets = [4], sizes = [1], strides = [1]} : vector<16xi32> to vector<1xi32>
      %squeeze3A_1461 = vector.extract %slice3A_1460[0] : i32 from vector<1xi32>
      %jit3A_1462 = arith.constant 128 : i32
      %eq3A_1463 = arith.constant 0 : i32
      %eq3A_1464 = arith.cmpi eq, %jit3A_1462, %eq3A_1463 : i32
      %jit3A_1465 = arith.constant 1 : i32
      %select_n3A_1466 = arith.select %eq3A_1464, %jit3A_1465, %jit3A_1462 : i32
      %rem3A_1467 = arith.remsi %squeeze3A_1461, %select_n3A_1466 : i32
      %ne3A_1468 = arith.constant 0 : i32
      %ne3A_1469 = arith.cmpi ne, %rem3A_1467, %ne3A_1468 : i32
      %lt3A_1470 = arith.constant 0 : i32
      %lt3A_1471 = arith.cmpi slt, %rem3A_1467, %lt3A_1470 : i32
      %lt3A_1472 = arith.constant 0 : i32
      %lt3A_1473 = arith.cmpi slt, %select_n3A_1466, %lt3A_1472 : i32
      %ne3A_1474 = arith.xori %lt3A_1471, %lt3A_1473 : i1
      %and3A_1475 = arith.andi %ne3A_1474, %ne3A_1469 : i1
      %add3A_1476 = arith.addi %rem3A_1467, %select_n3A_1466 : i32
      %select_n3A_1477 = arith.select %and3A_1475, %add3A_1476, %rem3A_1467 : i32
      %slice3A_1478 = vector.extract_strided_slice %scan3A_586 {offsets = [4], sizes = [1], strides = [1]} : vector<16xi32> to vector<1xi32>
      %squeeze3A_1479 = vector.extract %slice3A_1478[0] : i32 from vector<1xi32>
      %jit3A_1480 = arith.constant 128 : i32
      %eq3A_1481 = arith.constant 0 : i32
      %eq3A_1482 = arith.cmpi eq, %jit3A_1480, %eq3A_1481 : i32
      %jit3A_1483 = arith.constant 1 : i32
      %select_n3A_1484 = arith.select %eq3A_1482, %jit3A_1483, %jit3A_1480 : i32
      %rem3A_1485 = arith.remsi %squeeze3A_1479, %select_n3A_1484 : i32
      %ne3A_1486 = arith.constant 0 : i32
      %ne3A_1487 = arith.cmpi ne, %rem3A_1485, %ne3A_1486 : i32
      %lt3A_1488 = arith.constant 0 : i32
      %lt3A_1489 = arith.cmpi slt, %rem3A_1485, %lt3A_1488 : i32
      %lt3A_1490 = arith.constant 0 : i32
      %lt3A_1491 = arith.cmpi slt, %select_n3A_1484, %lt3A_1490 : i32
      %ne3A_1492 = arith.xori %lt3A_1489, %lt3A_1491 : i1
      %and3A_1493 = arith.andi %ne3A_1492, %ne3A_1487 : i1
      %add3A_1494 = arith.addi %rem3A_1485, %select_n3A_1484 : i32
      %select_n3A_1495 = arith.select %and3A_1493, %add3A_1494, %rem3A_1485 : i32
      %add3A_1496 = arith.constant 4 : i32
      %add3A_1497 = arith.addi %mul3A_599, %add3A_1496 : i32
      %broadcast_in_dim3A_1498 = vector.broadcast %select_n3A_1477 : i32 to vector<16xi32>
      %broadcast_in_dim3A_1499 = vector.broadcast %select_n3A_1495 : i32 to vector<16xi32>
      %gather3A_1500 = tpu.vector_load_idx %arg13[%iota3A, %broadcast_in_dim3A_1498] : memref<32x128xf32, #tpu.memory_space<vmem>>[vector<16xi32>, vector<16xi32>], vector<16xf32>,
      %add3A_1501 = arith.constant 16 : i32
      %add3A_1502 = vector.broadcast %add3A_1501 : i32 to vector<16xi32>
      %add3A_1503 = arith.addi %iota3A, %add3A_1502 : vector<16xi32>
      %gather3A_1504 = tpu.vector_load_idx %arg13[%add3A_1503, %broadcast_in_dim3A_1498] : memref<32x128xf32, #tpu.memory_space<vmem>>[vector<16xi32>, vector<16xi32>], vector<16xf32>,
      %gather3A_1505 = tpu.vector_load_idx %arg21[%iota3A, %broadcast_in_dim3A_1499] : memref<32x128xf32, #tpu.memory_space<vmem>>[vector<16xi32>, vector<16xi32>], vector<16xf32>,
      %add3A_1506 = arith.constant 16 : i32
      %add3A_1507 = vector.broadcast %add3A_1506 : i32 to vector<16xi32>
      %add3A_1508 = arith.addi %iota3A, %add3A_1507 : vector<16xi32>
      %gather3A_1509 = tpu.vector_load_idx %arg21[%add3A_1508, %broadcast_in_dim3A_1499] : memref<32x128xf32, #tpu.memory_space<vmem>>[vector<16xi32>, vector<16xi32>], vector<16xf32>,
      %mul3A_1510 = arith.mulf %gather3A_1500, %gather3A_1505 : vector<16xf32>
      %mul3A_1511 = arith.mulf %gather3A_1504, %gather3A_1509 : vector<16xf32>
      %add3A_1512 = arith.addf %mul3A_1510, %mul3A_1511 : vector<16xf32>
      %broadcast_in_dim3A_1513 = vector.broadcast %add3A_1497 : i32 to vector<16xi32>
      tpu.vector_store_idx %arg25[%broadcast_in_dim3A_1513], %add3A_1512 {add = true} : memref<512xf32, #tpu.memory_space<vmem>>[vector<16xi32>], vector<16xf32>,
      %slice3A_1514 = vector.extract_strided_slice %scan3A_585 {offsets = [12], sizes = [1], strides = [1]} : vector<16xi32> to vector<1xi32>
      %squeeze3A_1515 = vector.extract %slice3A_1514[0] : i32 from vector<1xi32>
      %jit3A_1516 = arith.constant 128 : i32
      %div3A_1517 = arith.divsi %squeeze3A_1515, %jit3A_1516 : i32
      %sign3A_1518 = arith.constant 0 : i32
      %sign3A_1519 = arith.cmpi sgt, %squeeze3A_1515, %sign3A_1518 : i32
      %sign3A_1520 = arith.extui %sign3A_1519 : i1 to i32
      %sign3A_1521 = arith.constant 0 : i32
      %sign3A_1522 = arith.cmpi slt, %squeeze3A_1515, %sign3A_1521 : i32
      %sign3A_1523 = arith.extui %sign3A_1522 : i1 to i32
      %sign3A_1524 = arith.subi %sign3A_1520, %sign3A_1523 : i32
      %sign3A_1525 = arith.constant 0 : i32
      %sign3A_1526 = arith.cmpi sgt, %jit3A_1516, %sign3A_1525 : i32
      %sign3A_1527 = arith.extui %sign3A_1526 : i1 to i32
      %sign3A_1528 = arith.constant 0 : i32
      %sign3A_1529 = arith.cmpi slt, %jit3A_1516, %sign3A_1528 : i32
      %sign3A_1530 = arith.extui %sign3A_1529 : i1 to i32
      %sign3A_1531 = arith.subi %sign3A_1527, %sign3A_1530 : i32
      %ne3A_1532 = arith.cmpi ne, %sign3A_1524, %sign3A_1531 : i32
      %rem3A_1533 = arith.remsi %squeeze3A_1515, %jit3A_1516 : i32
      %ne3A_1534 = arith.constant 0 : i32
      %ne3A_1535 = arith.cmpi ne, %rem3A_1533, %ne3A_1534 : i32
      %and3A_1536 = arith.andi %ne3A_1532, %ne3A_1535 : i1
      %sub3A_1537 = arith.constant 1 : i32
      %sub3A_1538 = arith.subi %div3A_1517, %sub3A_1537 : i32
      %select_n3A_1539 = arith.select %and3A_1536, %sub3A_1538, %div3A_1517 : i32
      %mul3A_1540 = arith.constant 128 : i32
      %mul3A_1541 = arith.muli %select_n3A_1539, %mul3A_1540 : i32
      %slice3A_1542 = vector.extract_strided_slice %scan3A_586 {offsets = [12], sizes = [1], strides = [1]} : vector<16xi32> to vector<1xi32>
      %squeeze3A_1543 = vector.extract %slice3A_1542[0] : i32 from vector<1xi32>
      %jit3A_1544 = arith.constant 128 : i32
      %div3A_1545 = arith.divsi %squeeze3A_1543, %jit3A_1544 : i32
      %sign3A_1546 = arith.constant 0 : i32
      %sign3A_1547 = arith.cmpi sgt, %squeeze3A_1543, %sign3A_1546 : i32
      %sign3A_1548 = arith.extui %sign3A_1547 : i1 to i32
      %sign3A_1549 = arith.constant 0 : i32
      %sign3A_1550 = arith.cmpi slt, %squeeze3A_1543, %sign3A_1549 : i32
      %sign3A_1551 = arith.extui %sign3A_1550 : i1 to i32
      %sign3A_1552 = arith.subi %sign3A_1548, %sign3A_1551 : i32
      %sign3A_1553 = arith.constant 0 : i32
      %sign3A_1554 = arith.cmpi sgt, %jit3A_1544, %sign3A_1553 : i32
      %sign3A_1555 = arith.extui %sign3A_1554 : i1 to i32
      %sign3A_1556 = arith.constant 0 : i32
      %sign3A_1557 = arith.cmpi slt, %jit3A_1544, %sign3A_1556 : i32
      %sign3A_1558 = arith.extui %sign3A_1557 : i1 to i32
      %sign3A_1559 = arith.subi %sign3A_1555, %sign3A_1558 : i32
      %ne3A_1560 = arith.cmpi ne, %sign3A_1552, %sign3A_1559 : i32
      %rem3A_1561 = arith.remsi %squeeze3A_1543, %jit3A_1544 : i32
      %ne3A_1562 = arith.constant 0 : i32
      %ne3A_1563 = arith.cmpi ne, %rem3A_1561, %ne3A_1562 : i32
      %and3A_1564 = arith.andi %ne3A_1560, %ne3A_1563 : i1
      %sub3A_1565 = arith.constant 1 : i32
      %sub3A_1566 = arith.subi %div3A_1545, %sub3A_1565 : i32
      %select_n3A_1567 = arith.select %and3A_1564, %sub3A_1566, %div3A_1545 : i32
      %mul3A_1568 = arith.constant 128 : i32
      %mul3A_1569 = arith.muli %select_n3A_1567, %mul3A_1568 : i32
      %dma_start3A_1570 = arith.constant 4 : i32
      %dma_start3A_1571 = arith.constant 0 : i32
      %dma_start3A_1572 = arith.constant 0 : i32
      %dma_start3A_1573 = tpu.memref_slice %arg4[%dma_start3A_1572, %mul3A_1541] : memref<32x1000000xf32, #tpu.memory_space<hbm>> -> memref<32x128xf32, #tpu.memory_space<hbm>>
      %dma_start3A_1574 = tpu.memref_slice %arg26[%dma_start3A_1570, %dma_start3A_1571] : memref<8x2x!tpu.dma_semaphore, #tpu.memory_space<semaphore_mem>> -> memref<1x1x!tpu.dma_semaphore, #tpu.memory_space<semaphore_mem>>
      %dma_start3A_1575 = tpu.memref_squeeze %dma_start3A_1574 : memref<1x1x!tpu.dma_semaphore, #tpu.memory_space<semaphore_mem>> -> memref<!tpu.dma_semaphore, #tpu.memory_space<semaphore_mem>>
      %dma_start3A_1576 = arith.constant 0 : i32
      %dma_start3A_1577 = tpu.memref_slice %arg4[%dma_start3A_1576, %mul3A_1541] : memref<32x1000000xf32, #tpu.memory_space<hbm>> -> memref<32x128xf32, #tpu.memory_space<hbm>>
      tpu.enqueue_dma source(%dma_start3A_1577 : memref<32x128xf32, #tpu.memory_space<hbm>>) target(%arg13 : memref<32x128xf32, #tpu.memory_space<vmem>>) target_semaphore(%dma_start3A_1575 : memref<!tpu.dma_semaphore, #tpu.memory_space<semaphore_mem>>)
      %dma_start3A_1578 = arith.constant 4 : i32
      %dma_start3A_1579 = arith.constant 1 : i32
      %dma_start3A_1580 = arith.constant 0 : i32
      %dma_start3A_1581 = tpu.memref_slice %arg5[%dma_start3A_1580, %mul3A_1569] : memref<32x1000000xf32, #tpu.memory_space<hbm>> -> memref<32x128xf32, #tpu.memory_space<hbm>>
      %dma_start3A_1582 = tpu.memref_slice %arg26[%dma_start3A_1578, %dma_start3A_1579] : memref<8x2x!tpu.dma_semaphore, #tpu.memory_space<semaphore_mem>> -> memref<1x1x!tpu.dma_semaphore, #tpu.memory_space<semaphore_mem>>
      %dma_start3A_1583 = tpu.memref_squeeze %dma_start3A_1582 : memref<1x1x!tpu.dma_semaphore, #tpu.memory_space<semaphore_mem>> -> memref<!tpu.dma_semaphore, #tpu.memory_space<semaphore_mem>>
      %dma_start3A_1584 = arith.constant 0 : i32
      %dma_start3A_1585 = tpu.memref_slice %arg5[%dma_start3A_1584, %mul3A_1569] : memref<32x1000000xf32, #tpu.memory_space<hbm>> -> memref<32x128xf32, #tpu.memory_space<hbm>>
      tpu.enqueue_dma source(%dma_start3A_1585 : memref<32x128xf32, #tpu.memory_space<hbm>>) target(%arg21 : memref<32x128xf32, #tpu.memory_space<vmem>>) target_semaphore(%dma_start3A_1583 : memref<!tpu.dma_semaphore, #tpu.memory_space<semaphore_mem>>)
      %slice3A_1586 = vector.extract_strided_slice %scan3A_585 {offsets = [5], sizes = [1], strides = [1]} : vector<16xi32> to vector<1xi32>
      %squeeze3A_1587 = vector.extract %slice3A_1586[0] : i32 from vector<1xi32>
      %jit3A_1588 = arith.constant 128 : i32
      %div3A_1589 = arith.divsi %squeeze3A_1587, %jit3A_1588 : i32
      %sign3A_1590 = arith.constant 0 : i32
      %sign3A_1591 = arith.cmpi sgt, %squeeze3A_1587, %sign3A_1590 : i32
      %sign3A_1592 = arith.extui %sign3A_1591 : i1 to i32
      %sign3A_1593 = arith.constant 0 : i32
      %sign3A_1594 = arith.cmpi slt, %squeeze3A_1587, %sign3A_1593 : i32
      %sign3A_1595 = arith.extui %sign3A_1594 : i1 to i32
      %sign3A_1596 = arith.subi %sign3A_1592, %sign3A_1595 : i32
      %sign3A_1597 = arith.constant 0 : i32
      %sign3A_1598 = arith.cmpi sgt, %jit3A_1588, %sign3A_1597 : i32
      %sign3A_1599 = arith.extui %sign3A_1598 : i1 to i32
      %sign3A_1600 = arith.constant 0 : i32
      %sign3A_1601 = arith.cmpi slt, %jit3A_1588, %sign3A_1600 : i32
      %sign3A_1602 = arith.extui %sign3A_1601 : i1 to i32
      %sign3A_1603 = arith.subi %sign3A_1599, %sign3A_1602 : i32
      %ne3A_1604 = arith.cmpi ne, %sign3A_1596, %sign3A_1603 : i32
      %rem3A_1605 = arith.remsi %squeeze3A_1587, %jit3A_1588 : i32
      %ne3A_1606 = arith.constant 0 : i32
      %ne3A_1607 = arith.cmpi ne, %rem3A_1605, %ne3A_1606 : i32
      %and3A_1608 = arith.andi %ne3A_1604, %ne3A_1607 : i1
      %sub3A_1609 = arith.constant 1 : i32
      %sub3A_1610 = arith.subi %div3A_1589, %sub3A_1609 : i32
      %select_n3A_1611 = arith.select %and3A_1608, %sub3A_1610, %div3A_1589 : i32
      %mul3A_1612 = arith.constant 128 : i32
      %mul3A_1613 = arith.muli %select_n3A_1611, %mul3A_1612 : i32
      %slice3A_1614 = vector.extract_strided_slice %scan3A_586 {offsets = [5], sizes = [1], strides = [1]} : vector<16xi32> to vector<1xi32>
      %squeeze3A_1615 = vector.extract %slice3A_1614[0] : i32 from vector<1xi32>
      %jit3A_1616 = arith.constant 128 : i32
      %div3A_1617 = arith.divsi %squeeze3A_1615, %jit3A_1616 : i32
      %sign3A_1618 = arith.constant 0 : i32
      %sign3A_1619 = arith.cmpi sgt, %squeeze3A_1615, %sign3A_1618 : i32
      %sign3A_1620 = arith.extui %sign3A_1619 : i1 to i32
      %sign3A_1621 = arith.constant 0 : i32
      %sign3A_1622 = arith.cmpi slt, %squeeze3A_1615, %sign3A_1621 : i32
      %sign3A_1623 = arith.extui %sign3A_1622 : i1 to i32
      %sign3A_1624 = arith.subi %sign3A_1620, %sign3A_1623 : i32
      %sign3A_1625 = arith.constant 0 : i32
      %sign3A_1626 = arith.cmpi sgt, %jit3A_1616, %sign3A_1625 : i32
      %sign3A_1627 = arith.extui %sign3A_1626 : i1 to i32
      %sign3A_1628 = arith.constant 0 : i32
      %sign3A_1629 = arith.cmpi slt, %jit3A_1616, %sign3A_1628 : i32
      %sign3A_1630 = arith.extui %sign3A_1629 : i1 to i32
      %sign3A_1631 = arith.subi %sign3A_1627, %sign3A_1630 : i32
      %ne3A_1632 = arith.cmpi ne, %sign3A_1624, %sign3A_1631 : i32
      %rem3A_1633 = arith.remsi %squeeze3A_1615, %jit3A_1616 : i32
      %ne3A_1634 = arith.constant 0 : i32
      %ne3A_1635 = arith.cmpi ne, %rem3A_1633, %ne3A_1634 : i32
      %and3A_1636 = arith.andi %ne3A_1632, %ne3A_1635 : i1
      %sub3A_1637 = arith.constant 1 : i32
      %sub3A_1638 = arith.subi %div3A_1617, %sub3A_1637 : i32
      %select_n3A_1639 = arith.select %and3A_1636, %sub3A_1638, %div3A_1617 : i32
      %mul3A_1640 = arith.constant 128 : i32
      %mul3A_1641 = arith.muli %select_n3A_1639, %mul3A_1640 : i32
      %dma_wait3A_1642 = arith.constant 5 : i32
      %dma_wait3A_1643 = arith.constant 0 : i32
      %dma_wait3A_1644 = arith.constant 0 : i32
      %dma_wait3A_1645 = tpu.memref_slice %arg4[%dma_wait3A_1644, %mul3A_1613] : memref<32x1000000xf32, #tpu.memory_space<hbm>> -> memref<32x128xf32, #tpu.memory_space<hbm>>
      %dma_wait3A_1646 = tpu.memref_slice %arg26[%dma_wait3A_1642, %dma_wait3A_1643] : memref<8x2x!tpu.dma_semaphore, #tpu.memory_space<semaphore_mem>> -> memref<1x1x!tpu.dma_semaphore, #tpu.memory_space<semaphore_mem>>
      %dma_wait3A_1647 = tpu.memref_squeeze %dma_wait3A_1646 : memref<1x1x!tpu.dma_semaphore, #tpu.memory_space<semaphore_mem>> -> memref<!tpu.dma_semaphore, #tpu.memory_space<semaphore_mem>>
      %dma_wait3A_1648 = arith.constant 0 : i32
      %dma_wait3A_1649 = tpu.memref_slice %arg4[%dma_wait3A_1648, %mul3A_1613] : memref<32x1000000xf32, #tpu.memory_space<hbm>> -> memref<32x128xf32, #tpu.memory_space<hbm>>
      tpu.wait_dma2 semaphore(%dma_wait3A_1647 : memref<!tpu.dma_semaphore, #tpu.memory_space<semaphore_mem>>) src(%dma_wait3A_1649 : memref<32x128xf32, #tpu.memory_space<hbm>>) dst(%arg14 : memref<32x128xf32, #tpu.memory_space<vmem>>)
      %dma_wait3A_1650 = arith.constant 5 : i32
      %dma_wait3A_1651 = arith.constant 1 : i32
      %dma_wait3A_1652 = arith.constant 0 : i32
      %dma_wait3A_1653 = tpu.memref_slice %arg5[%dma_wait3A_1652, %mul3A_1641] : memref<32x1000000xf32, #tpu.memory_space<hbm>> -> memref<32x128xf32, #tpu.memory_space<hbm>>
      %dma_wait3A_1654 = tpu.memref_slice %arg26[%dma_wait3A_1650, %dma_wait3A_1651] : memref<8x2x!tpu.dma_semaphore, #tpu.memory_space<semaphore_mem>> -> memref<1x1x!tpu.dma_semaphore, #tpu.memory_space<semaphore_mem>>
      %dma_wait3A_1655 = tpu.memref_squeeze %dma_wait3A_1654 : memref<1x1x!tpu.dma_semaphore, #tpu.memory_space<semaphore_mem>> -> memref<!tpu.dma_semaphore, #tpu.memory_space<semaphore_mem>>
      %dma_wait3A_1656 = arith.constant 0 : i32
      %dma_wait3A_1657 = tpu.memref_slice %arg5[%dma_wait3A_1656, %mul3A_1641] : memref<32x1000000xf32, #tpu.memory_space<hbm>> -> memref<32x128xf32, #tpu.memory_space<hbm>>
      tpu.wait_dma2 semaphore(%dma_wait3A_1655 : memref<!tpu.dma_semaphore, #tpu.memory_space<semaphore_mem>>) src(%dma_wait3A_1657 : memref<32x128xf32, #tpu.memory_space<hbm>>) dst(%arg22 : memref<32x128xf32, #tpu.memory_space<vmem>>)
      %slice3A_1658 = vector.extract_strided_slice %scan3A_585 {offsets = [5], sizes = [1], strides = [1]} : vector<16xi32> to vector<1xi32>
      %squeeze3A_1659 = vector.extract %slice3A_1658[0] : i32 from vector<1xi32>
      %jit3A_1660 = arith.constant 128 : i32
      %eq3A_1661 = arith.constant 0 : i32
      %eq3A_1662 = arith.cmpi eq, %jit3A_1660, %eq3A_1661 : i32
      %jit3A_1663 = arith.constant 1 : i32
      %select_n3A_1664 = arith.select %eq3A_1662, %jit3A_1663, %jit3A_1660 : i32
      %rem3A_1665 = arith.remsi %squeeze3A_1659, %select_n3A_1664 : i32
      %ne3A_1666 = arith.constant 0 : i32
      %ne3A_1667 = arith.cmpi ne, %rem3A_1665, %ne3A_1666 : i32
      %lt3A_1668 = arith.constant 0 : i32
      %lt3A_1669 = arith.cmpi slt, %rem3A_1665, %lt3A_1668 : i32
      %lt3A_1670 = arith.constant 0 : i32
      %lt3A_1671 = arith.cmpi slt, %select_n3A_1664, %lt3A_1670 : i32
      %ne3A_1672 = arith.xori %lt3A_1669, %lt3A_1671 : i1
      %and3A_1673 = arith.andi %ne3A_1672, %ne3A_1667 : i1
      %add3A_1674 = arith.addi %rem3A_1665, %select_n3A_1664 : i32
      %select_n3A_1675 = arith.select %and3A_1673, %add3A_1674, %rem3A_1665 : i32
      %slice3A_1676 = vector.extract_strided_slice %scan3A_586 {offsets = [5], sizes = [1], strides = [1]} : vector<16xi32> to vector<1xi32>
      %squeeze3A_1677 = vector.extract %slice3A_1676[0] : i32 from vector<1xi32>
      %jit3A_1678 = arith.constant 128 : i32
      %eq3A_1679 = arith.constant 0 : i32
      %eq3A_1680 = arith.cmpi eq, %jit3A_1678, %eq3A_1679 : i32
      %jit3A_1681 = arith.constant 1 : i32
      %select_n3A_1682 = arith.select %eq3A_1680, %jit3A_1681, %jit3A_1678 : i32
      %rem3A_1683 = arith.remsi %squeeze3A_1677, %select_n3A_1682 : i32
      %ne3A_1684 = arith.constant 0 : i32
      %ne3A_1685 = arith.cmpi ne, %rem3A_1683, %ne3A_1684 : i32
      %lt3A_1686 = arith.constant 0 : i32
      %lt3A_1687 = arith.cmpi slt, %rem3A_1683, %lt3A_1686 : i32
      %lt3A_1688 = arith.constant 0 : i32
      %lt3A_1689 = arith.cmpi slt, %select_n3A_1682, %lt3A_1688 : i32
      %ne3A_1690 = arith.xori %lt3A_1687, %lt3A_1689 : i1
      %and3A_1691 = arith.andi %ne3A_1690, %ne3A_1685 : i1
      %add3A_1692 = arith.addi %rem3A_1683, %select_n3A_1682 : i32
      %select_n3A_1693 = arith.select %and3A_1691, %add3A_1692, %rem3A_1683 : i32
      %add3A_1694 = arith.constant 5 : i32
      %add3A_1695 = arith.addi %mul3A_599, %add3A_1694 : i32
      %broadcast_in_dim3A_1696 = vector.broadcast %select_n3A_1675 : i32 to vector<16xi32>
      %broadcast_in_dim3A_1697 = vector.broadcast %select_n3A_1693 : i32 to vector<16xi32>
      %gather3A_1698 = tpu.vector_load_idx %arg14[%iota3A, %broadcast_in_dim3A_1696] : memref<32x128xf32, #tpu.memory_space<vmem>>[vector<16xi32>, vector<16xi32>], vector<16xf32>,
      %add3A_1699 = arith.constant 16 : i32
      %add3A_1700 = vector.broadcast %add3A_1699 : i32 to vector<16xi32>
      %add3A_1701 = arith.addi %iota3A, %add3A_1700 : vector<16xi32>
      %gather3A_1702 = tpu.vector_load_idx %arg14[%add3A_1701, %broadcast_in_dim3A_1696] : memref<32x128xf32, #tpu.memory_space<vmem>>[vector<16xi32>, vector<16xi32>], vector<16xf32>,
      %gather3A_1703 = tpu.vector_load_idx %arg22[%iota3A, %broadcast_in_dim3A_1697] : memref<32x128xf32, #tpu.memory_space<vmem>>[vector<16xi32>, vector<16xi32>], vector<16xf32>,
      %add3A_1704 = arith.constant 16 : i32
      %add3A_1705 = vector.broadcast %add3A_1704 : i32 to vector<16xi32>
      %add3A_1706 = arith.addi %iota3A, %add3A_1705 : vector<16xi32>
      %gather3A_1707 = tpu.vector_load_idx %arg22[%add3A_1706, %broadcast_in_dim3A_1697] : memref<32x128xf32, #tpu.memory_space<vmem>>[vector<16xi32>, vector<16xi32>], vector<16xf32>,
      %mul3A_1708 = arith.mulf %gather3A_1698, %gather3A_1703 : vector<16xf32>
      %mul3A_1709 = arith.mulf %gather3A_1702, %gather3A_1707 : vector<16xf32>
      %add3A_1710 = arith.addf %mul3A_1708, %mul3A_1709 : vector<16xf32>
      %broadcast_in_dim3A_1711 = vector.broadcast %add3A_1695 : i32 to vector<16xi32>
      tpu.vector_store_idx %arg25[%broadcast_in_dim3A_1711], %add3A_1710 {add = true} : memref<512xf32, #tpu.memory_space<vmem>>[vector<16xi32>], vector<16xf32>,
      %slice3A_1712 = vector.extract_strided_slice %scan3A_585 {offsets = [13], sizes = [1], strides = [1]} : vector<16xi32> to vector<1xi32>
      %squeeze3A_1713 = vector.extract %slice3A_1712[0] : i32 from vector<1xi32>
      %jit3A_1714 = arith.constant 128 : i32
      %div3A_1715 = arith.divsi %squeeze3A_1713, %jit3A_1714 : i32
      %sign3A_1716 = arith.constant 0 : i32
      %sign3A_1717 = arith.cmpi sgt, %squeeze3A_1713, %sign3A_1716 : i32
      %sign3A_1718 = arith.extui %sign3A_1717 : i1 to i32
      %sign3A_1719 = arith.constant 0 : i32
      %sign3A_1720 = arith.cmpi slt, %squeeze3A_1713, %sign3A_1719 : i32
      %sign3A_1721 = arith.extui %sign3A_1720 : i1 to i32
      %sign3A_1722 = arith.subi %sign3A_1718, %sign3A_1721 : i32
      %sign3A_1723 = arith.constant 0 : i32
      %sign3A_1724 = arith.cmpi sgt, %jit3A_1714, %sign3A_1723 : i32
      %sign3A_1725 = arith.extui %sign3A_1724 : i1 to i32
      %sign3A_1726 = arith.constant 0 : i32
      %sign3A_1727 = arith.cmpi slt, %jit3A_1714, %sign3A_1726 : i32
      %sign3A_1728 = arith.extui %sign3A_1727 : i1 to i32
      %sign3A_1729 = arith.subi %sign3A_1725, %sign3A_1728 : i32
      %ne3A_1730 = arith.cmpi ne, %sign3A_1722, %sign3A_1729 : i32
      %rem3A_1731 = arith.remsi %squeeze3A_1713, %jit3A_1714 : i32
      %ne3A_1732 = arith.constant 0 : i32
      %ne3A_1733 = arith.cmpi ne, %rem3A_1731, %ne3A_1732 : i32
      %and3A_1734 = arith.andi %ne3A_1730, %ne3A_1733 : i1
      %sub3A_1735 = arith.constant 1 : i32
      %sub3A_1736 = arith.subi %div3A_1715, %sub3A_1735 : i32
      %select_n3A_1737 = arith.select %and3A_1734, %sub3A_1736, %div3A_1715 : i32
      %mul3A_1738 = arith.constant 128 : i32
      %mul3A_1739 = arith.muli %select_n3A_1737, %mul3A_1738 : i32
      %slice3A_1740 = vector.extract_strided_slice %scan3A_586 {offsets = [13], sizes = [1], strides = [1]} : vector<16xi32> to vector<1xi32>
      %squeeze3A_1741 = vector.extract %slice3A_1740[0] : i32 from vector<1xi32>
      %jit3A_1742 = arith.constant 128 : i32
      %div3A_1743 = arith.divsi %squeeze3A_1741, %jit3A_1742 : i32
      %sign3A_1744 = arith.constant 0 : i32
      %sign3A_1745 = arith.cmpi sgt, %squeeze3A_1741, %sign3A_1744 : i32
      %sign3A_1746 = arith.extui %sign3A_1745 : i1 to i32
      %sign3A_1747 = arith.constant 0 : i32
      %sign3A_1748 = arith.cmpi slt, %squeeze3A_1741, %sign3A_1747 : i32
      %sign3A_1749 = arith.extui %sign3A_1748 : i1 to i32
      %sign3A_1750 = arith.subi %sign3A_1746, %sign3A_1749 : i32
      %sign3A_1751 = arith.constant 0 : i32
      %sign3A_1752 = arith.cmpi sgt, %jit3A_1742, %sign3A_1751 : i32
      %sign3A_1753 = arith.extui %sign3A_1752 : i1 to i32
      %sign3A_1754 = arith.constant 0 : i32
      %sign3A_1755 = arith.cmpi slt, %jit3A_1742, %sign3A_1754 : i32
      %sign3A_1756 = arith.extui %sign3A_1755 : i1 to i32
      %sign3A_1757 = arith.subi %sign3A_1753, %sign3A_1756 : i32
      %ne3A_1758 = arith.cmpi ne, %sign3A_1750, %sign3A_1757 : i32
      %rem3A_1759 = arith.remsi %squeeze3A_1741, %jit3A_1742 : i32
      %ne3A_1760 = arith.constant 0 : i32
      %ne3A_1761 = arith.cmpi ne, %rem3A_1759, %ne3A_1760 : i32
      %and3A_1762 = arith.andi %ne3A_1758, %ne3A_1761 : i1
      %sub3A_1763 = arith.constant 1 : i32
      %sub3A_1764 = arith.subi %div3A_1743, %sub3A_1763 : i32
      %select_n3A_1765 = arith.select %and3A_1762, %sub3A_1764, %div3A_1743 : i32
      %mul3A_1766 = arith.constant 128 : i32
      %mul3A_1767 = arith.muli %select_n3A_1765, %mul3A_1766 : i32
      %dma_start3A_1768 = arith.constant 5 : i32
      %dma_start3A_1769 = arith.constant 0 : i32
      %dma_start3A_1770 = arith.constant 0 : i32
      %dma_start3A_1771 = tpu.memref_slice %arg4[%dma_start3A_1770, %mul3A_1739] : memref<32x1000000xf32, #tpu.memory_space<hbm>> -> memref<32x128xf32, #tpu.memory_space<hbm>>
      %dma_start3A_1772 = tpu.memref_slice %arg26[%dma_start3A_1768, %dma_start3A_1769] : memref<8x2x!tpu.dma_semaphore, #tpu.memory_space<semaphore_mem>> -> memref<1x1x!tpu.dma_semaphore, #tpu.memory_space<semaphore_mem>>
      %dma_start3A_1773 = tpu.memref_squeeze %dma_start3A_1772 : memref<1x1x!tpu.dma_semaphore, #tpu.memory_space<semaphore_mem>> -> memref<!tpu.dma_semaphore, #tpu.memory_space<semaphore_mem>>
      %dma_start3A_1774 = arith.constant 0 : i32
      %dma_start3A_1775 = tpu.memref_slice %arg4[%dma_start3A_1774, %mul3A_1739] : memref<32x1000000xf32, #tpu.memory_space<hbm>> -> memref<32x128xf32, #tpu.memory_space<hbm>>
      tpu.enqueue_dma source(%dma_start3A_1775 : memref<32x128xf32, #tpu.memory_space<hbm>>) target(%arg14 : memref<32x128xf32, #tpu.memory_space<vmem>>) target_semaphore(%dma_start3A_1773 : memref<!tpu.dma_semaphore, #tpu.memory_space<semaphore_mem>>)
      %dma_start3A_1776 = arith.constant 5 : i32
      %dma_start3A_1777 = arith.constant 1 : i32
      %dma_start3A_1778 = arith.constant 0 : i32
      %dma_start3A_1779 = tpu.memref_slice %arg5[%dma_start3A_1778, %mul3A_1767] : memref<32x1000000xf32, #tpu.memory_space<hbm>> -> memref<32x128xf32, #tpu.memory_space<hbm>>
      %dma_start3A_1780 = tpu.memref_slice %arg26[%dma_start3A_1776, %dma_start3A_1777] : memref<8x2x!tpu.dma_semaphore, #tpu.memory_space<semaphore_mem>> -> memref<1x1x!tpu.dma_semaphore, #tpu.memory_space<semaphore_mem>>
      %dma_start3A_1781 = tpu.memref_squeeze %dma_start3A_1780 : memref<1x1x!tpu.dma_semaphore, #tpu.memory_space<semaphore_mem>> -> memref<!tpu.dma_semaphore, #tpu.memory_space<semaphore_mem>>
      %dma_start3A_1782 = arith.constant 0 : i32
      %dma_start3A_1783 = tpu.memref_slice %arg5[%dma_start3A_1782, %mul3A_1767] : memref<32x1000000xf32, #tpu.memory_space<hbm>> -> memref<32x128xf32, #tpu.memory_space<hbm>>
      tpu.enqueue_dma source(%dma_start3A_1783 : memref<32x128xf32, #tpu.memory_space<hbm>>) target(%arg22 : memref<32x128xf32, #tpu.memory_space<vmem>>) target_semaphore(%dma_start3A_1781 : memref<!tpu.dma_semaphore, #tpu.memory_space<semaphore_mem>>)
      %slice3A_1784 = vector.extract_strided_slice %scan3A_585 {offsets = [6], sizes = [1], strides = [1]} : vector<16xi32> to vector<1xi32>
      %squeeze3A_1785 = vector.extract %slice3A_1784[0] : i32 from vector<1xi32>
      %jit3A_1786 = arith.constant 128 : i32
      %div3A_1787 = arith.divsi %squeeze3A_1785, %jit3A_1786 : i32
      %sign3A_1788 = arith.constant 0 : i32
      %sign3A_1789 = arith.cmpi sgt, %squeeze3A_1785, %sign3A_1788 : i32
      %sign3A_1790 = arith.extui %sign3A_1789 : i1 to i32
      %sign3A_1791 = arith.constant 0 : i32
      %sign3A_1792 = arith.cmpi slt, %squeeze3A_1785, %sign3A_1791 : i32
      %sign3A_1793 = arith.extui %sign3A_1792 : i1 to i32
      %sign3A_1794 = arith.subi %sign3A_1790, %sign3A_1793 : i32
      %sign3A_1795 = arith.constant 0 : i32
      %sign3A_1796 = arith.cmpi sgt, %jit3A_1786, %sign3A_1795 : i32
      %sign3A_1797 = arith.extui %sign3A_1796 : i1 to i32
      %sign3A_1798 = arith.constant 0 : i32
      %sign3A_1799 = arith.cmpi slt, %jit3A_1786, %sign3A_1798 : i32
      %sign3A_1800 = arith.extui %sign3A_1799 : i1 to i32
      %sign3A_1801 = arith.subi %sign3A_1797, %sign3A_1800 : i32
      %ne3A_1802 = arith.cmpi ne, %sign3A_1794, %sign3A_1801 : i32
      %rem3A_1803 = arith.remsi %squeeze3A_1785, %jit3A_1786 : i32
      %ne3A_1804 = arith.constant 0 : i32
      %ne3A_1805 = arith.cmpi ne, %rem3A_1803, %ne3A_1804 : i32
      %and3A_1806 = arith.andi %ne3A_1802, %ne3A_1805 : i1
      %sub3A_1807 = arith.constant 1 : i32
      %sub3A_1808 = arith.subi %div3A_1787, %sub3A_1807 : i32
      %select_n3A_1809 = arith.select %and3A_1806, %sub3A_1808, %div3A_1787 : i32
      %mul3A_1810 = arith.constant 128 : i32
      %mul3A_1811 = arith.muli %select_n3A_1809, %mul3A_1810 : i32
      %slice3A_1812 = vector.extract_strided_slice %scan3A_586 {offsets = [6], sizes = [1], strides = [1]} : vector<16xi32> to vector<1xi32>
      %squeeze3A_1813 = vector.extract %slice3A_1812[0] : i32 from vector<1xi32>
      %jit3A_1814 = arith.constant 128 : i32
      %div3A_1815 = arith.divsi %squeeze3A_1813, %jit3A_1814 : i32
      %sign3A_1816 = arith.constant 0 : i32
      %sign3A_1817 = arith.cmpi sgt, %squeeze3A_1813, %sign3A_1816 : i32
      %sign3A_1818 = arith.extui %sign3A_1817 : i1 to i32
      %sign3A_1819 = arith.constant 0 : i32
      %sign3A_1820 = arith.cmpi slt, %squeeze3A_1813, %sign3A_1819 : i32
      %sign3A_1821 = arith.extui %sign3A_1820 : i1 to i32
      %sign3A_1822 = arith.subi %sign3A_1818, %sign3A_1821 : i32
      %sign3A_1823 = arith.constant 0 : i32
      %sign3A_1824 = arith.cmpi sgt, %jit3A_1814, %sign3A_1823 : i32
      %sign3A_1825 = arith.extui %sign3A_1824 : i1 to i32
      %sign3A_1826 = arith.constant 0 : i32
      %sign3A_1827 = arith.cmpi slt, %jit3A_1814, %sign3A_1826 : i32
      %sign3A_1828 = arith.extui %sign3A_1827 : i1 to i32
      %sign3A_1829 = arith.subi %sign3A_1825, %sign3A_1828 : i32
      %ne3A_1830 = arith.cmpi ne, %sign3A_1822, %sign3A_1829 : i32
      %rem3A_1831 = arith.remsi %squeeze3A_1813, %jit3A_1814 : i32
      %ne3A_1832 = arith.constant 0 : i32
      %ne3A_1833 = arith.cmpi ne, %rem3A_1831, %ne3A_1832 : i32
      %and3A_1834 = arith.andi %ne3A_1830, %ne3A_1833 : i1
      %sub3A_1835 = arith.constant 1 : i32
      %sub3A_1836 = arith.subi %div3A_1815, %sub3A_1835 : i32
      %select_n3A_1837 = arith.select %and3A_1834, %sub3A_1836, %div3A_1815 : i32
      %mul3A_1838 = arith.constant 128 : i32
      %mul3A_1839 = arith.muli %select_n3A_1837, %mul3A_1838 : i32
      %dma_wait3A_1840 = arith.constant 6 : i32
      %dma_wait3A_1841 = arith.constant 0 : i32
      %dma_wait3A_1842 = arith.constant 0 : i32
      %dma_wait3A_1843 = tpu.memref_slice %arg4[%dma_wait3A_1842, %mul3A_1811] : memref<32x1000000xf32, #tpu.memory_space<hbm>> -> memref<32x128xf32, #tpu.memory_space<hbm>>
      %dma_wait3A_1844 = tpu.memref_slice %arg26[%dma_wait3A_1840, %dma_wait3A_1841] : memref<8x2x!tpu.dma_semaphore, #tpu.memory_space<semaphore_mem>> -> memref<1x1x!tpu.dma_semaphore, #tpu.memory_space<semaphore_mem>>
      %dma_wait3A_1845 = tpu.memref_squeeze %dma_wait3A_1844 : memref<1x1x!tpu.dma_semaphore, #tpu.memory_space<semaphore_mem>> -> memref<!tpu.dma_semaphore, #tpu.memory_space<semaphore_mem>>
      %dma_wait3A_1846 = arith.constant 0 : i32
      %dma_wait3A_1847 = tpu.memref_slice %arg4[%dma_wait3A_1846, %mul3A_1811] : memref<32x1000000xf32, #tpu.memory_space<hbm>> -> memref<32x128xf32, #tpu.memory_space<hbm>>
      tpu.wait_dma2 semaphore(%dma_wait3A_1845 : memref<!tpu.dma_semaphore, #tpu.memory_space<semaphore_mem>>) src(%dma_wait3A_1847 : memref<32x128xf32, #tpu.memory_space<hbm>>) dst(%arg15 : memref<32x128xf32, #tpu.memory_space<vmem>>)
      %dma_wait3A_1848 = arith.constant 6 : i32
      %dma_wait3A_1849 = arith.constant 1 : i32
      %dma_wait3A_1850 = arith.constant 0 : i32
      %dma_wait3A_1851 = tpu.memref_slice %arg5[%dma_wait3A_1850, %mul3A_1839] : memref<32x1000000xf32, #tpu.memory_space<hbm>> -> memref<32x128xf32, #tpu.memory_space<hbm>>
      %dma_wait3A_1852 = tpu.memref_slice %arg26[%dma_wait3A_1848, %dma_wait3A_1849] : memref<8x2x!tpu.dma_semaphore, #tpu.memory_space<semaphore_mem>> -> memref<1x1x!tpu.dma_semaphore, #tpu.memory_space<semaphore_mem>>
      %dma_wait3A_1853 = tpu.memref_squeeze %dma_wait3A_1852 : memref<1x1x!tpu.dma_semaphore, #tpu.memory_space<semaphore_mem>> -> memref<!tpu.dma_semaphore, #tpu.memory_space<semaphore_mem>>
      %dma_wait3A_1854 = arith.constant 0 : i32
      %dma_wait3A_1855 = tpu.memref_slice %arg5[%dma_wait3A_1854, %mul3A_1839] : memref<32x1000000xf32, #tpu.memory_space<hbm>> -> memref<32x128xf32, #tpu.memory_space<hbm>>
      tpu.wait_dma2 semaphore(%dma_wait3A_1853 : memref<!tpu.dma_semaphore, #tpu.memory_space<semaphore_mem>>) src(%dma_wait3A_1855 : memref<32x128xf32, #tpu.memory_space<hbm>>) dst(%arg23 : memref<32x128xf32, #tpu.memory_space<vmem>>)
      %slice3A_1856 = vector.extract_strided_slice %scan3A_585 {offsets = [6], sizes = [1], strides = [1]} : vector<16xi32> to vector<1xi32>
      %squeeze3A_1857 = vector.extract %slice3A_1856[0] : i32 from vector<1xi32>
      %jit3A_1858 = arith.constant 128 : i32
      %eq3A_1859 = arith.constant 0 : i32
      %eq3A_1860 = arith.cmpi eq, %jit3A_1858, %eq3A_1859 : i32
      %jit3A_1861 = arith.constant 1 : i32
      %select_n3A_1862 = arith.select %eq3A_1860, %jit3A_1861, %jit3A_1858 : i32
      %rem3A_1863 = arith.remsi %squeeze3A_1857, %select_n3A_1862 : i32
      %ne3A_1864 = arith.constant 0 : i32
      %ne3A_1865 = arith.cmpi ne, %rem3A_1863, %ne3A_1864 : i32
      %lt3A_1866 = arith.constant 0 : i32
      %lt3A_1867 = arith.cmpi slt, %rem3A_1863, %lt3A_1866 : i32
      %lt3A_1868 = arith.constant 0 : i32
      %lt3A_1869 = arith.cmpi slt, %select_n3A_1862, %lt3A_1868 : i32
      %ne3A_1870 = arith.xori %lt3A_1867, %lt3A_1869 : i1
      %and3A_1871 = arith.andi %ne3A_1870, %ne3A_1865 : i1
      %add3A_1872 = arith.addi %rem3A_1863, %select_n3A_1862 : i32
      %select_n3A_1873 = arith.select %and3A_1871, %add3A_1872, %rem3A_1863 : i32
      %slice3A_1874 = vector.extract_strided_slice %scan3A_586 {offsets = [6], sizes = [1], strides = [1]} : vector<16xi32> to vector<1xi32>
      %squeeze3A_1875 = vector.extract %slice3A_1874[0] : i32 from vector<1xi32>
      %jit3A_1876 = arith.constant 128 : i32
      %eq3A_1877 = arith.constant 0 : i32
      %eq3A_1878 = arith.cmpi eq, %jit3A_1876, %eq3A_1877 : i32
      %jit3A_1879 = arith.constant 1 : i32
      %select_n3A_1880 = arith.select %eq3A_1878, %jit3A_1879, %jit3A_1876 : i32
      %rem3A_1881 = arith.remsi %squeeze3A_1875, %select_n3A_1880 : i32
      %ne3A_1882 = arith.constant 0 : i32
      %ne3A_1883 = arith.cmpi ne, %rem3A_1881, %ne3A_1882 : i32
      %lt3A_1884 = arith.constant 0 : i32
      %lt3A_1885 = arith.cmpi slt, %rem3A_1881, %lt3A_1884 : i32
      %lt3A_1886 = arith.constant 0 : i32
      %lt3A_1887 = arith.cmpi slt, %select_n3A_1880, %lt3A_1886 : i32
      %ne3A_1888 = arith.xori %lt3A_1885, %lt3A_1887 : i1
      %and3A_1889 = arith.andi %ne3A_1888, %ne3A_1883 : i1
      %add3A_1890 = arith.addi %rem3A_1881, %select_n3A_1880 : i32
      %select_n3A_1891 = arith.select %and3A_1889, %add3A_1890, %rem3A_1881 : i32
      %add3A_1892 = arith.constant 6 : i32
      %add3A_1893 = arith.addi %mul3A_599, %add3A_1892 : i32
      %broadcast_in_dim3A_1894 = vector.broadcast %select_n3A_1873 : i32 to vector<16xi32>
      %broadcast_in_dim3A_1895 = vector.broadcast %select_n3A_1891 : i32 to vector<16xi32>
      %gather3A_1896 = tpu.vector_load_idx %arg15[%iota3A, %broadcast_in_dim3A_1894] : memref<32x128xf32, #tpu.memory_space<vmem>>[vector<16xi32>, vector<16xi32>], vector<16xf32>,
      %add3A_1897 = arith.constant 16 : i32
      %add3A_1898 = vector.broadcast %add3A_1897 : i32 to vector<16xi32>
      %add3A_1899 = arith.addi %iota3A, %add3A_1898 : vector<16xi32>
      %gather3A_1900 = tpu.vector_load_idx %arg15[%add3A_1899, %broadcast_in_dim3A_1894] : memref<32x128xf32, #tpu.memory_space<vmem>>[vector<16xi32>, vector<16xi32>], vector<16xf32>,
      %gather3A_1901 = tpu.vector_load_idx %arg23[%iota3A, %broadcast_in_dim3A_1895] : memref<32x128xf32, #tpu.memory_space<vmem>>[vector<16xi32>, vector<16xi32>], vector<16xf32>,
      %add3A_1902 = arith.constant 16 : i32
      %add3A_1903 = vector.broadcast %add3A_1902 : i32 to vector<16xi32>
      %add3A_1904 = arith.addi %iota3A, %add3A_1903 : vector<16xi32>
      %gather3A_1905 = tpu.vector_load_idx %arg23[%add3A_1904, %broadcast_in_dim3A_1895] : memref<32x128xf32, #tpu.memory_space<vmem>>[vector<16xi32>, vector<16xi32>], vector<16xf32>,
      %mul3A_1906 = arith.mulf %gather3A_1896, %gather3A_1901 : vector<16xf32>
      %mul3A_1907 = arith.mulf %gather3A_1900, %gather3A_1905 : vector<16xf32>
      %add3A_1908 = arith.addf %mul3A_1906, %mul3A_1907 : vector<16xf32>
      %broadcast_in_dim3A_1909 = vector.broadcast %add3A_1893 : i32 to vector<16xi32>
      tpu.vector_store_idx %arg25[%broadcast_in_dim3A_1909], %add3A_1908 {add = true} : memref<512xf32, #tpu.memory_space<vmem>>[vector<16xi32>], vector<16xf32>,
      %slice3A_1910 = vector.extract_strided_slice %scan3A_585 {offsets = [14], sizes = [1], strides = [1]} : vector<16xi32> to vector<1xi32>
      %squeeze3A_1911 = vector.extract %slice3A_1910[0] : i32 from vector<1xi32>
      %jit3A_1912 = arith.constant 128 : i32
      %div3A_1913 = arith.divsi %squeeze3A_1911, %jit3A_1912 : i32
      %sign3A_1914 = arith.constant 0 : i32
      %sign3A_1915 = arith.cmpi sgt, %squeeze3A_1911, %sign3A_1914 : i32
      %sign3A_1916 = arith.extui %sign3A_1915 : i1 to i32
      %sign3A_1917 = arith.constant 0 : i32
      %sign3A_1918 = arith.cmpi slt, %squeeze3A_1911, %sign3A_1917 : i32
      %sign3A_1919 = arith.extui %sign3A_1918 : i1 to i32
      %sign3A_1920 = arith.subi %sign3A_1916, %sign3A_1919 : i32
      %sign3A_1921 = arith.constant 0 : i32
      %sign3A_1922 = arith.cmpi sgt, %jit3A_1912, %sign3A_1921 : i32
      %sign3A_1923 = arith.extui %sign3A_1922 : i1 to i32
      %sign3A_1924 = arith.constant 0 : i32
      %sign3A_1925 = arith.cmpi slt, %jit3A_1912, %sign3A_1924 : i32
      %sign3A_1926 = arith.extui %sign3A_1925 : i1 to i32
      %sign3A_1927 = arith.subi %sign3A_1923, %sign3A_1926 : i32
      %ne3A_1928 = arith.cmpi ne, %sign3A_1920, %sign3A_1927 : i32
      %rem3A_1929 = arith.remsi %squeeze3A_1911, %jit3A_1912 : i32
      %ne3A_1930 = arith.constant 0 : i32
      %ne3A_1931 = arith.cmpi ne, %rem3A_1929, %ne3A_1930 : i32
      %and3A_1932 = arith.andi %ne3A_1928, %ne3A_1931 : i1
      %sub3A_1933 = arith.constant 1 : i32
      %sub3A_1934 = arith.subi %div3A_1913, %sub3A_1933 : i32
      %select_n3A_1935 = arith.select %and3A_1932, %sub3A_1934, %div3A_1913 : i32
      %mul3A_1936 = arith.constant 128 : i32
      %mul3A_1937 = arith.muli %select_n3A_1935, %mul3A_1936 : i32
      %slice3A_1938 = vector.extract_strided_slice %scan3A_586 {offsets = [14], sizes = [1], strides = [1]} : vector<16xi32> to vector<1xi32>
      %squeeze3A_1939 = vector.extract %slice3A_1938[0] : i32 from vector<1xi32>
      %jit3A_1940 = arith.constant 128 : i32
      %div3A_1941 = arith.divsi %squeeze3A_1939, %jit3A_1940 : i32
      %sign3A_1942 = arith.constant 0 : i32
      %sign3A_1943 = arith.cmpi sgt, %squeeze3A_1939, %sign3A_1942 : i32
      %sign3A_1944 = arith.extui %sign3A_1943 : i1 to i32
      %sign3A_1945 = arith.constant 0 : i32
      %sign3A_1946 = arith.cmpi slt, %squeeze3A_1939, %sign3A_1945 : i32
      %sign3A_1947 = arith.extui %sign3A_1946 : i1 to i32
      %sign3A_1948 = arith.subi %sign3A_1944, %sign3A_1947 : i32
      %sign3A_1949 = arith.constant 0 : i32
      %sign3A_1950 = arith.cmpi sgt, %jit3A_1940, %sign3A_1949 : i32
      %sign3A_1951 = arith.extui %sign3A_1950 : i1 to i32
      %sign3A_1952 = arith.constant 0 : i32
      %sign3A_1953 = arith.cmpi slt, %jit3A_1940, %sign3A_1952 : i32
      %sign3A_1954 = arith.extui %sign3A_1953 : i1 to i32
      %sign3A_1955 = arith.subi %sign3A_1951, %sign3A_1954 : i32
      %ne3A_1956 = arith.cmpi ne, %sign3A_1948, %sign3A_1955 : i32
      %rem3A_1957 = arith.remsi %squeeze3A_1939, %jit3A_1940 : i32
      %ne3A_1958 = arith.constant 0 : i32
      %ne3A_1959 = arith.cmpi ne, %rem3A_1957, %ne3A_1958 : i32
      %and3A_1960 = arith.andi %ne3A_1956, %ne3A_1959 : i1
      %sub3A_1961 = arith.constant 1 : i32
      %sub3A_1962 = arith.subi %div3A_1941, %sub3A_1961 : i32
      %select_n3A_1963 = arith.select %and3A_1960, %sub3A_1962, %div3A_1941 : i32
      %mul3A_1964 = arith.constant 128 : i32
      %mul3A_1965 = arith.muli %select_n3A_1963, %mul3A_1964 : i32
      %dma_start3A_1966 = arith.constant 6 : i32
      %dma_start3A_1967 = arith.constant 0 : i32
      %dma_start3A_1968 = arith.constant 0 : i32
      %dma_start3A_1969 = tpu.memref_slice %arg4[%dma_start3A_1968, %mul3A_1937] : memref<32x1000000xf32, #tpu.memory_space<hbm>> -> memref<32x128xf32, #tpu.memory_space<hbm>>
      %dma_start3A_1970 = tpu.memref_slice %arg26[%dma_start3A_1966, %dma_start3A_1967] : memref<8x2x!tpu.dma_semaphore, #tpu.memory_space<semaphore_mem>> -> memref<1x1x!tpu.dma_semaphore, #tpu.memory_space<semaphore_mem>>
      %dma_start3A_1971 = tpu.memref_squeeze %dma_start3A_1970 : memref<1x1x!tpu.dma_semaphore, #tpu.memory_space<semaphore_mem>> -> memref<!tpu.dma_semaphore, #tpu.memory_space<semaphore_mem>>
      %dma_start3A_1972 = arith.constant 0 : i32
      %dma_start3A_1973 = tpu.memref_slice %arg4[%dma_start3A_1972, %mul3A_1937] : memref<32x1000000xf32, #tpu.memory_space<hbm>> -> memref<32x128xf32, #tpu.memory_space<hbm>>
      tpu.enqueue_dma source(%dma_start3A_1973 : memref<32x128xf32, #tpu.memory_space<hbm>>) target(%arg15 : memref<32x128xf32, #tpu.memory_space<vmem>>) target_semaphore(%dma_start3A_1971 : memref<!tpu.dma_semaphore, #tpu.memory_space<semaphore_mem>>)
      %dma_start3A_1974 = arith.constant 6 : i32
      %dma_start3A_1975 = arith.constant 1 : i32
      %dma_start3A_1976 = arith.constant 0 : i32
      %dma_start3A_1977 = tpu.memref_slice %arg5[%dma_start3A_1976, %mul3A_1965] : memref<32x1000000xf32, #tpu.memory_space<hbm>> -> memref<32x128xf32, #tpu.memory_space<hbm>>
      %dma_start3A_1978 = tpu.memref_slice %arg26[%dma_start3A_1974, %dma_start3A_1975] : memref<8x2x!tpu.dma_semaphore, #tpu.memory_space<semaphore_mem>> -> memref<1x1x!tpu.dma_semaphore, #tpu.memory_space<semaphore_mem>>
      %dma_start3A_1979 = tpu.memref_squeeze %dma_start3A_1978 : memref<1x1x!tpu.dma_semaphore, #tpu.memory_space<semaphore_mem>> -> memref<!tpu.dma_semaphore, #tpu.memory_space<semaphore_mem>>
      %dma_start3A_1980 = arith.constant 0 : i32
      %dma_start3A_1981 = tpu.memref_slice %arg5[%dma_start3A_1980, %mul3A_1965] : memref<32x1000000xf32, #tpu.memory_space<hbm>> -> memref<32x128xf32, #tpu.memory_space<hbm>>
      tpu.enqueue_dma source(%dma_start3A_1981 : memref<32x128xf32, #tpu.memory_space<hbm>>) target(%arg23 : memref<32x128xf32, #tpu.memory_space<vmem>>) target_semaphore(%dma_start3A_1979 : memref<!tpu.dma_semaphore, #tpu.memory_space<semaphore_mem>>)
      %slice3A_1982 = vector.extract_strided_slice %scan3A_585 {offsets = [7], sizes = [1], strides = [1]} : vector<16xi32> to vector<1xi32>
      %squeeze3A_1983 = vector.extract %slice3A_1982[0] : i32 from vector<1xi32>
      %jit3A_1984 = arith.constant 128 : i32
      %div3A_1985 = arith.divsi %squeeze3A_1983, %jit3A_1984 : i32
      %sign3A_1986 = arith.constant 0 : i32
      %sign3A_1987 = arith.cmpi sgt, %squeeze3A_1983, %sign3A_1986 : i32
      %sign3A_1988 = arith.extui %sign3A_1987 : i1 to i32
      %sign3A_1989 = arith.constant 0 : i32
      %sign3A_1990 = arith.cmpi slt, %squeeze3A_1983, %sign3A_1989 : i32
      %sign3A_1991 = arith.extui %sign3A_1990 : i1 to i32
      %sign3A_1992 = arith.subi %sign3A_1988, %sign3A_1991 : i32
      %sign3A_1993 = arith.constant 0 : i32
      %sign3A_1994 = arith.cmpi sgt, %jit3A_1984, %sign3A_1993 : i32
      %sign3A_1995 = arith.extui %sign3A_1994 : i1 to i32
      %sign3A_1996 = arith.constant 0 : i32
      %sign3A_1997 = arith.cmpi slt, %jit3A_1984, %sign3A_1996 : i32
      %sign3A_1998 = arith.extui %sign3A_1997 : i1 to i32
      %sign3A_1999 = arith.subi %sign3A_1995, %sign3A_1998 : i32
      %ne3A_2000 = arith.cmpi ne, %sign3A_1992, %sign3A_1999 : i32
      %rem3A_2001 = arith.remsi %squeeze3A_1983, %jit3A_1984 : i32
      %ne3A_2002 = arith.constant 0 : i32
      %ne3A_2003 = arith.cmpi ne, %rem3A_2001, %ne3A_2002 : i32
      %and3A_2004 = arith.andi %ne3A_2000, %ne3A_2003 : i1
      %sub3A_2005 = arith.constant 1 : i32
      %sub3A_2006 = arith.subi %div3A_1985, %sub3A_2005 : i32
      %select_n3A_2007 = arith.select %and3A_2004, %sub3A_2006, %div3A_1985 : i32
      %mul3A_2008 = arith.constant 128 : i32
      %mul3A_2009 = arith.muli %select_n3A_2007, %mul3A_2008 : i32
      %slice3A_2010 = vector.extract_strided_slice %scan3A_586 {offsets = [7], sizes = [1], strides = [1]} : vector<16xi32> to vector<1xi32>
      %squeeze3A_2011 = vector.extract %slice3A_2010[0] : i32 from vector<1xi32>
      %jit3A_2012 = arith.constant 128 : i32
      %div3A_2013 = arith.divsi %squeeze3A_2011, %jit3A_2012 : i32
      %sign3A_2014 = arith.constant 0 : i32
      %sign3A_2015 = arith.cmpi sgt, %squeeze3A_2011, %sign3A_2014 : i32
      %sign3A_2016 = arith.extui %sign3A_2015 : i1 to i32
      %sign3A_2017 = arith.constant 0 : i32
      %sign3A_2018 = arith.cmpi slt, %squeeze3A_2011, %sign3A_2017 : i32
      %sign3A_2019 = arith.extui %sign3A_2018 : i1 to i32
      %sign3A_2020 = arith.subi %sign3A_2016, %sign3A_2019 : i32
      %sign3A_2021 = arith.constant 0 : i32
      %sign3A_2022 = arith.cmpi sgt, %jit3A_2012, %sign3A_2021 : i32
      %sign3A_2023 = arith.extui %sign3A_2022 : i1 to i32
      %sign3A_2024 = arith.constant 0 : i32
      %sign3A_2025 = arith.cmpi slt, %jit3A_2012, %sign3A_2024 : i32
      %sign3A_2026 = arith.extui %sign3A_2025 : i1 to i32
      %sign3A_2027 = arith.subi %sign3A_2023, %sign3A_2026 : i32
      %ne3A_2028 = arith.cmpi ne, %sign3A_2020, %sign3A_2027 : i32
      %rem3A_2029 = arith.remsi %squeeze3A_2011, %jit3A_2012 : i32
      %ne3A_2030 = arith.constant 0 : i32
      %ne3A_2031 = arith.cmpi ne, %rem3A_2029, %ne3A_2030 : i32
      %and3A_2032 = arith.andi %ne3A_2028, %ne3A_2031 : i1
      %sub3A_2033 = arith.constant 1 : i32
      %sub3A_2034 = arith.subi %div3A_2013, %sub3A_2033 : i32
      %select_n3A_2035 = arith.select %and3A_2032, %sub3A_2034, %div3A_2013 : i32
      %mul3A_2036 = arith.constant 128 : i32
      %mul3A_2037 = arith.muli %select_n3A_2035, %mul3A_2036 : i32
      %dma_wait3A_2038 = arith.constant 7 : i32
      %dma_wait3A_2039 = arith.constant 0 : i32
      %dma_wait3A_2040 = arith.constant 0 : i32
      %dma_wait3A_2041 = tpu.memref_slice %arg4[%dma_wait3A_2040, %mul3A_2009] : memref<32x1000000xf32, #tpu.memory_space<hbm>> -> memref<32x128xf32, #tpu.memory_space<hbm>>
      %dma_wait3A_2042 = tpu.memref_slice %arg26[%dma_wait3A_2038, %dma_wait3A_2039] : memref<8x2x!tpu.dma_semaphore, #tpu.memory_space<semaphore_mem>> -> memref<1x1x!tpu.dma_semaphore, #tpu.memory_space<semaphore_mem>>
      %dma_wait3A_2043 = tpu.memref_squeeze %dma_wait3A_2042 : memref<1x1x!tpu.dma_semaphore, #tpu.memory_space<semaphore_mem>> -> memref<!tpu.dma_semaphore, #tpu.memory_space<semaphore_mem>>
      %dma_wait3A_2044 = arith.constant 0 : i32
      %dma_wait3A_2045 = tpu.memref_slice %arg4[%dma_wait3A_2044, %mul3A_2009] : memref<32x1000000xf32, #tpu.memory_space<hbm>> -> memref<32x128xf32, #tpu.memory_space<hbm>>
      tpu.wait_dma2 semaphore(%dma_wait3A_2043 : memref<!tpu.dma_semaphore, #tpu.memory_space<semaphore_mem>>) src(%dma_wait3A_2045 : memref<32x128xf32, #tpu.memory_space<hbm>>) dst(%arg16 : memref<32x128xf32, #tpu.memory_space<vmem>>)
      %dma_wait3A_2046 = arith.constant 7 : i32
      %dma_wait3A_2047 = arith.constant 1 : i32
      %dma_wait3A_2048 = arith.constant 0 : i32
      %dma_wait3A_2049 = tpu.memref_slice %arg5[%dma_wait3A_2048, %mul3A_2037] : memref<32x1000000xf32, #tpu.memory_space<hbm>> -> memref<32x128xf32, #tpu.memory_space<hbm>>
      %dma_wait3A_2050 = tpu.memref_slice %arg26[%dma_wait3A_2046, %dma_wait3A_2047] : memref<8x2x!tpu.dma_semaphore, #tpu.memory_space<semaphore_mem>> -> memref<1x1x!tpu.dma_semaphore, #tpu.memory_space<semaphore_mem>>
      %dma_wait3A_2051 = tpu.memref_squeeze %dma_wait3A_2050 : memref<1x1x!tpu.dma_semaphore, #tpu.memory_space<semaphore_mem>> -> memref<!tpu.dma_semaphore, #tpu.memory_space<semaphore_mem>>
      %dma_wait3A_2052 = arith.constant 0 : i32
      %dma_wait3A_2053 = tpu.memref_slice %arg5[%dma_wait3A_2052, %mul3A_2037] : memref<32x1000000xf32, #tpu.memory_space<hbm>> -> memref<32x128xf32, #tpu.memory_space<hbm>>
      tpu.wait_dma2 semaphore(%dma_wait3A_2051 : memref<!tpu.dma_semaphore, #tpu.memory_space<semaphore_mem>>) src(%dma_wait3A_2053 : memref<32x128xf32, #tpu.memory_space<hbm>>) dst(%arg24 : memref<32x128xf32, #tpu.memory_space<vmem>>)
      %slice3A_2054 = vector.extract_strided_slice %scan3A_585 {offsets = [7], sizes = [1], strides = [1]} : vector<16xi32> to vector<1xi32>
      %squeeze3A_2055 = vector.extract %slice3A_2054[0] : i32 from vector<1xi32>
      %jit3A_2056 = arith.constant 128 : i32
      %eq3A_2057 = arith.constant 0 : i32
      %eq3A_2058 = arith.cmpi eq, %jit3A_2056, %eq3A_2057 : i32
      %jit3A_2059 = arith.constant 1 : i32
      %select_n3A_2060 = arith.select %eq3A_2058, %jit3A_2059, %jit3A_2056 : i32
      %rem3A_2061 = arith.remsi %squeeze3A_2055, %select_n3A_2060 : i32
      %ne3A_2062 = arith.constant 0 : i32
      %ne3A_2063 = arith.cmpi ne, %rem3A_2061, %ne3A_2062 : i32
      %lt3A_2064 = arith.constant 0 : i32
      %lt3A_2065 = arith.cmpi slt, %rem3A_2061, %lt3A_2064 : i32
      %lt3A_2066 = arith.constant 0 : i32
      %lt3A_2067 = arith.cmpi slt, %select_n3A_2060, %lt3A_2066 : i32
      %ne3A_2068 = arith.xori %lt3A_2065, %lt3A_2067 : i1
      %and3A_2069 = arith.andi %ne3A_2068, %ne3A_2063 : i1
      %add3A_2070 = arith.addi %rem3A_2061, %select_n3A_2060 : i32
      %select_n3A_2071 = arith.select %and3A_2069, %add3A_2070, %rem3A_2061 : i32
      %slice3A_2072 = vector.extract_strided_slice %scan3A_586 {offsets = [7], sizes = [1], strides = [1]} : vector<16xi32> to vector<1xi32>
      %squeeze3A_2073 = vector.extract %slice3A_2072[0] : i32 from vector<1xi32>
      %jit3A_2074 = arith.constant 128 : i32
      %eq3A_2075 = arith.constant 0 : i32
      %eq3A_2076 = arith.cmpi eq, %jit3A_2074, %eq3A_2075 : i32
      %jit3A_2077 = arith.constant 1 : i32
      %select_n3A_2078 = arith.select %eq3A_2076, %jit3A_2077, %jit3A_2074 : i32
      %rem3A_2079 = arith.remsi %squeeze3A_2073, %select_n3A_2078 : i32
      %ne3A_2080 = arith.constant 0 : i32
      %ne3A_2081 = arith.cmpi ne, %rem3A_2079, %ne3A_2080 : i32
      %lt3A_2082 = arith.constant 0 : i32
      %lt3A_2083 = arith.cmpi slt, %rem3A_2079, %lt3A_2082 : i32
      %lt3A_2084 = arith.constant 0 : i32
      %lt3A_2085 = arith.cmpi slt, %select_n3A_2078, %lt3A_2084 : i32
      %ne3A_2086 = arith.xori %lt3A_2083, %lt3A_2085 : i1
      %and3A_2087 = arith.andi %ne3A_2086, %ne3A_2081 : i1
      %add3A_2088 = arith.addi %rem3A_2079, %select_n3A_2078 : i32
      %select_n3A_2089 = arith.select %and3A_2087, %add3A_2088, %rem3A_2079 : i32
      %add3A_2090 = arith.constant 7 : i32
      %add3A_2091 = arith.addi %mul3A_599, %add3A_2090 : i32
      %broadcast_in_dim3A_2092 = vector.broadcast %select_n3A_2071 : i32 to vector<16xi32>
      %broadcast_in_dim3A_2093 = vector.broadcast %select_n3A_2089 : i32 to vector<16xi32>
      %gather3A_2094 = tpu.vector_load_idx %arg16[%iota3A, %broadcast_in_dim3A_2092] : memref<32x128xf32, #tpu.memory_space<vmem>>[vector<16xi32>, vector<16xi32>], vector<16xf32>,
      %add3A_2095 = arith.constant 16 : i32
      %add3A_2096 = vector.broadcast %add3A_2095 : i32 to vector<16xi32>
      %add3A_2097 = arith.addi %iota3A, %add3A_2096 : vector<16xi32>
      %gather3A_2098 = tpu.vector_load_idx %arg16[%add3A_2097, %broadcast_in_dim3A_2092] : memref<32x128xf32, #tpu.memory_space<vmem>>[vector<16xi32>, vector<16xi32>], vector<16xf32>,
      %gather3A_2099 = tpu.vector_load_idx %arg24[%iota3A, %broadcast_in_dim3A_2093] : memref<32x128xf32, #tpu.memory_space<vmem>>[vector<16xi32>, vector<16xi32>], vector<16xf32>,
      %add3A_2100 = arith.constant 16 : i32
      %add3A_2101 = vector.broadcast %add3A_2100 : i32 to vector<16xi32>
      %add3A_2102 = arith.addi %iota3A, %add3A_2101 : vector<16xi32>
      %gather3A_2103 = tpu.vector_load_idx %arg24[%add3A_2102, %broadcast_in_dim3A_2093] : memref<32x128xf32, #tpu.memory_space<vmem>>[vector<16xi32>, vector<16xi32>], vector<16xf32>,
      %mul3A_2104 = arith.mulf %gather3A_2094, %gather3A_2099 : vector<16xf32>
      %mul3A_2105 = arith.mulf %gather3A_2098, %gather3A_2103 : vector<16xf32>
      %add3A_2106 = arith.addf %mul3A_2104, %mul3A_2105 : vector<16xf32>
      %broadcast_in_dim3A_2107 = vector.broadcast %add3A_2091 : i32 to vector<16xi32>
      tpu.vector_store_idx %arg25[%broadcast_in_dim3A_2107], %add3A_2106 {add = true} : memref<512xf32, #tpu.memory_space<vmem>>[vector<16xi32>], vector<16xf32>,
      %slice3A_2108 = vector.extract_strided_slice %scan3A_585 {offsets = [15], sizes = [1], strides = [1]} : vector<16xi32> to vector<1xi32>
      %squeeze3A_2109 = vector.extract %slice3A_2108[0] : i32 from vector<1xi32>
      %jit3A_2110 = arith.constant 128 : i32
      %div3A_2111 = arith.divsi %squeeze3A_2109, %jit3A_2110 : i32
      %sign3A_2112 = arith.constant 0 : i32
      %sign3A_2113 = arith.cmpi sgt, %squeeze3A_2109, %sign3A_2112 : i32
      %sign3A_2114 = arith.extui %sign3A_2113 : i1 to i32
      %sign3A_2115 = arith.constant 0 : i32
      %sign3A_2116 = arith.cmpi slt, %squeeze3A_2109, %sign3A_2115 : i32
      %sign3A_2117 = arith.extui %sign3A_2116 : i1 to i32
      %sign3A_2118 = arith.subi %sign3A_2114, %sign3A_2117 : i32
      %sign3A_2119 = arith.constant 0 : i32
      %sign3A_2120 = arith.cmpi sgt, %jit3A_2110, %sign3A_2119 : i32
      %sign3A_2121 = arith.extui %sign3A_2120 : i1 to i32
      %sign3A_2122 = arith.constant 0 : i32
      %sign3A_2123 = arith.cmpi slt, %jit3A_2110, %sign3A_2122 : i32
      %sign3A_2124 = arith.extui %sign3A_2123 : i1 to i32
      %sign3A_2125 = arith.subi %sign3A_2121, %sign3A_2124 : i32
      %ne3A_2126 = arith.cmpi ne, %sign3A_2118, %sign3A_2125 : i32
      %rem3A_2127 = arith.remsi %squeeze3A_2109, %jit3A_2110 : i32
      %ne3A_2128 = arith.constant 0 : i32
      %ne3A_2129 = arith.cmpi ne, %rem3A_2127, %ne3A_2128 : i32
      %and3A_2130 = arith.andi %ne3A_2126, %ne3A_2129 : i1
      %sub3A_2131 = arith.constant 1 : i32
      %sub3A_2132 = arith.subi %div3A_2111, %sub3A_2131 : i32
      %select_n3A_2133 = arith.select %and3A_2130, %sub3A_2132, %div3A_2111 : i32
      %mul3A_2134 = arith.constant 128 : i32
      %mul3A_2135 = arith.muli %select_n3A_2133, %mul3A_2134 : i32
      %slice3A_2136 = vector.extract_strided_slice %scan3A_586 {offsets = [15], sizes = [1], strides = [1]} : vector<16xi32> to vector<1xi32>
      %squeeze3A_2137 = vector.extract %slice3A_2136[0] : i32 from vector<1xi32>
      %jit3A_2138 = arith.constant 128 : i32
      %div3A_2139 = arith.divsi %squeeze3A_2137, %jit3A_2138 : i32
      %sign3A_2140 = arith.constant 0 : i32
      %sign3A_2141 = arith.cmpi sgt, %squeeze3A_2137, %sign3A_2140 : i32
      %sign3A_2142 = arith.extui %sign3A_2141 : i1 to i32
      %sign3A_2143 = arith.constant 0 : i32
      %sign3A_2144 = arith.cmpi slt, %squeeze3A_2137, %sign3A_2143 : i32
      %sign3A_2145 = arith.extui %sign3A_2144 : i1 to i32
      %sign3A_2146 = arith.subi %sign3A_2142, %sign3A_2145 : i32
      %sign3A_2147 = arith.constant 0 : i32
      %sign3A_2148 = arith.cmpi sgt, %jit3A_2138, %sign3A_2147 : i32
      %sign3A_2149 = arith.extui %sign3A_2148 : i1 to i32
      %sign3A_2150 = arith.constant 0 : i32
      %sign3A_2151 = arith.cmpi slt, %jit3A_2138, %sign3A_2150 : i32
      %sign3A_2152 = arith.extui %sign3A_2151 : i1 to i32
      %sign3A_2153 = arith.subi %sign3A_2149, %sign3A_2152 : i32
      %ne3A_2154 = arith.cmpi ne, %sign3A_2146, %sign3A_2153 : i32
      %rem3A_2155 = arith.remsi %squeeze3A_2137, %jit3A_2138 : i32
      %ne3A_2156 = arith.constant 0 : i32
      %ne3A_2157 = arith.cmpi ne, %rem3A_2155, %ne3A_2156 : i32
      %and3A_2158 = arith.andi %ne3A_2154, %ne3A_2157 : i1
      %sub3A_2159 = arith.constant 1 : i32
      %sub3A_2160 = arith.subi %div3A_2139, %sub3A_2159 : i32
      %select_n3A_2161 = arith.select %and3A_2158, %sub3A_2160, %div3A_2139 : i32
      %mul3A_2162 = arith.constant 128 : i32
      %mul3A_2163 = arith.muli %select_n3A_2161, %mul3A_2162 : i32
      %dma_start3A_2164 = arith.constant 7 : i32
      %dma_start3A_2165 = arith.constant 0 : i32
      %dma_start3A_2166 = arith.constant 0 : i32
      %dma_start3A_2167 = tpu.memref_slice %arg4[%dma_start3A_2166, %mul3A_2135] : memref<32x1000000xf32, #tpu.memory_space<hbm>> -> memref<32x128xf32, #tpu.memory_space<hbm>>
      %dma_start3A_2168 = tpu.memref_slice %arg26[%dma_start3A_2164, %dma_start3A_2165] : memref<8x2x!tpu.dma_semaphore, #tpu.memory_space<semaphore_mem>> -> memref<1x1x!tpu.dma_semaphore, #tpu.memory_space<semaphore_mem>>
      %dma_start3A_2169 = tpu.memref_squeeze %dma_start3A_2168 : memref<1x1x!tpu.dma_semaphore, #tpu.memory_space<semaphore_mem>> -> memref<!tpu.dma_semaphore, #tpu.memory_space<semaphore_mem>>
      %dma_start3A_2170 = arith.constant 0 : i32
      %dma_start3A_2171 = tpu.memref_slice %arg4[%dma_start3A_2170, %mul3A_2135] : memref<32x1000000xf32, #tpu.memory_space<hbm>> -> memref<32x128xf32, #tpu.memory_space<hbm>>
      tpu.enqueue_dma source(%dma_start3A_2171 : memref<32x128xf32, #tpu.memory_space<hbm>>) target(%arg16 : memref<32x128xf32, #tpu.memory_space<vmem>>) target_semaphore(%dma_start3A_2169 : memref<!tpu.dma_semaphore, #tpu.memory_space<semaphore_mem>>)
      %dma_start3A_2172 = arith.constant 7 : i32
      %dma_start3A_2173 = arith.constant 1 : i32
      %dma_start3A_2174 = arith.constant 0 : i32
      %dma_start3A_2175 = tpu.memref_slice %arg5[%dma_start3A_2174, %mul3A_2163] : memref<32x1000000xf32, #tpu.memory_space<hbm>> -> memref<32x128xf32, #tpu.memory_space<hbm>>
      %dma_start3A_2176 = tpu.memref_slice %arg26[%dma_start3A_2172, %dma_start3A_2173] : memref<8x2x!tpu.dma_semaphore, #tpu.memory_space<semaphore_mem>> -> memref<1x1x!tpu.dma_semaphore, #tpu.memory_space<semaphore_mem>>
      %dma_start3A_2177 = tpu.memref_squeeze %dma_start3A_2176 : memref<1x1x!tpu.dma_semaphore, #tpu.memory_space<semaphore_mem>> -> memref<!tpu.dma_semaphore, #tpu.memory_space<semaphore_mem>>
      %dma_start3A_2178 = arith.constant 0 : i32
      %dma_start3A_2179 = tpu.memref_slice %arg5[%dma_start3A_2178, %mul3A_2163] : memref<32x1000000xf32, #tpu.memory_space<hbm>> -> memref<32x128xf32, #tpu.memory_space<hbm>>
      tpu.enqueue_dma source(%dma_start3A_2179 : memref<32x128xf32, #tpu.memory_space<hbm>>) target(%arg24 : memref<32x128xf32, #tpu.memory_space<vmem>>) target_semaphore(%dma_start3A_2177 : memref<!tpu.dma_semaphore, #tpu.memory_space<semaphore_mem>>)
      %slice3A_2180 = vector.extract_strided_slice %scan3A_585 {offsets = [8], sizes = [1], strides = [1]} : vector<16xi32> to vector<1xi32>
      %squeeze3A_2181 = vector.extract %slice3A_2180[0] : i32 from vector<1xi32>
      %jit3A_2182 = arith.constant 128 : i32
      %div3A_2183 = arith.divsi %squeeze3A_2181, %jit3A_2182 : i32
      %sign3A_2184 = arith.constant 0 : i32
      %sign3A_2185 = arith.cmpi sgt, %squeeze3A_2181, %sign3A_2184 : i32
      %sign3A_2186 = arith.extui %sign3A_2185 : i1 to i32
      %sign3A_2187 = arith.constant 0 : i32
      %sign3A_2188 = arith.cmpi slt, %squeeze3A_2181, %sign3A_2187 : i32
      %sign3A_2189 = arith.extui %sign3A_2188 : i1 to i32
      %sign3A_2190 = arith.subi %sign3A_2186, %sign3A_2189 : i32
      %sign3A_2191 = arith.constant 0 : i32
      %sign3A_2192 = arith.cmpi sgt, %jit3A_2182, %sign3A_2191 : i32
      %sign3A_2193 = arith.extui %sign3A_2192 : i1 to i32
      %sign3A_2194 = arith.constant 0 : i32
      %sign3A_2195 = arith.cmpi slt, %jit3A_2182, %sign3A_2194 : i32
      %sign3A_2196 = arith.extui %sign3A_2195 : i1 to i32
      %sign3A_2197 = arith.subi %sign3A_2193, %sign3A_2196 : i32
      %ne3A_2198 = arith.cmpi ne, %sign3A_2190, %sign3A_2197 : i32
      %rem3A_2199 = arith.remsi %squeeze3A_2181, %jit3A_2182 : i32
      %ne3A_2200 = arith.constant 0 : i32
      %ne3A_2201 = arith.cmpi ne, %rem3A_2199, %ne3A_2200 : i32
      %and3A_2202 = arith.andi %ne3A_2198, %ne3A_2201 : i1
      %sub3A_2203 = arith.constant 1 : i32
      %sub3A_2204 = arith.subi %div3A_2183, %sub3A_2203 : i32
      %select_n3A_2205 = arith.select %and3A_2202, %sub3A_2204, %div3A_2183 : i32
      %mul3A_2206 = arith.constant 128 : i32
      %mul3A_2207 = arith.muli %select_n3A_2205, %mul3A_2206 : i32
      %slice3A_2208 = vector.extract_strided_slice %scan3A_586 {offsets = [8], sizes = [1], strides = [1]} : vector<16xi32> to vector<1xi32>
      %squeeze3A_2209 = vector.extract %slice3A_2208[0] : i32 from vector<1xi32>
      %jit3A_2210 = arith.constant 128 : i32
      %div3A_2211 = arith.divsi %squeeze3A_2209, %jit3A_2210 : i32
      %sign3A_2212 = arith.constant 0 : i32
      %sign3A_2213 = arith.cmpi sgt, %squeeze3A_2209, %sign3A_2212 : i32
      %sign3A_2214 = arith.extui %sign3A_2213 : i1 to i32
      %sign3A_2215 = arith.constant 0 : i32
      %sign3A_2216 = arith.cmpi slt, %squeeze3A_2209, %sign3A_2215 : i32
      %sign3A_2217 = arith.extui %sign3A_2216 : i1 to i32
      %sign3A_2218 = arith.subi %sign3A_2214, %sign3A_2217 : i32
      %sign3A_2219 = arith.constant 0 : i32
      %sign3A_2220 = arith.cmpi sgt, %jit3A_2210, %sign3A_2219 : i32
      %sign3A_2221 = arith.extui %sign3A_2220 : i1 to i32
      %sign3A_2222 = arith.constant 0 : i32
      %sign3A_2223 = arith.cmpi slt, %jit3A_2210, %sign3A_2222 : i32
      %sign3A_2224 = arith.extui %sign3A_2223 : i1 to i32
      %sign3A_2225 = arith.subi %sign3A_2221, %sign3A_2224 : i32
      %ne3A_2226 = arith.cmpi ne, %sign3A_2218, %sign3A_2225 : i32
      %rem3A_2227 = arith.remsi %squeeze3A_2209, %jit3A_2210 : i32
      %ne3A_2228 = arith.constant 0 : i32
      %ne3A_2229 = arith.cmpi ne, %rem3A_2227, %ne3A_2228 : i32
      %and3A_2230 = arith.andi %ne3A_2226, %ne3A_2229 : i1
      %sub3A_2231 = arith.constant 1 : i32
      %sub3A_2232 = arith.subi %div3A_2211, %sub3A_2231 : i32
      %select_n3A_2233 = arith.select %and3A_2230, %sub3A_2232, %div3A_2211 : i32
      %mul3A_2234 = arith.constant 128 : i32
      %mul3A_2235 = arith.muli %select_n3A_2233, %mul3A_2234 : i32
      %dma_wait3A_2236 = arith.constant 0 : i32
      %dma_wait3A_2237 = arith.constant 0 : i32
      %dma_wait3A_2238 = arith.constant 0 : i32
      %dma_wait3A_2239 = tpu.memref_slice %arg4[%dma_wait3A_2238, %mul3A_2207] : memref<32x1000000xf32, #tpu.memory_space<hbm>> -> memref<32x128xf32, #tpu.memory_space<hbm>>
      %dma_wait3A_2240 = tpu.memref_slice %arg26[%dma_wait3A_2236, %dma_wait3A_2237] : memref<8x2x!tpu.dma_semaphore, #tpu.memory_space<semaphore_mem>> -> memref<1x1x!tpu.dma_semaphore, #tpu.memory_space<semaphore_mem>>
      %dma_wait3A_2241 = tpu.memref_squeeze %dma_wait3A_2240 : memref<1x1x!tpu.dma_semaphore, #tpu.memory_space<semaphore_mem>> -> memref<!tpu.dma_semaphore, #tpu.memory_space<semaphore_mem>>
      %dma_wait3A_2242 = arith.constant 0 : i32
      %dma_wait3A_2243 = tpu.memref_slice %arg4[%dma_wait3A_2242, %mul3A_2207] : memref<32x1000000xf32, #tpu.memory_space<hbm>> -> memref<32x128xf32, #tpu.memory_space<hbm>>
      tpu.wait_dma2 semaphore(%dma_wait3A_2241 : memref<!tpu.dma_semaphore, #tpu.memory_space<semaphore_mem>>) src(%dma_wait3A_2243 : memref<32x128xf32, #tpu.memory_space<hbm>>) dst(%arg9 : memref<32x128xf32, #tpu.memory_space<vmem>>)
      %dma_wait3A_2244 = arith.constant 0 : i32
      %dma_wait3A_2245 = arith.constant 1 : i32
      %dma_wait3A_2246 = arith.constant 0 : i32
      %dma_wait3A_2247 = tpu.memref_slice %arg5[%dma_wait3A_2246, %mul3A_2235] : memref<32x1000000xf32, #tpu.memory_space<hbm>> -> memref<32x128xf32, #tpu.memory_space<hbm>>
      %dma_wait3A_2248 = tpu.memref_slice %arg26[%dma_wait3A_2244, %dma_wait3A_2245] : memref<8x2x!tpu.dma_semaphore, #tpu.memory_space<semaphore_mem>> -> memref<1x1x!tpu.dma_semaphore, #tpu.memory_space<semaphore_mem>>
      %dma_wait3A_2249 = tpu.memref_squeeze %dma_wait3A_2248 : memref<1x1x!tpu.dma_semaphore, #tpu.memory_space<semaphore_mem>> -> memref<!tpu.dma_semaphore, #tpu.memory_space<semaphore_mem>>
      %dma_wait3A_2250 = arith.constant 0 : i32
      %dma_wait3A_2251 = tpu.memref_slice %arg5[%dma_wait3A_2250, %mul3A_2235] : memref<32x1000000xf32, #tpu.memory_space<hbm>> -> memref<32x128xf32, #tpu.memory_space<hbm>>
      tpu.wait_dma2 semaphore(%dma_wait3A_2249 : memref<!tpu.dma_semaphore, #tpu.memory_space<semaphore_mem>>) src(%dma_wait3A_2251 : memref<32x128xf32, #tpu.memory_space<hbm>>) dst(%arg17 : memref<32x128xf32, #tpu.memory_space<vmem>>)
      %slice3A_2252 = vector.extract_strided_slice %scan3A_585 {offsets = [8], sizes = [1], strides = [1]} : vector<16xi32> to vector<1xi32>
      %squeeze3A_2253 = vector.extract %slice3A_2252[0] : i32 from vector<1xi32>
      %jit3A_2254 = arith.constant 128 : i32
      %eq3A_2255 = arith.constant 0 : i32
      %eq3A_2256 = arith.cmpi eq, %jit3A_2254, %eq3A_2255 : i32
      %jit3A_2257 = arith.constant 1 : i32
      %select_n3A_2258 = arith.select %eq3A_2256, %jit3A_2257, %jit3A_2254 : i32
      %rem3A_2259 = arith.remsi %squeeze3A_2253, %select_n3A_2258 : i32
      %ne3A_2260 = arith.constant 0 : i32
      %ne3A_2261 = arith.cmpi ne, %rem3A_2259, %ne3A_2260 : i32
      %lt3A_2262 = arith.constant 0 : i32
      %lt3A_2263 = arith.cmpi slt, %rem3A_2259, %lt3A_2262 : i32
      %lt3A_2264 = arith.constant 0 : i32
      %lt3A_2265 = arith.cmpi slt, %select_n3A_2258, %lt3A_2264 : i32
      %ne3A_2266 = arith.xori %lt3A_2263, %lt3A_2265 : i1
      %and3A_2267 = arith.andi %ne3A_2266, %ne3A_2261 : i1
      %add3A_2268 = arith.addi %rem3A_2259, %select_n3A_2258 : i32
      %select_n3A_2269 = arith.select %and3A_2267, %add3A_2268, %rem3A_2259 : i32
      %slice3A_2270 = vector.extract_strided_slice %scan3A_586 {offsets = [8], sizes = [1], strides = [1]} : vector<16xi32> to vector<1xi32>
      %squeeze3A_2271 = vector.extract %slice3A_2270[0] : i32 from vector<1xi32>
      %jit3A_2272 = arith.constant 128 : i32
      %eq3A_2273 = arith.constant 0 : i32
      %eq3A_2274 = arith.cmpi eq, %jit3A_2272, %eq3A_2273 : i32
      %jit3A_2275 = arith.constant 1 : i32
      %select_n3A_2276 = arith.select %eq3A_2274, %jit3A_2275, %jit3A_2272 : i32
      %rem3A_2277 = arith.remsi %squeeze3A_2271, %select_n3A_2276 : i32
      %ne3A_2278 = arith.constant 0 : i32
      %ne3A_2279 = arith.cmpi ne, %rem3A_2277, %ne3A_2278 : i32
      %lt3A_2280 = arith.constant 0 : i32
      %lt3A_2281 = arith.cmpi slt, %rem3A_2277, %lt3A_2280 : i32
      %lt3A_2282 = arith.constant 0 : i32
      %lt3A_2283 = arith.cmpi slt, %select_n3A_2276, %lt3A_2282 : i32
      %ne3A_2284 = arith.xori %lt3A_2281, %lt3A_2283 : i1
      %and3A_2285 = arith.andi %ne3A_2284, %ne3A_2279 : i1
      %add3A_2286 = arith.addi %rem3A_2277, %select_n3A_2276 : i32
      %select_n3A_2287 = arith.select %and3A_2285, %add3A_2286, %rem3A_2277 : i32
      %add3A_2288 = arith.constant 8 : i32
      %add3A_2289 = arith.addi %mul3A_599, %add3A_2288 : i32
      %broadcast_in_dim3A_2290 = vector.broadcast %select_n3A_2269 : i32 to vector<16xi32>
      %broadcast_in_dim3A_2291 = vector.broadcast %select_n3A_2287 : i32 to vector<16xi32>
      %gather3A_2292 = tpu.vector_load_idx %arg9[%iota3A, %broadcast_in_dim3A_2290] : memref<32x128xf32, #tpu.memory_space<vmem>>[vector<16xi32>, vector<16xi32>], vector<16xf32>,
      %add3A_2293 = arith.constant 16 : i32
      %add3A_2294 = vector.broadcast %add3A_2293 : i32 to vector<16xi32>
      %add3A_2295 = arith.addi %iota3A, %add3A_2294 : vector<16xi32>
      %gather3A_2296 = tpu.vector_load_idx %arg9[%add3A_2295, %broadcast_in_dim3A_2290] : memref<32x128xf32, #tpu.memory_space<vmem>>[vector<16xi32>, vector<16xi32>], vector<16xf32>,
      %gather3A_2297 = tpu.vector_load_idx %arg17[%iota3A, %broadcast_in_dim3A_2291] : memref<32x128xf32, #tpu.memory_space<vmem>>[vector<16xi32>, vector<16xi32>], vector<16xf32>,
      %add3A_2298 = arith.constant 16 : i32
      %add3A_2299 = vector.broadcast %add3A_2298 : i32 to vector<16xi32>
      %add3A_2300 = arith.addi %iota3A, %add3A_2299 : vector<16xi32>
      %gather3A_2301 = tpu.vector_load_idx %arg17[%add3A_2300, %broadcast_in_dim3A_2291] : memref<32x128xf32, #tpu.memory_space<vmem>>[vector<16xi32>, vector<16xi32>], vector<16xf32>,
      %mul3A_2302 = arith.mulf %gather3A_2292, %gather3A_2297 : vector<16xf32>
      %mul3A_2303 = arith.mulf %gather3A_2296, %gather3A_2301 : vector<16xf32>
      %add3A_2304 = arith.addf %mul3A_2302, %mul3A_2303 : vector<16xf32>
      %broadcast_in_dim3A_2305 = vector.broadcast %add3A_2289 : i32 to vector<16xi32>
      tpu.vector_store_idx %arg25[%broadcast_in_dim3A_2305], %add3A_2304 {add = true} : memref<512xf32, #tpu.memory_space<vmem>>[vector<16xi32>], vector<16xf32>,
      %lt3A_2306 = arith.constant 31 : i32
      %lt3A_2307 = arith.cmpi slt, %scan3A_584, %lt3A_2306 : i32
      %convert_element_type3A = arith.extui %lt3A_2307 : i1 to i32
      %cond3A = arith.constant 0 : i32
      %cond3A_2308 = arith.cmpi ne, %convert_element_type3A, %cond3A : i32
      scf.if %cond3A_2308 {
        %slice3A_3226 = vector.extract_strided_slice %get3A_593 {offsets = [0], sizes = [1], strides = [1]} : vector<16xi32> to vector<1xi32>
        %squeeze3A_3227 = vector.extract %slice3A_3226[0] : i32 from vector<1xi32>
        %jit3A_3228 = arith.constant 128 : i32
        %div3A_3229 = arith.divsi %squeeze3A_3227, %jit3A_3228 : i32
        %sign3A_3230 = arith.constant 0 : i32
        %sign3A_3231 = arith.cmpi sgt, %squeeze3A_3227, %sign3A_3230 : i32
        %sign3A_3232 = arith.extui %sign3A_3231 : i1 to i32
        %sign3A_3233 = arith.constant 0 : i32
        %sign3A_3234 = arith.cmpi slt, %squeeze3A_3227, %sign3A_3233 : i32
        %sign3A_3235 = arith.extui %sign3A_3234 : i1 to i32
        %sign3A_3236 = arith.subi %sign3A_3232, %sign3A_3235 : i32
        %sign3A_3237 = arith.constant 0 : i32
        %sign3A_3238 = arith.cmpi sgt, %jit3A_3228, %sign3A_3237 : i32
        %sign3A_3239 = arith.extui %sign3A_3238 : i1 to i32
        %sign3A_3240 = arith.constant 0 : i32
        %sign3A_3241 = arith.cmpi slt, %jit3A_3228, %sign3A_3240 : i32
        %sign3A_3242 = arith.extui %sign3A_3241 : i1 to i32
        %sign3A_3243 = arith.subi %sign3A_3239, %sign3A_3242 : i32
        %ne3A_3244 = arith.cmpi ne, %sign3A_3236, %sign3A_3243 : i32
        %rem3A_3245 = arith.remsi %squeeze3A_3227, %jit3A_3228 : i32
        %ne3A_3246 = arith.constant 0 : i32
        %ne3A_3247 = arith.cmpi ne, %rem3A_3245, %ne3A_3246 : i32
        %and3A_3248 = arith.andi %ne3A_3244, %ne3A_3247 : i1
        %sub3A_3249 = arith.constant 1 : i32
        %sub3A_3250 = arith.subi %div3A_3229, %sub3A_3249 : i32
        %select_n3A_3251 = arith.select %and3A_3248, %sub3A_3250, %div3A_3229 : i32
        %mul3A_3252 = arith.constant 128 : i32
        %mul3A_3253 = arith.muli %select_n3A_3251, %mul3A_3252 : i32
        %slice3A_3254 = vector.extract_strided_slice %get3A_597 {offsets = [0], sizes = [1], strides = [1]} : vector<16xi32> to vector<1xi32>
        %squeeze3A_3255 = vector.extract %slice3A_3254[0] : i32 from vector<1xi32>
        %jit3A_3256 = arith.constant 128 : i32
        %div3A_3257 = arith.divsi %squeeze3A_3255, %jit3A_3256 : i32
        %sign3A_3258 = arith.constant 0 : i32
        %sign3A_3259 = arith.cmpi sgt, %squeeze3A_3255, %sign3A_3258 : i32
        %sign3A_3260 = arith.extui %sign3A_3259 : i1 to i32
        %sign3A_3261 = arith.constant 0 : i32
        %sign3A_3262 = arith.cmpi slt, %squeeze3A_3255, %sign3A_3261 : i32
        %sign3A_3263 = arith.extui %sign3A_3262 : i1 to i32
        %sign3A_3264 = arith.subi %sign3A_3260, %sign3A_3263 : i32
        %sign3A_3265 = arith.constant 0 : i32
        %sign3A_3266 = arith.cmpi sgt, %jit3A_3256, %sign3A_3265 : i32
        %sign3A_3267 = arith.extui %sign3A_3266 : i1 to i32
        %sign3A_3268 = arith.constant 0 : i32
        %sign3A_3269 = arith.cmpi slt, %jit3A_3256, %sign3A_3268 : i32
        %sign3A_3270 = arith.extui %sign3A_3269 : i1 to i32
        %sign3A_3271 = arith.subi %sign3A_3267, %sign3A_3270 : i32
        %ne3A_3272 = arith.cmpi ne, %sign3A_3264, %sign3A_3271 : i32
        %rem3A_3273 = arith.remsi %squeeze3A_3255, %jit3A_3256 : i32
        %ne3A_3274 = arith.constant 0 : i32
        %ne3A_3275 = arith.cmpi ne, %rem3A_3273, %ne3A_3274 : i32
        %and3A_3276 = arith.andi %ne3A_3272, %ne3A_3275 : i1
        %sub3A_3277 = arith.constant 1 : i32
        %sub3A_3278 = arith.subi %div3A_3257, %sub3A_3277 : i32
        %select_n3A_3279 = arith.select %and3A_3276, %sub3A_3278, %div3A_3257 : i32
        %mul3A_3280 = arith.constant 128 : i32
        %mul3A_3281 = arith.muli %select_n3A_3279, %mul3A_3280 : i32
        %dma_start3A_3282 = arith.constant 0 : i32
        %dma_start3A_3283 = arith.constant 0 : i32
        %dma_start3A_3284 = arith.constant 0 : i32
        %dma_start3A_3285 = tpu.memref_slice %arg4[%dma_start3A_3284, %mul3A_3253] : memref<32x1000000xf32, #tpu.memory_space<hbm>> -> memref<32x128xf32, #tpu.memory_space<hbm>>
        %dma_start3A_3286 = tpu.memref_slice %arg26[%dma_start3A_3282, %dma_start3A_3283] : memref<8x2x!tpu.dma_semaphore, #tpu.memory_space<semaphore_mem>> -> memref<1x1x!tpu.dma_semaphore, #tpu.memory_space<semaphore_mem>>
        %dma_start3A_3287 = tpu.memref_squeeze %dma_start3A_3286 : memref<1x1x!tpu.dma_semaphore, #tpu.memory_space<semaphore_mem>> -> memref<!tpu.dma_semaphore, #tpu.memory_space<semaphore_mem>>
        %dma_start3A_3288 = arith.constant 0 : i32
        %dma_start3A_3289 = tpu.memref_slice %arg4[%dma_start3A_3288, %mul3A_3253] : memref<32x1000000xf32, #tpu.memory_space<hbm>> -> memref<32x128xf32, #tpu.memory_space<hbm>>
        tpu.enqueue_dma source(%dma_start3A_3289 : memref<32x128xf32, #tpu.memory_space<hbm>>) target(%arg9 : memref<32x128xf32, #tpu.memory_space<vmem>>) target_semaphore(%dma_start3A_3287 : memref<!tpu.dma_semaphore, #tpu.memory_space<semaphore_mem>>)
        %dma_start3A_3290 = arith.constant 0 : i32
        %dma_start3A_3291 = arith.constant 1 : i32
        %dma_start3A_3292 = arith.constant 0 : i32
        %dma_start3A_3293 = tpu.memref_slice %arg5[%dma_start3A_3292, %mul3A_3281] : memref<32x1000000xf32, #tpu.memory_space<hbm>> -> memref<32x128xf32, #tpu.memory_space<hbm>>
        %dma_start3A_3294 = tpu.memref_slice %arg26[%dma_start3A_3290, %dma_start3A_3291] : memref<8x2x!tpu.dma_semaphore, #tpu.memory_space<semaphore_mem>> -> memref<1x1x!tpu.dma_semaphore, #tpu.memory_space<semaphore_mem>>
        %dma_start3A_3295 = tpu.memref_squeeze %dma_start3A_3294 : memref<1x1x!tpu.dma_semaphore, #tpu.memory_space<semaphore_mem>> -> memref<!tpu.dma_semaphore, #tpu.memory_space<semaphore_mem>>
        %dma_start3A_3296 = arith.constant 0 : i32
        %dma_start3A_3297 = tpu.memref_slice %arg5[%dma_start3A_3296, %mul3A_3281] : memref<32x1000000xf32, #tpu.memory_space<hbm>> -> memref<32x128xf32, #tpu.memory_space<hbm>>
        tpu.enqueue_dma source(%dma_start3A_3297 : memref<32x128xf32, #tpu.memory_space<hbm>>) target(%arg17 : memref<32x128xf32, #tpu.memory_space<vmem>>) target_semaphore(%dma_start3A_3295 : memref<!tpu.dma_semaphore, #tpu.memory_space<semaphore_mem>>)
      } else {
      }
      %slice3A_2309 = vector.extract_strided_slice %scan3A_585 {offsets = [9], sizes = [1], strides = [1]} : vector<16xi32> to vector<1xi32>
      %squeeze3A_2310 = vector.extract %slice3A_2309[0] : i32 from vector<1xi32>
      %jit3A_2311 = arith.constant 128 : i32
      %div3A_2312 = arith.divsi %squeeze3A_2310, %jit3A_2311 : i32
      %sign3A_2313 = arith.constant 0 : i32
      %sign3A_2314 = arith.cmpi sgt, %squeeze3A_2310, %sign3A_2313 : i32
      %sign3A_2315 = arith.extui %sign3A_2314 : i1 to i32
      %sign3A_2316 = arith.constant 0 : i32
      %sign3A_2317 = arith.cmpi slt, %squeeze3A_2310, %sign3A_2316 : i32
      %sign3A_2318 = arith.extui %sign3A_2317 : i1 to i32
      %sign3A_2319 = arith.subi %sign3A_2315, %sign3A_2318 : i32
      %sign3A_2320 = arith.constant 0 : i32
      %sign3A_2321 = arith.cmpi sgt, %jit3A_2311, %sign3A_2320 : i32
      %sign3A_2322 = arith.extui %sign3A_2321 : i1 to i32
      %sign3A_2323 = arith.constant 0 : i32
      %sign3A_2324 = arith.cmpi slt, %jit3A_2311, %sign3A_2323 : i32
      %sign3A_2325 = arith.extui %sign3A_2324 : i1 to i32
      %sign3A_2326 = arith.subi %sign3A_2322, %sign3A_2325 : i32
      %ne3A_2327 = arith.cmpi ne, %sign3A_2319, %sign3A_2326 : i32
      %rem3A_2328 = arith.remsi %squeeze3A_2310, %jit3A_2311 : i32
      %ne3A_2329 = arith.constant 0 : i32
      %ne3A_2330 = arith.cmpi ne, %rem3A_2328, %ne3A_2329 : i32
      %and3A_2331 = arith.andi %ne3A_2327, %ne3A_2330 : i1
      %sub3A_2332 = arith.constant 1 : i32
      %sub3A_2333 = arith.subi %div3A_2312, %sub3A_2332 : i32
      %select_n3A_2334 = arith.select %and3A_2331, %sub3A_2333, %div3A_2312 : i32
      %mul3A_2335 = arith.constant 128 : i32
      %mul3A_2336 = arith.muli %select_n3A_2334, %mul3A_2335 : i32
      %slice3A_2337 = vector.extract_strided_slice %scan3A_586 {offsets = [9], sizes = [1], strides = [1]} : vector<16xi32> to vector<1xi32>
      %squeeze3A_2338 = vector.extract %slice3A_2337[0] : i32 from vector<1xi32>
      %jit3A_2339 = arith.constant 128 : i32
      %div3A_2340 = arith.divsi %squeeze3A_2338, %jit3A_2339 : i32
      %sign3A_2341 = arith.constant 0 : i32
      %sign3A_2342 = arith.cmpi sgt, %squeeze3A_2338, %sign3A_2341 : i32
      %sign3A_2343 = arith.extui %sign3A_2342 : i1 to i32
      %sign3A_2344 = arith.constant 0 : i32
      %sign3A_2345 = arith.cmpi slt, %squeeze3A_2338, %sign3A_2344 : i32
      %sign3A_2346 = arith.extui %sign3A_2345 : i1 to i32
      %sign3A_2347 = arith.subi %sign3A_2343, %sign3A_2346 : i32
      %sign3A_2348 = arith.constant 0 : i32
      %sign3A_2349 = arith.cmpi sgt, %jit3A_2339, %sign3A_2348 : i32
      %sign3A_2350 = arith.extui %sign3A_2349 : i1 to i32
      %sign3A_2351 = arith.constant 0 : i32
      %sign3A_2352 = arith.cmpi slt, %jit3A_2339, %sign3A_2351 : i32
      %sign3A_2353 = arith.extui %sign3A_2352 : i1 to i32
      %sign3A_2354 = arith.subi %sign3A_2350, %sign3A_2353 : i32
      %ne3A_2355 = arith.cmpi ne, %sign3A_2347, %sign3A_2354 : i32
      %rem3A_2356 = arith.remsi %squeeze3A_2338, %jit3A_2339 : i32
      %ne3A_2357 = arith.constant 0 : i32
      %ne3A_2358 = arith.cmpi ne, %rem3A_2356, %ne3A_2357 : i32
      %and3A_2359 = arith.andi %ne3A_2355, %ne3A_2358 : i1
      %sub3A_2360 = arith.constant 1 : i32
      %sub3A_2361 = arith.subi %div3A_2340, %sub3A_2360 : i32
      %select_n3A_2362 = arith.select %and3A_2359, %sub3A_2361, %div3A_2340 : i32
      %mul3A_2363 = arith.constant 128 : i32
      %mul3A_2364 = arith.muli %select_n3A_2362, %mul3A_2363 : i32
      %dma_wait3A_2365 = arith.constant 1 : i32
      %dma_wait3A_2366 = arith.constant 0 : i32
      %dma_wait3A_2367 = arith.constant 0 : i32
      %dma_wait3A_2368 = tpu.memref_slice %arg4[%dma_wait3A_2367, %mul3A_2336] : memref<32x1000000xf32, #tpu.memory_space<hbm>> -> memref<32x128xf32, #tpu.memory_space<hbm>>
      %dma_wait3A_2369 = tpu.memref_slice %arg26[%dma_wait3A_2365, %dma_wait3A_2366] : memref<8x2x!tpu.dma_semaphore, #tpu.memory_space<semaphore_mem>> -> memref<1x1x!tpu.dma_semaphore, #tpu.memory_space<semaphore_mem>>
      %dma_wait3A_2370 = tpu.memref_squeeze %dma_wait3A_2369 : memref<1x1x!tpu.dma_semaphore, #tpu.memory_space<semaphore_mem>> -> memref<!tpu.dma_semaphore, #tpu.memory_space<semaphore_mem>>
      %dma_wait3A_2371 = arith.constant 0 : i32
      %dma_wait3A_2372 = tpu.memref_slice %arg4[%dma_wait3A_2371, %mul3A_2336] : memref<32x1000000xf32, #tpu.memory_space<hbm>> -> memref<32x128xf32, #tpu.memory_space<hbm>>
      tpu.wait_dma2 semaphore(%dma_wait3A_2370 : memref<!tpu.dma_semaphore, #tpu.memory_space<semaphore_mem>>) src(%dma_wait3A_2372 : memref<32x128xf32, #tpu.memory_space<hbm>>) dst(%arg10 : memref<32x128xf32, #tpu.memory_space<vmem>>)
      %dma_wait3A_2373 = arith.constant 1 : i32
      %dma_wait3A_2374 = arith.constant 1 : i32
      %dma_wait3A_2375 = arith.constant 0 : i32
      %dma_wait3A_2376 = tpu.memref_slice %arg5[%dma_wait3A_2375, %mul3A_2364] : memref<32x1000000xf32, #tpu.memory_space<hbm>> -> memref<32x128xf32, #tpu.memory_space<hbm>>
      %dma_wait3A_2377 = tpu.memref_slice %arg26[%dma_wait3A_2373, %dma_wait3A_2374] : memref<8x2x!tpu.dma_semaphore, #tpu.memory_space<semaphore_mem>> -> memref<1x1x!tpu.dma_semaphore, #tpu.memory_space<semaphore_mem>>
      %dma_wait3A_2378 = tpu.memref_squeeze %dma_wait3A_2377 : memref<1x1x!tpu.dma_semaphore, #tpu.memory_space<semaphore_mem>> -> memref<!tpu.dma_semaphore, #tpu.memory_space<semaphore_mem>>
      %dma_wait3A_2379 = arith.constant 0 : i32
      %dma_wait3A_2380 = tpu.memref_slice %arg5[%dma_wait3A_2379, %mul3A_2364] : memref<32x1000000xf32, #tpu.memory_space<hbm>> -> memref<32x128xf32, #tpu.memory_space<hbm>>
      tpu.wait_dma2 semaphore(%dma_wait3A_2378 : memref<!tpu.dma_semaphore, #tpu.memory_space<semaphore_mem>>) src(%dma_wait3A_2380 : memref<32x128xf32, #tpu.memory_space<hbm>>) dst(%arg18 : memref<32x128xf32, #tpu.memory_space<vmem>>)
      %slice3A_2381 = vector.extract_strided_slice %scan3A_585 {offsets = [9], sizes = [1], strides = [1]} : vector<16xi32> to vector<1xi32>
      %squeeze3A_2382 = vector.extract %slice3A_2381[0] : i32 from vector<1xi32>
      %jit3A_2383 = arith.constant 128 : i32
      %eq3A_2384 = arith.constant 0 : i32
      %eq3A_2385 = arith.cmpi eq, %jit3A_2383, %eq3A_2384 : i32
      %jit3A_2386 = arith.constant 1 : i32
      %select_n3A_2387 = arith.select %eq3A_2385, %jit3A_2386, %jit3A_2383 : i32
      %rem3A_2388 = arith.remsi %squeeze3A_2382, %select_n3A_2387 : i32
      %ne3A_2389 = arith.constant 0 : i32
      %ne3A_2390 = arith.cmpi ne, %rem3A_2388, %ne3A_2389 : i32
      %lt3A_2391 = arith.constant 0 : i32
      %lt3A_2392 = arith.cmpi slt, %rem3A_2388, %lt3A_2391 : i32
      %lt3A_2393 = arith.constant 0 : i32
      %lt3A_2394 = arith.cmpi slt, %select_n3A_2387, %lt3A_2393 : i32
      %ne3A_2395 = arith.xori %lt3A_2392, %lt3A_2394 : i1
      %and3A_2396 = arith.andi %ne3A_2395, %ne3A_2390 : i1
      %add3A_2397 = arith.addi %rem3A_2388, %select_n3A_2387 : i32
      %select_n3A_2398 = arith.select %and3A_2396, %add3A_2397, %rem3A_2388 : i32
      %slice3A_2399 = vector.extract_strided_slice %scan3A_586 {offsets = [9], sizes = [1], strides = [1]} : vector<16xi32> to vector<1xi32>
      %squeeze3A_2400 = vector.extract %slice3A_2399[0] : i32 from vector<1xi32>
      %jit3A_2401 = arith.constant 128 : i32
      %eq3A_2402 = arith.constant 0 : i32
      %eq3A_2403 = arith.cmpi eq, %jit3A_2401, %eq3A_2402 : i32
      %jit3A_2404 = arith.constant 1 : i32
      %select_n3A_2405 = arith.select %eq3A_2403, %jit3A_2404, %jit3A_2401 : i32
      %rem3A_2406 = arith.remsi %squeeze3A_2400, %select_n3A_2405 : i32
      %ne3A_2407 = arith.constant 0 : i32
      %ne3A_2408 = arith.cmpi ne, %rem3A_2406, %ne3A_2407 : i32
      %lt3A_2409 = arith.constant 0 : i32
      %lt3A_2410 = arith.cmpi slt, %rem3A_2406, %lt3A_2409 : i32
      %lt3A_2411 = arith.constant 0 : i32
      %lt3A_2412 = arith.cmpi slt, %select_n3A_2405, %lt3A_2411 : i32
      %ne3A_2413 = arith.xori %lt3A_2410, %lt3A_2412 : i1
      %and3A_2414 = arith.andi %ne3A_2413, %ne3A_2408 : i1
      %add3A_2415 = arith.addi %rem3A_2406, %select_n3A_2405 : i32
      %select_n3A_2416 = arith.select %and3A_2414, %add3A_2415, %rem3A_2406 : i32
      %add3A_2417 = arith.constant 9 : i32
      %add3A_2418 = arith.addi %mul3A_599, %add3A_2417 : i32
      %broadcast_in_dim3A_2419 = vector.broadcast %select_n3A_2398 : i32 to vector<16xi32>
      %broadcast_in_dim3A_2420 = vector.broadcast %select_n3A_2416 : i32 to vector<16xi32>
      %gather3A_2421 = tpu.vector_load_idx %arg10[%iota3A, %broadcast_in_dim3A_2419] : memref<32x128xf32, #tpu.memory_space<vmem>>[vector<16xi32>, vector<16xi32>], vector<16xf32>,
      %add3A_2422 = arith.constant 16 : i32
      %add3A_2423 = vector.broadcast %add3A_2422 : i32 to vector<16xi32>
      %add3A_2424 = arith.addi %iota3A, %add3A_2423 : vector<16xi32>
      %gather3A_2425 = tpu.vector_load_idx %arg10[%add3A_2424, %broadcast_in_dim3A_2419] : memref<32x128xf32, #tpu.memory_space<vmem>>[vector<16xi32>, vector<16xi32>], vector<16xf32>,
      %gather3A_2426 = tpu.vector_load_idx %arg18[%iota3A, %broadcast_in_dim3A_2420] : memref<32x128xf32, #tpu.memory_space<vmem>>[vector<16xi32>, vector<16xi32>], vector<16xf32>,
      %add3A_2427 = arith.constant 16 : i32
      %add3A_2428 = vector.broadcast %add3A_2427 : i32 to vector<16xi32>
      %add3A_2429 = arith.addi %iota3A, %add3A_2428 : vector<16xi32>
      %gather3A_2430 = tpu.vector_load_idx %arg18[%add3A_2429, %broadcast_in_dim3A_2420] : memref<32x128xf32, #tpu.memory_space<vmem>>[vector<16xi32>, vector<16xi32>], vector<16xf32>,
      %mul3A_2431 = arith.mulf %gather3A_2421, %gather3A_2426 : vector<16xf32>
      %mul3A_2432 = arith.mulf %gather3A_2425, %gather3A_2430 : vector<16xf32>
      %add3A_2433 = arith.addf %mul3A_2431, %mul3A_2432 : vector<16xf32>
      %broadcast_in_dim3A_2434 = vector.broadcast %add3A_2418 : i32 to vector<16xi32>
      tpu.vector_store_idx %arg25[%broadcast_in_dim3A_2434], %add3A_2433 {add = true} : memref<512xf32, #tpu.memory_space<vmem>>[vector<16xi32>], vector<16xf32>,
      %lt3A_2435 = arith.constant 31 : i32
      %lt3A_2436 = arith.cmpi slt, %scan3A_584, %lt3A_2435 : i32
      %convert_element_type3A_2437 = arith.extui %lt3A_2436 : i1 to i32
      %cond3A_2438 = arith.constant 0 : i32
      %cond3A_2439 = arith.cmpi ne, %convert_element_type3A_2437, %cond3A_2438 : i32
      scf.if %cond3A_2439 {
        %slice3A_3226 = vector.extract_strided_slice %get3A_593 {offsets = [1], sizes = [1], strides = [1]} : vector<16xi32> to vector<1xi32>
        %squeeze3A_3227 = vector.extract %slice3A_3226[0] : i32 from vector<1xi32>
        %jit3A_3228 = arith.constant 128 : i32
        %div3A_3229 = arith.divsi %squeeze3A_3227, %jit3A_3228 : i32
        %sign3A_3230 = arith.constant 0 : i32
        %sign3A_3231 = arith.cmpi sgt, %squeeze3A_3227, %sign3A_3230 : i32
        %sign3A_3232 = arith.extui %sign3A_3231 : i1 to i32
        %sign3A_3233 = arith.constant 0 : i32
        %sign3A_3234 = arith.cmpi slt, %squeeze3A_3227, %sign3A_3233 : i32
        %sign3A_3235 = arith.extui %sign3A_3234 : i1 to i32
        %sign3A_3236 = arith.subi %sign3A_3232, %sign3A_3235 : i32
        %sign3A_3237 = arith.constant 0 : i32
        %sign3A_3238 = arith.cmpi sgt, %jit3A_3228, %sign3A_3237 : i32
        %sign3A_3239 = arith.extui %sign3A_3238 : i1 to i32
        %sign3A_3240 = arith.constant 0 : i32
        %sign3A_3241 = arith.cmpi slt, %jit3A_3228, %sign3A_3240 : i32
        %sign3A_3242 = arith.extui %sign3A_3241 : i1 to i32
        %sign3A_3243 = arith.subi %sign3A_3239, %sign3A_3242 : i32
        %ne3A_3244 = arith.cmpi ne, %sign3A_3236, %sign3A_3243 : i32
        %rem3A_3245 = arith.remsi %squeeze3A_3227, %jit3A_3228 : i32
        %ne3A_3246 = arith.constant 0 : i32
        %ne3A_3247 = arith.cmpi ne, %rem3A_3245, %ne3A_3246 : i32
        %and3A_3248 = arith.andi %ne3A_3244, %ne3A_3247 : i1
        %sub3A_3249 = arith.constant 1 : i32
        %sub3A_3250 = arith.subi %div3A_3229, %sub3A_3249 : i32
        %select_n3A_3251 = arith.select %and3A_3248, %sub3A_3250, %div3A_3229 : i32
        %mul3A_3252 = arith.constant 128 : i32
        %mul3A_3253 = arith.muli %select_n3A_3251, %mul3A_3252 : i32
        %slice3A_3254 = vector.extract_strided_slice %get3A_597 {offsets = [1], sizes = [1], strides = [1]} : vector<16xi32> to vector<1xi32>
        %squeeze3A_3255 = vector.extract %slice3A_3254[0] : i32 from vector<1xi32>
        %jit3A_3256 = arith.constant 128 : i32
        %div3A_3257 = arith.divsi %squeeze3A_3255, %jit3A_3256 : i32
        %sign3A_3258 = arith.constant 0 : i32
        %sign3A_3259 = arith.cmpi sgt, %squeeze3A_3255, %sign3A_3258 : i32
        %sign3A_3260 = arith.extui %sign3A_3259 : i1 to i32
        %sign3A_3261 = arith.constant 0 : i32
        %sign3A_3262 = arith.cmpi slt, %squeeze3A_3255, %sign3A_3261 : i32
        %sign3A_3263 = arith.extui %sign3A_3262 : i1 to i32
        %sign3A_3264 = arith.subi %sign3A_3260, %sign3A_3263 : i32
        %sign3A_3265 = arith.constant 0 : i32
        %sign3A_3266 = arith.cmpi sgt, %jit3A_3256, %sign3A_3265 : i32
        %sign3A_3267 = arith.extui %sign3A_3266 : i1 to i32
        %sign3A_3268 = arith.constant 0 : i32
        %sign3A_3269 = arith.cmpi slt, %jit3A_3256, %sign3A_3268 : i32
        %sign3A_3270 = arith.extui %sign3A_3269 : i1 to i32
        %sign3A_3271 = arith.subi %sign3A_3267, %sign3A_3270 : i32
        %ne3A_3272 = arith.cmpi ne, %sign3A_3264, %sign3A_3271 : i32
        %rem3A_3273 = arith.remsi %squeeze3A_3255, %jit3A_3256 : i32
        %ne3A_3274 = arith.constant 0 : i32
        %ne3A_3275 = arith.cmpi ne, %rem3A_3273, %ne3A_3274 : i32
        %and3A_3276 = arith.andi %ne3A_3272, %ne3A_3275 : i1
        %sub3A_3277 = arith.constant 1 : i32
        %sub3A_3278 = arith.subi %div3A_3257, %sub3A_3277 : i32
        %select_n3A_3279 = arith.select %and3A_3276, %sub3A_3278, %div3A_3257 : i32
        %mul3A_3280 = arith.constant 128 : i32
        %mul3A_3281 = arith.muli %select_n3A_3279, %mul3A_3280 : i32
        %dma_start3A_3282 = arith.constant 1 : i32
        %dma_start3A_3283 = arith.constant 0 : i32
        %dma_start3A_3284 = arith.constant 0 : i32
        %dma_start3A_3285 = tpu.memref_slice %arg4[%dma_start3A_3284, %mul3A_3253] : memref<32x1000000xf32, #tpu.memory_space<hbm>> -> memref<32x128xf32, #tpu.memory_space<hbm>>
        %dma_start3A_3286 = tpu.memref_slice %arg26[%dma_start3A_3282, %dma_start3A_3283] : memref<8x2x!tpu.dma_semaphore, #tpu.memory_space<semaphore_mem>> -> memref<1x1x!tpu.dma_semaphore, #tpu.memory_space<semaphore_mem>>
        %dma_start3A_3287 = tpu.memref_squeeze %dma_start3A_3286 : memref<1x1x!tpu.dma_semaphore, #tpu.memory_space<semaphore_mem>> -> memref<!tpu.dma_semaphore, #tpu.memory_space<semaphore_mem>>
        %dma_start3A_3288 = arith.constant 0 : i32
        %dma_start3A_3289 = tpu.memref_slice %arg4[%dma_start3A_3288, %mul3A_3253] : memref<32x1000000xf32, #tpu.memory_space<hbm>> -> memref<32x128xf32, #tpu.memory_space<hbm>>
        tpu.enqueue_dma source(%dma_start3A_3289 : memref<32x128xf32, #tpu.memory_space<hbm>>) target(%arg10 : memref<32x128xf32, #tpu.memory_space<vmem>>) target_semaphore(%dma_start3A_3287 : memref<!tpu.dma_semaphore, #tpu.memory_space<semaphore_mem>>)
        %dma_start3A_3290 = arith.constant 1 : i32
        %dma_start3A_3291 = arith.constant 1 : i32
        %dma_start3A_3292 = arith.constant 0 : i32
        %dma_start3A_3293 = tpu.memref_slice %arg5[%dma_start3A_3292, %mul3A_3281] : memref<32x1000000xf32, #tpu.memory_space<hbm>> -> memref<32x128xf32, #tpu.memory_space<hbm>>
        %dma_start3A_3294 = tpu.memref_slice %arg26[%dma_start3A_3290, %dma_start3A_3291] : memref<8x2x!tpu.dma_semaphore, #tpu.memory_space<semaphore_mem>> -> memref<1x1x!tpu.dma_semaphore, #tpu.memory_space<semaphore_mem>>
        %dma_start3A_3295 = tpu.memref_squeeze %dma_start3A_3294 : memref<1x1x!tpu.dma_semaphore, #tpu.memory_space<semaphore_mem>> -> memref<!tpu.dma_semaphore, #tpu.memory_space<semaphore_mem>>
        %dma_start3A_3296 = arith.constant 0 : i32
        %dma_start3A_3297 = tpu.memref_slice %arg5[%dma_start3A_3296, %mul3A_3281] : memref<32x1000000xf32, #tpu.memory_space<hbm>> -> memref<32x128xf32, #tpu.memory_space<hbm>>
        tpu.enqueue_dma source(%dma_start3A_3297 : memref<32x128xf32, #tpu.memory_space<hbm>>) target(%arg18 : memref<32x128xf32, #tpu.memory_space<vmem>>) target_semaphore(%dma_start3A_3295 : memref<!tpu.dma_semaphore, #tpu.memory_space<semaphore_mem>>)
      } else {
      }
      %slice3A_2440 = vector.extract_strided_slice %scan3A_585 {offsets = [10], sizes = [1], strides = [1]} : vector<16xi32> to vector<1xi32>
      %squeeze3A_2441 = vector.extract %slice3A_2440[0] : i32 from vector<1xi32>
      %jit3A_2442 = arith.constant 128 : i32
      %div3A_2443 = arith.divsi %squeeze3A_2441, %jit3A_2442 : i32
      %sign3A_2444 = arith.constant 0 : i32
      %sign3A_2445 = arith.cmpi sgt, %squeeze3A_2441, %sign3A_2444 : i32
      %sign3A_2446 = arith.extui %sign3A_2445 : i1 to i32
      %sign3A_2447 = arith.constant 0 : i32
      %sign3A_2448 = arith.cmpi slt, %squeeze3A_2441, %sign3A_2447 : i32
      %sign3A_2449 = arith.extui %sign3A_2448 : i1 to i32
      %sign3A_2450 = arith.subi %sign3A_2446, %sign3A_2449 : i32
      %sign3A_2451 = arith.constant 0 : i32
      %sign3A_2452 = arith.cmpi sgt, %jit3A_2442, %sign3A_2451 : i32
      %sign3A_2453 = arith.extui %sign3A_2452 : i1 to i32
      %sign3A_2454 = arith.constant 0 : i32
      %sign3A_2455 = arith.cmpi slt, %jit3A_2442, %sign3A_2454 : i32
      %sign3A_2456 = arith.extui %sign3A_2455 : i1 to i32
      %sign3A_2457 = arith.subi %sign3A_2453, %sign3A_2456 : i32
      %ne3A_2458 = arith.cmpi ne, %sign3A_2450, %sign3A_2457 : i32
      %rem3A_2459 = arith.remsi %squeeze3A_2441, %jit3A_2442 : i32
      %ne3A_2460 = arith.constant 0 : i32
      %ne3A_2461 = arith.cmpi ne, %rem3A_2459, %ne3A_2460 : i32
      %and3A_2462 = arith.andi %ne3A_2458, %ne3A_2461 : i1
      %sub3A_2463 = arith.constant 1 : i32
      %sub3A_2464 = arith.subi %div3A_2443, %sub3A_2463 : i32
      %select_n3A_2465 = arith.select %and3A_2462, %sub3A_2464, %div3A_2443 : i32
      %mul3A_2466 = arith.constant 128 : i32
      %mul3A_2467 = arith.muli %select_n3A_2465, %mul3A_2466 : i32
      %slice3A_2468 = vector.extract_strided_slice %scan3A_586 {offsets = [10], sizes = [1], strides = [1]} : vector<16xi32> to vector<1xi32>
      %squeeze3A_2469 = vector.extract %slice3A_2468[0] : i32 from vector<1xi32>
      %jit3A_2470 = arith.constant 128 : i32
      %div3A_2471 = arith.divsi %squeeze3A_2469, %jit3A_2470 : i32
      %sign3A_2472 = arith.constant 0 : i32
      %sign3A_2473 = arith.cmpi sgt, %squeeze3A_2469, %sign3A_2472 : i32
      %sign3A_2474 = arith.extui %sign3A_2473 : i1 to i32
      %sign3A_2475 = arith.constant 0 : i32
      %sign3A_2476 = arith.cmpi slt, %squeeze3A_2469, %sign3A_2475 : i32
      %sign3A_2477 = arith.extui %sign3A_2476 : i1 to i32
      %sign3A_2478 = arith.subi %sign3A_2474, %sign3A_2477 : i32
      %sign3A_2479 = arith.constant 0 : i32
      %sign3A_2480 = arith.cmpi sgt, %jit3A_2470, %sign3A_2479 : i32
      %sign3A_2481 = arith.extui %sign3A_2480 : i1 to i32
      %sign3A_2482 = arith.constant 0 : i32
      %sign3A_2483 = arith.cmpi slt, %jit3A_2470, %sign3A_2482 : i32
      %sign3A_2484 = arith.extui %sign3A_2483 : i1 to i32
      %sign3A_2485 = arith.subi %sign3A_2481, %sign3A_2484 : i32
      %ne3A_2486 = arith.cmpi ne, %sign3A_2478, %sign3A_2485 : i32
      %rem3A_2487 = arith.remsi %squeeze3A_2469, %jit3A_2470 : i32
      %ne3A_2488 = arith.constant 0 : i32
      %ne3A_2489 = arith.cmpi ne, %rem3A_2487, %ne3A_2488 : i32
      %and3A_2490 = arith.andi %ne3A_2486, %ne3A_2489 : i1
      %sub3A_2491 = arith.constant 1 : i32
      %sub3A_2492 = arith.subi %div3A_2471, %sub3A_2491 : i32
      %select_n3A_2493 = arith.select %and3A_2490, %sub3A_2492, %div3A_2471 : i32
      %mul3A_2494 = arith.constant 128 : i32
      %mul3A_2495 = arith.muli %select_n3A_2493, %mul3A_2494 : i32
      %dma_wait3A_2496 = arith.constant 2 : i32
      %dma_wait3A_2497 = arith.constant 0 : i32
      %dma_wait3A_2498 = arith.constant 0 : i32
      %dma_wait3A_2499 = tpu.memref_slice %arg4[%dma_wait3A_2498, %mul3A_2467] : memref<32x1000000xf32, #tpu.memory_space<hbm>> -> memref<32x128xf32, #tpu.memory_space<hbm>>
      %dma_wait3A_2500 = tpu.memref_slice %arg26[%dma_wait3A_2496, %dma_wait3A_2497] : memref<8x2x!tpu.dma_semaphore, #tpu.memory_space<semaphore_mem>> -> memref<1x1x!tpu.dma_semaphore, #tpu.memory_space<semaphore_mem>>
      %dma_wait3A_2501 = tpu.memref_squeeze %dma_wait3A_2500 : memref<1x1x!tpu.dma_semaphore, #tpu.memory_space<semaphore_mem>> -> memref<!tpu.dma_semaphore, #tpu.memory_space<semaphore_mem>>
      %dma_wait3A_2502 = arith.constant 0 : i32
      %dma_wait3A_2503 = tpu.memref_slice %arg4[%dma_wait3A_2502, %mul3A_2467] : memref<32x1000000xf32, #tpu.memory_space<hbm>> -> memref<32x128xf32, #tpu.memory_space<hbm>>
      tpu.wait_dma2 semaphore(%dma_wait3A_2501 : memref<!tpu.dma_semaphore, #tpu.memory_space<semaphore_mem>>) src(%dma_wait3A_2503 : memref<32x128xf32, #tpu.memory_space<hbm>>) dst(%arg11 : memref<32x128xf32, #tpu.memory_space<vmem>>)
      %dma_wait3A_2504 = arith.constant 2 : i32
      %dma_wait3A_2505 = arith.constant 1 : i32
      %dma_wait3A_2506 = arith.constant 0 : i32
      %dma_wait3A_2507 = tpu.memref_slice %arg5[%dma_wait3A_2506, %mul3A_2495] : memref<32x1000000xf32, #tpu.memory_space<hbm>> -> memref<32x128xf32, #tpu.memory_space<hbm>>
      %dma_wait3A_2508 = tpu.memref_slice %arg26[%dma_wait3A_2504, %dma_wait3A_2505] : memref<8x2x!tpu.dma_semaphore, #tpu.memory_space<semaphore_mem>> -> memref<1x1x!tpu.dma_semaphore, #tpu.memory_space<semaphore_mem>>
      %dma_wait3A_2509 = tpu.memref_squeeze %dma_wait3A_2508 : memref<1x1x!tpu.dma_semaphore, #tpu.memory_space<semaphore_mem>> -> memref<!tpu.dma_semaphore, #tpu.memory_space<semaphore_mem>>
      %dma_wait3A_2510 = arith.constant 0 : i32
      %dma_wait3A_2511 = tpu.memref_slice %arg5[%dma_wait3A_2510, %mul3A_2495] : memref<32x1000000xf32, #tpu.memory_space<hbm>> -> memref<32x128xf32, #tpu.memory_space<hbm>>
      tpu.wait_dma2 semaphore(%dma_wait3A_2509 : memref<!tpu.dma_semaphore, #tpu.memory_space<semaphore_mem>>) src(%dma_wait3A_2511 : memref<32x128xf32, #tpu.memory_space<hbm>>) dst(%arg19 : memref<32x128xf32, #tpu.memory_space<vmem>>)
      %slice3A_2512 = vector.extract_strided_slice %scan3A_585 {offsets = [10], sizes = [1], strides = [1]} : vector<16xi32> to vector<1xi32>
      %squeeze3A_2513 = vector.extract %slice3A_2512[0] : i32 from vector<1xi32>
      %jit3A_2514 = arith.constant 128 : i32
      %eq3A_2515 = arith.constant 0 : i32
      %eq3A_2516 = arith.cmpi eq, %jit3A_2514, %eq3A_2515 : i32
      %jit3A_2517 = arith.constant 1 : i32
      %select_n3A_2518 = arith.select %eq3A_2516, %jit3A_2517, %jit3A_2514 : i32
      %rem3A_2519 = arith.remsi %squeeze3A_2513, %select_n3A_2518 : i32
      %ne3A_2520 = arith.constant 0 : i32
      %ne3A_2521 = arith.cmpi ne, %rem3A_2519, %ne3A_2520 : i32
      %lt3A_2522 = arith.constant 0 : i32
      %lt3A_2523 = arith.cmpi slt, %rem3A_2519, %lt3A_2522 : i32
      %lt3A_2524 = arith.constant 0 : i32
      %lt3A_2525 = arith.cmpi slt, %select_n3A_2518, %lt3A_2524 : i32
      %ne3A_2526 = arith.xori %lt3A_2523, %lt3A_2525 : i1
      %and3A_2527 = arith.andi %ne3A_2526, %ne3A_2521 : i1
      %add3A_2528 = arith.addi %rem3A_2519, %select_n3A_2518 : i32
      %select_n3A_2529 = arith.select %and3A_2527, %add3A_2528, %rem3A_2519 : i32
      %slice3A_2530 = vector.extract_strided_slice %scan3A_586 {offsets = [10], sizes = [1], strides = [1]} : vector<16xi32> to vector<1xi32>
      %squeeze3A_2531 = vector.extract %slice3A_2530[0] : i32 from vector<1xi32>
      %jit3A_2532 = arith.constant 128 : i32
      %eq3A_2533 = arith.constant 0 : i32
      %eq3A_2534 = arith.cmpi eq, %jit3A_2532, %eq3A_2533 : i32
      %jit3A_2535 = arith.constant 1 : i32
      %select_n3A_2536 = arith.select %eq3A_2534, %jit3A_2535, %jit3A_2532 : i32
      %rem3A_2537 = arith.remsi %squeeze3A_2531, %select_n3A_2536 : i32
      %ne3A_2538 = arith.constant 0 : i32
      %ne3A_2539 = arith.cmpi ne, %rem3A_2537, %ne3A_2538 : i32
      %lt3A_2540 = arith.constant 0 : i32
      %lt3A_2541 = arith.cmpi slt, %rem3A_2537, %lt3A_2540 : i32
      %lt3A_2542 = arith.constant 0 : i32
      %lt3A_2543 = arith.cmpi slt, %select_n3A_2536, %lt3A_2542 : i32
      %ne3A_2544 = arith.xori %lt3A_2541, %lt3A_2543 : i1
      %and3A_2545 = arith.andi %ne3A_2544, %ne3A_2539 : i1
      %add3A_2546 = arith.addi %rem3A_2537, %select_n3A_2536 : i32
      %select_n3A_2547 = arith.select %and3A_2545, %add3A_2546, %rem3A_2537 : i32
      %add3A_2548 = arith.constant 10 : i32
      %add3A_2549 = arith.addi %mul3A_599, %add3A_2548 : i32
      %broadcast_in_dim3A_2550 = vector.broadcast %select_n3A_2529 : i32 to vector<16xi32>
      %broadcast_in_dim3A_2551 = vector.broadcast %select_n3A_2547 : i32 to vector<16xi32>
      %gather3A_2552 = tpu.vector_load_idx %arg11[%iota3A, %broadcast_in_dim3A_2550] : memref<32x128xf32, #tpu.memory_space<vmem>>[vector<16xi32>, vector<16xi32>], vector<16xf32>,
      %add3A_2553 = arith.constant 16 : i32
      %add3A_2554 = vector.broadcast %add3A_2553 : i32 to vector<16xi32>
      %add3A_2555 = arith.addi %iota3A, %add3A_2554 : vector<16xi32>
      %gather3A_2556 = tpu.vector_load_idx %arg11[%add3A_2555, %broadcast_in_dim3A_2550] : memref<32x128xf32, #tpu.memory_space<vmem>>[vector<16xi32>, vector<16xi32>], vector<16xf32>,
      %gather3A_2557 = tpu.vector_load_idx %arg19[%iota3A, %broadcast_in_dim3A_2551] : memref<32x128xf32, #tpu.memory_space<vmem>>[vector<16xi32>, vector<16xi32>], vector<16xf32>,
      %add3A_2558 = arith.constant 16 : i32
      %add3A_2559 = vector.broadcast %add3A_2558 : i32 to vector<16xi32>
      %add3A_2560 = arith.addi %iota3A, %add3A_2559 : vector<16xi32>
      %gather3A_2561 = tpu.vector_load_idx %arg19[%add3A_2560, %broadcast_in_dim3A_2551] : memref<32x128xf32, #tpu.memory_space<vmem>>[vector<16xi32>, vector<16xi32>], vector<16xf32>,
      %mul3A_2562 = arith.mulf %gather3A_2552, %gather3A_2557 : vector<16xf32>
      %mul3A_2563 = arith.mulf %gather3A_2556, %gather3A_2561 : vector<16xf32>
      %add3A_2564 = arith.addf %mul3A_2562, %mul3A_2563 : vector<16xf32>
      %broadcast_in_dim3A_2565 = vector.broadcast %add3A_2549 : i32 to vector<16xi32>
      tpu.vector_store_idx %arg25[%broadcast_in_dim3A_2565], %add3A_2564 {add = true} : memref<512xf32, #tpu.memory_space<vmem>>[vector<16xi32>], vector<16xf32>,
      %lt3A_2566 = arith.constant 31 : i32
      %lt3A_2567 = arith.cmpi slt, %scan3A_584, %lt3A_2566 : i32
      %convert_element_type3A_2568 = arith.extui %lt3A_2567 : i1 to i32
      %cond3A_2569 = arith.constant 0 : i32
      %cond3A_2570 = arith.cmpi ne, %convert_element_type3A_2568, %cond3A_2569 : i32
      scf.if %cond3A_2570 {
        %slice3A_3226 = vector.extract_strided_slice %get3A_593 {offsets = [2], sizes = [1], strides = [1]} : vector<16xi32> to vector<1xi32>
        %squeeze3A_3227 = vector.extract %slice3A_3226[0] : i32 from vector<1xi32>
        %jit3A_3228 = arith.constant 128 : i32
        %div3A_3229 = arith.divsi %squeeze3A_3227, %jit3A_3228 : i32
        %sign3A_3230 = arith.constant 0 : i32
        %sign3A_3231 = arith.cmpi sgt, %squeeze3A_3227, %sign3A_3230 : i32
        %sign3A_3232 = arith.extui %sign3A_3231 : i1 to i32
        %sign3A_3233 = arith.constant 0 : i32
        %sign3A_3234 = arith.cmpi slt, %squeeze3A_3227, %sign3A_3233 : i32
        %sign3A_3235 = arith.extui %sign3A_3234 : i1 to i32
        %sign3A_3236 = arith.subi %sign3A_3232, %sign3A_3235 : i32
        %sign3A_3237 = arith.constant 0 : i32
        %sign3A_3238 = arith.cmpi sgt, %jit3A_3228, %sign3A_3237 : i32
        %sign3A_3239 = arith.extui %sign3A_3238 : i1 to i32
        %sign3A_3240 = arith.constant 0 : i32
        %sign3A_3241 = arith.cmpi slt, %jit3A_3228, %sign3A_3240 : i32
        %sign3A_3242 = arith.extui %sign3A_3241 : i1 to i32
        %sign3A_3243 = arith.subi %sign3A_3239, %sign3A_3242 : i32
        %ne3A_3244 = arith.cmpi ne, %sign3A_3236, %sign3A_3243 : i32
        %rem3A_3245 = arith.remsi %squeeze3A_3227, %jit3A_3228 : i32
        %ne3A_3246 = arith.constant 0 : i32
        %ne3A_3247 = arith.cmpi ne, %rem3A_3245, %ne3A_3246 : i32
        %and3A_3248 = arith.andi %ne3A_3244, %ne3A_3247 : i1
        %sub3A_3249 = arith.constant 1 : i32
        %sub3A_3250 = arith.subi %div3A_3229, %sub3A_3249 : i32
        %select_n3A_3251 = arith.select %and3A_3248, %sub3A_3250, %div3A_3229 : i32
        %mul3A_3252 = arith.constant 128 : i32
        %mul3A_3253 = arith.muli %select_n3A_3251, %mul3A_3252 : i32
        %slice3A_3254 = vector.extract_strided_slice %get3A_597 {offsets = [2], sizes = [1], strides = [1]} : vector<16xi32> to vector<1xi32>
        %squeeze3A_3255 = vector.extract %slice3A_3254[0] : i32 from vector<1xi32>
        %jit3A_3256 = arith.constant 128 : i32
        %div3A_3257 = arith.divsi %squeeze3A_3255, %jit3A_3256 : i32
        %sign3A_3258 = arith.constant 0 : i32
        %sign3A_3259 = arith.cmpi sgt, %squeeze3A_3255, %sign3A_3258 : i32
        %sign3A_3260 = arith.extui %sign3A_3259 : i1 to i32
        %sign3A_3261 = arith.constant 0 : i32
        %sign3A_3262 = arith.cmpi slt, %squeeze3A_3255, %sign3A_3261 : i32
        %sign3A_3263 = arith.extui %sign3A_3262 : i1 to i32
        %sign3A_3264 = arith.subi %sign3A_3260, %sign3A_3263 : i32
        %sign3A_3265 = arith.constant 0 : i32
        %sign3A_3266 = arith.cmpi sgt, %jit3A_3256, %sign3A_3265 : i32
        %sign3A_3267 = arith.extui %sign3A_3266 : i1 to i32
        %sign3A_3268 = arith.constant 0 : i32
        %sign3A_3269 = arith.cmpi slt, %jit3A_3256, %sign3A_3268 : i32
        %sign3A_3270 = arith.extui %sign3A_3269 : i1 to i32
        %sign3A_3271 = arith.subi %sign3A_3267, %sign3A_3270 : i32
        %ne3A_3272 = arith.cmpi ne, %sign3A_3264, %sign3A_3271 : i32
        %rem3A_3273 = arith.remsi %squeeze3A_3255, %jit3A_3256 : i32
        %ne3A_3274 = arith.constant 0 : i32
        %ne3A_3275 = arith.cmpi ne, %rem3A_3273, %ne3A_3274 : i32
        %and3A_3276 = arith.andi %ne3A_3272, %ne3A_3275 : i1
        %sub3A_3277 = arith.constant 1 : i32
        %sub3A_3278 = arith.subi %div3A_3257, %sub3A_3277 : i32
        %select_n3A_3279 = arith.select %and3A_3276, %sub3A_3278, %div3A_3257 : i32
        %mul3A_3280 = arith.constant 128 : i32
        %mul3A_3281 = arith.muli %select_n3A_3279, %mul3A_3280 : i32
        %dma_start3A_3282 = arith.constant 2 : i32
        %dma_start3A_3283 = arith.constant 0 : i32
        %dma_start3A_3284 = arith.constant 0 : i32
        %dma_start3A_3285 = tpu.memref_slice %arg4[%dma_start3A_3284, %mul3A_3253] : memref<32x1000000xf32, #tpu.memory_space<hbm>> -> memref<32x128xf32, #tpu.memory_space<hbm>>
        %dma_start3A_3286 = tpu.memref_slice %arg26[%dma_start3A_3282, %dma_start3A_3283] : memref<8x2x!tpu.dma_semaphore, #tpu.memory_space<semaphore_mem>> -> memref<1x1x!tpu.dma_semaphore, #tpu.memory_space<semaphore_mem>>
        %dma_start3A_3287 = tpu.memref_squeeze %dma_start3A_3286 : memref<1x1x!tpu.dma_semaphore, #tpu.memory_space<semaphore_mem>> -> memref<!tpu.dma_semaphore, #tpu.memory_space<semaphore_mem>>
        %dma_start3A_3288 = arith.constant 0 : i32
        %dma_start3A_3289 = tpu.memref_slice %arg4[%dma_start3A_3288, %mul3A_3253] : memref<32x1000000xf32, #tpu.memory_space<hbm>> -> memref<32x128xf32, #tpu.memory_space<hbm>>
        tpu.enqueue_dma source(%dma_start3A_3289 : memref<32x128xf32, #tpu.memory_space<hbm>>) target(%arg11 : memref<32x128xf32, #tpu.memory_space<vmem>>) target_semaphore(%dma_start3A_3287 : memref<!tpu.dma_semaphore, #tpu.memory_space<semaphore_mem>>)
        %dma_start3A_3290 = arith.constant 2 : i32
        %dma_start3A_3291 = arith.constant 1 : i32
        %dma_start3A_3292 = arith.constant 0 : i32
        %dma_start3A_3293 = tpu.memref_slice %arg5[%dma_start3A_3292, %mul3A_3281] : memref<32x1000000xf32, #tpu.memory_space<hbm>> -> memref<32x128xf32, #tpu.memory_space<hbm>>
        %dma_start3A_3294 = tpu.memref_slice %arg26[%dma_start3A_3290, %dma_start3A_3291] : memref<8x2x!tpu.dma_semaphore, #tpu.memory_space<semaphore_mem>> -> memref<1x1x!tpu.dma_semaphore, #tpu.memory_space<semaphore_mem>>
        %dma_start3A_3295 = tpu.memref_squeeze %dma_start3A_3294 : memref<1x1x!tpu.dma_semaphore, #tpu.memory_space<semaphore_mem>> -> memref<!tpu.dma_semaphore, #tpu.memory_space<semaphore_mem>>
        %dma_start3A_3296 = arith.constant 0 : i32
        %dma_start3A_3297 = tpu.memref_slice %arg5[%dma_start3A_3296, %mul3A_3281] : memref<32x1000000xf32, #tpu.memory_space<hbm>> -> memref<32x128xf32, #tpu.memory_space<hbm>>
        tpu.enqueue_dma source(%dma_start3A_3297 : memref<32x128xf32, #tpu.memory_space<hbm>>) target(%arg19 : memref<32x128xf32, #tpu.memory_space<vmem>>) target_semaphore(%dma_start3A_3295 : memref<!tpu.dma_semaphore, #tpu.memory_space<semaphore_mem>>)
      } else {
      }
      %slice3A_2571 = vector.extract_strided_slice %scan3A_585 {offsets = [11], sizes = [1], strides = [1]} : vector<16xi32> to vector<1xi32>
      %squeeze3A_2572 = vector.extract %slice3A_2571[0] : i32 from vector<1xi32>
      %jit3A_2573 = arith.constant 128 : i32
      %div3A_2574 = arith.divsi %squeeze3A_2572, %jit3A_2573 : i32
      %sign3A_2575 = arith.constant 0 : i32
      %sign3A_2576 = arith.cmpi sgt, %squeeze3A_2572, %sign3A_2575 : i32
      %sign3A_2577 = arith.extui %sign3A_2576 : i1 to i32
      %sign3A_2578 = arith.constant 0 : i32
      %sign3A_2579 = arith.cmpi slt, %squeeze3A_2572, %sign3A_2578 : i32
      %sign3A_2580 = arith.extui %sign3A_2579 : i1 to i32
      %sign3A_2581 = arith.subi %sign3A_2577, %sign3A_2580 : i32
      %sign3A_2582 = arith.constant 0 : i32
      %sign3A_2583 = arith.cmpi sgt, %jit3A_2573, %sign3A_2582 : i32
      %sign3A_2584 = arith.extui %sign3A_2583 : i1 to i32
      %sign3A_2585 = arith.constant 0 : i32
      %sign3A_2586 = arith.cmpi slt, %jit3A_2573, %sign3A_2585 : i32
      %sign3A_2587 = arith.extui %sign3A_2586 : i1 to i32
      %sign3A_2588 = arith.subi %sign3A_2584, %sign3A_2587 : i32
      %ne3A_2589 = arith.cmpi ne, %sign3A_2581, %sign3A_2588 : i32
      %rem3A_2590 = arith.remsi %squeeze3A_2572, %jit3A_2573 : i32
      %ne3A_2591 = arith.constant 0 : i32
      %ne3A_2592 = arith.cmpi ne, %rem3A_2590, %ne3A_2591 : i32
      %and3A_2593 = arith.andi %ne3A_2589, %ne3A_2592 : i1
      %sub3A_2594 = arith.constant 1 : i32
      %sub3A_2595 = arith.subi %div3A_2574, %sub3A_2594 : i32
      %select_n3A_2596 = arith.select %and3A_2593, %sub3A_2595, %div3A_2574 : i32
      %mul3A_2597 = arith.constant 128 : i32
      %mul3A_2598 = arith.muli %select_n3A_2596, %mul3A_2597 : i32
      %slice3A_2599 = vector.extract_strided_slice %scan3A_586 {offsets = [11], sizes = [1], strides = [1]} : vector<16xi32> to vector<1xi32>
      %squeeze3A_2600 = vector.extract %slice3A_2599[0] : i32 from vector<1xi32>
      %jit3A_2601 = arith.constant 128 : i32
      %div3A_2602 = arith.divsi %squeeze3A_2600, %jit3A_2601 : i32
      %sign3A_2603 = arith.constant 0 : i32
      %sign3A_2604 = arith.cmpi sgt, %squeeze3A_2600, %sign3A_2603 : i32
      %sign3A_2605 = arith.extui %sign3A_2604 : i1 to i32
      %sign3A_2606 = arith.constant 0 : i32
      %sign3A_2607 = arith.cmpi slt, %squeeze3A_2600, %sign3A_2606 : i32
      %sign3A_2608 = arith.extui %sign3A_2607 : i1 to i32
      %sign3A_2609 = arith.subi %sign3A_2605, %sign3A_2608 : i32
      %sign3A_2610 = arith.constant 0 : i32
      %sign3A_2611 = arith.cmpi sgt, %jit3A_2601, %sign3A_2610 : i32
      %sign3A_2612 = arith.extui %sign3A_2611 : i1 to i32
      %sign3A_2613 = arith.constant 0 : i32
      %sign3A_2614 = arith.cmpi slt, %jit3A_2601, %sign3A_2613 : i32
      %sign3A_2615 = arith.extui %sign3A_2614 : i1 to i32
      %sign3A_2616 = arith.subi %sign3A_2612, %sign3A_2615 : i32
      %ne3A_2617 = arith.cmpi ne, %sign3A_2609, %sign3A_2616 : i32
      %rem3A_2618 = arith.remsi %squeeze3A_2600, %jit3A_2601 : i32
      %ne3A_2619 = arith.constant 0 : i32
      %ne3A_2620 = arith.cmpi ne, %rem3A_2618, %ne3A_2619 : i32
      %and3A_2621 = arith.andi %ne3A_2617, %ne3A_2620 : i1
      %sub3A_2622 = arith.constant 1 : i32
      %sub3A_2623 = arith.subi %div3A_2602, %sub3A_2622 : i32
      %select_n3A_2624 = arith.select %and3A_2621, %sub3A_2623, %div3A_2602 : i32
      %mul3A_2625 = arith.constant 128 : i32
      %mul3A_2626 = arith.muli %select_n3A_2624, %mul3A_2625 : i32
      %dma_wait3A_2627 = arith.constant 3 : i32
      %dma_wait3A_2628 = arith.constant 0 : i32
      %dma_wait3A_2629 = arith.constant 0 : i32
      %dma_wait3A_2630 = tpu.memref_slice %arg4[%dma_wait3A_2629, %mul3A_2598] : memref<32x1000000xf32, #tpu.memory_space<hbm>> -> memref<32x128xf32, #tpu.memory_space<hbm>>
      %dma_wait3A_2631 = tpu.memref_slice %arg26[%dma_wait3A_2627, %dma_wait3A_2628] : memref<8x2x!tpu.dma_semaphore, #tpu.memory_space<semaphore_mem>> -> memref<1x1x!tpu.dma_semaphore, #tpu.memory_space<semaphore_mem>>
      %dma_wait3A_2632 = tpu.memref_squeeze %dma_wait3A_2631 : memref<1x1x!tpu.dma_semaphore, #tpu.memory_space<semaphore_mem>> -> memref<!tpu.dma_semaphore, #tpu.memory_space<semaphore_mem>>
      %dma_wait3A_2633 = arith.constant 0 : i32
      %dma_wait3A_2634 = tpu.memref_slice %arg4[%dma_wait3A_2633, %mul3A_2598] : memref<32x1000000xf32, #tpu.memory_space<hbm>> -> memref<32x128xf32, #tpu.memory_space<hbm>>
      tpu.wait_dma2 semaphore(%dma_wait3A_2632 : memref<!tpu.dma_semaphore, #tpu.memory_space<semaphore_mem>>) src(%dma_wait3A_2634 : memref<32x128xf32, #tpu.memory_space<hbm>>) dst(%arg12 : memref<32x128xf32, #tpu.memory_space<vmem>>)
      %dma_wait3A_2635 = arith.constant 3 : i32
      %dma_wait3A_2636 = arith.constant 1 : i32
      %dma_wait3A_2637 = arith.constant 0 : i32
      %dma_wait3A_2638 = tpu.memref_slice %arg5[%dma_wait3A_2637, %mul3A_2626] : memref<32x1000000xf32, #tpu.memory_space<hbm>> -> memref<32x128xf32, #tpu.memory_space<hbm>>
      %dma_wait3A_2639 = tpu.memref_slice %arg26[%dma_wait3A_2635, %dma_wait3A_2636] : memref<8x2x!tpu.dma_semaphore, #tpu.memory_space<semaphore_mem>> -> memref<1x1x!tpu.dma_semaphore, #tpu.memory_space<semaphore_mem>>
      %dma_wait3A_2640 = tpu.memref_squeeze %dma_wait3A_2639 : memref<1x1x!tpu.dma_semaphore, #tpu.memory_space<semaphore_mem>> -> memref<!tpu.dma_semaphore, #tpu.memory_space<semaphore_mem>>
      %dma_wait3A_2641 = arith.constant 0 : i32
      %dma_wait3A_2642 = tpu.memref_slice %arg5[%dma_wait3A_2641, %mul3A_2626] : memref<32x1000000xf32, #tpu.memory_space<hbm>> -> memref<32x128xf32, #tpu.memory_space<hbm>>
      tpu.wait_dma2 semaphore(%dma_wait3A_2640 : memref<!tpu.dma_semaphore, #tpu.memory_space<semaphore_mem>>) src(%dma_wait3A_2642 : memref<32x128xf32, #tpu.memory_space<hbm>>) dst(%arg20 : memref<32x128xf32, #tpu.memory_space<vmem>>)
      %slice3A_2643 = vector.extract_strided_slice %scan3A_585 {offsets = [11], sizes = [1], strides = [1]} : vector<16xi32> to vector<1xi32>
      %squeeze3A_2644 = vector.extract %slice3A_2643[0] : i32 from vector<1xi32>
      %jit3A_2645 = arith.constant 128 : i32
      %eq3A_2646 = arith.constant 0 : i32
      %eq3A_2647 = arith.cmpi eq, %jit3A_2645, %eq3A_2646 : i32
      %jit3A_2648 = arith.constant 1 : i32
      %select_n3A_2649 = arith.select %eq3A_2647, %jit3A_2648, %jit3A_2645 : i32
      %rem3A_2650 = arith.remsi %squeeze3A_2644, %select_n3A_2649 : i32
      %ne3A_2651 = arith.constant 0 : i32
      %ne3A_2652 = arith.cmpi ne, %rem3A_2650, %ne3A_2651 : i32
      %lt3A_2653 = arith.constant 0 : i32
      %lt3A_2654 = arith.cmpi slt, %rem3A_2650, %lt3A_2653 : i32
      %lt3A_2655 = arith.constant 0 : i32
      %lt3A_2656 = arith.cmpi slt, %select_n3A_2649, %lt3A_2655 : i32
      %ne3A_2657 = arith.xori %lt3A_2654, %lt3A_2656 : i1
      %and3A_2658 = arith.andi %ne3A_2657, %ne3A_2652 : i1
      %add3A_2659 = arith.addi %rem3A_2650, %select_n3A_2649 : i32
      %select_n3A_2660 = arith.select %and3A_2658, %add3A_2659, %rem3A_2650 : i32
      %slice3A_2661 = vector.extract_strided_slice %scan3A_586 {offsets = [11], sizes = [1], strides = [1]} : vector<16xi32> to vector<1xi32>
      %squeeze3A_2662 = vector.extract %slice3A_2661[0] : i32 from vector<1xi32>
      %jit3A_2663 = arith.constant 128 : i32
      %eq3A_2664 = arith.constant 0 : i32
      %eq3A_2665 = arith.cmpi eq, %jit3A_2663, %eq3A_2664 : i32
      %jit3A_2666 = arith.constant 1 : i32
      %select_n3A_2667 = arith.select %eq3A_2665, %jit3A_2666, %jit3A_2663 : i32
      %rem3A_2668 = arith.remsi %squeeze3A_2662, %select_n3A_2667 : i32
      %ne3A_2669 = arith.constant 0 : i32
      %ne3A_2670 = arith.cmpi ne, %rem3A_2668, %ne3A_2669 : i32
      %lt3A_2671 = arith.constant 0 : i32
      %lt3A_2672 = arith.cmpi slt, %rem3A_2668, %lt3A_2671 : i32
      %lt3A_2673 = arith.constant 0 : i32
      %lt3A_2674 = arith.cmpi slt, %select_n3A_2667, %lt3A_2673 : i32
      %ne3A_2675 = arith.xori %lt3A_2672, %lt3A_2674 : i1
      %and3A_2676 = arith.andi %ne3A_2675, %ne3A_2670 : i1
      %add3A_2677 = arith.addi %rem3A_2668, %select_n3A_2667 : i32
      %select_n3A_2678 = arith.select %and3A_2676, %add3A_2677, %rem3A_2668 : i32
      %add3A_2679 = arith.constant 11 : i32
      %add3A_2680 = arith.addi %mul3A_599, %add3A_2679 : i32
      %broadcast_in_dim3A_2681 = vector.broadcast %select_n3A_2660 : i32 to vector<16xi32>
      %broadcast_in_dim3A_2682 = vector.broadcast %select_n3A_2678 : i32 to vector<16xi32>
      %gather3A_2683 = tpu.vector_load_idx %arg12[%iota3A, %broadcast_in_dim3A_2681] : memref<32x128xf32, #tpu.memory_space<vmem>>[vector<16xi32>, vector<16xi32>], vector<16xf32>,
      %add3A_2684 = arith.constant 16 : i32
      %add3A_2685 = vector.broadcast %add3A_2684 : i32 to vector<16xi32>
      %add3A_2686 = arith.addi %iota3A, %add3A_2685 : vector<16xi32>
      %gather3A_2687 = tpu.vector_load_idx %arg12[%add3A_2686, %broadcast_in_dim3A_2681] : memref<32x128xf32, #tpu.memory_space<vmem>>[vector<16xi32>, vector<16xi32>], vector<16xf32>,
      %gather3A_2688 = tpu.vector_load_idx %arg20[%iota3A, %broadcast_in_dim3A_2682] : memref<32x128xf32, #tpu.memory_space<vmem>>[vector<16xi32>, vector<16xi32>], vector<16xf32>,
      %add3A_2689 = arith.constant 16 : i32
      %add3A_2690 = vector.broadcast %add3A_2689 : i32 to vector<16xi32>
      %add3A_2691 = arith.addi %iota3A, %add3A_2690 : vector<16xi32>
      %gather3A_2692 = tpu.vector_load_idx %arg20[%add3A_2691, %broadcast_in_dim3A_2682] : memref<32x128xf32, #tpu.memory_space<vmem>>[vector<16xi32>, vector<16xi32>], vector<16xf32>,
      %mul3A_2693 = arith.mulf %gather3A_2683, %gather3A_2688 : vector<16xf32>
      %mul3A_2694 = arith.mulf %gather3A_2687, %gather3A_2692 : vector<16xf32>
      %add3A_2695 = arith.addf %mul3A_2693, %mul3A_2694 : vector<16xf32>
      %broadcast_in_dim3A_2696 = vector.broadcast %add3A_2680 : i32 to vector<16xi32>
      tpu.vector_store_idx %arg25[%broadcast_in_dim3A_2696], %add3A_2695 {add = true} : memref<512xf32, #tpu.memory_space<vmem>>[vector<16xi32>], vector<16xf32>,
      %lt3A_2697 = arith.constant 31 : i32
      %lt3A_2698 = arith.cmpi slt, %scan3A_584, %lt3A_2697 : i32
      %convert_element_type3A_2699 = arith.extui %lt3A_2698 : i1 to i32
      %cond3A_2700 = arith.constant 0 : i32
      %cond3A_2701 = arith.cmpi ne, %convert_element_type3A_2699, %cond3A_2700 : i32
      scf.if %cond3A_2701 {
        %slice3A_3226 = vector.extract_strided_slice %get3A_593 {offsets = [3], sizes = [1], strides = [1]} : vector<16xi32> to vector<1xi32>
        %squeeze3A_3227 = vector.extract %slice3A_3226[0] : i32 from vector<1xi32>
        %jit3A_3228 = arith.constant 128 : i32
        %div3A_3229 = arith.divsi %squeeze3A_3227, %jit3A_3228 : i32
        %sign3A_3230 = arith.constant 0 : i32
        %sign3A_3231 = arith.cmpi sgt, %squeeze3A_3227, %sign3A_3230 : i32
        %sign3A_3232 = arith.extui %sign3A_3231 : i1 to i32
        %sign3A_3233 = arith.constant 0 : i32
        %sign3A_3234 = arith.cmpi slt, %squeeze3A_3227, %sign3A_3233 : i32
        %sign3A_3235 = arith.extui %sign3A_3234 : i1 to i32
        %sign3A_3236 = arith.subi %sign3A_3232, %sign3A_3235 : i32
        %sign3A_3237 = arith.constant 0 : i32
        %sign3A_3238 = arith.cmpi sgt, %jit3A_3228, %sign3A_3237 : i32
        %sign3A_3239 = arith.extui %sign3A_3238 : i1 to i32
        %sign3A_3240 = arith.constant 0 : i32
        %sign3A_3241 = arith.cmpi slt, %jit3A_3228, %sign3A_3240 : i32
        %sign3A_3242 = arith.extui %sign3A_3241 : i1 to i32
        %sign3A_3243 = arith.subi %sign3A_3239, %sign3A_3242 : i32
        %ne3A_3244 = arith.cmpi ne, %sign3A_3236, %sign3A_3243 : i32
        %rem3A_3245 = arith.remsi %squeeze3A_3227, %jit3A_3228 : i32
        %ne3A_3246 = arith.constant 0 : i32
        %ne3A_3247 = arith.cmpi ne, %rem3A_3245, %ne3A_3246 : i32
        %and3A_3248 = arith.andi %ne3A_3244, %ne3A_3247 : i1
        %sub3A_3249 = arith.constant 1 : i32
        %sub3A_3250 = arith.subi %div3A_3229, %sub3A_3249 : i32
        %select_n3A_3251 = arith.select %and3A_3248, %sub3A_3250, %div3A_3229 : i32
        %mul3A_3252 = arith.constant 128 : i32
        %mul3A_3253 = arith.muli %select_n3A_3251, %mul3A_3252 : i32
        %slice3A_3254 = vector.extract_strided_slice %get3A_597 {offsets = [3], sizes = [1], strides = [1]} : vector<16xi32> to vector<1xi32>
        %squeeze3A_3255 = vector.extract %slice3A_3254[0] : i32 from vector<1xi32>
        %jit3A_3256 = arith.constant 128 : i32
        %div3A_3257 = arith.divsi %squeeze3A_3255, %jit3A_3256 : i32
        %sign3A_3258 = arith.constant 0 : i32
        %sign3A_3259 = arith.cmpi sgt, %squeeze3A_3255, %sign3A_3258 : i32
        %sign3A_3260 = arith.extui %sign3A_3259 : i1 to i32
        %sign3A_3261 = arith.constant 0 : i32
        %sign3A_3262 = arith.cmpi slt, %squeeze3A_3255, %sign3A_3261 : i32
        %sign3A_3263 = arith.extui %sign3A_3262 : i1 to i32
        %sign3A_3264 = arith.subi %sign3A_3260, %sign3A_3263 : i32
        %sign3A_3265 = arith.constant 0 : i32
        %sign3A_3266 = arith.cmpi sgt, %jit3A_3256, %sign3A_3265 : i32
        %sign3A_3267 = arith.extui %sign3A_3266 : i1 to i32
        %sign3A_3268 = arith.constant 0 : i32
        %sign3A_3269 = arith.cmpi slt, %jit3A_3256, %sign3A_3268 : i32
        %sign3A_3270 = arith.extui %sign3A_3269 : i1 to i32
        %sign3A_3271 = arith.subi %sign3A_3267, %sign3A_3270 : i32
        %ne3A_3272 = arith.cmpi ne, %sign3A_3264, %sign3A_3271 : i32
        %rem3A_3273 = arith.remsi %squeeze3A_3255, %jit3A_3256 : i32
        %ne3A_3274 = arith.constant 0 : i32
        %ne3A_3275 = arith.cmpi ne, %rem3A_3273, %ne3A_3274 : i32
        %and3A_3276 = arith.andi %ne3A_3272, %ne3A_3275 : i1
        %sub3A_3277 = arith.constant 1 : i32
        %sub3A_3278 = arith.subi %div3A_3257, %sub3A_3277 : i32
        %select_n3A_3279 = arith.select %and3A_3276, %sub3A_3278, %div3A_3257 : i32
        %mul3A_3280 = arith.constant 128 : i32
        %mul3A_3281 = arith.muli %select_n3A_3279, %mul3A_3280 : i32
        %dma_start3A_3282 = arith.constant 3 : i32
        %dma_start3A_3283 = arith.constant 0 : i32
        %dma_start3A_3284 = arith.constant 0 : i32
        %dma_start3A_3285 = tpu.memref_slice %arg4[%dma_start3A_3284, %mul3A_3253] : memref<32x1000000xf32, #tpu.memory_space<hbm>> -> memref<32x128xf32, #tpu.memory_space<hbm>>
        %dma_start3A_3286 = tpu.memref_slice %arg26[%dma_start3A_3282, %dma_start3A_3283] : memref<8x2x!tpu.dma_semaphore, #tpu.memory_space<semaphore_mem>> -> memref<1x1x!tpu.dma_semaphore, #tpu.memory_space<semaphore_mem>>
        %dma_start3A_3287 = tpu.memref_squeeze %dma_start3A_3286 : memref<1x1x!tpu.dma_semaphore, #tpu.memory_space<semaphore_mem>> -> memref<!tpu.dma_semaphore, #tpu.memory_space<semaphore_mem>>
        %dma_start3A_3288 = arith.constant 0 : i32
        %dma_start3A_3289 = tpu.memref_slice %arg4[%dma_start3A_3288, %mul3A_3253] : memref<32x1000000xf32, #tpu.memory_space<hbm>> -> memref<32x128xf32, #tpu.memory_space<hbm>>
        tpu.enqueue_dma source(%dma_start3A_3289 : memref<32x128xf32, #tpu.memory_space<hbm>>) target(%arg12 : memref<32x128xf32, #tpu.memory_space<vmem>>) target_semaphore(%dma_start3A_3287 : memref<!tpu.dma_semaphore, #tpu.memory_space<semaphore_mem>>)
        %dma_start3A_3290 = arith.constant 3 : i32
        %dma_start3A_3291 = arith.constant 1 : i32
        %dma_start3A_3292 = arith.constant 0 : i32
        %dma_start3A_3293 = tpu.memref_slice %arg5[%dma_start3A_3292, %mul3A_3281] : memref<32x1000000xf32, #tpu.memory_space<hbm>> -> memref<32x128xf32, #tpu.memory_space<hbm>>
        %dma_start3A_3294 = tpu.memref_slice %arg26[%dma_start3A_3290, %dma_start3A_3291] : memref<8x2x!tpu.dma_semaphore, #tpu.memory_space<semaphore_mem>> -> memref<1x1x!tpu.dma_semaphore, #tpu.memory_space<semaphore_mem>>
        %dma_start3A_3295 = tpu.memref_squeeze %dma_start3A_3294 : memref<1x1x!tpu.dma_semaphore, #tpu.memory_space<semaphore_mem>> -> memref<!tpu.dma_semaphore, #tpu.memory_space<semaphore_mem>>
        %dma_start3A_3296 = arith.constant 0 : i32
        %dma_start3A_3297 = tpu.memref_slice %arg5[%dma_start3A_3296, %mul3A_3281] : memref<32x1000000xf32, #tpu.memory_space<hbm>> -> memref<32x128xf32, #tpu.memory_space<hbm>>
        tpu.enqueue_dma source(%dma_start3A_3297 : memref<32x128xf32, #tpu.memory_space<hbm>>) target(%arg20 : memref<32x128xf32, #tpu.memory_space<vmem>>) target_semaphore(%dma_start3A_3295 : memref<!tpu.dma_semaphore, #tpu.memory_space<semaphore_mem>>)
      } else {
      }
      %slice3A_2702 = vector.extract_strided_slice %scan3A_585 {offsets = [12], sizes = [1], strides = [1]} : vector<16xi32> to vector<1xi32>
      %squeeze3A_2703 = vector.extract %slice3A_2702[0] : i32 from vector<1xi32>
      %jit3A_2704 = arith.constant 128 : i32
      %div3A_2705 = arith.divsi %squeeze3A_2703, %jit3A_2704 : i32
      %sign3A_2706 = arith.constant 0 : i32
      %sign3A_2707 = arith.cmpi sgt, %squeeze3A_2703, %sign3A_2706 : i32
      %sign3A_2708 = arith.extui %sign3A_2707 : i1 to i32
      %sign3A_2709 = arith.constant 0 : i32
      %sign3A_2710 = arith.cmpi slt, %squeeze3A_2703, %sign3A_2709 : i32
      %sign3A_2711 = arith.extui %sign3A_2710 : i1 to i32
      %sign3A_2712 = arith.subi %sign3A_2708, %sign3A_2711 : i32
      %sign3A_2713 = arith.constant 0 : i32
      %sign3A_2714 = arith.cmpi sgt, %jit3A_2704, %sign3A_2713 : i32
      %sign3A_2715 = arith.extui %sign3A_2714 : i1 to i32
      %sign3A_2716 = arith.constant 0 : i32
      %sign3A_2717 = arith.cmpi slt, %jit3A_2704, %sign3A_2716 : i32
      %sign3A_2718 = arith.extui %sign3A_2717 : i1 to i32
      %sign3A_2719 = arith.subi %sign3A_2715, %sign3A_2718 : i32
      %ne3A_2720 = arith.cmpi ne, %sign3A_2712, %sign3A_2719 : i32
      %rem3A_2721 = arith.remsi %squeeze3A_2703, %jit3A_2704 : i32
      %ne3A_2722 = arith.constant 0 : i32
      %ne3A_2723 = arith.cmpi ne, %rem3A_2721, %ne3A_2722 : i32
      %and3A_2724 = arith.andi %ne3A_2720, %ne3A_2723 : i1
      %sub3A_2725 = arith.constant 1 : i32
      %sub3A_2726 = arith.subi %div3A_2705, %sub3A_2725 : i32
      %select_n3A_2727 = arith.select %and3A_2724, %sub3A_2726, %div3A_2705 : i32
      %mul3A_2728 = arith.constant 128 : i32
      %mul3A_2729 = arith.muli %select_n3A_2727, %mul3A_2728 : i32
      %slice3A_2730 = vector.extract_strided_slice %scan3A_586 {offsets = [12], sizes = [1], strides = [1]} : vector<16xi32> to vector<1xi32>
      %squeeze3A_2731 = vector.extract %slice3A_2730[0] : i32 from vector<1xi32>
      %jit3A_2732 = arith.constant 128 : i32
      %div3A_2733 = arith.divsi %squeeze3A_2731, %jit3A_2732 : i32
      %sign3A_2734 = arith.constant 0 : i32
      %sign3A_2735 = arith.cmpi sgt, %squeeze3A_2731, %sign3A_2734 : i32
      %sign3A_2736 = arith.extui %sign3A_2735 : i1 to i32
      %sign3A_2737 = arith.constant 0 : i32
      %sign3A_2738 = arith.cmpi slt, %squeeze3A_2731, %sign3A_2737 : i32
      %sign3A_2739 = arith.extui %sign3A_2738 : i1 to i32
      %sign3A_2740 = arith.subi %sign3A_2736, %sign3A_2739 : i32
      %sign3A_2741 = arith.constant 0 : i32
      %sign3A_2742 = arith.cmpi sgt, %jit3A_2732, %sign3A_2741 : i32
      %sign3A_2743 = arith.extui %sign3A_2742 : i1 to i32
      %sign3A_2744 = arith.constant 0 : i32
      %sign3A_2745 = arith.cmpi slt, %jit3A_2732, %sign3A_2744 : i32
      %sign3A_2746 = arith.extui %sign3A_2745 : i1 to i32
      %sign3A_2747 = arith.subi %sign3A_2743, %sign3A_2746 : i32
      %ne3A_2748 = arith.cmpi ne, %sign3A_2740, %sign3A_2747 : i32
      %rem3A_2749 = arith.remsi %squeeze3A_2731, %jit3A_2732 : i32
      %ne3A_2750 = arith.constant 0 : i32
      %ne3A_2751 = arith.cmpi ne, %rem3A_2749, %ne3A_2750 : i32
      %and3A_2752 = arith.andi %ne3A_2748, %ne3A_2751 : i1
      %sub3A_2753 = arith.constant 1 : i32
      %sub3A_2754 = arith.subi %div3A_2733, %sub3A_2753 : i32
      %select_n3A_2755 = arith.select %and3A_2752, %sub3A_2754, %div3A_2733 : i32
      %mul3A_2756 = arith.constant 128 : i32
      %mul3A_2757 = arith.muli %select_n3A_2755, %mul3A_2756 : i32
      %dma_wait3A_2758 = arith.constant 4 : i32
      %dma_wait3A_2759 = arith.constant 0 : i32
      %dma_wait3A_2760 = arith.constant 0 : i32
      %dma_wait3A_2761 = tpu.memref_slice %arg4[%dma_wait3A_2760, %mul3A_2729] : memref<32x1000000xf32, #tpu.memory_space<hbm>> -> memref<32x128xf32, #tpu.memory_space<hbm>>
      %dma_wait3A_2762 = tpu.memref_slice %arg26[%dma_wait3A_2758, %dma_wait3A_2759] : memref<8x2x!tpu.dma_semaphore, #tpu.memory_space<semaphore_mem>> -> memref<1x1x!tpu.dma_semaphore, #tpu.memory_space<semaphore_mem>>
      %dma_wait3A_2763 = tpu.memref_squeeze %dma_wait3A_2762 : memref<1x1x!tpu.dma_semaphore, #tpu.memory_space<semaphore_mem>> -> memref<!tpu.dma_semaphore, #tpu.memory_space<semaphore_mem>>
      %dma_wait3A_2764 = arith.constant 0 : i32
      %dma_wait3A_2765 = tpu.memref_slice %arg4[%dma_wait3A_2764, %mul3A_2729] : memref<32x1000000xf32, #tpu.memory_space<hbm>> -> memref<32x128xf32, #tpu.memory_space<hbm>>
      tpu.wait_dma2 semaphore(%dma_wait3A_2763 : memref<!tpu.dma_semaphore, #tpu.memory_space<semaphore_mem>>) src(%dma_wait3A_2765 : memref<32x128xf32, #tpu.memory_space<hbm>>) dst(%arg13 : memref<32x128xf32, #tpu.memory_space<vmem>>)
      %dma_wait3A_2766 = arith.constant 4 : i32
      %dma_wait3A_2767 = arith.constant 1 : i32
      %dma_wait3A_2768 = arith.constant 0 : i32
      %dma_wait3A_2769 = tpu.memref_slice %arg5[%dma_wait3A_2768, %mul3A_2757] : memref<32x1000000xf32, #tpu.memory_space<hbm>> -> memref<32x128xf32, #tpu.memory_space<hbm>>
      %dma_wait3A_2770 = tpu.memref_slice %arg26[%dma_wait3A_2766, %dma_wait3A_2767] : memref<8x2x!tpu.dma_semaphore, #tpu.memory_space<semaphore_mem>> -> memref<1x1x!tpu.dma_semaphore, #tpu.memory_space<semaphore_mem>>
      %dma_wait3A_2771 = tpu.memref_squeeze %dma_wait3A_2770 : memref<1x1x!tpu.dma_semaphore, #tpu.memory_space<semaphore_mem>> -> memref<!tpu.dma_semaphore, #tpu.memory_space<semaphore_mem>>
      %dma_wait3A_2772 = arith.constant 0 : i32
      %dma_wait3A_2773 = tpu.memref_slice %arg5[%dma_wait3A_2772, %mul3A_2757] : memref<32x1000000xf32, #tpu.memory_space<hbm>> -> memref<32x128xf32, #tpu.memory_space<hbm>>
      tpu.wait_dma2 semaphore(%dma_wait3A_2771 : memref<!tpu.dma_semaphore, #tpu.memory_space<semaphore_mem>>) src(%dma_wait3A_2773 : memref<32x128xf32, #tpu.memory_space<hbm>>) dst(%arg21 : memref<32x128xf32, #tpu.memory_space<vmem>>)
      %slice3A_2774 = vector.extract_strided_slice %scan3A_585 {offsets = [12], sizes = [1], strides = [1]} : vector<16xi32> to vector<1xi32>
      %squeeze3A_2775 = vector.extract %slice3A_2774[0] : i32 from vector<1xi32>
      %jit3A_2776 = arith.constant 128 : i32
      %eq3A_2777 = arith.constant 0 : i32
      %eq3A_2778 = arith.cmpi eq, %jit3A_2776, %eq3A_2777 : i32
      %jit3A_2779 = arith.constant 1 : i32
      %select_n3A_2780 = arith.select %eq3A_2778, %jit3A_2779, %jit3A_2776 : i32
      %rem3A_2781 = arith.remsi %squeeze3A_2775, %select_n3A_2780 : i32
      %ne3A_2782 = arith.constant 0 : i32
      %ne3A_2783 = arith.cmpi ne, %rem3A_2781, %ne3A_2782 : i32
      %lt3A_2784 = arith.constant 0 : i32
      %lt3A_2785 = arith.cmpi slt, %rem3A_2781, %lt3A_2784 : i32
      %lt3A_2786 = arith.constant 0 : i32
      %lt3A_2787 = arith.cmpi slt, %select_n3A_2780, %lt3A_2786 : i32
      %ne3A_2788 = arith.xori %lt3A_2785, %lt3A_2787 : i1
      %and3A_2789 = arith.andi %ne3A_2788, %ne3A_2783 : i1
      %add3A_2790 = arith.addi %rem3A_2781, %select_n3A_2780 : i32
      %select_n3A_2791 = arith.select %and3A_2789, %add3A_2790, %rem3A_2781 : i32
      %slice3A_2792 = vector.extract_strided_slice %scan3A_586 {offsets = [12], sizes = [1], strides = [1]} : vector<16xi32> to vector<1xi32>
      %squeeze3A_2793 = vector.extract %slice3A_2792[0] : i32 from vector<1xi32>
      %jit3A_2794 = arith.constant 128 : i32
      %eq3A_2795 = arith.constant 0 : i32
      %eq3A_2796 = arith.cmpi eq, %jit3A_2794, %eq3A_2795 : i32
      %jit3A_2797 = arith.constant 1 : i32
      %select_n3A_2798 = arith.select %eq3A_2796, %jit3A_2797, %jit3A_2794 : i32
      %rem3A_2799 = arith.remsi %squeeze3A_2793, %select_n3A_2798 : i32
      %ne3A_2800 = arith.constant 0 : i32
      %ne3A_2801 = arith.cmpi ne, %rem3A_2799, %ne3A_2800 : i32
      %lt3A_2802 = arith.constant 0 : i32
      %lt3A_2803 = arith.cmpi slt, %rem3A_2799, %lt3A_2802 : i32
      %lt3A_2804 = arith.constant 0 : i32
      %lt3A_2805 = arith.cmpi slt, %select_n3A_2798, %lt3A_2804 : i32
      %ne3A_2806 = arith.xori %lt3A_2803, %lt3A_2805 : i1
      %and3A_2807 = arith.andi %ne3A_2806, %ne3A_2801 : i1
      %add3A_2808 = arith.addi %rem3A_2799, %select_n3A_2798 : i32
      %select_n3A_2809 = arith.select %and3A_2807, %add3A_2808, %rem3A_2799 : i32
      %add3A_2810 = arith.constant 12 : i32
      %add3A_2811 = arith.addi %mul3A_599, %add3A_2810 : i32
      %broadcast_in_dim3A_2812 = vector.broadcast %select_n3A_2791 : i32 to vector<16xi32>
      %broadcast_in_dim3A_2813 = vector.broadcast %select_n3A_2809 : i32 to vector<16xi32>
      %gather3A_2814 = tpu.vector_load_idx %arg13[%iota3A, %broadcast_in_dim3A_2812] : memref<32x128xf32, #tpu.memory_space<vmem>>[vector<16xi32>, vector<16xi32>], vector<16xf32>,
      %add3A_2815 = arith.constant 16 : i32
      %add3A_2816 = vector.broadcast %add3A_2815 : i32 to vector<16xi32>
      %add3A_2817 = arith.addi %iota3A, %add3A_2816 : vector<16xi32>
      %gather3A_2818 = tpu.vector_load_idx %arg13[%add3A_2817, %broadcast_in_dim3A_2812] : memref<32x128xf32, #tpu.memory_space<vmem>>[vector<16xi32>, vector<16xi32>], vector<16xf32>,
      %gather3A_2819 = tpu.vector_load_idx %arg21[%iota3A, %broadcast_in_dim3A_2813] : memref<32x128xf32, #tpu.memory_space<vmem>>[vector<16xi32>, vector<16xi32>], vector<16xf32>,
      %add3A_2820 = arith.constant 16 : i32
      %add3A_2821 = vector.broadcast %add3A_2820 : i32 to vector<16xi32>
      %add3A_2822 = arith.addi %iota3A, %add3A_2821 : vector<16xi32>
      %gather3A_2823 = tpu.vector_load_idx %arg21[%add3A_2822, %broadcast_in_dim3A_2813] : memref<32x128xf32, #tpu.memory_space<vmem>>[vector<16xi32>, vector<16xi32>], vector<16xf32>,
      %mul3A_2824 = arith.mulf %gather3A_2814, %gather3A_2819 : vector<16xf32>
      %mul3A_2825 = arith.mulf %gather3A_2818, %gather3A_2823 : vector<16xf32>
      %add3A_2826 = arith.addf %mul3A_2824, %mul3A_2825 : vector<16xf32>
      %broadcast_in_dim3A_2827 = vector.broadcast %add3A_2811 : i32 to vector<16xi32>
      tpu.vector_store_idx %arg25[%broadcast_in_dim3A_2827], %add3A_2826 {add = true} : memref<512xf32, #tpu.memory_space<vmem>>[vector<16xi32>], vector<16xf32>,
      %lt3A_2828 = arith.constant 31 : i32
      %lt3A_2829 = arith.cmpi slt, %scan3A_584, %lt3A_2828 : i32
      %convert_element_type3A_2830 = arith.extui %lt3A_2829 : i1 to i32
      %cond3A_2831 = arith.constant 0 : i32
      %cond3A_2832 = arith.cmpi ne, %convert_element_type3A_2830, %cond3A_2831 : i32
      scf.if %cond3A_2832 {
        %slice3A_3226 = vector.extract_strided_slice %get3A_593 {offsets = [4], sizes = [1], strides = [1]} : vector<16xi32> to vector<1xi32>
        %squeeze3A_3227 = vector.extract %slice3A_3226[0] : i32 from vector<1xi32>
        %jit3A_3228 = arith.constant 128 : i32
        %div3A_3229 = arith.divsi %squeeze3A_3227, %jit3A_3228 : i32
        %sign3A_3230 = arith.constant 0 : i32
        %sign3A_3231 = arith.cmpi sgt, %squeeze3A_3227, %sign3A_3230 : i32
        %sign3A_3232 = arith.extui %sign3A_3231 : i1 to i32
        %sign3A_3233 = arith.constant 0 : i32
        %sign3A_3234 = arith.cmpi slt, %squeeze3A_3227, %sign3A_3233 : i32
        %sign3A_3235 = arith.extui %sign3A_3234 : i1 to i32
        %sign3A_3236 = arith.subi %sign3A_3232, %sign3A_3235 : i32
        %sign3A_3237 = arith.constant 0 : i32
        %sign3A_3238 = arith.cmpi sgt, %jit3A_3228, %sign3A_3237 : i32
        %sign3A_3239 = arith.extui %sign3A_3238 : i1 to i32
        %sign3A_3240 = arith.constant 0 : i32
        %sign3A_3241 = arith.cmpi slt, %jit3A_3228, %sign3A_3240 : i32
        %sign3A_3242 = arith.extui %sign3A_3241 : i1 to i32
        %sign3A_3243 = arith.subi %sign3A_3239, %sign3A_3242 : i32
        %ne3A_3244 = arith.cmpi ne, %sign3A_3236, %sign3A_3243 : i32
        %rem3A_3245 = arith.remsi %squeeze3A_3227, %jit3A_3228 : i32
        %ne3A_3246 = arith.constant 0 : i32
        %ne3A_3247 = arith.cmpi ne, %rem3A_3245, %ne3A_3246 : i32
        %and3A_3248 = arith.andi %ne3A_3244, %ne3A_3247 : i1
        %sub3A_3249 = arith.constant 1 : i32
        %sub3A_3250 = arith.subi %div3A_3229, %sub3A_3249 : i32
        %select_n3A_3251 = arith.select %and3A_3248, %sub3A_3250, %div3A_3229 : i32
        %mul3A_3252 = arith.constant 128 : i32
        %mul3A_3253 = arith.muli %select_n3A_3251, %mul3A_3252 : i32
        %slice3A_3254 = vector.extract_strided_slice %get3A_597 {offsets = [4], sizes = [1], strides = [1]} : vector<16xi32> to vector<1xi32>
        %squeeze3A_3255 = vector.extract %slice3A_3254[0] : i32 from vector<1xi32>
        %jit3A_3256 = arith.constant 128 : i32
        %div3A_3257 = arith.divsi %squeeze3A_3255, %jit3A_3256 : i32
        %sign3A_3258 = arith.constant 0 : i32
        %sign3A_3259 = arith.cmpi sgt, %squeeze3A_3255, %sign3A_3258 : i32
        %sign3A_3260 = arith.extui %sign3A_3259 : i1 to i32
        %sign3A_3261 = arith.constant 0 : i32
        %sign3A_3262 = arith.cmpi slt, %squeeze3A_3255, %sign3A_3261 : i32
        %sign3A_3263 = arith.extui %sign3A_3262 : i1 to i32
        %sign3A_3264 = arith.subi %sign3A_3260, %sign3A_3263 : i32
        %sign3A_3265 = arith.constant 0 : i32
        %sign3A_3266 = arith.cmpi sgt, %jit3A_3256, %sign3A_3265 : i32
        %sign3A_3267 = arith.extui %sign3A_3266 : i1 to i32
        %sign3A_3268 = arith.constant 0 : i32
        %sign3A_3269 = arith.cmpi slt, %jit3A_3256, %sign3A_3268 : i32
        %sign3A_3270 = arith.extui %sign3A_3269 : i1 to i32
        %sign3A_3271 = arith.subi %sign3A_3267, %sign3A_3270 : i32
        %ne3A_3272 = arith.cmpi ne, %sign3A_3264, %sign3A_3271 : i32
        %rem3A_3273 = arith.remsi %squeeze3A_3255, %jit3A_3256 : i32
        %ne3A_3274 = arith.constant 0 : i32
        %ne3A_3275 = arith.cmpi ne, %rem3A_3273, %ne3A_3274 : i32
        %and3A_3276 = arith.andi %ne3A_3272, %ne3A_3275 : i1
        %sub3A_3277 = arith.constant 1 : i32
        %sub3A_3278 = arith.subi %div3A_3257, %sub3A_3277 : i32
        %select_n3A_3279 = arith.select %and3A_3276, %sub3A_3278, %div3A_3257 : i32
        %mul3A_3280 = arith.constant 128 : i32
        %mul3A_3281 = arith.muli %select_n3A_3279, %mul3A_3280 : i32
        %dma_start3A_3282 = arith.constant 4 : i32
        %dma_start3A_3283 = arith.constant 0 : i32
        %dma_start3A_3284 = arith.constant 0 : i32
        %dma_start3A_3285 = tpu.memref_slice %arg4[%dma_start3A_3284, %mul3A_3253] : memref<32x1000000xf32, #tpu.memory_space<hbm>> -> memref<32x128xf32, #tpu.memory_space<hbm>>
        %dma_start3A_3286 = tpu.memref_slice %arg26[%dma_start3A_3282, %dma_start3A_3283] : memref<8x2x!tpu.dma_semaphore, #tpu.memory_space<semaphore_mem>> -> memref<1x1x!tpu.dma_semaphore, #tpu.memory_space<semaphore_mem>>
        %dma_start3A_3287 = tpu.memref_squeeze %dma_start3A_3286 : memref<1x1x!tpu.dma_semaphore, #tpu.memory_space<semaphore_mem>> -> memref<!tpu.dma_semaphore, #tpu.memory_space<semaphore_mem>>
        %dma_start3A_3288 = arith.constant 0 : i32
        %dma_start3A_3289 = tpu.memref_slice %arg4[%dma_start3A_3288, %mul3A_3253] : memref<32x1000000xf32, #tpu.memory_space<hbm>> -> memref<32x128xf32, #tpu.memory_space<hbm>>
        tpu.enqueue_dma source(%dma_start3A_3289 : memref<32x128xf32, #tpu.memory_space<hbm>>) target(%arg13 : memref<32x128xf32, #tpu.memory_space<vmem>>) target_semaphore(%dma_start3A_3287 : memref<!tpu.dma_semaphore, #tpu.memory_space<semaphore_mem>>)
        %dma_start3A_3290 = arith.constant 4 : i32
        %dma_start3A_3291 = arith.constant 1 : i32
        %dma_start3A_3292 = arith.constant 0 : i32
        %dma_start3A_3293 = tpu.memref_slice %arg5[%dma_start3A_3292, %mul3A_3281] : memref<32x1000000xf32, #tpu.memory_space<hbm>> -> memref<32x128xf32, #tpu.memory_space<hbm>>
        %dma_start3A_3294 = tpu.memref_slice %arg26[%dma_start3A_3290, %dma_start3A_3291] : memref<8x2x!tpu.dma_semaphore, #tpu.memory_space<semaphore_mem>> -> memref<1x1x!tpu.dma_semaphore, #tpu.memory_space<semaphore_mem>>
        %dma_start3A_3295 = tpu.memref_squeeze %dma_start3A_3294 : memref<1x1x!tpu.dma_semaphore, #tpu.memory_space<semaphore_mem>> -> memref<!tpu.dma_semaphore, #tpu.memory_space<semaphore_mem>>
        %dma_start3A_3296 = arith.constant 0 : i32
        %dma_start3A_3297 = tpu.memref_slice %arg5[%dma_start3A_3296, %mul3A_3281] : memref<32x1000000xf32, #tpu.memory_space<hbm>> -> memref<32x128xf32, #tpu.memory_space<hbm>>
        tpu.enqueue_dma source(%dma_start3A_3297 : memref<32x128xf32, #tpu.memory_space<hbm>>) target(%arg21 : memref<32x128xf32, #tpu.memory_space<vmem>>) target_semaphore(%dma_start3A_3295 : memref<!tpu.dma_semaphore, #tpu.memory_space<semaphore_mem>>)
      } else {
      }
      %slice3A_2833 = vector.extract_strided_slice %scan3A_585 {offsets = [13], sizes = [1], strides = [1]} : vector<16xi32> to vector<1xi32>
      %squeeze3A_2834 = vector.extract %slice3A_2833[0] : i32 from vector<1xi32>
      %jit3A_2835 = arith.constant 128 : i32
      %div3A_2836 = arith.divsi %squeeze3A_2834, %jit3A_2835 : i32
      %sign3A_2837 = arith.constant 0 : i32
      %sign3A_2838 = arith.cmpi sgt, %squeeze3A_2834, %sign3A_2837 : i32
      %sign3A_2839 = arith.extui %sign3A_2838 : i1 to i32
      %sign3A_2840 = arith.constant 0 : i32
      %sign3A_2841 = arith.cmpi slt, %squeeze3A_2834, %sign3A_2840 : i32
      %sign3A_2842 = arith.extui %sign3A_2841 : i1 to i32
      %sign3A_2843 = arith.subi %sign3A_2839, %sign3A_2842 : i32
      %sign3A_2844 = arith.constant 0 : i32
      %sign3A_2845 = arith.cmpi sgt, %jit3A_2835, %sign3A_2844 : i32
      %sign3A_2846 = arith.extui %sign3A_2845 : i1 to i32
      %sign3A_2847 = arith.constant 0 : i32
      %sign3A_2848 = arith.cmpi slt, %jit3A_2835, %sign3A_2847 : i32
      %sign3A_2849 = arith.extui %sign3A_2848 : i1 to i32
      %sign3A_2850 = arith.subi %sign3A_2846, %sign3A_2849 : i32
      %ne3A_2851 = arith.cmpi ne, %sign3A_2843, %sign3A_2850 : i32
      %rem3A_2852 = arith.remsi %squeeze3A_2834, %jit3A_2835 : i32
      %ne3A_2853 = arith.constant 0 : i32
      %ne3A_2854 = arith.cmpi ne, %rem3A_2852, %ne3A_2853 : i32
      %and3A_2855 = arith.andi %ne3A_2851, %ne3A_2854 : i1
      %sub3A_2856 = arith.constant 1 : i32
      %sub3A_2857 = arith.subi %div3A_2836, %sub3A_2856 : i32
      %select_n3A_2858 = arith.select %and3A_2855, %sub3A_2857, %div3A_2836 : i32
      %mul3A_2859 = arith.constant 128 : i32
      %mul3A_2860 = arith.muli %select_n3A_2858, %mul3A_2859 : i32
      %slice3A_2861 = vector.extract_strided_slice %scan3A_586 {offsets = [13], sizes = [1], strides = [1]} : vector<16xi32> to vector<1xi32>
      %squeeze3A_2862 = vector.extract %slice3A_2861[0] : i32 from vector<1xi32>
      %jit3A_2863 = arith.constant 128 : i32
      %div3A_2864 = arith.divsi %squeeze3A_2862, %jit3A_2863 : i32
      %sign3A_2865 = arith.constant 0 : i32
      %sign3A_2866 = arith.cmpi sgt, %squeeze3A_2862, %sign3A_2865 : i32
      %sign3A_2867 = arith.extui %sign3A_2866 : i1 to i32
      %sign3A_2868 = arith.constant 0 : i32
      %sign3A_2869 = arith.cmpi slt, %squeeze3A_2862, %sign3A_2868 : i32
      %sign3A_2870 = arith.extui %sign3A_2869 : i1 to i32
      %sign3A_2871 = arith.subi %sign3A_2867, %sign3A_2870 : i32
      %sign3A_2872 = arith.constant 0 : i32
      %sign3A_2873 = arith.cmpi sgt, %jit3A_2863, %sign3A_2872 : i32
      %sign3A_2874 = arith.extui %sign3A_2873 : i1 to i32
      %sign3A_2875 = arith.constant 0 : i32
      %sign3A_2876 = arith.cmpi slt, %jit3A_2863, %sign3A_2875 : i32
      %sign3A_2877 = arith.extui %sign3A_2876 : i1 to i32
      %sign3A_2878 = arith.subi %sign3A_2874, %sign3A_2877 : i32
      %ne3A_2879 = arith.cmpi ne, %sign3A_2871, %sign3A_2878 : i32
      %rem3A_2880 = arith.remsi %squeeze3A_2862, %jit3A_2863 : i32
      %ne3A_2881 = arith.constant 0 : i32
      %ne3A_2882 = arith.cmpi ne, %rem3A_2880, %ne3A_2881 : i32
      %and3A_2883 = arith.andi %ne3A_2879, %ne3A_2882 : i1
      %sub3A_2884 = arith.constant 1 : i32
      %sub3A_2885 = arith.subi %div3A_2864, %sub3A_2884 : i32
      %select_n3A_2886 = arith.select %and3A_2883, %sub3A_2885, %div3A_2864 : i32
      %mul3A_2887 = arith.constant 128 : i32
      %mul3A_2888 = arith.muli %select_n3A_2886, %mul3A_2887 : i32
      %dma_wait3A_2889 = arith.constant 5 : i32
      %dma_wait3A_2890 = arith.constant 0 : i32
      %dma_wait3A_2891 = arith.constant 0 : i32
      %dma_wait3A_2892 = tpu.memref_slice %arg4[%dma_wait3A_2891, %mul3A_2860] : memref<32x1000000xf32, #tpu.memory_space<hbm>> -> memref<32x128xf32, #tpu.memory_space<hbm>>
      %dma_wait3A_2893 = tpu.memref_slice %arg26[%dma_wait3A_2889, %dma_wait3A_2890] : memref<8x2x!tpu.dma_semaphore, #tpu.memory_space<semaphore_mem>> -> memref<1x1x!tpu.dma_semaphore, #tpu.memory_space<semaphore_mem>>
      %dma_wait3A_2894 = tpu.memref_squeeze %dma_wait3A_2893 : memref<1x1x!tpu.dma_semaphore, #tpu.memory_space<semaphore_mem>> -> memref<!tpu.dma_semaphore, #tpu.memory_space<semaphore_mem>>
      %dma_wait3A_2895 = arith.constant 0 : i32
      %dma_wait3A_2896 = tpu.memref_slice %arg4[%dma_wait3A_2895, %mul3A_2860] : memref<32x1000000xf32, #tpu.memory_space<hbm>> -> memref<32x128xf32, #tpu.memory_space<hbm>>
      tpu.wait_dma2 semaphore(%dma_wait3A_2894 : memref<!tpu.dma_semaphore, #tpu.memory_space<semaphore_mem>>) src(%dma_wait3A_2896 : memref<32x128xf32, #tpu.memory_space<hbm>>) dst(%arg14 : memref<32x128xf32, #tpu.memory_space<vmem>>)
      %dma_wait3A_2897 = arith.constant 5 : i32
      %dma_wait3A_2898 = arith.constant 1 : i32
      %dma_wait3A_2899 = arith.constant 0 : i32
      %dma_wait3A_2900 = tpu.memref_slice %arg5[%dma_wait3A_2899, %mul3A_2888] : memref<32x1000000xf32, #tpu.memory_space<hbm>> -> memref<32x128xf32, #tpu.memory_space<hbm>>
      %dma_wait3A_2901 = tpu.memref_slice %arg26[%dma_wait3A_2897, %dma_wait3A_2898] : memref<8x2x!tpu.dma_semaphore, #tpu.memory_space<semaphore_mem>> -> memref<1x1x!tpu.dma_semaphore, #tpu.memory_space<semaphore_mem>>
      %dma_wait3A_2902 = tpu.memref_squeeze %dma_wait3A_2901 : memref<1x1x!tpu.dma_semaphore, #tpu.memory_space<semaphore_mem>> -> memref<!tpu.dma_semaphore, #tpu.memory_space<semaphore_mem>>
      %dma_wait3A_2903 = arith.constant 0 : i32
      %dma_wait3A_2904 = tpu.memref_slice %arg5[%dma_wait3A_2903, %mul3A_2888] : memref<32x1000000xf32, #tpu.memory_space<hbm>> -> memref<32x128xf32, #tpu.memory_space<hbm>>
      tpu.wait_dma2 semaphore(%dma_wait3A_2902 : memref<!tpu.dma_semaphore, #tpu.memory_space<semaphore_mem>>) src(%dma_wait3A_2904 : memref<32x128xf32, #tpu.memory_space<hbm>>) dst(%arg22 : memref<32x128xf32, #tpu.memory_space<vmem>>)
      %slice3A_2905 = vector.extract_strided_slice %scan3A_585 {offsets = [13], sizes = [1], strides = [1]} : vector<16xi32> to vector<1xi32>
      %squeeze3A_2906 = vector.extract %slice3A_2905[0] : i32 from vector<1xi32>
      %jit3A_2907 = arith.constant 128 : i32
      %eq3A_2908 = arith.constant 0 : i32
      %eq3A_2909 = arith.cmpi eq, %jit3A_2907, %eq3A_2908 : i32
      %jit3A_2910 = arith.constant 1 : i32
      %select_n3A_2911 = arith.select %eq3A_2909, %jit3A_2910, %jit3A_2907 : i32
      %rem3A_2912 = arith.remsi %squeeze3A_2906, %select_n3A_2911 : i32
      %ne3A_2913 = arith.constant 0 : i32
      %ne3A_2914 = arith.cmpi ne, %rem3A_2912, %ne3A_2913 : i32
      %lt3A_2915 = arith.constant 0 : i32
      %lt3A_2916 = arith.cmpi slt, %rem3A_2912, %lt3A_2915 : i32
      %lt3A_2917 = arith.constant 0 : i32
      %lt3A_2918 = arith.cmpi slt, %select_n3A_2911, %lt3A_2917 : i32
      %ne3A_2919 = arith.xori %lt3A_2916, %lt3A_2918 : i1
      %and3A_2920 = arith.andi %ne3A_2919, %ne3A_2914 : i1
      %add3A_2921 = arith.addi %rem3A_2912, %select_n3A_2911 : i32
      %select_n3A_2922 = arith.select %and3A_2920, %add3A_2921, %rem3A_2912 : i32
      %slice3A_2923 = vector.extract_strided_slice %scan3A_586 {offsets = [13], sizes = [1], strides = [1]} : vector<16xi32> to vector<1xi32>
      %squeeze3A_2924 = vector.extract %slice3A_2923[0] : i32 from vector<1xi32>
      %jit3A_2925 = arith.constant 128 : i32
      %eq3A_2926 = arith.constant 0 : i32
      %eq3A_2927 = arith.cmpi eq, %jit3A_2925, %eq3A_2926 : i32
      %jit3A_2928 = arith.constant 1 : i32
      %select_n3A_2929 = arith.select %eq3A_2927, %jit3A_2928, %jit3A_2925 : i32
      %rem3A_2930 = arith.remsi %squeeze3A_2924, %select_n3A_2929 : i32
      %ne3A_2931 = arith.constant 0 : i32
      %ne3A_2932 = arith.cmpi ne, %rem3A_2930, %ne3A_2931 : i32
      %lt3A_2933 = arith.constant 0 : i32
      %lt3A_2934 = arith.cmpi slt, %rem3A_2930, %lt3A_2933 : i32
      %lt3A_2935 = arith.constant 0 : i32
      %lt3A_2936 = arith.cmpi slt, %select_n3A_2929, %lt3A_2935 : i32
      %ne3A_2937 = arith.xori %lt3A_2934, %lt3A_2936 : i1
      %and3A_2938 = arith.andi %ne3A_2937, %ne3A_2932 : i1
      %add3A_2939 = arith.addi %rem3A_2930, %select_n3A_2929 : i32
      %select_n3A_2940 = arith.select %and3A_2938, %add3A_2939, %rem3A_2930 : i32
      %add3A_2941 = arith.constant 13 : i32
      %add3A_2942 = arith.addi %mul3A_599, %add3A_2941 : i32
      %broadcast_in_dim3A_2943 = vector.broadcast %select_n3A_2922 : i32 to vector<16xi32>
      %broadcast_in_dim3A_2944 = vector.broadcast %select_n3A_2940 : i32 to vector<16xi32>
      %gather3A_2945 = tpu.vector_load_idx %arg14[%iota3A, %broadcast_in_dim3A_2943] : memref<32x128xf32, #tpu.memory_space<vmem>>[vector<16xi32>, vector<16xi32>], vector<16xf32>,
      %add3A_2946 = arith.constant 16 : i32
      %add3A_2947 = vector.broadcast %add3A_2946 : i32 to vector<16xi32>
      %add3A_2948 = arith.addi %iota3A, %add3A_2947 : vector<16xi32>
      %gather3A_2949 = tpu.vector_load_idx %arg14[%add3A_2948, %broadcast_in_dim3A_2943] : memref<32x128xf32, #tpu.memory_space<vmem>>[vector<16xi32>, vector<16xi32>], vector<16xf32>,
      %gather3A_2950 = tpu.vector_load_idx %arg22[%iota3A, %broadcast_in_dim3A_2944] : memref<32x128xf32, #tpu.memory_space<vmem>>[vector<16xi32>, vector<16xi32>], vector<16xf32>,
      %add3A_2951 = arith.constant 16 : i32
      %add3A_2952 = vector.broadcast %add3A_2951 : i32 to vector<16xi32>
      %add3A_2953 = arith.addi %iota3A, %add3A_2952 : vector<16xi32>
      %gather3A_2954 = tpu.vector_load_idx %arg22[%add3A_2953, %broadcast_in_dim3A_2944] : memref<32x128xf32, #tpu.memory_space<vmem>>[vector<16xi32>, vector<16xi32>], vector<16xf32>,
      %mul3A_2955 = arith.mulf %gather3A_2945, %gather3A_2950 : vector<16xf32>
      %mul3A_2956 = arith.mulf %gather3A_2949, %gather3A_2954 : vector<16xf32>
      %add3A_2957 = arith.addf %mul3A_2955, %mul3A_2956 : vector<16xf32>
      %broadcast_in_dim3A_2958 = vector.broadcast %add3A_2942 : i32 to vector<16xi32>
      tpu.vector_store_idx %arg25[%broadcast_in_dim3A_2958], %add3A_2957 {add = true} : memref<512xf32, #tpu.memory_space<vmem>>[vector<16xi32>], vector<16xf32>,
      %lt3A_2959 = arith.constant 31 : i32
      %lt3A_2960 = arith.cmpi slt, %scan3A_584, %lt3A_2959 : i32
      %convert_element_type3A_2961 = arith.extui %lt3A_2960 : i1 to i32
      %cond3A_2962 = arith.constant 0 : i32
      %cond3A_2963 = arith.cmpi ne, %convert_element_type3A_2961, %cond3A_2962 : i32
      scf.if %cond3A_2963 {
        %slice3A_3226 = vector.extract_strided_slice %get3A_593 {offsets = [5], sizes = [1], strides = [1]} : vector<16xi32> to vector<1xi32>
        %squeeze3A_3227 = vector.extract %slice3A_3226[0] : i32 from vector<1xi32>
        %jit3A_3228 = arith.constant 128 : i32
        %div3A_3229 = arith.divsi %squeeze3A_3227, %jit3A_3228 : i32
        %sign3A_3230 = arith.constant 0 : i32
        %sign3A_3231 = arith.cmpi sgt, %squeeze3A_3227, %sign3A_3230 : i32
        %sign3A_3232 = arith.extui %sign3A_3231 : i1 to i32
        %sign3A_3233 = arith.constant 0 : i32
        %sign3A_3234 = arith.cmpi slt, %squeeze3A_3227, %sign3A_3233 : i32
        %sign3A_3235 = arith.extui %sign3A_3234 : i1 to i32
        %sign3A_3236 = arith.subi %sign3A_3232, %sign3A_3235 : i32
        %sign3A_3237 = arith.constant 0 : i32
        %sign3A_3238 = arith.cmpi sgt, %jit3A_3228, %sign3A_3237 : i32
        %sign3A_3239 = arith.extui %sign3A_3238 : i1 to i32
        %sign3A_3240 = arith.constant 0 : i32
        %sign3A_3241 = arith.cmpi slt, %jit3A_3228, %sign3A_3240 : i32
        %sign3A_3242 = arith.extui %sign3A_3241 : i1 to i32
        %sign3A_3243 = arith.subi %sign3A_3239, %sign3A_3242 : i32
        %ne3A_3244 = arith.cmpi ne, %sign3A_3236, %sign3A_3243 : i32
        %rem3A_3245 = arith.remsi %squeeze3A_3227, %jit3A_3228 : i32
        %ne3A_3246 = arith.constant 0 : i32
        %ne3A_3247 = arith.cmpi ne, %rem3A_3245, %ne3A_3246 : i32
        %and3A_3248 = arith.andi %ne3A_3244, %ne3A_3247 : i1
        %sub3A_3249 = arith.constant 1 : i32
        %sub3A_3250 = arith.subi %div3A_3229, %sub3A_3249 : i32
        %select_n3A_3251 = arith.select %and3A_3248, %sub3A_3250, %div3A_3229 : i32
        %mul3A_3252 = arith.constant 128 : i32
        %mul3A_3253 = arith.muli %select_n3A_3251, %mul3A_3252 : i32
        %slice3A_3254 = vector.extract_strided_slice %get3A_597 {offsets = [5], sizes = [1], strides = [1]} : vector<16xi32> to vector<1xi32>
        %squeeze3A_3255 = vector.extract %slice3A_3254[0] : i32 from vector<1xi32>
        %jit3A_3256 = arith.constant 128 : i32
        %div3A_3257 = arith.divsi %squeeze3A_3255, %jit3A_3256 : i32
        %sign3A_3258 = arith.constant 0 : i32
        %sign3A_3259 = arith.cmpi sgt, %squeeze3A_3255, %sign3A_3258 : i32
        %sign3A_3260 = arith.extui %sign3A_3259 : i1 to i32
        %sign3A_3261 = arith.constant 0 : i32
        %sign3A_3262 = arith.cmpi slt, %squeeze3A_3255, %sign3A_3261 : i32
        %sign3A_3263 = arith.extui %sign3A_3262 : i1 to i32
        %sign3A_3264 = arith.subi %sign3A_3260, %sign3A_3263 : i32
        %sign3A_3265 = arith.constant 0 : i32
        %sign3A_3266 = arith.cmpi sgt, %jit3A_3256, %sign3A_3265 : i32
        %sign3A_3267 = arith.extui %sign3A_3266 : i1 to i32
        %sign3A_3268 = arith.constant 0 : i32
        %sign3A_3269 = arith.cmpi slt, %jit3A_3256, %sign3A_3268 : i32
        %sign3A_3270 = arith.extui %sign3A_3269 : i1 to i32
        %sign3A_3271 = arith.subi %sign3A_3267, %sign3A_3270 : i32
        %ne3A_3272 = arith.cmpi ne, %sign3A_3264, %sign3A_3271 : i32
        %rem3A_3273 = arith.remsi %squeeze3A_3255, %jit3A_3256 : i32
        %ne3A_3274 = arith.constant 0 : i32
        %ne3A_3275 = arith.cmpi ne, %rem3A_3273, %ne3A_3274 : i32
        %and3A_3276 = arith.andi %ne3A_3272, %ne3A_3275 : i1
        %sub3A_3277 = arith.constant 1 : i32
        %sub3A_3278 = arith.subi %div3A_3257, %sub3A_3277 : i32
        %select_n3A_3279 = arith.select %and3A_3276, %sub3A_3278, %div3A_3257 : i32
        %mul3A_3280 = arith.constant 128 : i32
        %mul3A_3281 = arith.muli %select_n3A_3279, %mul3A_3280 : i32
        %dma_start3A_3282 = arith.constant 5 : i32
        %dma_start3A_3283 = arith.constant 0 : i32
        %dma_start3A_3284 = arith.constant 0 : i32
        %dma_start3A_3285 = tpu.memref_slice %arg4[%dma_start3A_3284, %mul3A_3253] : memref<32x1000000xf32, #tpu.memory_space<hbm>> -> memref<32x128xf32, #tpu.memory_space<hbm>>
        %dma_start3A_3286 = tpu.memref_slice %arg26[%dma_start3A_3282, %dma_start3A_3283] : memref<8x2x!tpu.dma_semaphore, #tpu.memory_space<semaphore_mem>> -> memref<1x1x!tpu.dma_semaphore, #tpu.memory_space<semaphore_mem>>
        %dma_start3A_3287 = tpu.memref_squeeze %dma_start3A_3286 : memref<1x1x!tpu.dma_semaphore, #tpu.memory_space<semaphore_mem>> -> memref<!tpu.dma_semaphore, #tpu.memory_space<semaphore_mem>>
        %dma_start3A_3288 = arith.constant 0 : i32
        %dma_start3A_3289 = tpu.memref_slice %arg4[%dma_start3A_3288, %mul3A_3253] : memref<32x1000000xf32, #tpu.memory_space<hbm>> -> memref<32x128xf32, #tpu.memory_space<hbm>>
        tpu.enqueue_dma source(%dma_start3A_3289 : memref<32x128xf32, #tpu.memory_space<hbm>>) target(%arg14 : memref<32x128xf32, #tpu.memory_space<vmem>>) target_semaphore(%dma_start3A_3287 : memref<!tpu.dma_semaphore, #tpu.memory_space<semaphore_mem>>)
        %dma_start3A_3290 = arith.constant 5 : i32
        %dma_start3A_3291 = arith.constant 1 : i32
        %dma_start3A_3292 = arith.constant 0 : i32
        %dma_start3A_3293 = tpu.memref_slice %arg5[%dma_start3A_3292, %mul3A_3281] : memref<32x1000000xf32, #tpu.memory_space<hbm>> -> memref<32x128xf32, #tpu.memory_space<hbm>>
        %dma_start3A_3294 = tpu.memref_slice %arg26[%dma_start3A_3290, %dma_start3A_3291] : memref<8x2x!tpu.dma_semaphore, #tpu.memory_space<semaphore_mem>> -> memref<1x1x!tpu.dma_semaphore, #tpu.memory_space<semaphore_mem>>
        %dma_start3A_3295 = tpu.memref_squeeze %dma_start3A_3294 : memref<1x1x!tpu.dma_semaphore, #tpu.memory_space<semaphore_mem>> -> memref<!tpu.dma_semaphore, #tpu.memory_space<semaphore_mem>>
        %dma_start3A_3296 = arith.constant 0 : i32
        %dma_start3A_3297 = tpu.memref_slice %arg5[%dma_start3A_3296, %mul3A_3281] : memref<32x1000000xf32, #tpu.memory_space<hbm>> -> memref<32x128xf32, #tpu.memory_space<hbm>>
        tpu.enqueue_dma source(%dma_start3A_3297 : memref<32x128xf32, #tpu.memory_space<hbm>>) target(%arg22 : memref<32x128xf32, #tpu.memory_space<vmem>>) target_semaphore(%dma_start3A_3295 : memref<!tpu.dma_semaphore, #tpu.memory_space<semaphore_mem>>)
      } else {
      }
      %slice3A_2964 = vector.extract_strided_slice %scan3A_585 {offsets = [14], sizes = [1], strides = [1]} : vector<16xi32> to vector<1xi32>
      %squeeze3A_2965 = vector.extract %slice3A_2964[0] : i32 from vector<1xi32>
      %jit3A_2966 = arith.constant 128 : i32
      %div3A_2967 = arith.divsi %squeeze3A_2965, %jit3A_2966 : i32
      %sign3A_2968 = arith.constant 0 : i32
      %sign3A_2969 = arith.cmpi sgt, %squeeze3A_2965, %sign3A_2968 : i32
      %sign3A_2970 = arith.extui %sign3A_2969 : i1 to i32
      %sign3A_2971 = arith.constant 0 : i32
      %sign3A_2972 = arith.cmpi slt, %squeeze3A_2965, %sign3A_2971 : i32
      %sign3A_2973 = arith.extui %sign3A_2972 : i1 to i32
      %sign3A_2974 = arith.subi %sign3A_2970, %sign3A_2973 : i32
      %sign3A_2975 = arith.constant 0 : i32
      %sign3A_2976 = arith.cmpi sgt, %jit3A_2966, %sign3A_2975 : i32
      %sign3A_2977 = arith.extui %sign3A_2976 : i1 to i32
      %sign3A_2978 = arith.constant 0 : i32
      %sign3A_2979 = arith.cmpi slt, %jit3A_2966, %sign3A_2978 : i32
      %sign3A_2980 = arith.extui %sign3A_2979 : i1 to i32
      %sign3A_2981 = arith.subi %sign3A_2977, %sign3A_2980 : i32
      %ne3A_2982 = arith.cmpi ne, %sign3A_2974, %sign3A_2981 : i32
      %rem3A_2983 = arith.remsi %squeeze3A_2965, %jit3A_2966 : i32
      %ne3A_2984 = arith.constant 0 : i32
      %ne3A_2985 = arith.cmpi ne, %rem3A_2983, %ne3A_2984 : i32
      %and3A_2986 = arith.andi %ne3A_2982, %ne3A_2985 : i1
      %sub3A_2987 = arith.constant 1 : i32
      %sub3A_2988 = arith.subi %div3A_2967, %sub3A_2987 : i32
      %select_n3A_2989 = arith.select %and3A_2986, %sub3A_2988, %div3A_2967 : i32
      %mul3A_2990 = arith.constant 128 : i32
      %mul3A_2991 = arith.muli %select_n3A_2989, %mul3A_2990 : i32
      %slice3A_2992 = vector.extract_strided_slice %scan3A_586 {offsets = [14], sizes = [1], strides = [1]} : vector<16xi32> to vector<1xi32>
      %squeeze3A_2993 = vector.extract %slice3A_2992[0] : i32 from vector<1xi32>
      %jit3A_2994 = arith.constant 128 : i32
      %div3A_2995 = arith.divsi %squeeze3A_2993, %jit3A_2994 : i32
      %sign3A_2996 = arith.constant 0 : i32
      %sign3A_2997 = arith.cmpi sgt, %squeeze3A_2993, %sign3A_2996 : i32
      %sign3A_2998 = arith.extui %sign3A_2997 : i1 to i32
      %sign3A_2999 = arith.constant 0 : i32
      %sign3A_3000 = arith.cmpi slt, %squeeze3A_2993, %sign3A_2999 : i32
      %sign3A_3001 = arith.extui %sign3A_3000 : i1 to i32
      %sign3A_3002 = arith.subi %sign3A_2998, %sign3A_3001 : i32
      %sign3A_3003 = arith.constant 0 : i32
      %sign3A_3004 = arith.cmpi sgt, %jit3A_2994, %sign3A_3003 : i32
      %sign3A_3005 = arith.extui %sign3A_3004 : i1 to i32
      %sign3A_3006 = arith.constant 0 : i32
      %sign3A_3007 = arith.cmpi slt, %jit3A_2994, %sign3A_3006 : i32
      %sign3A_3008 = arith.extui %sign3A_3007 : i1 to i32
      %sign3A_3009 = arith.subi %sign3A_3005, %sign3A_3008 : i32
      %ne3A_3010 = arith.cmpi ne, %sign3A_3002, %sign3A_3009 : i32
      %rem3A_3011 = arith.remsi %squeeze3A_2993, %jit3A_2994 : i32
      %ne3A_3012 = arith.constant 0 : i32
      %ne3A_3013 = arith.cmpi ne, %rem3A_3011, %ne3A_3012 : i32
      %and3A_3014 = arith.andi %ne3A_3010, %ne3A_3013 : i1
      %sub3A_3015 = arith.constant 1 : i32
      %sub3A_3016 = arith.subi %div3A_2995, %sub3A_3015 : i32
      %select_n3A_3017 = arith.select %and3A_3014, %sub3A_3016, %div3A_2995 : i32
      %mul3A_3018 = arith.constant 128 : i32
      %mul3A_3019 = arith.muli %select_n3A_3017, %mul3A_3018 : i32
      %dma_wait3A_3020 = arith.constant 6 : i32
      %dma_wait3A_3021 = arith.constant 0 : i32
      %dma_wait3A_3022 = arith.constant 0 : i32
      %dma_wait3A_3023 = tpu.memref_slice %arg4[%dma_wait3A_3022, %mul3A_2991] : memref<32x1000000xf32, #tpu.memory_space<hbm>> -> memref<32x128xf32, #tpu.memory_space<hbm>>
      %dma_wait3A_3024 = tpu.memref_slice %arg26[%dma_wait3A_3020, %dma_wait3A_3021] : memref<8x2x!tpu.dma_semaphore, #tpu.memory_space<semaphore_mem>> -> memref<1x1x!tpu.dma_semaphore, #tpu.memory_space<semaphore_mem>>
      %dma_wait3A_3025 = tpu.memref_squeeze %dma_wait3A_3024 : memref<1x1x!tpu.dma_semaphore, #tpu.memory_space<semaphore_mem>> -> memref<!tpu.dma_semaphore, #tpu.memory_space<semaphore_mem>>
      %dma_wait3A_3026 = arith.constant 0 : i32
      %dma_wait3A_3027 = tpu.memref_slice %arg4[%dma_wait3A_3026, %mul3A_2991] : memref<32x1000000xf32, #tpu.memory_space<hbm>> -> memref<32x128xf32, #tpu.memory_space<hbm>>
      tpu.wait_dma2 semaphore(%dma_wait3A_3025 : memref<!tpu.dma_semaphore, #tpu.memory_space<semaphore_mem>>) src(%dma_wait3A_3027 : memref<32x128xf32, #tpu.memory_space<hbm>>) dst(%arg15 : memref<32x128xf32, #tpu.memory_space<vmem>>)
      %dma_wait3A_3028 = arith.constant 6 : i32
      %dma_wait3A_3029 = arith.constant 1 : i32
      %dma_wait3A_3030 = arith.constant 0 : i32
      %dma_wait3A_3031 = tpu.memref_slice %arg5[%dma_wait3A_3030, %mul3A_3019] : memref<32x1000000xf32, #tpu.memory_space<hbm>> -> memref<32x128xf32, #tpu.memory_space<hbm>>
      %dma_wait3A_3032 = tpu.memref_slice %arg26[%dma_wait3A_3028, %dma_wait3A_3029] : memref<8x2x!tpu.dma_semaphore, #tpu.memory_space<semaphore_mem>> -> memref<1x1x!tpu.dma_semaphore, #tpu.memory_space<semaphore_mem>>
      %dma_wait3A_3033 = tpu.memref_squeeze %dma_wait3A_3032 : memref<1x1x!tpu.dma_semaphore, #tpu.memory_space<semaphore_mem>> -> memref<!tpu.dma_semaphore, #tpu.memory_space<semaphore_mem>>
      %dma_wait3A_3034 = arith.constant 0 : i32
      %dma_wait3A_3035 = tpu.memref_slice %arg5[%dma_wait3A_3034, %mul3A_3019] : memref<32x1000000xf32, #tpu.memory_space<hbm>> -> memref<32x128xf32, #tpu.memory_space<hbm>>
      tpu.wait_dma2 semaphore(%dma_wait3A_3033 : memref<!tpu.dma_semaphore, #tpu.memory_space<semaphore_mem>>) src(%dma_wait3A_3035 : memref<32x128xf32, #tpu.memory_space<hbm>>) dst(%arg23 : memref<32x128xf32, #tpu.memory_space<vmem>>)
      %slice3A_3036 = vector.extract_strided_slice %scan3A_585 {offsets = [14], sizes = [1], strides = [1]} : vector<16xi32> to vector<1xi32>
      %squeeze3A_3037 = vector.extract %slice3A_3036[0] : i32 from vector<1xi32>
      %jit3A_3038 = arith.constant 128 : i32
      %eq3A_3039 = arith.constant 0 : i32
      %eq3A_3040 = arith.cmpi eq, %jit3A_3038, %eq3A_3039 : i32
      %jit3A_3041 = arith.constant 1 : i32
      %select_n3A_3042 = arith.select %eq3A_3040, %jit3A_3041, %jit3A_3038 : i32
      %rem3A_3043 = arith.remsi %squeeze3A_3037, %select_n3A_3042 : i32
      %ne3A_3044 = arith.constant 0 : i32
      %ne3A_3045 = arith.cmpi ne, %rem3A_3043, %ne3A_3044 : i32
      %lt3A_3046 = arith.constant 0 : i32
      %lt3A_3047 = arith.cmpi slt, %rem3A_3043, %lt3A_3046 : i32
      %lt3A_3048 = arith.constant 0 : i32
      %lt3A_3049 = arith.cmpi slt, %select_n3A_3042, %lt3A_3048 : i32
      %ne3A_3050 = arith.xori %lt3A_3047, %lt3A_3049 : i1
      %and3A_3051 = arith.andi %ne3A_3050, %ne3A_3045 : i1
      %add3A_3052 = arith.addi %rem3A_3043, %select_n3A_3042 : i32
      %select_n3A_3053 = arith.select %and3A_3051, %add3A_3052, %rem3A_3043 : i32
      %slice3A_3054 = vector.extract_strided_slice %scan3A_586 {offsets = [14], sizes = [1], strides = [1]} : vector<16xi32> to vector<1xi32>
      %squeeze3A_3055 = vector.extract %slice3A_3054[0] : i32 from vector<1xi32>
      %jit3A_3056 = arith.constant 128 : i32
      %eq3A_3057 = arith.constant 0 : i32
      %eq3A_3058 = arith.cmpi eq, %jit3A_3056, %eq3A_3057 : i32
      %jit3A_3059 = arith.constant 1 : i32
      %select_n3A_3060 = arith.select %eq3A_3058, %jit3A_3059, %jit3A_3056 : i32
      %rem3A_3061 = arith.remsi %squeeze3A_3055, %select_n3A_3060 : i32
      %ne3A_3062 = arith.constant 0 : i32
      %ne3A_3063 = arith.cmpi ne, %rem3A_3061, %ne3A_3062 : i32
      %lt3A_3064 = arith.constant 0 : i32
      %lt3A_3065 = arith.cmpi slt, %rem3A_3061, %lt3A_3064 : i32
      %lt3A_3066 = arith.constant 0 : i32
      %lt3A_3067 = arith.cmpi slt, %select_n3A_3060, %lt3A_3066 : i32
      %ne3A_3068 = arith.xori %lt3A_3065, %lt3A_3067 : i1
      %and3A_3069 = arith.andi %ne3A_3068, %ne3A_3063 : i1
      %add3A_3070 = arith.addi %rem3A_3061, %select_n3A_3060 : i32
      %select_n3A_3071 = arith.select %and3A_3069, %add3A_3070, %rem3A_3061 : i32
      %add3A_3072 = arith.constant 14 : i32
      %add3A_3073 = arith.addi %mul3A_599, %add3A_3072 : i32
      %broadcast_in_dim3A_3074 = vector.broadcast %select_n3A_3053 : i32 to vector<16xi32>
      %broadcast_in_dim3A_3075 = vector.broadcast %select_n3A_3071 : i32 to vector<16xi32>
      %gather3A_3076 = tpu.vector_load_idx %arg15[%iota3A, %broadcast_in_dim3A_3074] : memref<32x128xf32, #tpu.memory_space<vmem>>[vector<16xi32>, vector<16xi32>], vector<16xf32>,
      %add3A_3077 = arith.constant 16 : i32
      %add3A_3078 = vector.broadcast %add3A_3077 : i32 to vector<16xi32>
      %add3A_3079 = arith.addi %iota3A, %add3A_3078 : vector<16xi32>
      %gather3A_3080 = tpu.vector_load_idx %arg15[%add3A_3079, %broadcast_in_dim3A_3074] : memref<32x128xf32, #tpu.memory_space<vmem>>[vector<16xi32>, vector<16xi32>], vector<16xf32>,
      %gather3A_3081 = tpu.vector_load_idx %arg23[%iota3A, %broadcast_in_dim3A_3075] : memref<32x128xf32, #tpu.memory_space<vmem>>[vector<16xi32>, vector<16xi32>], vector<16xf32>,
      %add3A_3082 = arith.constant 16 : i32
      %add3A_3083 = vector.broadcast %add3A_3082 : i32 to vector<16xi32>
      %add3A_3084 = arith.addi %iota3A, %add3A_3083 : vector<16xi32>
      %gather3A_3085 = tpu.vector_load_idx %arg23[%add3A_3084, %broadcast_in_dim3A_3075] : memref<32x128xf32, #tpu.memory_space<vmem>>[vector<16xi32>, vector<16xi32>], vector<16xf32>,
      %mul3A_3086 = arith.mulf %gather3A_3076, %gather3A_3081 : vector<16xf32>
      %mul3A_3087 = arith.mulf %gather3A_3080, %gather3A_3085 : vector<16xf32>
      %add3A_3088 = arith.addf %mul3A_3086, %mul3A_3087 : vector<16xf32>
      %broadcast_in_dim3A_3089 = vector.broadcast %add3A_3073 : i32 to vector<16xi32>
      tpu.vector_store_idx %arg25[%broadcast_in_dim3A_3089], %add3A_3088 {add = true} : memref<512xf32, #tpu.memory_space<vmem>>[vector<16xi32>], vector<16xf32>,
      %lt3A_3090 = arith.constant 31 : i32
      %lt3A_3091 = arith.cmpi slt, %scan3A_584, %lt3A_3090 : i32
      %convert_element_type3A_3092 = arith.extui %lt3A_3091 : i1 to i32
      %cond3A_3093 = arith.constant 0 : i32
      %cond3A_3094 = arith.cmpi ne, %convert_element_type3A_3092, %cond3A_3093 : i32
      scf.if %cond3A_3094 {
        %slice3A_3226 = vector.extract_strided_slice %get3A_593 {offsets = [6], sizes = [1], strides = [1]} : vector<16xi32> to vector<1xi32>
        %squeeze3A_3227 = vector.extract %slice3A_3226[0] : i32 from vector<1xi32>
        %jit3A_3228 = arith.constant 128 : i32
        %div3A_3229 = arith.divsi %squeeze3A_3227, %jit3A_3228 : i32
        %sign3A_3230 = arith.constant 0 : i32
        %sign3A_3231 = arith.cmpi sgt, %squeeze3A_3227, %sign3A_3230 : i32
        %sign3A_3232 = arith.extui %sign3A_3231 : i1 to i32
        %sign3A_3233 = arith.constant 0 : i32
        %sign3A_3234 = arith.cmpi slt, %squeeze3A_3227, %sign3A_3233 : i32
        %sign3A_3235 = arith.extui %sign3A_3234 : i1 to i32
        %sign3A_3236 = arith.subi %sign3A_3232, %sign3A_3235 : i32
        %sign3A_3237 = arith.constant 0 : i32
        %sign3A_3238 = arith.cmpi sgt, %jit3A_3228, %sign3A_3237 : i32
        %sign3A_3239 = arith.extui %sign3A_3238 : i1 to i32
        %sign3A_3240 = arith.constant 0 : i32
        %sign3A_3241 = arith.cmpi slt, %jit3A_3228, %sign3A_3240 : i32
        %sign3A_3242 = arith.extui %sign3A_3241 : i1 to i32
        %sign3A_3243 = arith.subi %sign3A_3239, %sign3A_3242 : i32
        %ne3A_3244 = arith.cmpi ne, %sign3A_3236, %sign3A_3243 : i32
        %rem3A_3245 = arith.remsi %squeeze3A_3227, %jit3A_3228 : i32
        %ne3A_3246 = arith.constant 0 : i32
        %ne3A_3247 = arith.cmpi ne, %rem3A_3245, %ne3A_3246 : i32
        %and3A_3248 = arith.andi %ne3A_3244, %ne3A_3247 : i1
        %sub3A_3249 = arith.constant 1 : i32
        %sub3A_3250 = arith.subi %div3A_3229, %sub3A_3249 : i32
        %select_n3A_3251 = arith.select %and3A_3248, %sub3A_3250, %div3A_3229 : i32
        %mul3A_3252 = arith.constant 128 : i32
        %mul3A_3253 = arith.muli %select_n3A_3251, %mul3A_3252 : i32
        %slice3A_3254 = vector.extract_strided_slice %get3A_597 {offsets = [6], sizes = [1], strides = [1]} : vector<16xi32> to vector<1xi32>
        %squeeze3A_3255 = vector.extract %slice3A_3254[0] : i32 from vector<1xi32>
        %jit3A_3256 = arith.constant 128 : i32
        %div3A_3257 = arith.divsi %squeeze3A_3255, %jit3A_3256 : i32
        %sign3A_3258 = arith.constant 0 : i32
        %sign3A_3259 = arith.cmpi sgt, %squeeze3A_3255, %sign3A_3258 : i32
        %sign3A_3260 = arith.extui %sign3A_3259 : i1 to i32
        %sign3A_3261 = arith.constant 0 : i32
        %sign3A_3262 = arith.cmpi slt, %squeeze3A_3255, %sign3A_3261 : i32
        %sign3A_3263 = arith.extui %sign3A_3262 : i1 to i32
        %sign3A_3264 = arith.subi %sign3A_3260, %sign3A_3263 : i32
        %sign3A_3265 = arith.constant 0 : i32
        %sign3A_3266 = arith.cmpi sgt, %jit3A_3256, %sign3A_3265 : i32
        %sign3A_3267 = arith.extui %sign3A_3266 : i1 to i32
        %sign3A_3268 = arith.constant 0 : i32
        %sign3A_3269 = arith.cmpi slt, %jit3A_3256, %sign3A_3268 : i32
        %sign3A_3270 = arith.extui %sign3A_3269 : i1 to i32
        %sign3A_3271 = arith.subi %sign3A_3267, %sign3A_3270 : i32
        %ne3A_3272 = arith.cmpi ne, %sign3A_3264, %sign3A_3271 : i32
        %rem3A_3273 = arith.remsi %squeeze3A_3255, %jit3A_3256 : i32
        %ne3A_3274 = arith.constant 0 : i32
        %ne3A_3275 = arith.cmpi ne, %rem3A_3273, %ne3A_3274 : i32
        %and3A_3276 = arith.andi %ne3A_3272, %ne3A_3275 : i1
        %sub3A_3277 = arith.constant 1 : i32
        %sub3A_3278 = arith.subi %div3A_3257, %sub3A_3277 : i32
        %select_n3A_3279 = arith.select %and3A_3276, %sub3A_3278, %div3A_3257 : i32
        %mul3A_3280 = arith.constant 128 : i32
        %mul3A_3281 = arith.muli %select_n3A_3279, %mul3A_3280 : i32
        %dma_start3A_3282 = arith.constant 6 : i32
        %dma_start3A_3283 = arith.constant 0 : i32
        %dma_start3A_3284 = arith.constant 0 : i32
        %dma_start3A_3285 = tpu.memref_slice %arg4[%dma_start3A_3284, %mul3A_3253] : memref<32x1000000xf32, #tpu.memory_space<hbm>> -> memref<32x128xf32, #tpu.memory_space<hbm>>
        %dma_start3A_3286 = tpu.memref_slice %arg26[%dma_start3A_3282, %dma_start3A_3283] : memref<8x2x!tpu.dma_semaphore, #tpu.memory_space<semaphore_mem>> -> memref<1x1x!tpu.dma_semaphore, #tpu.memory_space<semaphore_mem>>
        %dma_start3A_3287 = tpu.memref_squeeze %dma_start3A_3286 : memref<1x1x!tpu.dma_semaphore, #tpu.memory_space<semaphore_mem>> -> memref<!tpu.dma_semaphore, #tpu.memory_space<semaphore_mem>>
        %dma_start3A_3288 = arith.constant 0 : i32
        %dma_start3A_3289 = tpu.memref_slice %arg4[%dma_start3A_3288, %mul3A_3253] : memref<32x1000000xf32, #tpu.memory_space<hbm>> -> memref<32x128xf32, #tpu.memory_space<hbm>>
        tpu.enqueue_dma source(%dma_start3A_3289 : memref<32x128xf32, #tpu.memory_space<hbm>>) target(%arg15 : memref<32x128xf32, #tpu.memory_space<vmem>>) target_semaphore(%dma_start3A_3287 : memref<!tpu.dma_semaphore, #tpu.memory_space<semaphore_mem>>)
        %dma_start3A_3290 = arith.constant 6 : i32
        %dma_start3A_3291 = arith.constant 1 : i32
        %dma_start3A_3292 = arith.constant 0 : i32
        %dma_start3A_3293 = tpu.memref_slice %arg5[%dma_start3A_3292, %mul3A_3281] : memref<32x1000000xf32, #tpu.memory_space<hbm>> -> memref<32x128xf32, #tpu.memory_space<hbm>>
        %dma_start3A_3294 = tpu.memref_slice %arg26[%dma_start3A_3290, %dma_start3A_3291] : memref<8x2x!tpu.dma_semaphore, #tpu.memory_space<semaphore_mem>> -> memref<1x1x!tpu.dma_semaphore, #tpu.memory_space<semaphore_mem>>
        %dma_start3A_3295 = tpu.memref_squeeze %dma_start3A_3294 : memref<1x1x!tpu.dma_semaphore, #tpu.memory_space<semaphore_mem>> -> memref<!tpu.dma_semaphore, #tpu.memory_space<semaphore_mem>>
        %dma_start3A_3296 = arith.constant 0 : i32
        %dma_start3A_3297 = tpu.memref_slice %arg5[%dma_start3A_3296, %mul3A_3281] : memref<32x1000000xf32, #tpu.memory_space<hbm>> -> memref<32x128xf32, #tpu.memory_space<hbm>>
        tpu.enqueue_dma source(%dma_start3A_3297 : memref<32x128xf32, #tpu.memory_space<hbm>>) target(%arg23 : memref<32x128xf32, #tpu.memory_space<vmem>>) target_semaphore(%dma_start3A_3295 : memref<!tpu.dma_semaphore, #tpu.memory_space<semaphore_mem>>)
      } else {
      }
      %slice3A_3095 = vector.extract_strided_slice %scan3A_585 {offsets = [15], sizes = [1], strides = [1]} : vector<16xi32> to vector<1xi32>
      %squeeze3A_3096 = vector.extract %slice3A_3095[0] : i32 from vector<1xi32>
      %jit3A_3097 = arith.constant 128 : i32
      %div3A_3098 = arith.divsi %squeeze3A_3096, %jit3A_3097 : i32
      %sign3A_3099 = arith.constant 0 : i32
      %sign3A_3100 = arith.cmpi sgt, %squeeze3A_3096, %sign3A_3099 : i32
      %sign3A_3101 = arith.extui %sign3A_3100 : i1 to i32
      %sign3A_3102 = arith.constant 0 : i32
      %sign3A_3103 = arith.cmpi slt, %squeeze3A_3096, %sign3A_3102 : i32
      %sign3A_3104 = arith.extui %sign3A_3103 : i1 to i32
      %sign3A_3105 = arith.subi %sign3A_3101, %sign3A_3104 : i32
      %sign3A_3106 = arith.constant 0 : i32
      %sign3A_3107 = arith.cmpi sgt, %jit3A_3097, %sign3A_3106 : i32
      %sign3A_3108 = arith.extui %sign3A_3107 : i1 to i32
      %sign3A_3109 = arith.constant 0 : i32
      %sign3A_3110 = arith.cmpi slt, %jit3A_3097, %sign3A_3109 : i32
      %sign3A_3111 = arith.extui %sign3A_3110 : i1 to i32
      %sign3A_3112 = arith.subi %sign3A_3108, %sign3A_3111 : i32
      %ne3A_3113 = arith.cmpi ne, %sign3A_3105, %sign3A_3112 : i32
      %rem3A_3114 = arith.remsi %squeeze3A_3096, %jit3A_3097 : i32
      %ne3A_3115 = arith.constant 0 : i32
      %ne3A_3116 = arith.cmpi ne, %rem3A_3114, %ne3A_3115 : i32
      %and3A_3117 = arith.andi %ne3A_3113, %ne3A_3116 : i1
      %sub3A_3118 = arith.constant 1 : i32
      %sub3A_3119 = arith.subi %div3A_3098, %sub3A_3118 : i32
      %select_n3A_3120 = arith.select %and3A_3117, %sub3A_3119, %div3A_3098 : i32
      %mul3A_3121 = arith.constant 128 : i32
      %mul3A_3122 = arith.muli %select_n3A_3120, %mul3A_3121 : i32
      %slice3A_3123 = vector.extract_strided_slice %scan3A_586 {offsets = [15], sizes = [1], strides = [1]} : vector<16xi32> to vector<1xi32>
      %squeeze3A_3124 = vector.extract %slice3A_3123[0] : i32 from vector<1xi32>
      %jit3A_3125 = arith.constant 128 : i32
      %div3A_3126 = arith.divsi %squeeze3A_3124, %jit3A_3125 : i32
      %sign3A_3127 = arith.constant 0 : i32
      %sign3A_3128 = arith.cmpi sgt, %squeeze3A_3124, %sign3A_3127 : i32
      %sign3A_3129 = arith.extui %sign3A_3128 : i1 to i32
      %sign3A_3130 = arith.constant 0 : i32
      %sign3A_3131 = arith.cmpi slt, %squeeze3A_3124, %sign3A_3130 : i32
      %sign3A_3132 = arith.extui %sign3A_3131 : i1 to i32
      %sign3A_3133 = arith.subi %sign3A_3129, %sign3A_3132 : i32
      %sign3A_3134 = arith.constant 0 : i32
      %sign3A_3135 = arith.cmpi sgt, %jit3A_3125, %sign3A_3134 : i32
      %sign3A_3136 = arith.extui %sign3A_3135 : i1 to i32
      %sign3A_3137 = arith.constant 0 : i32
      %sign3A_3138 = arith.cmpi slt, %jit3A_3125, %sign3A_3137 : i32
      %sign3A_3139 = arith.extui %sign3A_3138 : i1 to i32
      %sign3A_3140 = arith.subi %sign3A_3136, %sign3A_3139 : i32
      %ne3A_3141 = arith.cmpi ne, %sign3A_3133, %sign3A_3140 : i32
      %rem3A_3142 = arith.remsi %squeeze3A_3124, %jit3A_3125 : i32
      %ne3A_3143 = arith.constant 0 : i32
      %ne3A_3144 = arith.cmpi ne, %rem3A_3142, %ne3A_3143 : i32
      %and3A_3145 = arith.andi %ne3A_3141, %ne3A_3144 : i1
      %sub3A_3146 = arith.constant 1 : i32
      %sub3A_3147 = arith.subi %div3A_3126, %sub3A_3146 : i32
      %select_n3A_3148 = arith.select %and3A_3145, %sub3A_3147, %div3A_3126 : i32
      %mul3A_3149 = arith.constant 128 : i32
      %mul3A_3150 = arith.muli %select_n3A_3148, %mul3A_3149 : i32
      %dma_wait3A_3151 = arith.constant 7 : i32
      %dma_wait3A_3152 = arith.constant 0 : i32
      %dma_wait3A_3153 = arith.constant 0 : i32
      %dma_wait3A_3154 = tpu.memref_slice %arg4[%dma_wait3A_3153, %mul3A_3122] : memref<32x1000000xf32, #tpu.memory_space<hbm>> -> memref<32x128xf32, #tpu.memory_space<hbm>>
      %dma_wait3A_3155 = tpu.memref_slice %arg26[%dma_wait3A_3151, %dma_wait3A_3152] : memref<8x2x!tpu.dma_semaphore, #tpu.memory_space<semaphore_mem>> -> memref<1x1x!tpu.dma_semaphore, #tpu.memory_space<semaphore_mem>>
      %dma_wait3A_3156 = tpu.memref_squeeze %dma_wait3A_3155 : memref<1x1x!tpu.dma_semaphore, #tpu.memory_space<semaphore_mem>> -> memref<!tpu.dma_semaphore, #tpu.memory_space<semaphore_mem>>
      %dma_wait3A_3157 = arith.constant 0 : i32
      %dma_wait3A_3158 = tpu.memref_slice %arg4[%dma_wait3A_3157, %mul3A_3122] : memref<32x1000000xf32, #tpu.memory_space<hbm>> -> memref<32x128xf32, #tpu.memory_space<hbm>>
      tpu.wait_dma2 semaphore(%dma_wait3A_3156 : memref<!tpu.dma_semaphore, #tpu.memory_space<semaphore_mem>>) src(%dma_wait3A_3158 : memref<32x128xf32, #tpu.memory_space<hbm>>) dst(%arg16 : memref<32x128xf32, #tpu.memory_space<vmem>>)
      %dma_wait3A_3159 = arith.constant 7 : i32
      %dma_wait3A_3160 = arith.constant 1 : i32
      %dma_wait3A_3161 = arith.constant 0 : i32
      %dma_wait3A_3162 = tpu.memref_slice %arg5[%dma_wait3A_3161, %mul3A_3150] : memref<32x1000000xf32, #tpu.memory_space<hbm>> -> memref<32x128xf32, #tpu.memory_space<hbm>>
      %dma_wait3A_3163 = tpu.memref_slice %arg26[%dma_wait3A_3159, %dma_wait3A_3160] : memref<8x2x!tpu.dma_semaphore, #tpu.memory_space<semaphore_mem>> -> memref<1x1x!tpu.dma_semaphore, #tpu.memory_space<semaphore_mem>>
      %dma_wait3A_3164 = tpu.memref_squeeze %dma_wait3A_3163 : memref<1x1x!tpu.dma_semaphore, #tpu.memory_space<semaphore_mem>> -> memref<!tpu.dma_semaphore, #tpu.memory_space<semaphore_mem>>
      %dma_wait3A_3165 = arith.constant 0 : i32
      %dma_wait3A_3166 = tpu.memref_slice %arg5[%dma_wait3A_3165, %mul3A_3150] : memref<32x1000000xf32, #tpu.memory_space<hbm>> -> memref<32x128xf32, #tpu.memory_space<hbm>>
      tpu.wait_dma2 semaphore(%dma_wait3A_3164 : memref<!tpu.dma_semaphore, #tpu.memory_space<semaphore_mem>>) src(%dma_wait3A_3166 : memref<32x128xf32, #tpu.memory_space<hbm>>) dst(%arg24 : memref<32x128xf32, #tpu.memory_space<vmem>>)
      %slice3A_3167 = vector.extract_strided_slice %scan3A_585 {offsets = [15], sizes = [1], strides = [1]} : vector<16xi32> to vector<1xi32>
      %squeeze3A_3168 = vector.extract %slice3A_3167[0] : i32 from vector<1xi32>
      %jit3A_3169 = arith.constant 128 : i32
      %eq3A_3170 = arith.constant 0 : i32
      %eq3A_3171 = arith.cmpi eq, %jit3A_3169, %eq3A_3170 : i32
      %jit3A_3172 = arith.constant 1 : i32
      %select_n3A_3173 = arith.select %eq3A_3171, %jit3A_3172, %jit3A_3169 : i32
      %rem3A_3174 = arith.remsi %squeeze3A_3168, %select_n3A_3173 : i32
      %ne3A_3175 = arith.constant 0 : i32
      %ne3A_3176 = arith.cmpi ne, %rem3A_3174, %ne3A_3175 : i32
      %lt3A_3177 = arith.constant 0 : i32
      %lt3A_3178 = arith.cmpi slt, %rem3A_3174, %lt3A_3177 : i32
      %lt3A_3179 = arith.constant 0 : i32
      %lt3A_3180 = arith.cmpi slt, %select_n3A_3173, %lt3A_3179 : i32
      %ne3A_3181 = arith.xori %lt3A_3178, %lt3A_3180 : i1
      %and3A_3182 = arith.andi %ne3A_3181, %ne3A_3176 : i1
      %add3A_3183 = arith.addi %rem3A_3174, %select_n3A_3173 : i32
      %select_n3A_3184 = arith.select %and3A_3182, %add3A_3183, %rem3A_3174 : i32
      %slice3A_3185 = vector.extract_strided_slice %scan3A_586 {offsets = [15], sizes = [1], strides = [1]} : vector<16xi32> to vector<1xi32>
      %squeeze3A_3186 = vector.extract %slice3A_3185[0] : i32 from vector<1xi32>
      %jit3A_3187 = arith.constant 128 : i32
      %eq3A_3188 = arith.constant 0 : i32
      %eq3A_3189 = arith.cmpi eq, %jit3A_3187, %eq3A_3188 : i32
      %jit3A_3190 = arith.constant 1 : i32
      %select_n3A_3191 = arith.select %eq3A_3189, %jit3A_3190, %jit3A_3187 : i32
      %rem3A_3192 = arith.remsi %squeeze3A_3186, %select_n3A_3191 : i32
      %ne3A_3193 = arith.constant 0 : i32
      %ne3A_3194 = arith.cmpi ne, %rem3A_3192, %ne3A_3193 : i32
      %lt3A_3195 = arith.constant 0 : i32
      %lt3A_3196 = arith.cmpi slt, %rem3A_3192, %lt3A_3195 : i32
      %lt3A_3197 = arith.constant 0 : i32
      %lt3A_3198 = arith.cmpi slt, %select_n3A_3191, %lt3A_3197 : i32
      %ne3A_3199 = arith.xori %lt3A_3196, %lt3A_3198 : i1
      %and3A_3200 = arith.andi %ne3A_3199, %ne3A_3194 : i1
      %add3A_3201 = arith.addi %rem3A_3192, %select_n3A_3191 : i32
      %select_n3A_3202 = arith.select %and3A_3200, %add3A_3201, %rem3A_3192 : i32
      %add3A_3203 = arith.constant 15 : i32
      %add3A_3204 = arith.addi %mul3A_599, %add3A_3203 : i32
      %broadcast_in_dim3A_3205 = vector.broadcast %select_n3A_3184 : i32 to vector<16xi32>
      %broadcast_in_dim3A_3206 = vector.broadcast %select_n3A_3202 : i32 to vector<16xi32>
      %gather3A_3207 = tpu.vector_load_idx %arg16[%iota3A, %broadcast_in_dim3A_3205] : memref<32x128xf32, #tpu.memory_space<vmem>>[vector<16xi32>, vector<16xi32>], vector<16xf32>,
      %add3A_3208 = arith.constant 16 : i32
      %add3A_3209 = vector.broadcast %add3A_3208 : i32 to vector<16xi32>
      %add3A_3210 = arith.addi %iota3A, %add3A_3209 : vector<16xi32>
      %gather3A_3211 = tpu.vector_load_idx %arg16[%add3A_3210, %broadcast_in_dim3A_3205] : memref<32x128xf32, #tpu.memory_space<vmem>>[vector<16xi32>, vector<16xi32>], vector<16xf32>,
      %gather3A_3212 = tpu.vector_load_idx %arg24[%iota3A, %broadcast_in_dim3A_3206] : memref<32x128xf32, #tpu.memory_space<vmem>>[vector<16xi32>, vector<16xi32>], vector<16xf32>,
      %add3A_3213 = arith.constant 16 : i32
      %add3A_3214 = vector.broadcast %add3A_3213 : i32 to vector<16xi32>
      %add3A_3215 = arith.addi %iota3A, %add3A_3214 : vector<16xi32>
      %gather3A_3216 = tpu.vector_load_idx %arg24[%add3A_3215, %broadcast_in_dim3A_3206] : memref<32x128xf32, #tpu.memory_space<vmem>>[vector<16xi32>, vector<16xi32>], vector<16xf32>,
      %mul3A_3217 = arith.mulf %gather3A_3207, %gather3A_3212 : vector<16xf32>
      %mul3A_3218 = arith.mulf %gather3A_3211, %gather3A_3216 : vector<16xf32>
      %add3A_3219 = arith.addf %mul3A_3217, %mul3A_3218 : vector<16xf32>
      %broadcast_in_dim3A_3220 = vector.broadcast %add3A_3204 : i32 to vector<16xi32>
      tpu.vector_store_idx %arg25[%broadcast_in_dim3A_3220], %add3A_3219 {add = true} : memref<512xf32, #tpu.memory_space<vmem>>[vector<16xi32>], vector<16xf32>,
      %lt3A_3221 = arith.constant 31 : i32
      %lt3A_3222 = arith.cmpi slt, %scan3A_584, %lt3A_3221 : i32
      %convert_element_type3A_3223 = arith.extui %lt3A_3222 : i1 to i32
      %cond3A_3224 = arith.constant 0 : i32
      %cond3A_3225 = arith.cmpi ne, %convert_element_type3A_3223, %cond3A_3224 : i32
      scf.if %cond3A_3225 {
        %slice3A_3226 = vector.extract_strided_slice %get3A_593 {offsets = [7], sizes = [1], strides = [1]} : vector<16xi32> to vector<1xi32>
        %squeeze3A_3227 = vector.extract %slice3A_3226[0] : i32 from vector<1xi32>
        %jit3A_3228 = arith.constant 128 : i32
        %div3A_3229 = arith.divsi %squeeze3A_3227, %jit3A_3228 : i32
        %sign3A_3230 = arith.constant 0 : i32
        %sign3A_3231 = arith.cmpi sgt, %squeeze3A_3227, %sign3A_3230 : i32
        %sign3A_3232 = arith.extui %sign3A_3231 : i1 to i32
        %sign3A_3233 = arith.constant 0 : i32
        %sign3A_3234 = arith.cmpi slt, %squeeze3A_3227, %sign3A_3233 : i32
        %sign3A_3235 = arith.extui %sign3A_3234 : i1 to i32
        %sign3A_3236 = arith.subi %sign3A_3232, %sign3A_3235 : i32
        %sign3A_3237 = arith.constant 0 : i32
        %sign3A_3238 = arith.cmpi sgt, %jit3A_3228, %sign3A_3237 : i32
        %sign3A_3239 = arith.extui %sign3A_3238 : i1 to i32
        %sign3A_3240 = arith.constant 0 : i32
        %sign3A_3241 = arith.cmpi slt, %jit3A_3228, %sign3A_3240 : i32
        %sign3A_3242 = arith.extui %sign3A_3241 : i1 to i32
        %sign3A_3243 = arith.subi %sign3A_3239, %sign3A_3242 : i32
        %ne3A_3244 = arith.cmpi ne, %sign3A_3236, %sign3A_3243 : i32
        %rem3A_3245 = arith.remsi %squeeze3A_3227, %jit3A_3228 : i32
        %ne3A_3246 = arith.constant 0 : i32
        %ne3A_3247 = arith.cmpi ne, %rem3A_3245, %ne3A_3246 : i32
        %and3A_3248 = arith.andi %ne3A_3244, %ne3A_3247 : i1
        %sub3A_3249 = arith.constant 1 : i32
        %sub3A_3250 = arith.subi %div3A_3229, %sub3A_3249 : i32
        %select_n3A_3251 = arith.select %and3A_3248, %sub3A_3250, %div3A_3229 : i32
        %mul3A_3252 = arith.constant 128 : i32
        %mul3A_3253 = arith.muli %select_n3A_3251, %mul3A_3252 : i32
        %slice3A_3254 = vector.extract_strided_slice %get3A_597 {offsets = [7], sizes = [1], strides = [1]} : vector<16xi32> to vector<1xi32>
        %squeeze3A_3255 = vector.extract %slice3A_3254[0] : i32 from vector<1xi32>
        %jit3A_3256 = arith.constant 128 : i32
        %div3A_3257 = arith.divsi %squeeze3A_3255, %jit3A_3256 : i32
        %sign3A_3258 = arith.constant 0 : i32
        %sign3A_3259 = arith.cmpi sgt, %squeeze3A_3255, %sign3A_3258 : i32
        %sign3A_3260 = arith.extui %sign3A_3259 : i1 to i32
        %sign3A_3261 = arith.constant 0 : i32
        %sign3A_3262 = arith.cmpi slt, %squeeze3A_3255, %sign3A_3261 : i32
        %sign3A_3263 = arith.extui %sign3A_3262 : i1 to i32
        %sign3A_3264 = arith.subi %sign3A_3260, %sign3A_3263 : i32
        %sign3A_3265 = arith.constant 0 : i32
        %sign3A_3266 = arith.cmpi sgt, %jit3A_3256, %sign3A_3265 : i32
        %sign3A_3267 = arith.extui %sign3A_3266 : i1 to i32
        %sign3A_3268 = arith.constant 0 : i32
        %sign3A_3269 = arith.cmpi slt, %jit3A_3256, %sign3A_3268 : i32
        %sign3A_3270 = arith.extui %sign3A_3269 : i1 to i32
        %sign3A_3271 = arith.subi %sign3A_3267, %sign3A_3270 : i32
        %ne3A_3272 = arith.cmpi ne, %sign3A_3264, %sign3A_3271 : i32
        %rem3A_3273 = arith.remsi %squeeze3A_3255, %jit3A_3256 : i32
        %ne3A_3274 = arith.constant 0 : i32
        %ne3A_3275 = arith.cmpi ne, %rem3A_3273, %ne3A_3274 : i32
        %and3A_3276 = arith.andi %ne3A_3272, %ne3A_3275 : i1
        %sub3A_3277 = arith.constant 1 : i32
        %sub3A_3278 = arith.subi %div3A_3257, %sub3A_3277 : i32
        %select_n3A_3279 = arith.select %and3A_3276, %sub3A_3278, %div3A_3257 : i32
        %mul3A_3280 = arith.constant 128 : i32
        %mul3A_3281 = arith.muli %select_n3A_3279, %mul3A_3280 : i32
        %dma_start3A_3282 = arith.constant 7 : i32
        %dma_start3A_3283 = arith.constant 0 : i32
        %dma_start3A_3284 = arith.constant 0 : i32
        %dma_start3A_3285 = tpu.memref_slice %arg4[%dma_start3A_3284, %mul3A_3253] : memref<32x1000000xf32, #tpu.memory_space<hbm>> -> memref<32x128xf32, #tpu.memory_space<hbm>>
        %dma_start3A_3286 = tpu.memref_slice %arg26[%dma_start3A_3282, %dma_start3A_3283] : memref<8x2x!tpu.dma_semaphore, #tpu.memory_space<semaphore_mem>> -> memref<1x1x!tpu.dma_semaphore, #tpu.memory_space<semaphore_mem>>
        %dma_start3A_3287 = tpu.memref_squeeze %dma_start3A_3286 : memref<1x1x!tpu.dma_semaphore, #tpu.memory_space<semaphore_mem>> -> memref<!tpu.dma_semaphore, #tpu.memory_space<semaphore_mem>>
        %dma_start3A_3288 = arith.constant 0 : i32
        %dma_start3A_3289 = tpu.memref_slice %arg4[%dma_start3A_3288, %mul3A_3253] : memref<32x1000000xf32, #tpu.memory_space<hbm>> -> memref<32x128xf32, #tpu.memory_space<hbm>>
        tpu.enqueue_dma source(%dma_start3A_3289 : memref<32x128xf32, #tpu.memory_space<hbm>>) target(%arg16 : memref<32x128xf32, #tpu.memory_space<vmem>>) target_semaphore(%dma_start3A_3287 : memref<!tpu.dma_semaphore, #tpu.memory_space<semaphore_mem>>)
        %dma_start3A_3290 = arith.constant 7 : i32
        %dma_start3A_3291 = arith.constant 1 : i32
        %dma_start3A_3292 = arith.constant 0 : i32
        %dma_start3A_3293 = tpu.memref_slice %arg5[%dma_start3A_3292, %mul3A_3281] : memref<32x1000000xf32, #tpu.memory_space<hbm>> -> memref<32x128xf32, #tpu.memory_space<hbm>>
        %dma_start3A_3294 = tpu.memref_slice %arg26[%dma_start3A_3290, %dma_start3A_3291] : memref<8x2x!tpu.dma_semaphore, #tpu.memory_space<semaphore_mem>> -> memref<1x1x!tpu.dma_semaphore, #tpu.memory_space<semaphore_mem>>
        %dma_start3A_3295 = tpu.memref_squeeze %dma_start3A_3294 : memref<1x1x!tpu.dma_semaphore, #tpu.memory_space<semaphore_mem>> -> memref<!tpu.dma_semaphore, #tpu.memory_space<semaphore_mem>>
        %dma_start3A_3296 = arith.constant 0 : i32
        %dma_start3A_3297 = tpu.memref_slice %arg5[%dma_start3A_3296, %mul3A_3281] : memref<32x1000000xf32, #tpu.memory_space<hbm>> -> memref<32x128xf32, #tpu.memory_space<hbm>>
        tpu.enqueue_dma source(%dma_start3A_3297 : memref<32x128xf32, #tpu.memory_space<hbm>>) target(%arg24 : memref<32x128xf32, #tpu.memory_space<vmem>>) target_semaphore(%dma_start3A_3295 : memref<!tpu.dma_semaphore, #tpu.memory_space<semaphore_mem>>)
      } else {
      }
      scf.yield %get3A_593, %get3A_597 : vector<16xi32>, vector<16xi32>
    }
    %scan3A_583 = arith.constant 32 : i32
    "tpu.region"() ({
      %run_scoped3A = tpu.sem_alloc : memref<!tpu.dma_semaphore, #tpu.memory_space<semaphore_mem>>
      %dma_start3A_584 = tpu.memref_slice %arg6[%mul3A_2] : memref<16384xf32, #tpu.memory_space<hbm>> -> memref<512xf32, #tpu.memory_space<hbm>>
      %dma_start3A_585 = tpu.memref_slice %arg6[%mul3A_2] : memref<16384xf32, #tpu.memory_space<hbm>> -> memref<512xf32, #tpu.memory_space<hbm>>
      tpu.enqueue_dma source(%arg25 : memref<512xf32, #tpu.memory_space<vmem>>) target(%dma_start3A_585 : memref<512xf32, #tpu.memory_space<hbm>>) target_semaphore(%run_scoped3A : memref<!tpu.dma_semaphore, #tpu.memory_space<semaphore_mem>>)
      %dma_wait3A = tpu.memref_slice %arg6[%mul3A_2] : memref<16384xf32, #tpu.memory_space<hbm>> -> memref<512xf32, #tpu.memory_space<hbm>>
      %dma_wait3A_586 = tpu.memref_slice %arg6[%mul3A_2] : memref<16384xf32, #tpu.memory_space<hbm>> -> memref<512xf32, #tpu.memory_space<hbm>>
      tpu.wait_dma2 semaphore(%run_scoped3A : memref<!tpu.dma_semaphore, #tpu.memory_space<semaphore_mem>>) src(%arg25 : memref<512xf32, #tpu.memory_space<vmem>>) dst(%dma_wait3A_586 : memref<512xf32, #tpu.memory_space<hbm>>)
      tpu.yield
    }) : () -> ()
    return
  }
}

</mosaic_0001>

<sc_bundles>
// kernel: _mf.3.cloned.1.call-start
scs
__scs_entry_jumppad:
0x0: {  	(pc) =	sbr.rel $0x88, $3  }
0x1: {  	(tag) =	ssettag $0x0;
	lr =	simm.s32 $0x1  }
0x2: {  	[smem:$0x3F9D] =	sst lr;
	_ =	strace $0xD0000000  }
0x3: {  	_ = 	snop  }
0x4: {  	_ = 	snop  }
0x5: {  	_ = 	snop  }
0x6: {  	_ = 	snop  }
0x7: {  	_ = 	snop  }
__scs_overlays_trampoline_lowered:
0x8: {  	[smem:$0x3FAC] =	sst s0  }
0x9: {  	[smem:$0x3FAD] =	sst s1  }
0xa: {  	[smem:$0x3FAE] =	sst s2  }
0xb: {  	[smem:$0x3FAF] =	sst s3  }
0xc: {  	[smem:$0x3FB0] =	sst s4  }
0xd: {  	[smem:$0x3FB1] =	sst s5  }
0xe: {  	[smem:$0x3FB2] =	sst s6  }
0xf: {  	[smem:$0x3FB3] =	sst s7  }
0x10: {  	[smem:$0x3FB4] =	sst s8  }
0x11: {  	[smem:$0x3FB5] =	sst s9;
	s0 =	simm.s32 @!p0 $0x0  }
0x12: {  	s1 =	sld [smem:$0x3F9B];
	s0 =	simm.s32 @p0 $0x1  }
0x13: {  	[smem:$0x3FB6] =	sst s0;
	s0 =	simm.s32 @!p1 $0x0  }
0x14: {  	s2 =	sld [smem:$0x3F9A];
	s0 =	simm.s32 @p1 $0x1  }
0x15: {  	[smem:$0x3FB7] =	sst s0;
	s0 =	simm.s32 @!p2 $0x0  }
0x16: {  	s3 =	sld [smem:$0x3FDB];
	s0 =	simm.s32 @p2 $0x1  }
0x17: {  	s4 =	simm.s32 $0x1BF5;
	[smem:$0x3FB9] =	sst s0  }
0x18: {  	s0 =	sld [smem:$0x3F9C];
	_ =	swait.ge [sflag:s4], $0x0  }
0x19: {  	s7 =	sld [smem:$0x3F9D]  }
0x1a: {  	s8 =	sadd.s32 $0xFFFFE003, lr  }
0x1b: {  	s9 =	sadd.s32 $0xFFFFFEF7, lr;
	s5 =	simm.s32 $0xFFFFFFFF;
	p2 =	slt.u32 s8, $0xFFFFF086  }
0x1c: {  	p1 =	slt.u32 s9, $0xF7A;
	s5 =	simm.s32 @!p2 $0x0  }
0x1d: {  	s5 =	simm.s32 @p1 $0x1;
	p0 =	seq.s32 s7, s2  }
0x1e: {  	s7 =	smul.u32 @!p0 $0xF7A, s2;
	p2 =	seq.s32 @!p0 s5, $0x0  }
0x1f: {  	s9 =	smul.u32 $0xF7A, s1;
	s8 =	simm.s32 @!p0 $0x1BF5;
	p2 =	por !p2, p0  }
0x20: {  	[sflag:s8] =	ssyncset.s32 @!p0 $0xFFFFF086;
	s6 =	sadd.s32 @!p0 s3, s7;
	s7 =	simm.s32 @!p0 $0x108  }
0x21: {  	s3 =	sadd.s32 s3, s9;
	s6 =	sadd.s32 @!p0 $0x88, s6;
	s7 =	simm.s32 @p2 $0x1082  }
0x22: {  	[simem:s7], [sflag:s8] =	dma.local @!p0 [hbm:s6], $0xF7A  }
0x23: {  	s9 =	sor.u32 $0xD0000000, s2;
	s6 =	simm.s32 $0x108;
	_ =	swait.ge @!p0 [sflag:s8], $0x0  }
0x24: {  	s3 =	sadd.s32 $0x88, s3;
	s6 =	simm.s32 @!p1 $0x1082;
	[sflag:s4] =	ssyncset.s32 $0xFFFFF086  }
0x25: {  	[simem:s6], [sflag:s4] =	dma.local [hbm:s3], $0xF7A  }
0x26: {  	[smem:$0x3F9D] =	sst s1;
	(tag) =	ssettag s2;
	_ =	strace s9  }
0x27: {  	s1 =	sld [smem:$0x3FAD]  }
0x28: {  	s2 =	sld [smem:$0x3FAE]  }
0x29: {  	s4 =	sld [smem:$0x3FB0]  }
0x2a: {  	p0 =	seq.s32 s5, $0x0;
	s5 =	sld [smem:$0x3FB1]  }
0x2b: {  	s6 =	sld [smem:$0x3FB2]  }
0x2c: {  	s7 =	sld [smem:$0x3FB3]  }
0x2d: {  	s3 =	simm.s32 $0x108;
	s8 =	sld [smem:$0x3FB4]  }
0x2e: {  	s3 =	simm.s32 @!p0 $0x1082;
	s9 =	sld [smem:$0x3FB5]  }
0x2f: {  	lr =	sadd.s32 s0, s3;
	s0 =	sld [smem:$0x3FAC]  }
0x30: {  	s3 =	sld [smem:$0x3FAF]  }
0x31: {  	[smem:$0x3FB8] =	sst s10  }
0x32: {  	s10 =	sld [smem:$0x3FB6];
	_ =	sdelay $0x3  }
0x33: {  	p0 =	seq.s32 s10, $0x1;
	s10 =	sld [smem:$0x3FB8];
	_ =	sdelay $0x3  }
0x34: {  	[smem:$0x3FB8] =	sst s10  }
0x35: {  	s10 =	sld [smem:$0x3FB7];
	_ =	sdelay $0x3  }
0x36: {  	p1 =	seq.s32 s10, $0x1;
	s10 =	sld [smem:$0x3FB8];
	_ =	sdelay $0x3  }
0x37: {  	[smem:$0x3FB8] =	sst s10  }
0x38: {  	s10 =	sld [smem:$0x3FB9]  }
0x39: {  	_ = 	snop;
	(pc) =	sbr.ind lr, $3  }
0x3a: {  	_ = 	snop  }
0x3b: {  	_ = 	snop  }
0x3c: {  	p2 =	seq.s32 s10, $0x1;
	s10 =	sld [smem:$0x3FB8]  }
0x3d: {  	_ =	shalt  }
0x3e: {  	_ =	shalt  }
0x3f: {  	_ =	shalt  }
0x40: {  	_ =	shalt  }
0x41: {  	_ =	shalt  }
0x42: {  	_ =	shalt  }
0x43: {  	_ =	shalt  }
0x44: {  	_ =	shalt  }
0x45: {  	_ =	shalt  }
0x46: {  	_ =	shalt  }
0x47: {  	_ =	shalt  }
0x48: {  	_ =	shalt  }
0x49: {  	_ =	shalt  }
0x4a: {  	_ =	shalt  }
0x4b: {  	_ =	shalt  }
0x4c: {  	_ =	shalt  }
0x4d: {  	_ =	shalt  }
0x4e: {  	_ =	shalt  }
0x4f: {  	_ =	shalt  }
0x50: {  	_ =	shalt  }
0x51: {  	_ =	shalt  }
0x52: {  	_ =	shalt  }
0x53: {  	_ =	shalt  }
0x54: {  	_ =	shalt  }
0x55: {  	_ =	shalt  }
0x56: {  	_ =	shalt  }
0x57: {  	_ =	shalt  }
0x58: {  	_ =	shalt  }
0x59: {  	_ =	shalt  }
0x5a: {  	_ =	shalt  }
0x5b: {  	_ =	shalt  }
0x5c: {  	_ =	shalt  }
0x5d: {  	_ =	shalt  }
0x5e: {  	_ =	shalt  }
0x5f: {  	_ =	shalt  }
0x60: {  	_ =	shalt  }
0x61: {  	_ =	shalt  }
0x62: {  	_ =	shalt  }
0x63: {  	_ =	shalt  }
0x64: {  	_ =	shalt  }
0x65: {  	_ =	shalt  }
0x66: {  	_ =	shalt  }
0x67: {  	_ =	shalt  }
0x68: {  	_ =	shalt  }
0x69: {  	_ =	shalt  }
0x6a: {  	_ =	shalt  }
0x6b: {  	_ =	shalt  }
0x6c: {  	_ =	shalt  }
0x6d: {  	_ =	shalt  }
0x6e: {  	_ =	shalt  }
0x6f: {  	_ =	shalt  }
0x70: {  	_ =	shalt  }
0x71: {  	_ =	shalt  }
0x72: {  	_ =	shalt  }
0x73: {  	_ =	shalt  }
0x74: {  	_ =	shalt  }
0x75: {  	_ =	shalt  }
0x76: {  	_ =	shalt  }
0x77: {  	_ =	shalt  }
0x78: {  	_ =	shalt  }
0x79: {  	_ =	shalt  }
0x7a: {  	_ =	shalt  }
0x7b: {  	_ =	shalt  }
0x7c: {  	_ =	shalt  }
0x7d: {  	_ =	shalt  }
0x7e: {  	_ =	shalt  }
0x7f: {  	_ =	shalt  }
0x80: {  	_ =	shalt  }
0x81: {  	_ =	shalt  }
0x82: {  	_ =	shalt  }
0x83: {  	_ =	shalt  }
0x84: {  	_ =	shalt  }
0x85: {  	_ =	shalt  }
0x86: {  	_ =	shalt  }
0x87: {  	_ =	shalt  }
.Lfunc_end0:
.L_simem_size_0:
called_computation_lowered:
.L_overlay_start_0:
0x88: {  	s2 =	sld [smem:$0x3FD9]  }
0x89: {  	s3 =	sld [smem:$0x3FFE];
	_ =	sdelay $0x1  }
0x8a: {  	s1 =	srdreg.scid  }
0x8b: {  	s0 =	sand.u32 $0x1, s1  }
0x8c: {  	s18 =	sshll.u32 s0, $0xA;
	s2 =	sadd.s32 s3, s2  }
0x8d: {  	s2 =	sadd.s32 s2, s18  }
0x8e: {  	[smem:$0x3FC4] =	sst s2  }
0x8f: {  	_ = 	snop  }
0x90: {  	s2 =	sld [smem:$0x3FC9]  }
0x91: {  	s19 =	sld [smem:$0x3FC8]  }
0x92: {  	s4 =	sld [smem:$0x3FC7]  }
0x93: {  	s5 =	sld [smem:$0x3FC6]  }
0x94: {  	s6 =	sld [smem:$0x3FD0];
	(tm) =	ssettm $0x1  }
0x95: {  	s7 =	sld [smem:$0x3FFB];
	_ =	sdelay $0x3  }
0x96: {  	_ =	strace s7  }
0x97: {  	s7 =	sld [smem:$0x3FFC];
	_ =	sdelay $0x3  }
0x98: {  	_ =	strace s7  }
0x99: {  	s7 =	sld [smem:$0x3FFD];
	_ =	sdelay $0x3  }
0x9a: {  	_ =	strace s7  }
0x9b: {  	_ =	strace $0x8FFFFFFF  }
0x9c: {  	s20 =	sld [smem:$0x3FDB];
	_ =	sdelay $0x1  }
0x9d: {  	s8 =	simm.s32 $_scs_section_size  }
0x9e: {  	s9 =	simm.s32 $_size__tile_overlayer_lowered;
	s10 =	simm.s32 $_tile_overlayer_lowered  }
0x9f: {  	s23 =	simm.s32 $0x1BFF;
	s22 =	sshll.u32 s10, $0x1;
	s7 =	sadd.s32 s8, s20  }
0xa0: {  	s11 =	simm.s32 $0x0;
	s21 =	sshll.u32 s9, $0x1;
	s9 =	sadd.s32 s22, s7  }
0xa1: {  	[timem:s11], [sflag:s23] =	dma.local [hbm:s9], s21  }
0xa2: {  	_ =	swait.ge [sflag:s23], s21  }
0xa3: {  	s8 =	ssub.s32 $0x0, s21;
	[sflag:s23] =	ssyncset.done $0x0  }
0xa4: {  	[sflag:s23] =	ssyncadd.s32 s8;
	_ =	sdelay $0x1  }
0xa5: {  	s24 =	simm.s32 $0x1B8B  }
0xa6: {  	_ =	swait.ge [sflag:s24], $0x1  }
0xa7: {  	[sflag:s24] =	ssyncset.done $0x0  }
0xa8: {  	s25 =	simm.s32 $0x1B8E;
	[sflag:s24] =	ssyncadd.s32 $0xFFFFFFFF  }
0xa9: {  	s26 =	simm.s32 $execute0_lowered;
	[smem:$0x3FD2] =	sst s25  }
0xaa: {  	s8 =	sshll.u32 s26, $0x1;
	_ =	strace $0x80000046;
	[dreg:$0x1] =	wrdreg $0xFFFFFFFF  }
0xab: {  	s28 =	simm.s32 $_size_execute0_lowered;
	s7 =	sadd.s32 s7, s8;
	[dreg:$0x0] =	wrdreg $0x0  }
0xac: {  	s8 =	sshll.u32 s28, $0x1;
	[dreg:$0x2] =	wrdreg s7  }
0xad: {  	[dreg:$0x3] =	wrdreg s8  }
0xae: {  	[dreg:$0x4] =	wrdreg $0xC0  }
0xaf: {  	_ =	task [dreg:s11], $0x5FFFF  }
0xb0: {  	[dreg:$0x1] =	wrdreg $0xFFFFFFFF  }
0xb1: {  	[dreg:$0x0] =	wrdreg $0x60  }
0xb2: {  	[dreg:$0x2] =	wrdreg s2  }
0xb3: {  	[dreg:$0x3] =	wrdreg s19  }
0xb4: {  	[dreg:$0x4] =	wrdreg s4  }
0xb5: {  	[dreg:$0x5] =	wrdreg s5  }
0xb6: {  	[dreg:$0x6] =	wrdreg s6  }
0xb7: {  	[dreg:$0x7] =	wrdreg $0x9  }
0xb8: {  	_ =	task.clear_ibuf [dreg:s11], $0x8FFFF;
	_ =	strace $0x90000046  }
0xb9: {  	s29 =	simm.s32 $0x9;
	_ =	strace $0x80000048  }
0xba: {  	_ =	swait.ge [sflag:s29], $0x1  }
0xbb: {  	[sflag:s29] =	ssyncadd.s32 $0xFFFFFFFF  }
0xbc: {  	_ =	strace $0x90000048  }
0xbd: {  	_ =	sfence  }
0xbe: {  	s30 =	sld [smem:$0x0];
	_ =	sdelay $0x2  }
0xbf: {  	s31 =	sshll.u32 s1, $0xD;
	s1 =	sshrl.u32 s1, $0x2  }
0xc0: {  	s3 =	sand.u32 $0x4000, s31;
	s1 =	sadd.s32 s1, s30  }
0xc1: {  	s0 =	sor.u32 s3, s0;
	s1 =	sshll.u32 s1, $0x11  }
0xc2: {  	s0 =	sor.u32 s1, s0  }
0xc3: {  	s0 =	sadd.s32 $0x8F2B, s0  }
0xc4: {  	[sflag:s0] =	ssyncadd.remote.s32 $0x1  }
0xc5: {  	_ =	sfence.sel $0xFFFF  }
0xc6: {  	[dreg:$0x0] =	wrdreg $0xFFFFFFFF;
	(pc) =	sbr.abs _section_cstart, $3  }
0xc7: {  	[dreg:$0x1] =	wrdreg $0xFFFFFFFF  }
0xc8: {  	_ =	task.clear_ibuf [dreg:s11], $0x2FFFF;
	_ =	strace $0x9FFFFFFF  }
0xc9: {  	(tm) =	ssettm $0x7FFFFFFF  }
tec
execute0_lowered:
.L_overlay_start_1:
0x0: {  	(tag) =	ssettag $0x1  }
0x1: {  	s0 =	rddreg [dreg:$0x0]  }
0x2: {  	s3 =	rddreg [dreg:$0x1]  }
0x3: {  	s1 =	rddreg [dreg:$0x2]  }
0x4: {  	s2 =	rddreg [dreg:$0x3]  }
0x5: {  	s4 =	rddreg [dreg:$0x4];
	s9 =	simm.s32 $0x0;
	s5 =	srdreg.scid  }
0x6: {  	s7 =	stileid.u32;
	s12 =	simm.s32 $0x7A1400;
	s13 =	simm.s32 $0x400  }
0x7: {  	s31 =	simm.s32 $0x8400;
	s30 =	simm.s32 $0x1400;
	s22 =	simm.s32 $0x2400  }
0x8: {  	s10 =	simm.s32 $0xA400;
	s23 =	simm.s32 $0x3400;
	s11 =	simm.s32 $0xB400  }
0x9: {  	s29 =	simm.s32 $0xC400;
	s16 =	simm.s32 $0x5400;
	s17 =	simm.s32 $0xD400  }
0xa: {  	s18 =	simm.s32 $0x6400;
	s19 =	simm.s32 $0xE400;
	s20 =	simm.s32 $0x7400  }
0xb: {  	s21 =	simm.s32 $0xF400;
	s15 =	simm.s32 $0x10400;
	s28 =	simm.s32 $0x6  }
0xc: {  	[smem:$0x7FF] =	sst s9;
	s5 =	sand.u32 $0x1, s5;
	s7 =	sshll.u32 s7, $0x7  }
0xd: {  	s6 =	ssub.s32 $0x2, s5;
	s5 =	sshll.u32 s5, $0x6;
	_ =	strace $0x80000047  }
0xe: {  	s8 =	sshrl.u32 s6, $0x1;
	s5 =	sor.u32 s5, s7;
	s7 =	simm.s32 $0x1  }
0xf: {  	s6 =	ssub.s32 s6, s8;
	s0 =	sadd.s32 s0, s5;
	s24 =	sadd.s32 s3, s5  }
0x10: {  	v0 =	vlaneseq.u32;
	s25 =	sadd.s32 s4, s5;
	s3 =	simm.s32 $0x11;
	[dreg:$0x6] =	wrdreg s0  }
0x11: {  	v0 =	vmul.u32 $0x80, v0;
	s8 =	simm.s32 $0x9400;
	s4 =	simm.s32 $0x0;
	[dreg:$0x7] =	wrdreg s24  }
0x12: {  	[dreg:$0x8] =	wrdreg s25;
	s26 =	smax.u32 s6, $0x1;
	s24 =	simm.s32 $0x4400  }
0x13: {  	v1 =	vimm.f32 $0.0e+00;
	v2 =	vor.u32 $0x800, v0;
	s25 =	simm.s32 $0x2;
	[dreg:$0x9] =	wrdreg s26;
	s26 =	simm.s32 $0x4  }
.LBB2_1:
0x14: {  	[dreg:$0xa] =	wrdreg s4  }
0x15: {  	s0 =	rddreg [dreg:$0x6]  }
0x16: {  	[tilespmem:s9], [sflag:$0x11] =	stream.linear.gather [hbm4b:s0+s9], $0x200, $0x38;
	[tilespmem:$0x10600] =	vst v63  }
0x17: {  	_ =	swait.ge [sflag:s3], $0x200  }
0x18: {  	[sflag:s3] =	ssyncset.done $0x0  }
0x19: {  	s6 =	simm.s32 $0x200;
	s5 =	rddreg [dreg:$0x7];
	[sflag:s3] =	ssyncadd.s32 $0xFFFFFE00  }
0x1a: {  	[tilespmem:s6], [sflag:$0x11] =	stream.linear.gather [hbm4b:s5+s9], $0x200, $0x38;
	[tilespmem:$0x10600] =	vst v63  }
0x1b: {  	_ =	swait.ge [sflag:s3], $0x200  }
0x1c: {  	[sflag:s3] =	ssyncset.done $0x0  }
0x1d: {  	[sflag:s3] =	ssyncadd.s32 $0xFFFFFE00  }
0x1e: {  	v5 =	vld [tilespmem:$0x200]  }
0x1f: {  	[tilespmem:$0x10400] =	vst v1  }
0x20: {  	[tilespmem:$0x10410] =	vst v1  }
0x21: {  	[tilespmem:$0x10420] =	vst v1;
	v6 =	vld [tilespmem:$0x0]  }
0x22: {  	[tilespmem:$0x10430] =	vst v1  }
0x23: {  	[tilespmem:$0x10440] =	vst v1;
	(v2sf) =	vpush v5, $0x0  }
0x24: {  	[tilespmem:$0x10450] =	vst v1  }
0x25: {  	[tilespmem:$0x10460] =	vst v1  }
0x26: {  	[tilespmem:$0x10470] =	vst v1;
	(v2sf) =	vpush v6, $0x0  }
0x27: {  	[tilespmem:$0x10480] =	vst v1  }
0x28: {  	[tilespmem:$0x10490] =	vst v1  }
0x29: {  	[tilespmem:$0x104A0] =	vst v1  }
0x2a: {  	[tilespmem:$0x104B0] =	vst v1  }
0x2b: {  	[tilespmem:$0x104C0] =	vst v1  }
0x2c: {  	[tilespmem:$0x104D0] =	vst v1  }
0x2d: {  	[tilespmem:$0x104E0] =	vst v1  }
0x2e: {  	[tilespmem:$0x104F0] =	vst v1  }
0x2f: {  	[tilespmem:$0x10500] =	vst v1  }
0x30: {  	[tilespmem:$0x10510] =	vst v1  }
0x31: {  	[tilespmem:$0x10520] =	vst v1;
	(v2sf) =	vpush v5, $0x1  }
0x32: {  	[tilespmem:$0x10530] =	vst v1;
	s0 =	spop (v2sf);
	(v2sf) =	vpush v6, $0x1  }
0x33: {  	[tilespmem:$0x10540] =	vst v1  }
0x34: {  	[tilespmem:$0x10550] =	vst v1  }
0x35: {  	[tilespmem:$0x10560] =	vst v1;
	s5 =	spop (v2sf)  }
0x36: {  	[tilespmem:$0x10570] =	vst v1;
	s9 =	sand.u32 $0x7F, s0;
	s14 =	sand.u32 $0x7F, s5  }
0x37: {  	[tilespmem:$0x10580] =	vst v1;
	s4 =	sshra.s32 s5, $0x1F;
	p2 =	slt.s32 s5, $0x1;
	p1 =	sne.s32 s14, $0x0  }
0x38: {  	[tilespmem:$0x10590] =	vst v1;
	s6 =	sshra.s32 s0, $0x1F;
	s3 =	sshrl.u32 s4, $0x19;
	p1 =	por !p2, !p1  }
0x39: {  	[tilespmem:$0x105A0] =	vst v1;
	s3 =	sadd.s32 s3, s5;
	s5 =	simm.s32 $0x1;
	p1 =	por !p1, !p1  }
0x3a: {  	[tilespmem:$0x105B0] =	vst v1;
	p6 =	slt.s32 s0, $0x1;
	s3 =	sshrl.u32 s3, $0x7;
	s5 =	simm.s32 @!p1 $0x0  }
0x3b: {  	[tilespmem:$0x105C0] =	vst v1;
	p0 =	sne.s32 s9, $0x0;
	s6 =	sshrl.u32 s6, $0x19;
	s3 =	ssub.s32 s3, s5  }
0x3c: {  	[tilespmem:$0x105D0] =	vst v1;
	s0 =	sadd.s32 s6, s0;
	p0 =	por !p6, !p0;
	s3 =	sshll.u32 s3, $0x7  }
0x3d: {  	[tilespmem:$0x105E0] =	vst v1;
	p0 =	por !p0, !p0;
	s5 =	simm.s32 $0x1;
	s3 =	sand.u32 $0x1FFFFF80, s3  }
0x3e: {  	[tilespmem:$0x105F0] =	vst v1;
	s0 =	sshrl.u32 s0, $0x7;
	s5 =	simm.s32 @!p0 $0x0;
	s3 =	sadd.s32 s1, s3  }
0x3f: {  	(v2sf) =	vpush v5, $0x2;
	[tilespmem:s13], [sflag:$0x1] =	stream.strided.gather [hbm4b:s3+s13], $0x1000, s12, s13, $0x38;
	[tilespmem:$0x10600] =	vst v63  }
0x40: {  	s0 =	ssub.s32 s0, s5;
	s3 =	spop (v2sf)  }
0x41: {  	s0 =	sshll.u32 s0, $0x7;
	s5 =	spop (v2sf);
	(v2sf) =	vpush v6, $0x2  }
0x42: {  	s0 =	sand.u32 $0x1FFFFF80, s0  }
0x43: {  	s0 =	sadd.s32 s2, s0  }
0x44: {  	s6 =	sand.u32 $0x7F, s3;
	s9 =	sshra.s32 s3, $0x1F;
	p6 =	slt.s32 s3, $0x1  }
0x45: {  	[tilespmem:s31], [sflag:$0x2] =	stream.strided.gather [hbm4b:s0+s13], $0x1000, s12, s13, $0x38;
	[tilespmem:$0x10600] =	vst v63  }
0x46: {  	p3 =	sne.s32 s6, $0x0;
	s6 =	sshrl.u32 s9, $0x19;
	s14 =	sand.u32 $0x7F, s5  }
0x47: {  	s4 =	sshra.s32 s5, $0x1F;
	p5 =	slt.s32 s5, $0x1;
	p4 =	sne.s32 s14, $0x0  }
0x48: {  	s3 =	sadd.s32 s6, s3;
	s0 =	sshrl.u32 s4, $0x19;
	p1 =	por !p5, !p4  }
0x49: {  	s0 =	sadd.s32 s0, s5;
	s5 =	simm.s32 $0x1;
	p1 =	por !p1, !p1  }
0x4a: {  	p0 =	por !p6, !p3;
	s0 =	sshrl.u32 s0, $0x7;
	s5 =	simm.s32 @!p1 $0x0  }
0x4b: {  	p0 =	por !p0, !p0;
	s0 =	ssub.s32 s0, s5;
	s5 =	simm.s32 $0x1  }
0x4c: {  	s3 =	sshrl.u32 s3, $0x7;
	s5 =	simm.s32 @!p0 $0x0  }
0x4d: {  	s3 =	ssub.s32 s3, s5  }
0x4e: {  	s9 =	sshll.u32 s3, $0x7;
	s3 =	spop (v2sf);
	(v2sf) =	vpush v5, $0x3;
	_ =	sdelay $0x1  }
0x4f: {  	s4 =	spop (v2sf);
	(v2sf) =	vpush v6, $0x3  }
0x50: {  	s0 =	sshll.u32 s0, $0x7  }
0x51: {  	s0 =	sand.u32 $0x1FFFFF80, s0  }
0x52: {  	s0 =	sadd.s32 s1, s0  }
0x53: {  	[tilespmem:s30], [sflag:$0x3] =	stream.strided.gather [hbm4b:s0+s13], $0x1000, s12, s13, $0x38;
	[tilespmem:$0x10600] =	vst v63  }
0x54: {  	s0 =	sand.u32 $0x1FFFFF80, s9  }
0x55: {  	s5 =	simm.s32 $0x1;
	s14 =	sand.u32 $0x7F, s3;
	s0 =	sadd.s32 s2, s0  }
0x56: {  	[tilespmem:s8], [sflag:$0x4] =	stream.strided.gather [hbm4b:s0+s13], $0x1000, s12, s13, $0x38;
	[tilespmem:$0x10600] =	vst v63  }
0x57: {  	p6 =	slt.s32 s3, $0x1;
	p3 =	sne.s32 s14, $0x0;
	s8 =	sshra.s32 s3, $0x1F  }
0x58: {  	p0 =	por !p6, !p3;
	s6 =	sshrl.u32 s8, $0x19;
	s9 =	sand.u32 $0x7F, s4  }
0x59: {  	s14 =	sshra.s32 s4, $0x1F;
	p5 =	slt.s32 s4, $0x1;
	p4 =	sne.s32 s9, $0x0  }
0x5a: {  	p0 =	por !p0, !p0;
	s0 =	sshrl.u32 s14, $0x19;
	p1 =	por !p5, !p4  }
0x5b: {  	s3 =	sadd.s32 s6, s3;
	s0 =	sadd.s32 s0, s4;
	p1 =	por !p1, !p1  }
0x5c: {  	s0 =	sshrl.u32 s0, $0x7;
	s5 =	simm.s32 @!p1 $0x0;
	s4 =	spop (v2sf);
	(v2sf) =	vpush v5, $0x4  }
0x5d: {  	s3 =	sshrl.u32 s3, $0x7;
	s0 =	ssub.s32 s0, s5;
	s5 =	simm.s32 $0x1  }
0x5e: {  	s0 =	sshll.u32 s0, $0x7;
	s5 =	simm.s32 @!p0 $0x0;
	s8 =	spop (v2sf);
	(v2sf) =	vpush v6, $0x4  }
0x5f: {  	s0 =	sand.u32 $0x1FFFFF80, s0;
	s3 =	ssub.s32 s3, s5  }
0x60: {  	s0 =	sadd.s32 s1, s0;
	s3 =	sshll.u32 s3, $0x7  }
0x61: {  	[tilespmem:s22], [sflag:$0x5] =	stream.strided.gather [hbm4b:s0+s13], $0x1000, s12, s13, $0x38;
	[tilespmem:$0x10600] =	vst v63  }
0x62: {  	s5 =	simm.s32 $0x1;
	s0 =	sand.u32 $0x1FFFFF80, s3;
	s6 =	sand.u32 $0x7F, s4  }
0x63: {  	s9 =	sshra.s32 s4, $0x1F;
	p6 =	slt.s32 s4, $0x1;
	s0 =	sadd.s32 s2, s0  }
0x64: {  	[tilespmem:s10], [sflag:$0x6] =	stream.strided.gather [hbm4b:s0+s13], $0x1000, s12, s13, $0x38;
	[tilespmem:$0x10600] =	vst v63  }
0x65: {  	p3 =	sne.s32 s6, $0x0;
	s6 =	sshrl.u32 s9, $0x19;
	s10 =	sand.u32 $0x7F, s8  }
0x66: {  	s14 =	sshra.s32 s8, $0x1F;
	p5 =	slt.s32 s8, $0x1;
	p4 =	sne.s32 s10, $0x0  }
0x67: {  	s3 =	sadd.s32 s6, s4;
	s0 =	sshrl.u32 s14, $0x19;
	p1 =	por !p5, !p4  }
0x68: {  	p0 =	por !p6, !p3;
	s0 =	sadd.s32 s0, s8;
	p1 =	por !p1, !p1  }
0x69: {  	p0 =	por !p0, !p0;
	s0 =	sshrl.u32 s0, $0x7;
	s5 =	simm.s32 @!p1 $0x0  }
0x6a: {  	s3 =	sshrl.u32 s3, $0x7;
	s0 =	ssub.s32 s0, s5;
	s5 =	simm.s32 $0x1  }
0x6b: {  	s0 =	sshll.u32 s0, $0x7;
	s5 =	simm.s32 @!p0 $0x0;
	s4 =	spop (v2sf);
	(v2sf) =	vpush v5, $0x5  }
0x6c: {  	s0 =	sand.u32 $0x1FFFFF80, s0;
	s3 =	ssub.s32 s3, s5  }
0x6d: {  	s0 =	sadd.s32 s1, s0;
	s3 =	sshll.u32 s3, $0x7;
	s9 =	spop (v2sf);
	(v2sf) =	vpush v6, $0x5  }
0x6e: {  	[tilespmem:s23], [sflag:$0x7] =	stream.strided.gather [hbm4b:s0+s13], $0x1000, s12, s13, $0x38;
	[tilespmem:$0x10600] =	vst v63  }
0x6f: {  	s5 =	simm.s32 $0x1;
	s0 =	sand.u32 $0x1FFFFF80, s3  }
0x70: {  	s8 =	sand.u32 $0x7F, s4;
	s10 =	sshra.s32 s4, $0x1F;
	s0 =	sadd.s32 s2, s0  }
0x71: {  	[tilespmem:s11], [sflag:$0x8] =	stream.strided.gather [hbm4b:s0+s13], $0x1000, s12, s13, $0x38;
	[tilespmem:$0x10600] =	vst v63  }
0x72: {  	p6 =	slt.s32 s4, $0x1;
	p3 =	sne.s32 s8, $0x0;
	s11 =	sand.u32 $0x7F, s9  }
0x73: {  	s14 =	sshra.s32 s9, $0x1F;
	p5 =	slt.s32 s9, $0x1;
	p4 =	sne.s32 s11, $0x0  }
0x74: {  	s6 =	sshrl.u32 s10, $0x19;
	s0 =	sshrl.u32 s14, $0x19;
	p1 =	por !p5, !p4  }
0x75: {  	s3 =	sadd.s32 s6, s4;
	s0 =	sadd.s32 s0, s9;
	p1 =	por !p1, !p1  }
0x76: {  	p0 =	por !p6, !p3;
	s0 =	sshrl.u32 s0, $0x7;
	s5 =	simm.s32 @!p1 $0x0  }
0x77: {  	p0 =	por !p0, !p0;
	s0 =	ssub.s32 s0, s5;
	s5 =	simm.s32 $0x1  }
0x78: {  	s3 =	sshrl.u32 s3, $0x7;
	s0 =	sshll.u32 s0, $0x7;
	s5 =	simm.s32 @!p0 $0x0  }
0x79: {  	s0 =	sand.u32 $0x1FFFFF80, s0;
	s3 =	ssub.s32 s3, s5  }
0x7a: {  	s0 =	sadd.s32 s1, s0;
	s3 =	sshll.u32 s3, $0x7;
	s4 =	spop (v2sf);
	(v2sf) =	vpush v5, $0x6  }
0x7b: {  	[tilespmem:s24], [sflag:$0x9] =	stream.strided.gather [hbm4b:s0+s13], $0x1000, s12, s13, $0x38;
	[tilespmem:$0x10600] =	vst v63  }
0x7c: {  	s5 =	simm.s32 $0x1;
	s0 =	sand.u32 $0x1FFFFF80, s3;
	s8 =	spop (v2sf);
	(v2sf) =	vpush v6, $0x6  }
0x7d: {  	s6 =	sand.u32 $0x7F, s4;
	s9 =	sshra.s32 s4, $0x1F;
	s0 =	sadd.s32 s2, s0  }
0x7e: {  	[tilespmem:s29], [sflag:$0xA] =	stream.strided.gather [hbm4b:s0+s13], $0x1000, s12, s13, $0x38;
	[tilespmem:$0x10600] =	vst v63  }
0x7f: {  	p6 =	slt.s32 s4, $0x1;
	p3 =	sne.s32 s6, $0x0;
	s10 =	sand.u32 $0x7F, s8  }
0x80: {  	s11 =	sshra.s32 s8, $0x1F;
	p5 =	slt.s32 s8, $0x1;
	p4 =	sne.s32 s10, $0x0  }
0x81: {  	s6 =	sshrl.u32 s9, $0x19;
	s0 =	sshrl.u32 s11, $0x19;
	p1 =	por !p5, !p4  }
0x82: {  	s3 =	sadd.s32 s6, s4;
	s0 =	sadd.s32 s0, s8;
	p1 =	por !p1, !p1  }
0x83: {  	p0 =	por !p6, !p3;
	s0 =	sshrl.u32 s0, $0x7;
	s5 =	simm.s32 @!p1 $0x0  }
0x84: {  	p0 =	por !p0, !p0;
	s0 =	ssub.s32 s0, s5;
	s5 =	simm.s32 $0x1  }
0x85: {  	s3 =	sshrl.u32 s3, $0x7;
	s0 =	sshll.u32 s0, $0x7;
	s5 =	simm.s32 @!p0 $0x0  }
0x86: {  	s0 =	sand.u32 $0x1FFFFF80, s0;
	s3 =	ssub.s32 s3, s5  }
0x87: {  	s0 =	sadd.s32 s1, s0;
	s14 =	sshll.u32 s3, $0x7  }
0x88: {  	[tilespmem:s16], [sflag:$0xB] =	stream.strided.gather [hbm4b:s0+s13], $0x1000, s12, s13, $0x38;
	[tilespmem:$0x10600] =	vst v63  }
0x89: {  	s0 =	sand.u32 $0x1FFFFF80, s14;
	s16 =	spop (v2sf);
	(v2sf) =	vpush v5, $0x7  }
0x8a: {  	s5 =	simm.s32 $0x1;
	s0 =	sadd.s32 s2, s0  }
0x8b: {  	s4 =	sshra.s32 s16, $0x1F;
	p6 =	slt.s32 s16, $0x1;
	s29 =	spop (v2sf);
	(v2sf) =	vpush v6, $0x7  }
0x8c: {  	[tilespmem:s17], [sflag:$0xC] =	stream.strided.gather [hbm4b:s0+s13], $0x1000, s12, s13, $0x38;
	[tilespmem:$0x10600] =	vst v63  }
0x8d: {  	s17 =	sand.u32 $0x7F, s16;
	s6 =	sshrl.u32 s4, $0x19;
	s8 =	sand.u32 $0x7F, s29  }
0x8e: {  	s9 =	sshra.s32 s29, $0x1F;
	p5 =	slt.s32 s29, $0x1;
	p4 =	sne.s32 s8, $0x0  }
0x8f: {  	p3 =	sne.s32 s17, $0x0;
	s0 =	sshrl.u32 s9, $0x19;
	p1 =	por !p5, !p4  }
0x90: {  	s3 =	sadd.s32 s6, s16;
	s0 =	sadd.s32 s0, s29;
	p1 =	por !p1, !p1  }
0x91: {  	p0 =	por !p6, !p3;
	s0 =	sshrl.u32 s0, $0x7;
	s5 =	simm.s32 @!p1 $0x0  }
0x92: {  	p0 =	por !p0, !p0;
	s0 =	ssub.s32 s0, s5;
	s5 =	simm.s32 $0x1  }
0x93: {  	s3 =	sshrl.u32 s3, $0x7;
	s0 =	sshll.u32 s0, $0x7;
	s5 =	simm.s32 @!p0 $0x0  }
0x94: {  	s0 =	sand.u32 $0x1FFFFF80, s0;
	s3 =	ssub.s32 s3, s5  }
0x95: {  	s0 =	sadd.s32 s1, s0;
	s10 =	sshll.u32 s3, $0x7  }
0x96: {  	[tilespmem:s18], [sflag:$0xD] =	stream.strided.gather [hbm4b:s0+s13], $0x1000, s12, s13, $0x38;
	[tilespmem:$0x10600] =	vst v63  }
0x97: {  	s0 =	sand.u32 $0x1FFFFF80, s10  }
0x98: {  	s5 =	simm.s32 $0x1;
	s11 =	spop (v2sf);
	s0 =	sadd.s32 s2, s0  }
0x99: {  	[tilespmem:s19], [sflag:$0xE] =	stream.strided.gather [hbm4b:s0+s13], $0x1000, s12, s13, $0x38;
	[tilespmem:$0x10600] =	vst v63  }
0x9a: {  	s14 =	sand.u32 $0x7F, s11;
	s17 =	sshra.s32 s11, $0x1F;
	s16 =	spop (v2sf)  }
0x9b: {  	p6 =	slt.s32 s11, $0x1;
	p3 =	sne.s32 s14, $0x0;
	s18 =	sand.u32 $0x7F, s16  }
0x9c: {  	s19 =	sshra.s32 s16, $0x1F;
	p5 =	slt.s32 s16, $0x1;
	p4 =	sne.s32 s18, $0x0  }
0x9d: {  	s6 =	sshrl.u32 s17, $0x19;
	s0 =	sshrl.u32 s19, $0x19;
	p1 =	por !p5, !p4  }
0x9e: {  	s3 =	sadd.s32 s6, s11;
	s0 =	sadd.s32 s0, s16;
	p1 =	por !p1, !p1  }
0x9f: {  	p0 =	por !p6, !p3;
	s0 =	sshrl.u32 s0, $0x7;
	s5 =	simm.s32 @!p1 $0x0  }
0xa0: {  	p0 =	por !p0, !p0;
	s0 =	ssub.s32 s0, s5;
	s5 =	simm.s32 $0x1  }
0xa1: {  	s3 =	sshrl.u32 s3, $0x7;
	s0 =	sshll.u32 s0, $0x7;
	s5 =	simm.s32 @!p0 $0x0  }
0xa2: {  	s0 =	sand.u32 $0x1FFFFF80, s0;
	s3 =	ssub.s32 s3, s5  }
0xa3: {  	s0 =	sadd.s32 s1, s0;
	s29 =	sshll.u32 s3, $0x7  }
0xa4: {  	[tilespmem:s20], [sflag:$0xF] =	stream.strided.gather [hbm4b:s0+s13], $0x1000, s12, s13, $0x38;
	[tilespmem:$0x10600] =	vst v63  }
0xa5: {  	s9 =	simm.s32 $0x7;
	s8 =	simm.s32 $0xB;
	s0 =	sand.u32 $0x1FFFFF80, s29  }
0xa6: {  	s17 =	simm.s32 $0x5;
	s18 =	simm.s32 $0x8;
	s0 =	sadd.s32 s2, s0  }
0xa7: {  	[tilespmem:s21], [sflag:$0x10] =	stream.strided.gather [hbm4b:s0+s13], $0x1000, s12, s13, $0x38;
	[tilespmem:$0x10600] =	vst v63  }
0xa8: {  	s16 =	simm.s32 $0x3;
	s20 =	simm.s32 $0xF;
	s0 =	simm.s32 $0x1  }
.LBB2_2:
0xa9: {  	(v2sf) =	vpush v6, $0x0  }
0xaa: {  	(v2sf) =	vpush v5, $0x0;
	_ =	sdelay $0xa  }
0xab: {  	[dreg:$0xb] =	wrdreg s0  }
0xac: {  	s0 =	rddreg [dreg:$0xb]  }
0xad: {  	s0 =	smin.u32 s0, $0x1F  }
0xae: {  	s0 =	sshll.u32 s0, $0x4;
	s3 =	spop (v2sf)  }
0xaf: {  	v3 =	vld [tilespmem:s0+$0x0];
	s11 =	spop (v2sf)  }
0xb0: {  	v4 =	vld [tilespmem:s0+$0x200];
	_ =	swait.ge [sflag:s7], $0x1000  }
0xb1: {  	[sflag:s7] =	ssyncset.done $0x0  }
0xb2: {  	[sflag:s7] =	ssyncadd.s32 $0xFFFFF000  }
0xb3: {  	_ =	swait.ge [sflag:s25], $0x1000  }
0xb4: {  	(v2sf) =	vpush v6, $0x8;
	_ =	sdelay $0x1  }
0xb5: {  	(v2sf) =	vpush v5, $0x8;
	_ =	sdelay $0x6  }
0xb6: {  	s3 =	sand.u32 $0x7F, s3  }
0xb7: {  	v7 =	vor.u32 s3, v0  }
0xb8: {  	s0 =	sand.u32 $0x7F, s11;
	v8 =	vor.u32 s3, v2  }
0xb9: {  	v9 =	vor.u32 s0, v0  }
0xba: {  	v10 =	vor.u32 s0, v2;
	[sflag:s25] =	ssyncset.done $0x0  }
0xbb: {  	[sflag:s25] =	ssyncadd.s32 $0xFFFFF000  }
0xbc: {  	v7 =	vld.idx.msk [tilespmem:v7+s13+$0x0], $0xffff;
	s29 =	spop (v2sf)  }
0xbd: {  	v8 =	vld.idx.msk [tilespmem:v8+s13+$0x0], $0xffff;
	s14 =	sshra.s32 s29, $0x1F  }
0xbe: {  	v9 =	vld.idx.msk [tilespmem:v9+s31+$0x0], $0xffff;
	(v2sf) =	vpush v6, $0x1;
	s7 =	spop (v2sf);
	s0 =	sshrl.u32 s14, $0x19  }
0xbf: {  	s19 =	sadd.s32 $0xFFFFFFF1, s20;
	v10 =	vld.idx.msk [tilespmem:v10+s31+$0x0], $0xffff;
	(v2sf) =	vpush v5, $0x1;
	s5 =	sshra.s32 s7, $0x1F;
	s0 =	sadd.s32 s0, s29  }
0xc0: {  	v11 =	vmov s19;
	s5 =	sshrl.u32 s5, $0x19;
	s21 =	sand.u32 $0xFFFFFF80, s0  }
0xc1: {  	v11 =	vand.u32 $0xFFFFFFF0, v11;
	p0 =	slt.s32 s29, $0x1;
	s25 =	sadd.s32 s5, s7;
	p1 =	sne.s32 s29, s21  }
0xc2: {  	s6 =	simm.s32 $0x1;
	v11 =	vbroadcast v11, $0x0;
	s5 =	sand.u32 $0xFFFFFF80, s25;
	p0 =	por !p0, !p1  }
0xc3: {  	p6 =	slt.s32 s7, $0x1;
	p2 =	sne.s32 s7, s5;
	p0 =	por !p0, !p0  }
0xc4: {  	v7 =	vmul.f32 v9, v7;
	v8 =	vmul.f32 v10, v8;
	s0 =	sshrl.u32 s0, $0x7;
	p2 =	por !p6, !p2;
	s6 =	simm.s32 @!p0 $0x0  }
0xc5: {  	s5 =	simm.s32 $0x1;
	p0 =	por !p2, !p2;
	s0 =	ssub.s32 s0, s6  }
0xc6: {  	v7 =	vadd.f32 v8, v7;
	s3 =	sshrl.u32 s25, $0x7;
	s5 =	simm.s32 @!p0 $0x0;
	s0 =	sshll.u32 s0, $0x7  }
0xc7: {  	s3 =	ssub.s32 s3, s5;
	s0 =	sand.u32 $0x1FFFFF80, s0  }
0xc8: {  	[tilespmem:v11+s15+$0x0] =	vst.idx.add.f32.msk $0xffff, v7;
	s3 =	sshll.u32 s3, $0x7;
	s0 =	sadd.s32 s1, s0  }
0xc9: {  	[tilespmem:s13], [sflag:$0x1] =	stream.strided.gather [hbm4b:s0+s13], $0x1000, s12, s13, $0x38;
	[tilespmem:$0x10600] =	vst v63  }
0xca: {  	s0 =	sand.u32 $0x1FFFFF80, s3  }
0xcb: {  	s4 =	simm.s32 $0x8400;
	s0 =	sadd.s32 s2, s0  }
0xcc: {  	[tilespmem:s4], [sflag:$0x2] =	stream.strided.gather [hbm4b:s0+s13], $0x1000, s12, s13, $0x38;
	[tilespmem:$0x10600] =	vst v63  }
0xcd: {  	s5 =	spop (v2sf)  }
0xce: {  	s6 =	spop (v2sf)  }
0xcf: {  	_ =	swait.ge [sflag:s16], $0x1000  }
0xd0: {  	[sflag:s16] =	ssyncset.done $0x0  }
0xd1: {  	[sflag:s16] =	ssyncadd.s32 $0xFFFFF000  }
0xd2: {  	_ =	swait.ge [sflag:s26], $0x1000  }
0xd3: {  	(v2sf) =	vpush v6, $0x9;
	_ =	sdelay $0x1  }
0xd4: {  	(v2sf) =	vpush v5, $0x9;
	_ =	sdelay $0x6  }
0xd5: {  	s0 =	sand.u32 $0x7F, s5  }
0xd6: {  	v7 =	vor.u32 s0, v0  }
0xd7: {  	s3 =	sand.u32 $0x7F, s6;
	v8 =	vor.u32 s0, v2  }
0xd8: {  	v37 =	vor.u32 s3, v0  }
0xd9: {  	v38 =	vor.u32 s3, v2;
	[sflag:s26] =	ssyncset.done $0x0  }
0xda: {  	[sflag:s26] =	ssyncadd.s32 $0xFFFFF000  }
0xdb: {  	v7 =	vld.idx.msk [tilespmem:v7+s30+$0x0], $0xffff;
	s21 =	spop (v2sf)  }
0xdc: {  	s11 =	simm.s32 $0x9400;
	v8 =	vld.idx.msk [tilespmem:v8+s30+$0x0], $0xffff;
	s10 =	sshra.s32 s21, $0x1F  }
0xdd: {  	v9 =	vld.idx.msk [tilespmem:v37+s11+$0x0], $0xffff;
	(v2sf) =	vpush v6, $0x2;
	s30 =	spop (v2sf);
	s0 =	sshrl.u32 s10, $0x19  }
0xde: {  	s14 =	sadd.s32 $0xFFFFFFF2, s20;
	v10 =	vld.idx.msk [tilespmem:v38+s11+$0x0], $0xffff;
	(v2sf) =	vpush v5, $0x2;
	s25 =	sshra.s32 s30, $0x1F;
	s0 =	sadd.s32 s0, s21  }
0xdf: {  	v39 =	vmov s14;
	s5 =	sshrl.u32 s25, $0x19;
	s19 =	sand.u32 $0xFFFFFF80, s0  }
0xe0: {  	v11 =	vand.u32 $0xFFFFFFF1, v39;
	p3 =	slt.s32 s21, $0x1;
	s26 =	sadd.s32 s5, s30;
	p4 =	sne.s32 s21, s19  }
0xe1: {  	v11 =	vbroadcast v11, $0x0;
	s6 =	simm.s32 $0x1;
	s5 =	sand.u32 $0xFFFFFF80, s26;
	p0 =	por !p3, !p4  }
0xe2: {  	p5 =	slt.s32 s30, $0x1;
	p6 =	sne.s32 s30, s5;
	p0 =	por !p0, !p0  }
0xe3: {  	v7 =	vmul.f32 v9, v7;
	v8 =	vmul.f32 v10, v8;
	s0 =	sshrl.u32 s0, $0x7;
	p2 =	por !p5, !p6;
	s6 =	simm.s32 @!p0 $0x0  }
0xe4: {  	s5 =	simm.s32 $0x1;
	p0 =	por !p2, !p2;
	s0 =	ssub.s32 s0, s6  }
0xe5: {  	v7 =	vadd.f32 v8, v7;
	s3 =	sshrl.u32 s26, $0x7;
	s5 =	simm.s32 @!p0 $0x0;
	s0 =	sshll.u32 s0, $0x7  }
0xe6: {  	s3 =	ssub.s32 s3, s5;
	s0 =	sand.u32 $0x1FFFFF80, s0  }
0xe7: {  	s16 =	simm.s32 $0x1400;
	[tilespmem:v11+s15+$0x0] =	vst.idx.add.f32.msk $0xffff, v7;
	s5 =	sshll.u32 s3, $0x7;
	s0 =	sadd.s32 s1, s0  }
0xe8: {  	[tilespmem:s16], [sflag:$0x3] =	stream.strided.gather [hbm4b:s0+s13], $0x1000, s12, s13, $0x38;
	[tilespmem:$0x10600] =	vst v63  }
0xe9: {  	s0 =	sand.u32 $0x1FFFFF80, s5  }
0xea: {  	s10 =	simm.s32 $0x9400;
	s0 =	sadd.s32 s2, s0  }
0xeb: {  	[tilespmem:s10], [sflag:$0x4] =	stream.strided.gather [hbm4b:s0+s13], $0x1000, s12, s13, $0x38;
	[tilespmem:$0x10600] =	vst v63  }
0xec: {  	s6 =	spop (v2sf)  }
0xed: {  	s10 =	spop (v2sf)  }
0xee: {  	_ =	swait.ge [sflag:s17], $0x1000  }
0xef: {  	[sflag:s17] =	ssyncset.done $0x0  }
0xf0: {  	[sflag:s17] =	ssyncadd.s32 $0xFFFFF000  }
0xf1: {  	_ =	swait.ge [sflag:s28], $0x1000  }
0xf2: {  	(v2sf) =	vpush v6, $0xA;
	_ =	sdelay $0x2  }
0xf3: {  	(v2sf) =	vpush v5, $0xA;
	_ =	sdelay $0x5  }
0xf4: {  	s0 =	sand.u32 $0x7F, s6  }
0xf5: {  	v7 =	vor.u32 s0, v0  }
0xf6: {  	s3 =	sand.u32 $0x7F, s10;
	v8 =	vor.u32 s0, v2  }
0xf7: {  	v40 =	vor.u32 s3, v0  }
0xf8: {  	v41 =	vor.u32 s3, v2;
	[sflag:s28] =	ssyncset.done $0x0  }
0xf9: {  	[sflag:s28] =	ssyncadd.s32 $0xFFFFF000  }
0xfa: {  	s4 =	simm.s32 $0x2400;
	v7 =	vld.idx.msk [tilespmem:v7+s22+$0x0], $0xffff;
	s22 =	spop (v2sf)  }
0xfb: {  	s14 =	simm.s32 $0xA400;
	v8 =	vld.idx.msk [tilespmem:v8+s4+$0x0], $0xffff;
	(v2sf) =	vpush v6, $0x3;
	s11 =	sshra.s32 s22, $0x1F  }
0xfc: {  	v9 =	vld.idx.msk [tilespmem:v40+s14+$0x0], $0xffff;
	s0 =	sshrl.u32 s11, $0x19  }
0xfd: {  	s16 =	sadd.s32 $0xFFFFFFF3, s20;
	v10 =	vld.idx.msk [tilespmem:v41+s14+$0x0], $0xffff;
	s14 =	spop (v2sf);
	(v2sf) =	vpush v5, $0x3;
	s17 =	sadd.s32 s0, s22  }
0xfe: {  	v42 =	vmov s16;
	s25 =	sshra.s32 s14, $0x1F;
	s19 =	sand.u32 $0xFFFFFF80, s17  }
0xff: {  	v11 =	vand.u32 $0xFFFFFFF2, v42;
	p3 =	slt.s32 s22, $0x1;
	s6 =	sshrl.u32 s25, $0x19;
	p4 =	sne.s32 s22, s19  }
0x100: {  	v11 =	vbroadcast v11, $0x0;
	s10 =	simm.s32 $0x1;
	s0 =	sadd.s32 s6, s14;
	p0 =	por !p3, !p4  }
0x101: {  	p5 =	slt.s32 s14, $0x1;
	s6 =	sand.u32 $0xFFFFFF80, s0;
	p0 =	por !p0, !p0  }
0x102: {  	v7 =	vmul.f32 v9, v7;
	v8 =	vmul.f32 v10, v8;
	s26 =	sshrl.u32 s17, $0x7;
	p6 =	sne.s32 s14, s6;
	s10 =	simm.s32 @!p0 $0x0  }
0x103: {  	p2 =	por !p5, !p6;
	s3 =	ssub.s32 s26, s10  }
0x104: {  	v7 =	vadd.f32 v8, v7;
	s6 =	simm.s32 $0x1;
	p0 =	por !p2, !p2;
	s3 =	sshll.u32 s3, $0x7  }
0x105: {  	s5 =	sshrl.u32 s0, $0x7;
	s6 =	simm.s32 @!p0 $0x0;
	s3 =	sand.u32 $0x1FFFFF80, s3  }
0x106: {  	[tilespmem:v11+s15+$0x0] =	vst.idx.add.f32.msk $0xffff, v7;
	s5 =	ssub.s32 s5, s6;
	s3 =	sadd.s32 s1, s3  }
0x107: {  	[tilespmem:s4], [sflag:$0x5] =	stream.strided.gather [hbm4b:s3+s13], $0x1000, s12, s13, $0x38;
	[tilespmem:$0x10600] =	vst v63  }
0x108: {  	s4 =	sshll.u32 s5, $0x7  }
0x109: {  	s3 =	sand.u32 $0x1FFFFF80, s4  }
0x10a: {  	s11 =	simm.s32 $0xA400;
	s3 =	sadd.s32 s2, s3;
	s5 =	spop (v2sf)  }
0x10b: {  	[tilespmem:s11], [sflag:$0x6] =	stream.strided.gather [hbm4b:s3+s13], $0x1000, s12, s13, $0x38;
	[tilespmem:$0x10600] =	vst v63  }
0x10c: {  	s6 =	spop (v2sf)  }
0x10d: {  	_ =	swait.ge [sflag:s9], $0x1000  }
0x10e: {  	[sflag:s9] =	ssyncset.done $0x0  }
0x10f: {  	[sflag:s9] =	ssyncadd.s32 $0xFFFFF000  }
0x110: {  	_ =	swait.ge [sflag:s18], $0x1000  }
0x111: {  	(v2sf) =	vpush v6, $0xB;
	_ =	sdelay $0x2  }
0x112: {  	(v2sf) =	vpush v5, $0xB;
	_ =	sdelay $0x5  }
0x113: {  	s3 =	sand.u32 $0x7F, s5  }
0x114: {  	v7 =	vor.u32 s3, v0  }
0x115: {  	s5 =	sand.u32 $0x7F, s6;
	v8 =	vor.u32 s3, v2  }
0x116: {  	v43 =	vor.u32 s5, v0  }
0x117: {  	v44 =	vor.u32 s5, v2;
	[sflag:s18] =	ssyncset.done $0x0  }
0x118: {  	[sflag:s18] =	ssyncadd.s32 $0xFFFFF000  }
0x119: {  	s9 =	simm.s32 $0x3400;
	v7 =	vld.idx.msk [tilespmem:v7+s23+$0x0], $0xffff;
	s23 =	spop (v2sf)  }
0x11a: {  	s11 =	simm.s32 $0xB400;
	v8 =	vld.idx.msk [tilespmem:v8+s9+$0x0], $0xffff;
	(v2sf) =	vpush v6, $0x4;
	s10 =	sshra.s32 s23, $0x1F  }
0x11b: {  	v9 =	vld.idx.msk [tilespmem:v43+s11+$0x0], $0xffff;
	s3 =	sshrl.u32 s10, $0x19  }
0x11c: {  	s16 =	sadd.s32 $0xFFFFFFF4, s20;
	v10 =	vld.idx.msk [tilespmem:v44+s11+$0x0], $0xffff;
	s18 =	sadd.s32 s3, s23;
	s3 =	spop (v2sf);
	(v2sf) =	vpush v5, $0x4  }
0x11d: {  	v45 =	vmov s16;
	s19 =	sand.u32 $0xFFFFFF80, s18;
	s25 =	sshra.s32 s3, $0x1F  }
0x11e: {  	v11 =	vand.u32 $0xFFFFFFF3, v45;
	p3 =	slt.s32 s23, $0x1;
	s10 =	sshrl.u32 s25, $0x19;
	p4 =	sne.s32 s23, s19  }
0x11f: {  	v11 =	vbroadcast v11, $0x0;
	s11 =	simm.s32 $0x1;
	s0 =	sadd.s32 s10, s3;
	p0 =	por !p3, !p4  }
0x120: {  	s26 =	sshrl.u32 s18, $0x7;
	s10 =	sand.u32 $0xFFFFFF80, s0;
	p0 =	por !p0, !p0  }
0x121: {  	v7 =	vmul.f32 v9, v7;
	v8 =	vmul.f32 v10, v8;
	p5 =	slt.s32 s3, $0x1;
	p6 =	sne.s32 s3, s10;
	s11 =	simm.s32 @!p0 $0x0  }
0x122: {  	p2 =	por !p5, !p6;
	s5 =	ssub.s32 s26, s11  }
0x123: {  	v7 =	vadd.f32 v8, v7;
	s10 =	simm.s32 $0x1;
	p0 =	por !p2, !p2;
	s5 =	sshll.u32 s5, $0x7  }
0x124: {  	s6 =	sshrl.u32 s0, $0x7;
	s10 =	simm.s32 @!p0 $0x0;
	s5 =	sand.u32 $0x1FFFFF80, s5  }
0x125: {  	[tilespmem:v11+s15+$0x0] =	vst.idx.add.f32.msk $0xffff, v7;
	s6 =	ssub.s32 s6, s10;
	s5 =	sadd.s32 s1, s5  }
0x126: {  	[tilespmem:s9], [sflag:$0x7] =	stream.strided.gather [hbm4b:s5+s13], $0x1000, s12, s13, $0x38;
	[tilespmem:$0x10600] =	vst v63  }
0x127: {  	s6 =	sshll.u32 s6, $0x7  }
0x128: {  	s5 =	sand.u32 $0x1FFFFF80, s6  }
0x129: {  	s17 =	simm.s32 $0xB400;
	s5 =	sadd.s32 s2, s5;
	s10 =	spop (v2sf)  }
0x12a: {  	[tilespmem:s17], [sflag:$0x8] =	stream.strided.gather [hbm4b:s5+s13], $0x1000, s12, s13, $0x38;
	[tilespmem:$0x10600] =	vst v63  }
0x12b: {  	s15 =	simm.s32 $0x9;
	s11 =	spop (v2sf)  }
0x12c: {  	_ =	swait.ge [sflag:s15], $0x1000  }
0x12d: {  	[sflag:s15] =	ssyncset.done $0x0  }
0x12e: {  	s16 =	simm.s32 $0xA;
	[sflag:s15] =	ssyncadd.s32 $0xFFFFF000  }
0x12f: {  	_ =	swait.ge [sflag:s16], $0x1000  }
0x130: {  	(v2sf) =	vpush v6, $0xC;
	_ =	sdelay $0x1  }
0x131: {  	(v2sf) =	vpush v5, $0xC;
	_ =	sdelay $0x6  }
0x132: {  	s5 =	sand.u32 $0x7F, s10  }
0x133: {  	v7 =	vor.u32 s5, v0  }
0x134: {  	v8 =	vor.u32 s5, v2;
	s6 =	sand.u32 $0x7F, s11  }
0x135: {  	v46 =	vor.u32 s6, v0  }
0x136: {  	v47 =	vor.u32 s6, v2;
	[sflag:s16] =	ssyncset.done $0x0  }
0x137: {  	[sflag:s16] =	ssyncadd.s32 $0xFFFFF000  }
0x138: {  	s4 =	simm.s32 $0x4400;
	v7 =	vld.idx.msk [tilespmem:v7+s24+$0x0], $0xffff;
	s24 =	spop (v2sf)  }
0x139: {  	s18 =	simm.s32 $0xC400;
	v8 =	vld.idx.msk [tilespmem:v8+s4+$0x0], $0xffff;
	s17 =	sshra.s32 s24, $0x1F  }
0x13a: {  	v9 =	vld.idx.msk [tilespmem:v46+s18+$0x0], $0xffff;
	(v2sf) =	vpush v6, $0x5;
	s10 =	spop (v2sf);
	s5 =	sshrl.u32 s17, $0x19  }
0x13b: {  	s25 =	sadd.s32 $0xFFFFFFF5, s20;
	v10 =	vld.idx.msk [tilespmem:v47+s18+$0x0], $0xffff;
	(v2sf) =	vpush v5, $0x5;
	s16 =	sshra.s32 s10, $0x1F;
	s5 =	sadd.s32 s5, s24  }
0x13c: {  	v48 =	vmov s25;
	s11 =	sshrl.u32 s16, $0x19;
	s0 =	sand.u32 $0xFFFFFF80, s5  }
0x13d: {  	v11 =	vand.u32 $0xFFFFFFF4, v48;
	p3 =	slt.s32 s24, $0x1;
	s17 =	sadd.s32 s11, s10;
	p4 =	sne.s32 s24, s0  }
0x13e: {  	s25 =	simm.s32 $0x1;
	v11 =	vbroadcast v11, $0x0;
	s11 =	sand.u32 $0xFFFFFF80, s17;
	p0 =	por !p3, !p4  }
0x13f: {  	p5 =	slt.s32 s10, $0x1;
	p6 =	sne.s32 s10, s11;
	p0 =	por !p0, !p0  }
0x140: {  	v7 =	vmul.f32 v9, v7;
	v8 =	vmul.f32 v10, v8;
	s5 =	sshrl.u32 s5, $0x7;
	p2 =	por !p5, !p6;
	s25 =	simm.s32 @!p0 $0x0  }
0x141: {  	s11 =	simm.s32 $0x1;
	p0 =	por !p2, !p2;
	s5 =	ssub.s32 s5, s25  }
0x142: {  	v7 =	vadd.f32 v8, v7;
	s6 =	sshrl.u32 s17, $0x7;
	s11 =	simm.s32 @!p0 $0x0;
	s5 =	sshll.u32 s5, $0x7  }
0x143: {  	s12 =	simm.s32 $0x10400;
	s6 =	ssub.s32 s6, s11;
	s5 =	sand.u32 $0x1FFFFF80, s5  }
0x144: {  	s19 =	simm.s32 $0x7A1400;
	[tilespmem:v11+s12+$0x0] =	vst.idx.add.f32.msk $0xffff, v7;
	s18 =	sshll.u32 s6, $0x7;
	s5 =	sadd.s32 s1, s5  }
0x145: {  	[tilespmem:s4], [sflag:$0x9] =	stream.strided.gather [hbm4b:s5+s13], $0x1000, s19, s13, $0x38;
	[tilespmem:$0x10600] =	vst v63  }
0x146: {  	s5 =	sand.u32 $0x1FFFFF80, s18  }
0x147: {  	s26 =	simm.s32 $0xC400;
	s5 =	sadd.s32 s2, s5  }
0x148: {  	[tilespmem:s26], [sflag:$0xA] =	stream.strided.gather [hbm4b:s5+s13], $0x1000, s19, s13, $0x38;
	[tilespmem:$0x10600] =	vst v63  }
0x149: {  	s25 =	spop (v2sf)  }
0x14a: {  	s26 =	spop (v2sf)  }
0x14b: {  	_ =	swait.ge [sflag:s8], $0x1000  }
0x14c: {  	[sflag:s8] =	ssyncset.done $0x0  }
0x14d: {  	s0 =	simm.s32 $0xC;
	[sflag:s8] =	ssyncadd.s32 $0xFFFFF000  }
0x14e: {  	_ =	swait.ge [sflag:s0], $0x1000  }
0x14f: {  	(v2sf) =	vpush v6, $0xD;
	_ =	sdelay $0x2  }
0x150: {  	(v2sf) =	vpush v5, $0xD;
	_ =	sdelay $0x5  }
0x151: {  	s5 =	sand.u32 $0x7F, s25  }
0x152: {  	v7 =	vor.u32 s5, v0  }
0x153: {  	s6 =	sand.u32 $0x7F, s26;
	v8 =	vor.u32 s5, v2  }
0x154: {  	v49 =	vor.u32 s6, v0  }
0x155: {  	v50 =	vor.u32 s6, v2;
	[sflag:s0] =	ssyncset.done $0x0  }
0x156: {  	s8 =	simm.s32 $0x5400;
	[sflag:s0] =	ssyncadd.s32 $0xFFFFF000  }
0x157: {  	v7 =	vld.idx.msk [tilespmem:v7+s8+$0x0], $0xffff;
	s25 =	spop (v2sf)  }
0x158: {  	s11 =	simm.s32 $0xD400;
	v8 =	vld.idx.msk [tilespmem:v8+s8+$0x0], $0xffff;
	(v2sf) =	vpush v6, $0x6;
	s9 =	sshra.s32 s25, $0x1F  }
0x159: {  	v9 =	vld.idx.msk [tilespmem:v49+s11+$0x0], $0xffff;
	s5 =	sshrl.u32 s9, $0x19  }
0x15a: {  	s17 =	sadd.s32 $0xFFFFFFF6, s20;
	v10 =	vld.idx.msk [tilespmem:v50+s11+$0x0], $0xffff;
	s18 =	sadd.s32 s5, s25;
	s5 =	spop (v2sf);
	(v2sf) =	vpush v5, $0x6  }
0x15b: {  	v51 =	vmov s17;
	s0 =	sand.u32 $0xFFFFFF80, s18;
	s9 =	sshra.s32 s5, $0x1F  }
0x15c: {  	v11 =	vand.u32 $0xFFFFFFF5, v51;
	p3 =	slt.s32 s25, $0x1;
	s26 =	sshrl.u32 s9, $0x19;
	p4 =	sne.s32 s25, s0  }
0x15d: {  	s28 =	simm.s32 $0x1;
	v11 =	vbroadcast v11, $0x0;
	s0 =	sadd.s32 s26, s5;
	p0 =	por !p3, !p4  }
0x15e: {  	s11 =	sshrl.u32 s18, $0x7;
	s26 =	sand.u32 $0xFFFFFF80, s0;
	p0 =	por !p0, !p0  }
0x15f: {  	v7 =	vmul.f32 v9, v7;
	v8 =	vmul.f32 v10, v8;
	p5 =	slt.s32 s5, $0x1;
	p6 =	sne.s32 s5, s26;
	s28 =	simm.s32 @!p0 $0x0  }
0x160: {  	p2 =	por !p5, !p6;
	s6 =	ssub.s32 s11, s28  }
0x161: {  	v7 =	vadd.f32 v8, v7;
	s26 =	simm.s32 $0x1;
	p0 =	por !p2, !p2;
	s6 =	sshll.u32 s6, $0x7  }
0x162: {  	s11 =	sshrl.u32 s0, $0x7;
	s26 =	simm.s32 @!p0 $0x0;
	s6 =	sand.u32 $0x1FFFFF80, s6  }
0x163: {  	s8 =	simm.s32 $0x5400;
	[tilespmem:v11+s12+$0x0] =	vst.idx.add.f32.msk $0xffff, v7;
	s11 =	ssub.s32 s11, s26;
	s6 =	sadd.s32 s1, s6  }
0x164: {  	[tilespmem:s8], [sflag:$0xB] =	stream.strided.gather [hbm4b:s6+s13], $0x1000, s19, s13, $0x38;
	[tilespmem:$0x10600] =	vst v63  }
0x165: {  	s9 =	sshll.u32 s11, $0x7  }
0x166: {  	s6 =	sand.u32 $0x1FFFFF80, s9  }
0x167: {  	s4 =	simm.s32 $0xD400;
	s6 =	sadd.s32 s2, s6;
	s11 =	spop (v2sf)  }
0x168: {  	[tilespmem:s4], [sflag:$0xC] =	stream.strided.gather [hbm4b:s6+s13], $0x1000, s19, s13, $0x38;
	[tilespmem:$0x10600] =	vst v63  }
0x169: {  	s0 =	simm.s32 $0xD;
	s26 =	spop (v2sf)  }
0x16a: {  	_ =	swait.ge [sflag:s0], $0x1000  }
0x16b: {  	[sflag:s0] =	ssyncset.done $0x0  }
0x16c: {  	s8 =	simm.s32 $0xE;
	[sflag:s0] =	ssyncadd.s32 $0xFFFFF000  }
0x16d: {  	_ =	swait.ge [sflag:s8], $0x1000  }
0x16e: {  	(v2sf) =	vpush v6, $0xE;
	_ =	sdelay $0x2  }
0x16f: {  	(v2sf) =	vpush v5, $0xE;
	_ =	sdelay $0x5  }
0x170: {  	s6 =	sand.u32 $0x7F, s11  }
0x171: {  	v7 =	vor.u32 s6, v0  }
0x172: {  	v8 =	vor.u32 s6, v2;
	s11 =	sand.u32 $0x7F, s26  }
0x173: {  	v52 =	vor.u32 s11, v0  }
0x174: {  	v53 =	vor.u32 s11, v2;
	[sflag:s8] =	ssyncset.done $0x0  }
0x175: {  	s9 =	simm.s32 $0x6400;
	[sflag:s8] =	ssyncadd.s32 $0xFFFFF000  }
0x176: {  	v7 =	vld.idx.msk [tilespmem:v7+s9+$0x0], $0xffff;
	s26 =	spop (v2sf)  }
0x177: {  	s0 =	simm.s32 $0xE400;
	v8 =	vld.idx.msk [tilespmem:v8+s9+$0x0], $0xffff;
	(v2sf) =	vpush v6, $0x7;
	s11 =	sshra.s32 s26, $0x1F  }
0x178: {  	v9 =	vld.idx.msk [tilespmem:v52+s0+$0x0], $0xffff;
	s6 =	sshrl.u32 s11, $0x19  }
0x179: {  	s8 =	sadd.s32 $0xFFFFFFF7, s20;
	v10 =	vld.idx.msk [tilespmem:v53+s0+$0x0], $0xffff;
	s28 =	sadd.s32 s6, s26;
	s6 =	spop (v2sf);
	(v2sf) =	vpush v5, $0x7  }
0x17a: {  	v54 =	vmov s8;
	s0 =	sand.u32 $0xFFFFFF80, s28;
	s4 =	sshra.s32 s6, $0x1F  }
0x17b: {  	v11 =	vand.u32 $0xFFFFFFF6, v54;
	p3 =	slt.s32 s26, $0x1;
	s8 =	sshrl.u32 s4, $0x19;
	p4 =	sne.s32 s26, s0  }
0x17c: {  	v11 =	vbroadcast v11, $0x0;
	s0 =	sshrl.u32 s28, $0x7;
	s8 =	sadd.s32 s8, s6;
	p0 =	por !p3, !p4  }
0x17d: {  	s4 =	simm.s32 $0x1;
	s28 =	sand.u32 $0xFFFFFF80, s8;
	p0 =	por !p0, !p0  }
0x17e: {  	v7 =	vmul.f32 v9, v7;
	v8 =	vmul.f32 v10, v8;
	p5 =	slt.s32 s6, $0x1;
	p6 =	sne.s32 s6, s28;
	s4 =	simm.s32 @!p0 $0x0  }
0x17f: {  	p1 =	por !p5, !p6;
	s4 =	ssub.s32 s0, s4  }
0x180: {  	v7 =	vadd.f32 v8, v7;
	s11 =	simm.s32 $0x1;
	p0 =	por !p1, !p1;
	s4 =	sshll.u32 s4, $0x7  }
0x181: {  	s8 =	sshrl.u32 s8, $0x7;
	s11 =	simm.s32 @!p0 $0x0;
	s4 =	sand.u32 $0x1FFFFF80, s4  }
0x182: {  	s31 =	simm.s32 $0x6400;
	[tilespmem:v11+s12+$0x0] =	vst.idx.add.f32.msk $0xffff, v7;
	s8 =	ssub.s32 s8, s11;
	s4 =	sadd.s32 s1, s4  }
0x183: {  	[tilespmem:s31], [sflag:$0xD] =	stream.strided.gather [hbm4b:s4+s13], $0x1000, s19, s13, $0x38;
	[tilespmem:$0x10600] =	vst v63  }
0x184: {  	s0 =	sshll.u32 s8, $0x7  }
0x185: {  	s4 =	sand.u32 $0x1FFFFF80, s0  }
0x186: {  	s9 =	simm.s32 $0xE400;
	s4 =	sadd.s32 s2, s4;
	s8 =	spop (v2sf)  }
0x187: {  	[tilespmem:s9], [sflag:$0xE] =	stream.strided.gather [hbm4b:s4+s13], $0x1000, s19, s13, $0x38;
	[tilespmem:$0x10600] =	vst v63  }
0x188: {  	s13 =	simm.s32 $0xF;
	s11 =	spop (v2sf)  }
0x189: {  	_ =	swait.ge [sflag:s13], $0x1000  }
0x18a: {  	[sflag:s13] =	ssyncset.done $0x0  }
0x18b: {  	s0 =	simm.s32 $0x10;
	[sflag:s13] =	ssyncadd.s32 $0xFFFFF000  }
0x18c: {  	_ =	swait.ge [sflag:s0], $0x1000  }
0x18d: {  	(v2sf) =	vpush v6, $0xF;
	_ =	sdelay $0x1  }
0x18e: {  	(v2sf) =	vpush v5, $0xF;
	_ =	sdelay $0x6  }
0x18f: {  	s4 =	sand.u32 $0x7F, s8;
	s8 =	sand.u32 $0x7F, s11  }
0x190: {  	v7 =	vor.u32 s8, v0  }
0x191: {  	v6 =	vor.u32 s4, v2  }
0x192: {  	v5 =	vor.u32 s4, v0  }
0x193: {  	v8 =	vor.u32 s8, v2;
	[sflag:s0] =	ssyncset.done $0x0  }
0x194: {  	[sflag:s0] =	ssyncadd.s32 $0xFFFFF000;
	s0 =	simm.s32 $0xF400  }
0x195: {  	s11 =	simm.s32 $0x7400;
	v7 =	vld.idx.msk [tilespmem:v7+s0+$0x0], $0xffff;
	s28 =	spop (v2sf)  }
0x196: {  	v6 =	vld.idx.msk [tilespmem:v6+s11+$0x0], $0xffff;
	s13 =	sshra.s32 s28, $0x1F  }
0x197: {  	v5 =	vld.idx.msk [tilespmem:v5+s11+$0x0], $0xffff;
	s11 =	spop (v2sf);
	s4 =	sshrl.u32 s13, $0x19  }
0x198: {  	s8 =	sadd.s32 $0xFFFFFFF8, s20;
	v8 =	vld.idx.msk [tilespmem:v8+s0+$0x0], $0xffff;
	s9 =	sshra.s32 s11, $0x1F;
	s4 =	sadd.s32 s4, s28  }
0x199: {  	v55 =	vmov s8;
	s9 =	sshrl.u32 s9, $0x19;
	s8 =	sand.u32 $0xFFFFFF80, s4  }
0x19a: {  	v9 =	vand.u32 $0xFFFFFFF7, v55;
	p2 =	slt.s32 s28, $0x1;
	s9 =	sadd.s32 s9, s11;
	p3 =	sne.s32 s28, s8  }
0x19b: {  	v9 =	vbroadcast v9, $0x0;
	p5 =	slt.s32 s11, $0x1;
	s8 =	sand.u32 $0xFFFFFF80, s9;
	p0 =	por !p2, !p3  }
0x19c: {  	p4 =	sne.s32 s11, s8;
	s8 =	simm.s32 $0x1;
	p0 =	por !p0, !p0  }
0x19d: {  	v6 =	vmul.f32 v8, v6;
	v5 =	vmul.f32 v7, v5;
	s4 =	sshrl.u32 s4, $0x7;
	p6 =	por !p5, !p4;
	s8 =	simm.s32 @!p0 $0x0  }
0x19e: {  	p0 =	por !p6, !p6;
	s4 =	ssub.s32 s4, s8;
	s8 =	simm.s32 $0x1  }
0x19f: {  	v5 =	vadd.f32 v6, v5;
	s9 =	sshrl.u32 s9, $0x7;
	s4 =	sshll.u32 s4, $0x7;
	s8 =	simm.s32 @!p0 $0x0  }
0x1a0: {  	s31 =	simm.s32 $0x7400;
	s4 =	sand.u32 $0x1FFFFF80, s4;
	s8 =	ssub.s32 s9, s8  }
0x1a1: {  	s0 =	simm.s32 $0x400;
	[tilespmem:v9+s12+$0x0] =	vst.idx.add.f32.msk $0xffff, v5;
	s4 =	sadd.s32 s1, s4;
	s9 =	sshll.u32 s8, $0x7  }
0x1a2: {  	[tilespmem:s31], [sflag:$0xF] =	stream.strided.gather [hbm4b:s4+s0], $0x1000, s19, s0, $0x38;
	[tilespmem:$0x10600] =	vst v63  }
0x1a3: {  	s4 =	sand.u32 $0x1FFFFF80, s9  }
0x1a4: {  	s13 =	simm.s32 $0xF400;
	s8 =	simm.s32 $0x1;
	s4 =	sadd.s32 s2, s4  }
0x1a5: {  	[tilespmem:s13], [sflag:$0x10] =	stream.strided.gather [hbm4b:s4+s0], $0x1000, s19, s0, $0x38;
	[tilespmem:$0x10600] =	vst v63  }
0x1a6: {  	s9 =	simm.s32 $0x1;
	_ =	swait.ge [sflag:s8], $0x1000  }
0x1a7: {  	s19 =	simm.s32 $0x1;
	[sflag:s9] =	ssyncset.done $0x0  }
0x1a8: {  	s16 =	simm.s32 $0x2;
	[sflag:s19] =	ssyncadd.s32 $0xFFFFF000  }
0x1a9: {  	p0 =	seq.s32 s20, $0x1FF;
	_ =	swait.ge [sflag:s16], $0x1000  }
0x1aa: {  	(v2sf) =	vpush @!p0 v4, $0x0;
	_ =	sdelay $0x1  }
0x1ab: {  	(v2sf) =	vpush @!p0 v3, $0x0;
	_ =	sdelay $0x6  }
0x1ac: {  	s29 =	sand.u32 $0x7F, s29  }
0x1ad: {  	v5 =	vor.u32 s29, v0  }
0x1ae: {  	s7 =	sand.u32 $0x7F, s7;
	v6 =	vor.u32 s29, v2  }
0x1af: {  	v7 =	vor.u32 s7, v0  }
0x1b0: {  	v8 =	vor.u32 s7, v2;
	[sflag:s16] =	ssyncset.done $0x0  }
0x1b1: {  	s13 =	simm.s32 $0x400;
	[sflag:s16] =	ssyncadd.s32 $0xFFFFF000  }
0x1b2: {  	s31 =	simm.s32 $0x8400;
	v5 =	vld.idx.msk [tilespmem:v5+s13+$0x0], $0xffff;
	s7 =	spop @!p0 (v2sf)  }
0x1b3: {  	s0 =	sadd.s32 $0xFFFFFFF9, s20;
	v6 =	vld.idx.msk [tilespmem:v6+s13+$0x0], $0xffff;
	s8 =	sshra.s32 @!p0 s7, $0x1F;
	s9 =	sand.u32 @!p0 $0x7F, s7  }
0x1b4: {  	v7 =	vld.idx.msk [tilespmem:v7+s31+$0x0], $0xffff;
	s29 =	spop @!p0 (v2sf);
	p1 =	slt.s32 @!p0 s7, $0x1;
	p2 =	sne.s32 @!p0 s9, $0x0  }
0x1b5: {  	v8 =	vld.idx.msk [tilespmem:v8+s31+$0x0], $0xffff;
	s9 =	sand.u32 @!p0 $0x7F, s29;
	s4 =	sshrl.u32 @!p0 s8, $0x19;
	s8 =	sshra.s32 @!p0 s29, $0x1F  }
0x1b6: {  	v56 =	vmov s0;
	p1 =	por @!p0 !p1, !p2;
	p2 =	slt.s32 @!p0 s29, $0x1;
	p3 =	sne.s32 @!p0 s9, $0x0  }
0x1b7: {  	v9 =	vand.u32 $0xFFFFFFF8, v56;
	s4 =	sadd.s32 @!p0 s4, s7;
	s7 =	sshrl.u32 @!p0 s8, $0x19;
	p2 =	por @!p0 !p2, !p3  }
0x1b8: {  	v9 =	vbroadcast v9, $0x0;
	s8 =	simm.s32 @!p0 $0x1;
	s9 =	simm.s32 @!p0 $0x1;
	p2 =	por @!p0 !p2, !p2  }
0x1b9: {  	s7 =	sadd.s32 @!p0 s7, s29;
	p1 =	por @!p0 !p1, !p1;
	p2 =	por !p2, p0  }
0x1ba: {  	v5 =	vmul.f32 v7, v5;
	v6 =	vmul.f32 v8, v6;
	s7 =	sshrl.u32 @!p0 s7, $0x7;
	p1 =	por !p1, p0;
	s8 =	simm.s32 @p2 $0x0  }
0x1bb: {  	s4 =	sshrl.u32 @!p0 s4, $0x7;
	s9 =	simm.s32 @p1 $0x0;
	s7 =	ssub.s32 @!p0 s7, s8  }
0x1bc: {  	v5 =	vadd.f32 v6, v5;
	s4 =	ssub.s32 @!p0 s4, s9;
	s7 =	sshll.u32 @!p0 s7, $0x7  }
0x1bd: {  	s29 =	simm.s32 @!p0 $0x400;
	s4 =	sshll.u32 @!p0 s4, $0x7;
	s7 =	sand.u32 @!p0 $0x1FFFFF80, s7  }
0x1be: {  	[tilespmem:v9+s12+$0x0] =	vst.idx.add.f32.msk $0xffff, v5;
	s4 =	sand.u32 @!p0 $0x1FFFFF80, s4;
	s8 =	sadd.s32 @!p0 s1, s7;
	s7 =	simm.s32 @!p0 $0x7A1400  }
0x1bf: {  	[tilespmem:s29], [sflag:$0x1] =	stream.strided.gather @!p0 [hbm4b:s8+s29], $0x1000, s7, s29, $0x38;
	[tilespmem:$0x10600] =	vst v63  }
0x1c0: {  	s16 =	simm.s32 $0x3;
	s4 =	sadd.s32 @!p0 s2, s4;
	s8 =	simm.s32 @!p0 $0x8400  }
0x1c1: {  	[tilespmem:s8], [sflag:$0x2] =	stream.strided.gather @!p0 [hbm4b:s4+s29], $0x1000, s7, s29, $0x38;
	[tilespmem:$0x10600] =	vst v63  }
0x1c2: {  	_ =	swait.ge [sflag:s16], $0x1000  }
0x1c3: {  	[sflag:s16] =	ssyncset.done $0x0  }
0x1c4: {  	s17 =	simm.s32 $0x4;
	[sflag:s16] =	ssyncadd.s32 $0xFFFFF000  }
0x1c5: {  	_ =	swait.ge [sflag:s17], $0x1000  }
0x1c6: {  	(v2sf) =	vpush @!p0 v4, $0x1  }
0x1c7: {  	(v2sf) =	vpush @!p0 v3, $0x1;
	_ =	sdelay $0x6  }
0x1c8: {  	s9 =	sand.u32 $0x7F, s21  }
0x1c9: {  	v5 =	vor.u32 s9, v0  }
0x1ca: {  	s19 =	sand.u32 $0x7F, s30;
	v6 =	vor.u32 s9, v2  }
0x1cb: {  	v7 =	vor.u32 s19, v0  }
0x1cc: {  	v8 =	vor.u32 s19, v2;
	[sflag:s17] =	ssyncset.done $0x0  }
0x1cd: {  	s30 =	simm.s32 $0x1400;
	[sflag:s17] =	ssyncadd.s32 $0xFFFFF000  }
0x1ce: {  	v5 =	vld.idx.msk [tilespmem:v5+s30+$0x0], $0xffff  }
0x1cf: {  	s21 =	simm.s32 $0x9400;
	v6 =	vld.idx.msk [tilespmem:v6+s30+$0x0], $0xffff;
	s4 =	spop @!p0 (v2sf)  }
0x1d0: {  	v7 =	vld.idx.msk [tilespmem:v7+s21+$0x0], $0xffff;
	s8 =	spop @!p0 (v2sf)  }
0x1d1: {  	s0 =	sadd.s32 $0xFFFFFFFA, s20;
	v8 =	vld.idx.msk [tilespmem:v8+s21+$0x0], $0xffff;
	s21 =	sand.u32 @!p0 $0x7F, s8  }
0x1d2: {  	v57 =	vmov s0;
	p1 =	slt.s32 @!p0 s8, $0x1;
	p2 =	sne.s32 @!p0 s21, $0x0  }
0x1d3: {  	v9 =	vand.u32 $0xFFFFFFF9, v57;
	s9 =	sshra.s32 @!p0 s8, $0x1F;
	p1 =	por @!p0 !p1, !p2  }
0x1d4: {  	v9 =	vbroadcast v9, $0x0;
	s9 =	sshrl.u32 @!p0 s9, $0x19;
	p1 =	por @!p0 !p1, !p1  }
0x1d5: {  	s8 =	sadd.s32 @!p0 s9, s8;
	s9 =	simm.s32 @!p0 $0x1;
	p1 =	por !p1, p0  }
0x1d6: {  	v5 =	vmul.f32 v7, v5;
	v6 =	vmul.f32 v8, v6;
	s8 =	sshrl.u32 @!p0 s8, $0x7;
	s9 =	simm.s32 @p1 $0x0  }
0x1d7: {  	s8 =	ssub.s32 @!p0 s8, s9  }
0x1d8: {  	v5 =	vadd.f32 v6, v5;
	s8 =	sshll.u32 @!p0 s8, $0x7  }
0x1d9: {  	s8 =	sand.u32 @!p0 $0x1FFFFF80, s8  }
0x1da: {  	[tilespmem:v9+s12+$0x0] =	vst.idx.add.f32.msk $0xffff, v5;
	s9 =	simm.s32 @!p0 $0x1400;
	s8 =	sadd.s32 @!p0 s1, s8  }
0x1db: {  	[tilespmem:s9], [sflag:$0x3] =	stream.strided.gather @!p0 [hbm4b:s8+s29], $0x1000, s7, s29, $0x38;
	[tilespmem:$0x10600] =	vst v63  }
0x1dc: {  	s8 =	sand.u32 @!p0 $0x7F, s4  }
0x1dd: {  	p1 =	slt.s32 @!p0 s4, $0x1;
	p2 =	sne.s32 @!p0 s8, $0x0  }
0x1de: {  	s8 =	sshra.s32 @!p0 s4, $0x1F;
	p1 =	por @!p0 !p1, !p2  }
0x1df: {  	s8 =	sshrl.u32 @!p0 s8, $0x19;
	p1 =	por @!p0 !p1, !p1  }
0x1e0: {  	s4 =	sadd.s32 @!p0 s8, s4;
	s8 =	simm.s32 @!p0 $0x1;
	p1 =	por !p1, p0  }
0x1e1: {  	s4 =	sshrl.u32 @!p0 s4, $0x7;
	s8 =	simm.s32 @p1 $0x0  }
0x1e2: {  	s4 =	ssub.s32 @!p0 s4, s8  }
0x1e3: {  	s4 =	sshll.u32 @!p0 s4, $0x7  }
0x1e4: {  	s4 =	sand.u32 @!p0 $0x1FFFFF80, s4  }
0x1e5: {  	s17 =	simm.s32 $0x5;
	s8 =	simm.s32 @!p0 $0x9400;
	s4 =	sadd.s32 @!p0 s2, s4  }
0x1e6: {  	[tilespmem:s8], [sflag:$0x4] =	stream.strided.gather @!p0 [hbm4b:s4+s29], $0x1000, s7, s29, $0x38;
	[tilespmem:$0x10600] =	vst v63  }
0x1e7: {  	_ =	swait.ge [sflag:s17], $0x1000  }
0x1e8: {  	[sflag:s17] =	ssyncset.done $0x0  }
0x1e9: {  	s18 =	simm.s32 $0x6;
	[sflag:s17] =	ssyncadd.s32 $0xFFFFF000  }
0x1ea: {  	_ =	swait.ge [sflag:s18], $0x1000  }
0x1eb: {  	(v2sf) =	vpush @!p0 v4, $0x2  }
0x1ec: {  	(v2sf) =	vpush @!p0 v3, $0x2;
	_ =	sdelay $0x6  }
0x1ed: {  	s9 =	sand.u32 $0x7F, s22  }
0x1ee: {  	v5 =	vor.u32 s9, v0  }
0x1ef: {  	s14 =	sand.u32 $0x7F, s14;
	v6 =	vor.u32 s9, v2  }
0x1f0: {  	v7 =	vor.u32 s14, v0  }
0x1f1: {  	v8 =	vor.u32 s14, v2;
	[sflag:s18] =	ssyncset.done $0x0  }
0x1f2: {  	s22 =	simm.s32 $0x2400;
	[sflag:s18] =	ssyncadd.s32 $0xFFFFF000  }
0x1f3: {  	v5 =	vld.idx.msk [tilespmem:v5+s22+$0x0], $0xffff  }
0x1f4: {  	s19 =	simm.s32 $0xA400;
	v6 =	vld.idx.msk [tilespmem:v6+s22+$0x0], $0xffff;
	s0 =	spop @!p0 (v2sf)  }
0x1f5: {  	v7 =	vld.idx.msk [tilespmem:v7+s19+$0x0], $0xffff;
	s4 =	spop @!p0 (v2sf)  }
0x1f6: {  	s21 =	sadd.s32 $0xFFFFFFFB, s20;
	v8 =	vld.idx.msk [tilespmem:v8+s19+$0x0], $0xffff;
	s9 =	sand.u32 @!p0 $0x7F, s4  }
0x1f7: {  	v58 =	vmov s21;
	p1 =	slt.s32 @!p0 s4, $0x1;
	p2 =	sne.s32 @!p0 s9, $0x0  }
0x1f8: {  	v9 =	vand.u32 $0xFFFFFFFA, v58;
	s8 =	sshra.s32 @!p0 s4, $0x1F;
	p1 =	por @!p0 !p1, !p2  }
0x1f9: {  	v9 =	vbroadcast v9, $0x0;
	s8 =	sshrl.u32 @!p0 s8, $0x19;
	p1 =	por @!p0 !p1, !p1  }
0x1fa: {  	s4 =	sadd.s32 @!p0 s8, s4;
	s8 =	simm.s32 @!p0 $0x1;
	p1 =	por !p1, p0  }
0x1fb: {  	v5 =	vmul.f32 v7, v5;
	v6 =	vmul.f32 v8, v6;
	s4 =	sshrl.u32 @!p0 s4, $0x7;
	s8 =	simm.s32 @p1 $0x0  }
0x1fc: {  	s4 =	ssub.s32 @!p0 s4, s8  }
0x1fd: {  	v5 =	vadd.f32 v6, v5;
	s4 =	sshll.u32 @!p0 s4, $0x7  }
0x1fe: {  	s4 =	sand.u32 @!p0 $0x1FFFFF80, s4  }
0x1ff: {  	[tilespmem:v9+s12+$0x0] =	vst.idx.add.f32.msk $0xffff, v5;
	s8 =	simm.s32 @!p0 $0x2400;
	s4 =	sadd.s32 @!p0 s1, s4  }
0x200: {  	[tilespmem:s8], [sflag:$0x5] =	stream.strided.gather @!p0 [hbm4b:s4+s29], $0x1000, s7, s29, $0x38;
	[tilespmem:$0x10600] =	vst v63  }
0x201: {  	s4 =	sand.u32 @!p0 $0x7F, s0  }
0x202: {  	p1 =	slt.s32 @!p0 s0, $0x1;
	p2 =	sne.s32 @!p0 s4, $0x0  }
0x203: {  	s4 =	sshra.s32 @!p0 s0, $0x1F;
	p1 =	por @!p0 !p1, !p2  }
0x204: {  	s4 =	sshrl.u32 @!p0 s4, $0x19;
	p1 =	por @!p0 !p1, !p1  }
0x205: {  	s0 =	sadd.s32 @!p0 s4, s0;
	s4 =	simm.s32 @!p0 $0x1;
	p1 =	por !p1, p0  }
0x206: {  	s0 =	sshrl.u32 @!p0 s0, $0x7;
	s4 =	simm.s32 @p1 $0x0  }
0x207: {  	s0 =	ssub.s32 @!p0 s0, s4  }
0x208: {  	s0 =	sshll.u32 @!p0 s0, $0x7  }
0x209: {  	s0 =	sand.u32 @!p0 $0x1FFFFF80, s0  }
0x20a: {  	s9 =	simm.s32 $0x7;
	s4 =	simm.s32 @!p0 $0xA400;
	s0 =	sadd.s32 @!p0 s2, s0  }
0x20b: {  	[tilespmem:s4], [sflag:$0x6] =	stream.strided.gather @!p0 [hbm4b:s0+s29], $0x1000, s7, s29, $0x38;
	[tilespmem:$0x10600] =	vst v63  }
0x20c: {  	_ =	swait.ge [sflag:s9], $0x1000  }
0x20d: {  	[sflag:s9] =	ssyncset.done $0x0  }
0x20e: {  	s18 =	simm.s32 $0x8;
	[sflag:s9] =	ssyncadd.s32 $0xFFFFF000  }
0x20f: {  	_ =	swait.ge [sflag:s18], $0x1000  }
0x210: {  	(v2sf) =	vpush @!p0 v4, $0x3  }
0x211: {  	(v2sf) =	vpush @!p0 v3, $0x3;
	_ =	sdelay $0x6  }
0x212: {  	s14 =	sand.u32 $0x7F, s23  }
0x213: {  	v5 =	vor.u32 s14, v0  }
0x214: {  	s3 =	sand.u32 $0x7F, s3;
	v6 =	vor.u32 s14, v2  }
0x215: {  	v7 =	vor.u32 s3, v0  }
0x216: {  	v8 =	vor.u32 s3, v2;
	[sflag:s18] =	ssyncset.done $0x0  }
0x217: {  	s23 =	simm.s32 $0x3400;
	[sflag:s18] =	ssyncadd.s32 $0xFFFFF000  }
0x218: {  	v5 =	vld.idx.msk [tilespmem:v5+s23+$0x0], $0xffff  }
0x219: {  	s19 =	simm.s32 $0xB400;
	v6 =	vld.idx.msk [tilespmem:v6+s23+$0x0], $0xffff;
	s0 =	spop @!p0 (v2sf)  }
0x21a: {  	v7 =	vld.idx.msk [tilespmem:v7+s19+$0x0], $0xffff;
	s3 =	spop @!p0 (v2sf)  }
0x21b: {  	s21 =	sadd.s32 $0xFFFFFFFC, s20;
	v8 =	vld.idx.msk [tilespmem:v8+s19+$0x0], $0xffff;
	s8 =	sand.u32 @!p0 $0x7F, s3  }
0x21c: {  	v59 =	vmov s21;
	p1 =	slt.s32 @!p0 s3, $0x1;
	p2 =	sne.s32 @!p0 s8, $0x0  }
0x21d: {  	v9 =	vand.u32 $0xFFFFFFFB, v59;
	s4 =	sshra.s32 @!p0 s3, $0x1F;
	p1 =	por @!p0 !p1, !p2  }
0x21e: {  	v9 =	vbroadcast v9, $0x0;
	s4 =	sshrl.u32 @!p0 s4, $0x19;
	p1 =	por @!p0 !p1, !p1  }
0x21f: {  	s3 =	sadd.s32 @!p0 s4, s3;
	s4 =	simm.s32 @!p0 $0x1;
	p1 =	por !p1, p0  }
0x220: {  	v5 =	vmul.f32 v7, v5;
	v6 =	vmul.f32 v8, v6;
	s3 =	sshrl.u32 @!p0 s3, $0x7;
	s4 =	simm.s32 @p1 $0x0  }
0x221: {  	s3 =	ssub.s32 @!p0 s3, s4  }
0x222: {  	v5 =	vadd.f32 v6, v5;
	s3 =	sshll.u32 @!p0 s3, $0x7  }
0x223: {  	s3 =	sand.u32 @!p0 $0x1FFFFF80, s3  }
0x224: {  	[tilespmem:v9+s12+$0x0] =	vst.idx.add.f32.msk $0xffff, v5;
	s4 =	simm.s32 @!p0 $0x3400;
	s3 =	sadd.s32 @!p0 s1, s3  }
0x225: {  	[tilespmem:s4], [sflag:$0x7] =	stream.strided.gather @!p0 [hbm4b:s3+s29], $0x1000, s7, s29, $0x38;
	[tilespmem:$0x10600] =	vst v63  }
0x226: {  	s3 =	sand.u32 @!p0 $0x7F, s0  }
0x227: {  	p1 =	slt.s32 @!p0 s0, $0x1;
	p2 =	sne.s32 @!p0 s3, $0x0  }
0x228: {  	s3 =	sshra.s32 @!p0 s0, $0x1F;
	p1 =	por @!p0 !p1, !p2  }
0x229: {  	s3 =	sshrl.u32 @!p0 s3, $0x19;
	p1 =	por @!p0 !p1, !p1  }
0x22a: {  	s0 =	sadd.s32 @!p0 s3, s0;
	s3 =	simm.s32 @!p0 $0x1;
	p1 =	por !p1, p0  }
0x22b: {  	s0 =	sshrl.u32 @!p0 s0, $0x7;
	s3 =	simm.s32 @p1 $0x0  }
0x22c: {  	s0 =	ssub.s32 @!p0 s0, s3  }
0x22d: {  	s0 =	sshll.u32 @!p0 s0, $0x7  }
0x22e: {  	s0 =	sand.u32 @!p0 $0x1FFFFF80, s0  }
0x22f: {  	s3 =	simm.s32 @!p0 $0xB400;
	s0 =	sadd.s32 @!p0 s2, s0  }
0x230: {  	[tilespmem:s3], [sflag:$0x8] =	stream.strided.gather @!p0 [hbm4b:s0+s29], $0x1000, s7, s29, $0x38;
	[tilespmem:$0x10600] =	vst v63  }
0x231: {  	_ =	swait.ge [sflag:s15], $0x1000  }
0x232: {  	[sflag:s15] =	ssyncset.done $0x0  }
0x233: {  	s14 =	simm.s32 $0xA;
	[sflag:s15] =	ssyncadd.s32 $0xFFFFF000  }
0x234: {  	_ =	swait.ge [sflag:s14], $0x1000  }
0x235: {  	(v2sf) =	vpush @!p0 v4, $0x4  }
0x236: {  	(v2sf) =	vpush @!p0 v3, $0x4;
	_ =	sdelay $0x6  }
0x237: {  	s19 =	sand.u32 $0x7F, s10  }
0x238: {  	v7 =	vor.u32 s19, v0  }
0x239: {  	v8 =	vor.u32 s19, v2;
	s15 =	sand.u32 $0x7F, s24  }
0x23a: {  	v5 =	vor.u32 s15, v0  }
0x23b: {  	s21 =	simm.s32 $0xA;
	v6 =	vor.u32 s15, v2;
	[sflag:s14] =	ssyncset.done $0x0  }
0x23c: {  	s4 =	simm.s32 $0xC400;
	[sflag:s21] =	ssyncadd.s32 $0xFFFFF000  }
0x23d: {  	v7 =	vld.idx.msk [tilespmem:v7+s4+$0x0], $0xffff  }
0x23e: {  	s24 =	simm.s32 $0x4400;
	v8 =	vld.idx.msk [tilespmem:v8+s4+$0x0], $0xffff;
	s0 =	spop @!p0 (v2sf)  }
0x23f: {  	v5 =	vld.idx.msk [tilespmem:v5+s24+$0x0], $0xffff;
	s3 =	spop @!p0 (v2sf)  }
0x240: {  	s10 =	sadd.s32 $0xFFFFFFFD, s20;
	v6 =	vld.idx.msk [tilespmem:v6+s24+$0x0], $0xffff;
	s8 =	sand.u32 @!p0 $0x7F, s3  }
0x241: {  	v60 =	vmov s10;
	p1 =	slt.s32 @!p0 s3, $0x1;
	p2 =	sne.s32 @!p0 s8, $0x0  }
0x242: {  	v9 =	vand.u32 $0xFFFFFFFC, v60;
	s4 =	sshra.s32 @!p0 s3, $0x1F;
	p1 =	por @!p0 !p1, !p2  }
0x243: {  	v9 =	vbroadcast v9, $0x0;
	s4 =	sshrl.u32 @!p0 s4, $0x19;
	p1 =	por @!p0 !p1, !p1  }
0x244: {  	s3 =	sadd.s32 @!p0 s4, s3;
	s4 =	simm.s32 @!p0 $0x1;
	p1 =	por !p1, p0  }
0x245: {  	v5 =	vmul.f32 v7, v5;
	v6 =	vmul.f32 v8, v6;
	s3 =	sshrl.u32 @!p0 s3, $0x7;
	s4 =	simm.s32 @p1 $0x0  }
0x246: {  	s3 =	ssub.s32 @!p0 s3, s4  }
0x247: {  	v5 =	vadd.f32 v6, v5;
	s3 =	sshll.u32 @!p0 s3, $0x7  }
0x248: {  	s15 =	simm.s32 $0x10400;
	s3 =	sand.u32 @!p0 $0x1FFFFF80, s3  }
0x249: {  	[tilespmem:v9+s15+$0x0] =	vst.idx.add.f32.msk $0xffff, v5;
	s4 =	simm.s32 @!p0 $0x4400;
	s3 =	sadd.s32 @!p0 s1, s3  }
0x24a: {  	[tilespmem:s4], [sflag:$0x9] =	stream.strided.gather @!p0 [hbm4b:s3+s29], $0x1000, s7, s29, $0x38;
	[tilespmem:$0x10600] =	vst v63  }
0x24b: {  	s3 =	sand.u32 @!p0 $0x7F, s0  }
0x24c: {  	p1 =	slt.s32 @!p0 s0, $0x1;
	p2 =	sne.s32 @!p0 s3, $0x0  }
0x24d: {  	s3 =	sshra.s32 @!p0 s0, $0x1F;
	p1 =	por @!p0 !p1, !p2  }
0x24e: {  	s3 =	sshrl.u32 @!p0 s3, $0x19;
	p1 =	por @!p0 !p1, !p1  }
0x24f: {  	s0 =	sadd.s32 @!p0 s3, s0;
	s3 =	simm.s32 @!p0 $0x1;
	p1 =	por !p1, p0  }
0x250: {  	s0 =	sshrl.u32 @!p0 s0, $0x7;
	s3 =	simm.s32 @p1 $0x0  }
0x251: {  	s0 =	ssub.s32 @!p0 s0, s3  }
0x252: {  	s0 =	sshll.u32 @!p0 s0, $0x7  }
0x253: {  	s0 =	sand.u32 @!p0 $0x1FFFFF80, s0  }
0x254: {  	s8 =	simm.s32 $0xB;
	s3 =	simm.s32 @!p0 $0xC400;
	s0 =	sadd.s32 @!p0 s2, s0  }
0x255: {  	[tilespmem:s3], [sflag:$0xA] =	stream.strided.gather @!p0 [hbm4b:s0+s29], $0x1000, s7, s29, $0x38;
	[tilespmem:$0x10600] =	vst v63  }
0x256: {  	_ =	swait.ge [sflag:s8], $0x1000  }
0x257: {  	[sflag:s8] =	ssyncset.done $0x0  }
0x258: {  	s14 =	simm.s32 $0xC;
	[sflag:s8] =	ssyncadd.s32 $0xFFFFF000  }
0x259: {  	_ =	swait.ge [sflag:s14], $0x1000  }
0x25a: {  	(v2sf) =	vpush @!p0 v4, $0x5  }
0x25b: {  	(v2sf) =	vpush @!p0 v3, $0x5;
	_ =	sdelay $0x6  }
0x25c: {  	s19 =	sand.u32 $0x7F, s25  }
0x25d: {  	v5 =	vor.u32 s19, v0  }
0x25e: {  	s21 =	sand.u32 $0x7F, s5;
	v6 =	vor.u32 s19, v2  }
0x25f: {  	v7 =	vor.u32 s21, v0  }
0x260: {  	s5 =	simm.s32 $0xC;
	v8 =	vor.u32 s21, v2;
	[sflag:s14] =	ssyncset.done $0x0  }
0x261: {  	s10 =	simm.s32 $0x5400;
	[sflag:s5] =	ssyncadd.s32 $0xFFFFF000  }
0x262: {  	v5 =	vld.idx.msk [tilespmem:v5+s10+$0x0], $0xffff  }
0x263: {  	s14 =	simm.s32 $0xD400;
	v6 =	vld.idx.msk [tilespmem:v6+s10+$0x0], $0xffff;
	s0 =	spop @!p0 (v2sf)  }
0x264: {  	v7 =	vld.idx.msk [tilespmem:v7+s14+$0x0], $0xffff;
	s3 =	spop @!p0 (v2sf)  }
0x265: {  	s19 =	sadd.s32 $0xFFFFFFFE, s20;
	v8 =	vld.idx.msk [tilespmem:v8+s14+$0x0], $0xffff;
	s5 =	sand.u32 @!p0 $0x7F, s3  }
0x266: {  	v61 =	vmov s19;
	p1 =	slt.s32 @!p0 s3, $0x1;
	p2 =	sne.s32 @!p0 s5, $0x0  }
0x267: {  	v9 =	vand.u32 $0xFFFFFFFD, v61;
	s4 =	sshra.s32 @!p0 s3, $0x1F;
	p1 =	por @!p0 !p1, !p2  }
0x268: {  	v9 =	vbroadcast v9, $0x0;
	s4 =	sshrl.u32 @!p0 s4, $0x19;
	p1 =	por @!p0 !p1, !p1  }
0x269: {  	s3 =	sadd.s32 @!p0 s4, s3;
	s4 =	simm.s32 @!p0 $0x1;
	p1 =	por !p1, p0  }
0x26a: {  	v5 =	vmul.f32 v7, v5;
	v6 =	vmul.f32 v8, v6;
	s3 =	sshrl.u32 @!p0 s3, $0x7;
	s4 =	simm.s32 @p1 $0x0  }
0x26b: {  	s3 =	ssub.s32 @!p0 s3, s4  }
0x26c: {  	v5 =	vadd.f32 v6, v5;
	s3 =	sshll.u32 @!p0 s3, $0x7  }
0x26d: {  	s3 =	sand.u32 @!p0 $0x1FFFFF80, s3  }
0x26e: {  	[tilespmem:v9+s15+$0x0] =	vst.idx.add.f32.msk $0xffff, v5;
	s4 =	simm.s32 @!p0 $0x5400;
	s3 =	sadd.s32 @!p0 s1, s3  }
0x26f: {  	[tilespmem:s4], [sflag:$0xB] =	stream.strided.gather @!p0 [hbm4b:s3+s29], $0x1000, s7, s29, $0x38;
	[tilespmem:$0x10600] =	vst v63  }
0x270: {  	s3 =	sand.u32 @!p0 $0x7F, s0  }
0x271: {  	p1 =	slt.s32 @!p0 s0, $0x1;
	p2 =	sne.s32 @!p0 s3, $0x0  }
0x272: {  	s3 =	sshra.s32 @!p0 s0, $0x1F;
	p1 =	por @!p0 !p1, !p2  }
0x273: {  	s3 =	sshrl.u32 @!p0 s3, $0x19;
	p1 =	por @!p0 !p1, !p1  }
0x274: {  	s0 =	sadd.s32 @!p0 s3, s0;
	s3 =	simm.s32 @!p0 $0x1;
	p1 =	por !p1, p0  }
0x275: {  	s0 =	sshrl.u32 @!p0 s0, $0x7;
	s3 =	simm.s32 @p1 $0x0  }
0x276: {  	s0 =	ssub.s32 @!p0 s0, s3  }
0x277: {  	s0 =	sshll.u32 @!p0 s0, $0x7  }
0x278: {  	s0 =	sand.u32 @!p0 $0x1FFFFF80, s0  }
0x279: {  	s21 =	simm.s32 $0xD;
	s3 =	simm.s32 @!p0 $0xD400;
	s0 =	sadd.s32 @!p0 s2, s0  }
0x27a: {  	[tilespmem:s3], [sflag:$0xC] =	stream.strided.gather @!p0 [hbm4b:s0+s29], $0x1000, s7, s29, $0x38;
	[tilespmem:$0x10600] =	vst v63  }
0x27b: {  	_ =	swait.ge [sflag:s21], $0x1000  }
0x27c: {  	[sflag:s21] =	ssyncset.done $0x0  }
0x27d: {  	s3 =	simm.s32 $0xE;
	[sflag:s21] =	ssyncadd.s32 $0xFFFFF000  }
0x27e: {  	_ =	swait.ge [sflag:s3], $0x1000  }
0x27f: {  	(v2sf) =	vpush @!p0 v4, $0x6  }
0x280: {  	(v2sf) =	vpush @!p0 v3, $0x6;
	_ =	sdelay $0x6  }
0x281: {  	s5 =	sand.u32 $0x7F, s26  }
0x282: {  	v5 =	vor.u32 s5, v0  }
0x283: {  	s6 =	sand.u32 $0x7F, s6;
	v6 =	vor.u32 s5, v2  }
0x284: {  	v7 =	vor.u32 s6, v0  }
0x285: {  	s10 =	simm.s32 $0xE;
	v8 =	vor.u32 s6, v2;
	[sflag:s3] =	ssyncset.done $0x0  }
0x286: {  	s14 =	simm.s32 $0x6400;
	[sflag:s10] =	ssyncadd.s32 $0xFFFFF000  }
0x287: {  	v5 =	vld.idx.msk [tilespmem:v5+s14+$0x0], $0xffff  }
0x288: {  	s19 =	simm.s32 $0xE400;
	v6 =	vld.idx.msk [tilespmem:v6+s14+$0x0], $0xffff;
	s0 =	spop @!p0 (v2sf)  }
0x289: {  	v7 =	vld.idx.msk [tilespmem:v7+s19+$0x0], $0xffff;
	s3 =	spop @!p0 (v2sf)  }
0x28a: {  	s21 =	sadd.s32 $0xFFFFFFFF, s20;
	v8 =	vld.idx.msk [tilespmem:v8+s19+$0x0], $0xffff;
	s5 =	sand.u32 @!p0 $0x7F, s3  }
0x28b: {  	v62 =	vmov s21;
	p1 =	slt.s32 @!p0 s3, $0x1;
	p2 =	sne.s32 @!p0 s5, $0x0  }
0x28c: {  	v9 =	vand.u32 $0xFFFFFFFE, v62;
	s4 =	sshra.s32 @!p0 s3, $0x1F;
	p1 =	por @!p0 !p1, !p2  }
0x28d: {  	v9 =	vbroadcast v9, $0x0;
	s4 =	sshrl.u32 @!p0 s4, $0x19;
	p1 =	por @!p0 !p1, !p1  }
0x28e: {  	s3 =	sadd.s32 @!p0 s4, s3;
	s4 =	simm.s32 @!p0 $0x1;
	p1 =	por !p1, p0  }
0x28f: {  	v5 =	vmul.f32 v7, v5;
	v6 =	vmul.f32 v8, v6;
	s3 =	sshrl.u32 @!p0 s3, $0x7;
	s4 =	simm.s32 @p1 $0x0  }
0x290: {  	s3 =	ssub.s32 @!p0 s3, s4  }
0x291: {  	v5 =	vadd.f32 v6, v5;
	s3 =	sshll.u32 @!p0 s3, $0x7  }
0x292: {  	s3 =	sand.u32 @!p0 $0x1FFFFF80, s3  }
0x293: {  	[tilespmem:v9+s15+$0x0] =	vst.idx.add.f32.msk $0xffff, v5;
	s4 =	simm.s32 @!p0 $0x6400;
	s3 =	sadd.s32 @!p0 s1, s3  }
0x294: {  	[tilespmem:s4], [sflag:$0xD] =	stream.strided.gather @!p0 [hbm4b:s3+s29], $0x1000, s7, s29, $0x38;
	[tilespmem:$0x10600] =	vst v63  }
0x295: {  	s3 =	sand.u32 @!p0 $0x7F, s0  }
0x296: {  	p1 =	slt.s32 @!p0 s0, $0x1;
	p2 =	sne.s32 @!p0 s3, $0x0  }
0x297: {  	s3 =	sshra.s32 @!p0 s0, $0x1F;
	p1 =	por @!p0 !p1, !p2  }
0x298: {  	s3 =	sshrl.u32 @!p0 s3, $0x19;
	p1 =	por @!p0 !p1, !p1  }
0x299: {  	s0 =	sadd.s32 @!p0 s3, s0;
	s3 =	simm.s32 @!p0 $0x1;
	p1 =	por !p1, p0  }
0x29a: {  	s0 =	sshrl.u32 @!p0 s0, $0x7;
	s3 =	simm.s32 @p1 $0x0  }
0x29b: {  	s0 =	ssub.s32 @!p0 s0, s3  }
0x29c: {  	s0 =	sshll.u32 @!p0 s0, $0x7  }
0x29d: {  	s0 =	sand.u32 @!p0 $0x1FFFFF80, s0  }
0x29e: {  	s5 =	simm.s32 $0xF;
	s3 =	simm.s32 @!p0 $0xE400;
	s0 =	sadd.s32 @!p0 s2, s0  }
0x29f: {  	[tilespmem:s3], [sflag:$0xE] =	stream.strided.gather @!p0 [hbm4b:s0+s29], $0x1000, s7, s29, $0x38;
	[tilespmem:$0x10600] =	vst v63  }
0x2a0: {  	_ =	swait.ge [sflag:s5], $0x1000  }
0x2a1: {  	[sflag:s5] =	ssyncset.done $0x0  }
0x2a2: {  	s6 =	simm.s32 $0x10;
	[sflag:s5] =	ssyncadd.s32 $0xFFFFF000  }
0x2a3: {  	_ =	swait.ge [sflag:s6], $0x1000  }
0x2a4: {  	(v2sf) =	vpush @!p0 v4, $0x7  }
0x2a5: {  	(v2sf) =	vpush @!p0 v3, $0x7;
	_ =	sdelay $0x6  }
0x2a6: {  	s10 =	sand.u32 $0x7F, s28  }
0x2a7: {  	v5 =	vor.u32 s10, v0  }
0x2a8: {  	s11 =	sand.u32 $0x7F, s11;
	v6 =	vor.u32 s10, v2  }
0x2a9: {  	v7 =	vor.u32 s11, v0  }
0x2aa: {  	s14 =	simm.s32 $0x10;
	v8 =	vor.u32 s11, v2;
	[sflag:s6] =	ssyncset.done $0x0  }
0x2ab: {  	s19 =	simm.s32 $0x7400;
	[sflag:s14] =	ssyncadd.s32 $0xFFFFF000  }
0x2ac: {  	v5 =	vld.idx.msk [tilespmem:v5+s19+$0x0], $0xffff  }
0x2ad: {  	s21 =	simm.s32 $0xF400;
	v6 =	vld.idx.msk [tilespmem:v6+s19+$0x0], $0xffff;
	s0 =	spop @!p0 (v2sf)  }
0x2ae: {  	v7 =	vld.idx.msk [tilespmem:v7+s21+$0x0], $0xffff;
	s3 =	spop @!p0 (v2sf)  }
0x2af: {  	v8 =	vld.idx.msk [tilespmem:v8+s21+$0x0], $0xffff;
	s4 =	sand.u32 @!p0 $0x7F, s3  }
0x2b0: {  	p1 =	slt.s32 @!p0 s3, $0x1;
	p2 =	sne.s32 @!p0 s4, $0x0  }
0x2b1: {  	s4 =	sshra.s32 @!p0 s3, $0x1F;
	p1 =	por @!p0 !p1, !p2  }
0x2b2: {  	s4 =	sshrl.u32 @!p0 s4, $0x19;
	p1 =	por @!p0 !p1, !p1  }
0x2b3: {  	v63 =	vmov s20;
	s3 =	sadd.s32 @!p0 s4, s3;
	s4 =	simm.s32 @!p0 $0x1;
	p1 =	por !p1, p0  }
0x2b4: {  	v5 =	vmul.f32 v7, v5;
	v6 =	vmul.f32 v8, v6;
	s3 =	sshrl.u32 @!p0 s3, $0x7;
	s4 =	simm.s32 @p1 $0x0  }
0x2b5: {  	s3 =	ssub.s32 @!p0 s3, s4  }
0x2b6: {  	v5 =	vadd.f32 v6, v5;
	s3 =	sshll.u32 @!p0 s3, $0x7  }
0x2b7: {  	s3 =	sand.u32 @!p0 $0x1FFFFF80, s3  }
0x2b8: {  	[tilespmem:v63+s15+$0x0] =	vst.idx.add.f32.msk $0xffff, v5;
	s4 =	simm.s32 @!p0 $0x7400;
	s3 =	sadd.s32 @!p0 s1, s3  }
0x2b9: {  	[tilespmem:s4], [sflag:$0xF] =	stream.strided.gather @!p0 [hbm4b:s3+s29], $0x1000, s7, s29, $0x38;
	[tilespmem:$0x10600] =	vst v63  }
0x2ba: {  	s3 =	sand.u32 @!p0 $0x7F, s0  }
0x2bb: {  	p1 =	slt.s32 @!p0 s0, $0x1;
	p2 =	sne.s32 @!p0 s3, $0x0  }
0x2bc: {  	s3 =	sshra.s32 @!p0 s0, $0x1F;
	p1 =	por @!p0 !p1, !p2  }
0x2bd: {  	s3 =	sshrl.u32 @!p0 s3, $0x19;
	p1 =	por @!p0 !p1, !p1  }
0x2be: {  	s0 =	sadd.s32 @!p0 s3, s0;
	s3 =	simm.s32 @!p0 $0x1;
	p1 =	por !p1, p0  }
0x2bf: {  	s20 =	sadd.s32 @!p0 $0x10, s20;
	s0 =	sshrl.u32 @!p0 s0, $0x7;
	s3 =	simm.s32 @p1 $0x0  }
0x2c0: {  	p1 =	sne.s32 @!p0 s20, $0x20F;
	s0 =	ssub.s32 @!p0 s0, s3  }
0x2c1: {  	p1 =	por p0, !p1;
	s0 =	sshll.u32 @!p0 s0, $0x7  }
.Ltmp0:
0x2c2: {  	s0 =	sand.u32 @!p0 $0x1FFFFF80, s0;
	(pc) =	sbr.rel @!p1 .LBB2_2-.Ltmp0, $4  }
0x2c3: {  	s25 =	simm.s32 $0x2;
	s3 =	simm.s32 @!p0 $0xF400;
	s0 =	sadd.s32 @!p0 s2, s0  }
0x2c4: {  	[tilespmem:s3], [sflag:$0x10] =	stream.strided.gather @!p0 [hbm4b:s0+s29], $0x1000, s7, s29, $0x38;
	[tilespmem:$0x10600] =	vst v63  }
0x2c5: {  	s12 =	simm.s32 $0x7A1400;
	s26 =	simm.s32 $0x4;
	s0 =	rddreg [dreg:$0xb]  }
0x2c6: {  	s28 =	simm.s32 $0x6;
	v6 =	vmov v3;
	v5 =	vmov v4;
	s7 =	simm.s32 $0x1;
	s0 =	sadd.s32 @!p0 $0x1, s0  }
0x2c7: {  	s9 =	simm.s32 $0x0;
	s0 =	rddreg [dreg:$0x8];
	s3 =	simm.s32 $0x11  }
0x2c8: {  	[hbm4b:s0+s9] =	stream.linear.scatter [tilespmem:s15], [sflag:$0x11], $0x200, $0x38;
	[tilespmem:$0x10600] =	vst v63  }
0x2c9: {  	_ =	swait.ge [sflag:s3], $0x200  }
0x2ca: {  	s4 =	rddreg [dreg:$0xa]  }
0x2cb: {  	s21 =	rddreg [dreg:$0x9];
	s4 =	sadd.s32 $0x1, s4  }
0x2cc: {  	p0 =	sne.s32 s4, s21  }
.Ltmp1:
0x2cd: {  	_ = 	snop;
	(pc) =	sbr.rel @p0 .LBB2_1-.Ltmp1, $4  }
0x2ce: {  	s8 =	simm.s32 $0x9400;
	s10 =	simm.s32 $0xA400;
	s11 =	simm.s32 $0xB400  }
0x2cf: {  	s29 =	simm.s32 $0xC400;
	s16 =	simm.s32 $0x5400;
	s17 =	simm.s32 $0xD400  }
0x2d0: {  	s18 =	simm.s32 $0x6400;
	s19 =	simm.s32 $0xE400;
	[sflag:s3] =	ssyncset.done $0x0  }
0x2d1: {  	s20 =	simm.s32 $0x7400;
	[sflag:s3] =	ssyncadd.s32 $0xFFFFFE00;
	s21 =	simm.s32 $0xF400  }
0x2d2: {  	_ =	sfence.sel $0x180000  }
0x2d3: {  	[bflag:$0x0] =	sbarrier.arrive $0xFFFF  }
0x2d4: {  	_ =	strace $0x90000047  }
0x2d5: {  	s0 =	stileid.u32;
	[bflag:$0x2] =	sbarrier.arrive $0xFFFF  }
0x2d6: {  	p0 =	sne.s32 s0, $0x0;
	s0 =	rddreg [dreg:$0x5]  }
0x2d7: {  	s0 =	sadd.s32 @!p0 $0x100000, s0  }
0x2d8: {  	[sflag:s0] =	ssyncadd.tile.s32 @!p0 $0x1;
	_ =	shalt  }
.Lfunc_end2:
_tile_overlayer_lowered:
.L_overlay_start_2:
0x2d9: {  	(tag) =	ssettag $0x2  }
0x2da: {  	s0 =	rddreg [dreg:$0x0];
	s2 =	stileid.u32  }
0x2db: {  	s1 =	rddreg [dreg:$0x1];
	p0 =	sne.s32 s2, $0x0  }
0x2dc: {  	s3 =	rddreg [dreg:$0x2];
	[bflag:$0x3] =	sbarrier.arrive $0xFFFF;
	s2 =	simm.s32 @!p0 $0x1C11  }
0x2dd: {  	[timem:s3], [sflag:s2] =	dma.local @!p0 [hbm:s0], s1  }
0x2de: {  	s0 =	simm.s32 @!p0 $0x11  }
0x2df: {  	_ =	swait.ge @!p0 [sflag:s0], s1  }
0x2e0: {  	s1 =	ssub.s32 @!p0 $0x0, s1;
	[sflag:s0] =	ssyncset.done @!p0 $0x0  }
0x2e1: {  	[sflag:s0] =	ssyncadd.s32 @!p0 s1  }
0x2e2: {  	[bflag:$0x3] =	sbarrier.arrive $0xFFFF  }
0x2e3: {  	_ =	shalt  }

</sc_bundles>
